<compile_context>
chip_gen: v7x
topology: tpu7x:2x2x1
jax: 0.10.2.dev20260603
libtpu: 0.0.44.dev20260713+nightly
codegen_flags: <defaults>
</compile_context>

<pallas_src>
import functools

import jax
import jax.numpy as jnp
from jax import lax
from jax.experimental import pallas as pl
from jax.experimental.pallas import tpu as pltpu
from jax.experimental.pallas import tpu_sc as plsc

N = 10000
E = 320000
F = 128
NCLASS = 40

NC = 2
NS = 16
NW = NC * NS
EW = E // NW
BE = 80
NB = EW // BE

RPT = 624
TAIL = N - NS * RPT

_mesh = plsc.VectorSubcoreMesh(
    core_axis_name="c", subcore_axis_name="s", num_cores=NC, num_subcores=NS
)


def _acc_zero(zeros_hbm, acc_sh, s):
    pltpu.sync_copy(zeros_hbm.at[pl.ds(s * RPT, RPT)], acc_sh.at[pl.ds(s * RPT, RPT)])

    @pl.when(s == NS - 1)
    def _():
        pltpu.sync_copy(zeros_hbm.at[pl.ds(NS * RPT, TAIL)],
                        acc_sh.at[pl.ds(NS * RPT, TAIL)])


def _acc_spill(acc_sh, out_hbm, c, s):
    pltpu.sync_copy(acc_sh.at[pl.ds(s * RPT, RPT)], out_hbm.at[c, pl.ds(s * RPT, RPT)])

    @pl.when(s == NS - 1)
    def _():
        pltpu.sync_copy(acc_sh.at[pl.ds(NS * RPT, TAIL)],
                        out_hbm.at[c, pl.ds(NS * RPT, TAIL)])


@functools.partial(
    pl.kernel,
    out_type=jax.ShapeDtypeStruct((NC, N, F), jnp.float32),
    mesh=_mesh,
    scratch_types=[
        pltpu.VMEM((NB, BE), jnp.int32),
        pltpu.VMEM((BE, F), jnp.float32),
        pltpu.VMEM_SHARED((N, F), jnp.float32),
        [pltpu.SemaphoreType.DMA] * 4,
    ],
)
def _deg_kernel(dst_hbm, zeros_hbm, ones_hbm, out_hbm, idx_v, ones_v, acc_sh, sems):
    c = lax.axis_index("c")
    s = lax.axis_index("s")
    w = s * NC + c
    _acc_zero(zeros_hbm, acc_sh, s)
    pltpu.sync_copy(dst_hbm.at[w], idx_v)
    pltpu.sync_copy(ones_hbm, ones_v)
    plsc.subcore_barrier()

    def scatter_start(i, b):
        pltpu.async_copy(ones_v, acc_sh.at[idx_v.at[i]], sems[b], add=True)

    def scatter_wait(b):
        pltpu.make_async_copy(ones_v, acc_sh.at[idx_v.at[0]], sems[b]).wait()

    nd = len(sems)
    for b in range(nd):
        scatter_start(b, b)

    def outer(o, carry):
        for b in range(nd):
            nxt = (o + 1) * nd + b
            scatter_wait(b)

            @pl.when(nxt < NB)
            def _():
                scatter_start(nxt, b)

        return carry

    lax.fori_loop(0, NB // nd, outer, 0)
    for t in range((NB // nd) * nd, NB):
        scatter_wait(t % nd)
    plsc.subcore_barrier()
    _acc_spill(acc_sh, out_hbm, c, s)


NBA = 4


@functools.partial(
    pl.kernel,
    out_type=jax.ShapeDtypeStruct((NC, N, F), jnp.float32),
    mesh=_mesh,
    scratch_types=[
        pltpu.VMEM((NBA, BE), jnp.int32),
        pltpu.VMEM((NBA, BE), jnp.int32),
        [pltpu.VMEM((BE, F), jnp.float32)] * NBA,
        [pltpu.SemaphoreType.DMA] * NBA,
        [pltpu.SemaphoreType.DMA] * NBA,
        [pltpu.SemaphoreType.DMA] * NBA,
        [pltpu.SemaphoreType.DMA] * NBA,
        pltpu.VMEM_SHARED((N, F), jnp.float32),
    ],
)
def _agg_kernel(g_hbm, src_hbm, dst_hbm, zeros_hbm, out_hbm,
                src_v, dst_v, rows, isem, dsem, gsem, ssem, acc_sh):
    c = lax.axis_index("c")
    s = lax.axis_index("s")
    w = s * NC + c
    _acc_zero(zeros_hbm, acc_sh, s)
    plsc.subcore_barrier()

    def sidx_start(i, b):
        pltpu.async_copy(src_hbm.at[pl.ds(w * EW + i * BE, BE)], src_v.at[b],
                         isem[b])

    def sidx_wait(b):
        pltpu.make_async_copy(src_hbm.at[pl.ds(0, BE)], src_v.at[b],
                              isem[b]).wait()

    def didx_start(i, b):
        pltpu.async_copy(dst_hbm.at[pl.ds(w * EW + i * BE, BE)], dst_v.at[b],
                         dsem[b])

    def didx_wait(b):
        pltpu.make_async_copy(dst_hbm.at[pl.ds(0, BE)], dst_v.at[b],
                              dsem[b]).wait()

    def gather_start(b):
        pltpu.async_copy(g_hbm.at[src_v.at[b]], rows[b], gsem[b])

    def gather_wait(b):
        pltpu.make_async_copy(g_hbm.at[src_v.at[0]], rows[b], gsem[b]).wait()

    def scatter_start(b):
        pltpu.async_copy(rows[b], acc_sh.at[dst_v.at[b]], ssem[b], add=True)

    def scatter_wait(b):
        pltpu.make_async_copy(rows[b], acc_sh.at[dst_v.at[0]], ssem[b]).wait()

    for b in range(NBA):
        sidx_start(b, b)
        didx_start(b, b)
    for b in range(NBA):
        sidx_wait(b)
        gather_start(b)

    def outer(o, carry):
        for b in range(NBA):
            i = o * NBA + b
            gather_wait(b)
            didx_wait(b)
            scatter_start(b)

            @pl.when(i + NBA < NB)
            def _():
                sidx_start(i + NBA, b)

        for b in range(NBA):
            nxt = (o + 1) * NBA + b
            scatter_wait(b)

            @pl.when(nxt < NB)
            def _():
                didx_start(nxt, b)
                sidx_wait(b)
                gather_start(b)

        return carry

    lax.fori_loop(0, NB // NBA, outer, 0)
    for t in range((NB // NBA) * NBA, NB):
        b = t % NBA
        gather_wait(b)
        didx_wait(b)
        scatter_start(b)
        scatter_wait(b)
    plsc.subcore_barrier()
    _acc_spill(acc_sh, out_hbm, c, s)


BR = 1000


def _dis(degp_ref):
    deg = degp_ref[0, :, 0:1] + degp_ref[1, :, 0:1] + 1.0
    return lax.rsqrt(deg)


def _k1_body(x_ref, w_ref, degp_ref, o_ref):
    dis = _dis(degp_ref)
    o_ref[...] = dis * jnp.dot(x_ref[...], w_ref[...],
                               preferred_element_type=jnp.float32)


def _k2_body(p_ref, g_ref, b_ref, degp_ref, w_ref, h_ref, g2_ref):
    dis = _dis(degp_ref)
    h = jnp.maximum(dis * (p_ref[0] + p_ref[1] + g_ref[...]) + b_ref[...], 0.0)
    h_ref[...] = h
    g2_ref[...] = dis * jnp.dot(h, w_ref[...],
                                preferred_element_type=jnp.float32)


def _k3_body(p_ref, g_ref, b_ref, degp_ref, h1_ref, wfc_ref, bfc_ref,
             emb_ref, log_ref):
    dis = _dis(degp_ref)
    h2 = jnp.maximum(dis * (p_ref[0] + p_ref[1] + g_ref[...]) + b_ref[...], 0.0)
    emb = jnp.maximum(h1_ref[...], h2)
    emb_ref[...] = emb
    log_ref[...] = jnp.dot(emb, wfc_ref[...],
                           preferred_element_type=jnp.float32) + bfc_ref[...]


def _row_spec(width):
    return pl.BlockSpec((BR, width), lambda i: (i, 0))


def _part_spec(width):
    return pl.BlockSpec((NC, BR, width), lambda i: (0, i, 0))


def _full_spec(shape):
    return pl.BlockSpec(shape, lambda i: tuple(0 for _ in shape))


def kernel(x, edge_index, W1, b1, W2, b2, Wfc, bfc):
    src = edge_index[0].astype(jnp.int32)
    dstf = edge_index[1].astype(jnp.int32)
    dst = dstf.reshape(NW, NB, BE)
    zF = jnp.zeros((N, F), jnp.float32)
    ones = jnp.ones((BE, F), jnp.float32)

    degp = _deg_kernel(dst, zF, ones)[:, :, :8]

    g1 = pl.pallas_call(
        _k1_body,
        grid=(N // BR,),
        in_specs=[_row_spec(F), _full_spec((F, F)), _part_spec(8)],
        out_specs=_row_spec(F),
        out_shape=jax.ShapeDtypeStruct((N, F), jnp.float32),
    )(x, W1, degp)

    p1 = _agg_kernel(g1, src, dstf, zF)

    h1, g2 = pl.pallas_call(
        _k2_body,
        grid=(N // BR,),
        in_specs=[_part_spec(F), _row_spec(F), _full_spec((1, F)),
                  _part_spec(8), _full_spec((F, F))],
        out_specs=[_row_spec(F), _row_spec(F)],
        out_shape=[jax.ShapeDtypeStruct((N, F), jnp.float32),
                   jax.ShapeDtypeStruct((N, F), jnp.float32)],
    )(p1, g1, b1.reshape(1, F), degp, W2)

    p2 = _agg_kernel(g2, src, dstf, zF)

    emb, logits = pl.pallas_call(
        _k3_body,
        grid=(N // BR,),
        in_specs=[_part_spec(F), _row_spec(F), _full_spec((1, F)),
                  _part_spec(8), _row_spec(F), _full_spec((F, NCLASS)),
                  _full_spec((1, NCLASS))],
        out_specs=[_row_spec(F), _row_spec(NCLASS)],
        out_shape=[jax.ShapeDtypeStruct((N, F), jnp.float32),
                   jax.ShapeDtypeStruct((N, NCLASS), jnp.float32)],
    )(p2, g2, b2.reshape(1, F), degp, h1, Wfc, bfc.reshape(1, NCLASS))

    return emb, logits

# --- scband reference (transcript-rebuilt; emitter-appended) ---
"""Pipeline reference for scband-jk-83975200571652 (READ-ONLY COPY).

The authoritative reference and input builder live on the scoring server;
editing this copy changes nothing except your own understanding.
"""

import jax, jax.numpy as jnp
import numpy as np

N = 10000
E = 320000
NFEAT = 128
NHID = 128
NCLASS = 40


def _glorot(key, shape):
    fan_in, fan_out = shape[0], shape[1]
    limit = np.sqrt(6.0 / (fan_in + fan_out))
    return jax.random.uniform(key, shape, dtype=jnp.float32, minval=-limit, maxval=limit)


def setup_inputs(seed: int = 0) -> dict:
    key = jax.random.key(seed)
    ks = jax.random.split(key, 8)
    x = jax.random.normal(ks[0], (N, NFEAT), dtype=jnp.float32)
    edge_index = jax.random.randint(ks[1], (2, E), 0, N)
    W1 = _glorot(ks[2], (NFEAT, NHID))
    b1 = jnp.zeros((NHID,), dtype=jnp.float32)
    W2 = _glorot(ks[3], (NHID, NHID))
    b2 = jnp.zeros((NHID,), dtype=jnp.float32)
    Wfc = _glorot(ks[4], (NHID, NCLASS))
    bfc = jnp.zeros((NCLASS,), dtype=jnp.float32)
    return {"x": x, "edge_index": edge_index, "W1": W1, "b1": b1, "W2": W2, "b2": b2, "Wfc": Wfc, "bfc": bfc}


def _gcn_conv(x, src, dst, W, b, n_nodes):
    # GCNConv: x' = D^{-1/2} (A + I) D^{-1/2} X W + b  (self loops already in src/dst)
    h = x @ W
    deg = jnp.zeros((n_nodes,), dtype=h.dtype).at[dst].add(1.0)
    deg_inv_sqrt = jnp.where(deg > 0, jax.lax.rsqrt(jnp.maximum(deg, 1e-12)), 0.0)
    norm = deg_inv_sqrt[src] * deg_inv_sqrt[dst]
    msg = h[src] * norm[:, None]
    out = jnp.zeros((n_nodes, h.shape[1]), dtype=h.dtype).at[dst].add(msg)
    return out + b


def reference(x, edge_index, W1, b1, W2, b2, Wfc, bfc):
    n_nodes = x.shape[0]
    loop = jnp.arange(n_nodes, dtype=edge_index.dtype)
    src = jnp.concatenate([edge_index[0], loop])
    dst = jnp.concatenate([edge_index[1], loop])
    # conv1 + ReLU transition
    h1 = jax.nn.relu(_gcn_conv(x, src, dst, W1, b1, n_nodes))
    # convx + ReLU transition (loop runs once)
    h2 = jax.nn.relu(_gcn_conv(h1, src, dst, W2, b2, n_nodes))
    # JumpingKnowledge mode='max': elementwise max over layer outputs
    emb = jnp.maximum(h1, h2)
    logits = emb @ Wfc + bfc
    return (emb, logits)

if __name__ == "__main__":
    import jax
    _d = setup_inputs()
    print(jax.jit(kernel)(*tuple(_d.values())))

</pallas_src>

<mosaic_0001>
#map = affine_map<(d0, d1) -> (0, 0)>
#map1 = affine_map<(d0, d1) -> (0)>
#map2 = affine_map<(d0, d1) -> (0, 0, 0)>
module attributes {stable_mosaic.version = 14 : i64} {
  func.func @_agg_kernel(%arg0: i32, %arg1: i32, %arg2: memref<10000x128xf32, #tpu.memory_space<hbm>>, %arg3: memref<320000xi32, #tpu.memory_space<hbm>>, %arg4: memref<320000xi32, #tpu.memory_space<hbm>>, %arg5: memref<10000x128xf32, #tpu.memory_space<hbm>>, %arg6: memref<2x10000x128xf32, #tpu.memory_space<hbm>>, %arg7: memref<4x80xi32, #tpu.memory_space<vmem>>, %arg8: memref<4x80xi32, #tpu.memory_space<vmem>>, %arg9: memref<80x128xf32, #tpu.memory_space<vmem>>, %arg10: memref<80x128xf32, #tpu.memory_space<vmem>>, %arg11: memref<80x128xf32, #tpu.memory_space<vmem>>, %arg12: memref<80x128xf32, #tpu.memory_space<vmem>>, %arg13: memref<!tpu.dma_semaphore, #tpu.memory_space<semaphore_mem>>, %arg14: memref<!tpu.dma_semaphore, #tpu.memory_space<semaphore_mem>>, %arg15: memref<!tpu.dma_semaphore, #tpu.memory_space<semaphore_mem>>, %arg16: memref<!tpu.dma_semaphore, #tpu.memory_space<semaphore_mem>>, %arg17: memref<!tpu.dma_semaphore, #tpu.memory_space<semaphore_mem>>, %arg18: memref<!tpu.dma_semaphore, #tpu.memory_space<semaphore_mem>>, %arg19: memref<!tpu.dma_semaphore, #tpu.memory_space<semaphore_mem>>, %arg20: memref<!tpu.dma_semaphore, #tpu.memory_space<semaphore_mem>>, %arg21: memref<!tpu.dma_semaphore, #tpu.memory_space<semaphore_mem>>, %arg22: memref<!tpu.dma_semaphore, #tpu.memory_space<semaphore_mem>>, %arg23: memref<!tpu.dma_semaphore, #tpu.memory_space<semaphore_mem>>, %arg24: memref<!tpu.dma_semaphore, #tpu.memory_space<semaphore_mem>>, %arg25: memref<!tpu.dma_semaphore, #tpu.memory_space<semaphore_mem>>, %arg26: memref<!tpu.dma_semaphore, #tpu.memory_space<semaphore_mem>>, %arg27: memref<!tpu.dma_semaphore, #tpu.memory_space<semaphore_mem>>, %arg28: memref<!tpu.dma_semaphore, #tpu.memory_space<semaphore_mem>>, %arg29: memref<10000x128xf32, #tpu.memory_space<vmem_shared>>) attributes {dimension_semantics = [#tpu.dimension_semantics<core_parallel>, #tpu.dimension_semantics<subcore_parallel>], iteration_bounds = array<i64: 2, 16>, scalar_prefetch = 0 : i64, scratch_operands = 23 : i64, tpu.core_type = #tpu.core_type<sc_vector_subcore>, window_params = [{transform_indices = #map}, {transform_indices = #map1}, {transform_indices = #map1}, {transform_indices = #map}, {transform_indices = #map2}]} {
    %mul3A = arith.constant 2 : i32
    %mul3A_0 = arith.muli %arg1, %mul3A : i32
    %add3A = arith.addi %mul3A_0, %arg0 : i32
    %mul3A_1 = arith.constant 624 : i32
    %mul3A_2 = arith.muli %arg1, %mul3A_1 : i32
    %mul3A_3 = arith.constant 624 : i32
    %mul3A_4 = arith.muli %arg1, %mul3A_3 : i32
    "tpu.region"() ({
      %run_scoped3A = tpu.sem_alloc : memref<!tpu.dma_semaphore, #tpu.memory_space<semaphore_mem>>
      %dma_start3A_228 = arith.constant 0 : i32
      %dma_start3A_229 = tpu.memref_slice %arg29[%mul3A_4, %dma_start3A_228] : memref<10000x128xf32, #tpu.memory_space<vmem_shared>> -> memref<624x128xf32, #tpu.memory_space<vmem_shared>>
      %dma_start3A_230 = arith.constant 0 : i32
      %dma_start3A_231 = tpu.memref_slice %arg5[%mul3A_2, %dma_start3A_230] : memref<10000x128xf32, #tpu.memory_space<hbm>> -> memref<624x128xf32, #tpu.memory_space<hbm>>
      tpu.enqueue_dma source(%dma_start3A_231 : memref<624x128xf32, #tpu.memory_space<hbm>>) target(%dma_start3A_229 : memref<624x128xf32, #tpu.memory_space<vmem_shared>>) target_semaphore(%run_scoped3A : memref<!tpu.dma_semaphore, #tpu.memory_space<semaphore_mem>>)
      %dma_wait3A_232 = arith.constant 0 : i32
      %dma_wait3A_233 = tpu.memref_slice %arg29[%mul3A_4, %dma_wait3A_232] : memref<10000x128xf32, #tpu.memory_space<vmem_shared>> -> memref<624x128xf32, #tpu.memory_space<vmem_shared>>
      %dma_wait3A_234 = arith.constant 0 : i32
      %dma_wait3A_235 = tpu.memref_slice %arg5[%mul3A_2, %dma_wait3A_234] : memref<10000x128xf32, #tpu.memory_space<hbm>> -> memref<624x128xf32, #tpu.memory_space<hbm>>
      tpu.wait_dma2 semaphore(%run_scoped3A : memref<!tpu.dma_semaphore, #tpu.memory_space<semaphore_mem>>) src(%dma_wait3A_235 : memref<624x128xf32, #tpu.memory_space<hbm>>) dst(%dma_wait3A_233 : memref<624x128xf32, #tpu.memory_space<vmem_shared>>)
      tpu.yield
    }) : () -> ()
    %eq3A = arith.constant 15 : i32
    %eq3A_5 = arith.cmpi eq, %arg1, %eq3A : i32
    %convert_element_type3A = arith.extui %eq3A_5 : i1 to i32
    %cond3A = arith.constant 0 : i32
    %cond3A_6 = arith.cmpi ne, %convert_element_type3A, %cond3A : i32
    scf.if %cond3A_6 {
      "tpu.region"() ({
        %run_scoped3A = tpu.sem_alloc : memref<!tpu.dma_semaphore, #tpu.memory_space<semaphore_mem>>
        %dma_start3A_228 = arith.constant 9984 : i32
        %dma_start3A_229 = arith.constant 0 : i32
        %dma_start3A_230 = tpu.memref_slice %arg29[%dma_start3A_228, %dma_start3A_229] : memref<10000x128xf32, #tpu.memory_space<vmem_shared>> -> memref<16x128xf32, #tpu.memory_space<vmem_shared>>
        %dma_start3A_231 = arith.constant 9984 : i32
        %dma_start3A_232 = arith.constant 0 : i32
        %dma_start3A_233 = tpu.memref_slice %arg5[%dma_start3A_231, %dma_start3A_232] : memref<10000x128xf32, #tpu.memory_space<hbm>> -> memref<16x128xf32, #tpu.memory_space<hbm>>
        tpu.enqueue_dma source(%dma_start3A_233 : memref<16x128xf32, #tpu.memory_space<hbm>>) target(%dma_start3A_230 : memref<16x128xf32, #tpu.memory_space<vmem_shared>>) target_semaphore(%run_scoped3A : memref<!tpu.dma_semaphore, #tpu.memory_space<semaphore_mem>>)
        %dma_wait3A_234 = arith.constant 9984 : i32
        %dma_wait3A_235 = arith.constant 0 : i32
        %dma_wait3A_236 = tpu.memref_slice %arg29[%dma_wait3A_234, %dma_wait3A_235] : memref<10000x128xf32, #tpu.memory_space<vmem_shared>> -> memref<16x128xf32, #tpu.memory_space<vmem_shared>>
        %dma_wait3A_237 = arith.constant 9984 : i32
        %dma_wait3A_238 = arith.constant 0 : i32
        %dma_wait3A_239 = tpu.memref_slice %arg5[%dma_wait3A_237, %dma_wait3A_238] : memref<10000x128xf32, #tpu.memory_space<hbm>> -> memref<16x128xf32, #tpu.memory_space<hbm>>
        tpu.wait_dma2 semaphore(%run_scoped3A : memref<!tpu.dma_semaphore, #tpu.memory_space<semaphore_mem>>) src(%dma_wait3A_239 : memref<16x128xf32, #tpu.memory_space<hbm>>) dst(%dma_wait3A_236 : memref<16x128xf32, #tpu.memory_space<vmem_shared>>)
        tpu.yield
      }) : () -> ()
    } else {
    }
    %barrier3A = arith.constant 0 : index
    tpu.barrier barrier_id(%barrier3A)
    %mul3A_7 = arith.constant 10000 : i32
    %mul3A_8 = arith.muli %add3A, %mul3A_7 : i32
    %add3A_9 = arith.constant 0 : i32
    %add3A_10 = arith.addi %mul3A_8, %add3A_9 : i32
    %dma_start3A = arith.constant 0 : i32
    %dma_start3A_11 = arith.constant 0 : i32
    %dma_start3A_12 = tpu.memref_slice %arg7[%dma_start3A, %dma_start3A_11] : memref<4x80xi32, #tpu.memory_space<vmem>> -> memref<1x80xi32, #tpu.memory_space<vmem>>
    %dma_start3A_13 = tpu.memref_squeeze %dma_start3A_12 : memref<1x80xi32, #tpu.memory_space<vmem>> -> memref<80xi32, #tpu.memory_space<vmem>>
    %dma_start3A_14 = tpu.memref_slice %arg3[%add3A_10] : memref<320000xi32, #tpu.memory_space<hbm>> -> memref<80xi32, #tpu.memory_space<hbm>>
    %dma_start3A_15 = arith.constant 0 : i32
    %dma_start3A_16 = tpu.memref_slice %arg7[%dma_start3A, %dma_start3A_15] : memref<4x80xi32, #tpu.memory_space<vmem>> -> memref<1x80xi32, #tpu.memory_space<vmem>>
    %dma_start3A_17 = tpu.memref_squeeze %dma_start3A_16 : memref<1x80xi32, #tpu.memory_space<vmem>> -> memref<80xi32, #tpu.memory_space<vmem>>
    %dma_start3A_18 = tpu.memref_slice %arg3[%add3A_10] : memref<320000xi32, #tpu.memory_space<hbm>> -> memref<80xi32, #tpu.memory_space<hbm>>
    tpu.enqueue_dma source(%dma_start3A_18 : memref<80xi32, #tpu.memory_space<hbm>>) target(%dma_start3A_17 : memref<80xi32, #tpu.memory_space<vmem>>) target_semaphore(%arg13 : memref<!tpu.dma_semaphore, #tpu.memory_space<semaphore_mem>>)
    %mul3A_19 = arith.constant 10000 : i32
    %mul3A_20 = arith.muli %add3A, %mul3A_19 : i32
    %add3A_21 = arith.constant 0 : i32
    %add3A_22 = arith.addi %mul3A_20, %add3A_21 : i32
    %dma_start3A_23 = arith.constant 0 : i32
    %dma_start3A_24 = arith.constant 0 : i32
    %dma_start3A_25 = tpu.memref_slice %arg8[%dma_start3A_23, %dma_start3A_24] : memref<4x80xi32, #tpu.memory_space<vmem>> -> memref<1x80xi32, #tpu.memory_space<vmem>>
    %dma_start3A_26 = tpu.memref_squeeze %dma_start3A_25 : memref<1x80xi32, #tpu.memory_space<vmem>> -> memref<80xi32, #tpu.memory_space<vmem>>
    %dma_start3A_27 = tpu.memref_slice %arg4[%add3A_22] : memref<320000xi32, #tpu.memory_space<hbm>> -> memref<80xi32, #tpu.memory_space<hbm>>
    %dma_start3A_28 = arith.constant 0 : i32
    %dma_start3A_29 = tpu.memref_slice %arg8[%dma_start3A_23, %dma_start3A_28] : memref<4x80xi32, #tpu.memory_space<vmem>> -> memref<1x80xi32, #tpu.memory_space<vmem>>
    %dma_start3A_30 = tpu.memref_squeeze %dma_start3A_29 : memref<1x80xi32, #tpu.memory_space<vmem>> -> memref<80xi32, #tpu.memory_space<vmem>>
    %dma_start3A_31 = tpu.memref_slice %arg4[%add3A_22] : memref<320000xi32, #tpu.memory_space<hbm>> -> memref<80xi32, #tpu.memory_space<hbm>>
    tpu.enqueue_dma source(%dma_start3A_31 : memref<80xi32, #tpu.memory_space<hbm>>) target(%dma_start3A_30 : memref<80xi32, #tpu.memory_space<vmem>>) target_semaphore(%arg17 : memref<!tpu.dma_semaphore, #tpu.memory_space<semaphore_mem>>)
    %mul3A_32 = arith.constant 10000 : i32
    %mul3A_33 = arith.muli %add3A, %mul3A_32 : i32
    %add3A_34 = arith.constant 80 : i32
    %add3A_35 = arith.addi %mul3A_33, %add3A_34 : i32
    %dma_start3A_36 = arith.constant 1 : i32
    %dma_start3A_37 = arith.constant 0 : i32
    %dma_start3A_38 = tpu.memref_slice %arg7[%dma_start3A_36, %dma_start3A_37] : memref<4x80xi32, #tpu.memory_space<vmem>> -> memref<1x80xi32, #tpu.memory_space<vmem>>
    %dma_start3A_39 = tpu.memref_squeeze %dma_start3A_38 : memref<1x80xi32, #tpu.memory_space<vmem>> -> memref<80xi32, #tpu.memory_space<vmem>>
    %dma_start3A_40 = tpu.memref_slice %arg3[%add3A_35] : memref<320000xi32, #tpu.memory_space<hbm>> -> memref<80xi32, #tpu.memory_space<hbm>>
    %dma_start3A_41 = arith.constant 0 : i32
    %dma_start3A_42 = tpu.memref_slice %arg7[%dma_start3A_36, %dma_start3A_41] : memref<4x80xi32, #tpu.memory_space<vmem>> -> memref<1x80xi32, #tpu.memory_space<vmem>>
    %dma_start3A_43 = tpu.memref_squeeze %dma_start3A_42 : memref<1x80xi32, #tpu.memory_space<vmem>> -> memref<80xi32, #tpu.memory_space<vmem>>
    %dma_start3A_44 = tpu.memref_slice %arg3[%add3A_35] : memref<320000xi32, #tpu.memory_space<hbm>> -> memref<80xi32, #tpu.memory_space<hbm>>
    tpu.enqueue_dma source(%dma_start3A_44 : memref<80xi32, #tpu.memory_space<hbm>>) target(%dma_start3A_43 : memref<80xi32, #tpu.memory_space<vmem>>) target_semaphore(%arg14 : memref<!tpu.dma_semaphore, #tpu.memory_space<semaphore_mem>>)
    %mul3A_45 = arith.constant 10000 : i32
    %mul3A_46 = arith.muli %add3A, %mul3A_45 : i32
    %add3A_47 = arith.constant 80 : i32
    %add3A_48 = arith.addi %mul3A_46, %add3A_47 : i32
    %dma_start3A_49 = arith.constant 1 : i32
    %dma_start3A_50 = arith.constant 0 : i32
    %dma_start3A_51 = tpu.memref_slice %arg8[%dma_start3A_49, %dma_start3A_50] : memref<4x80xi32, #tpu.memory_space<vmem>> -> memref<1x80xi32, #tpu.memory_space<vmem>>
    %dma_start3A_52 = tpu.memref_squeeze %dma_start3A_51 : memref<1x80xi32, #tpu.memory_space<vmem>> -> memref<80xi32, #tpu.memory_space<vmem>>
    %dma_start3A_53 = tpu.memref_slice %arg4[%add3A_48] : memref<320000xi32, #tpu.memory_space<hbm>> -> memref<80xi32, #tpu.memory_space<hbm>>
    %dma_start3A_54 = arith.constant 0 : i32
    %dma_start3A_55 = tpu.memref_slice %arg8[%dma_start3A_49, %dma_start3A_54] : memref<4x80xi32, #tpu.memory_space<vmem>> -> memref<1x80xi32, #tpu.memory_space<vmem>>
    %dma_start3A_56 = tpu.memref_squeeze %dma_start3A_55 : memref<1x80xi32, #tpu.memory_space<vmem>> -> memref<80xi32, #tpu.memory_space<vmem>>
    %dma_start3A_57 = tpu.memref_slice %arg4[%add3A_48] : memref<320000xi32, #tpu.memory_space<hbm>> -> memref<80xi32, #tpu.memory_space<hbm>>
    tpu.enqueue_dma source(%dma_start3A_57 : memref<80xi32, #tpu.memory_space<hbm>>) target(%dma_start3A_56 : memref<80xi32, #tpu.memory_space<vmem>>) target_semaphore(%arg18 : memref<!tpu.dma_semaphore, #tpu.memory_space<semaphore_mem>>)
    %mul3A_58 = arith.constant 10000 : i32
    %mul3A_59 = arith.muli %add3A, %mul3A_58 : i32
    %add3A_60 = arith.constant 160 : i32
    %add3A_61 = arith.addi %mul3A_59, %add3A_60 : i32
    %dma_start3A_62 = arith.constant 2 : i32
    %dma_start3A_63 = arith.constant 0 : i32
    %dma_start3A_64 = tpu.memref_slice %arg7[%dma_start3A_62, %dma_start3A_63] : memref<4x80xi32, #tpu.memory_space<vmem>> -> memref<1x80xi32, #tpu.memory_space<vmem>>
    %dma_start3A_65 = tpu.memref_squeeze %dma_start3A_64 : memref<1x80xi32, #tpu.memory_space<vmem>> -> memref<80xi32, #tpu.memory_space<vmem>>
    %dma_start3A_66 = tpu.memref_slice %arg3[%add3A_61] : memref<320000xi32, #tpu.memory_space<hbm>> -> memref<80xi32, #tpu.memory_space<hbm>>
    %dma_start3A_67 = arith.constant 0 : i32
    %dma_start3A_68 = tpu.memref_slice %arg7[%dma_start3A_62, %dma_start3A_67] : memref<4x80xi32, #tpu.memory_space<vmem>> -> memref<1x80xi32, #tpu.memory_space<vmem>>
    %dma_start3A_69 = tpu.memref_squeeze %dma_start3A_68 : memref<1x80xi32, #tpu.memory_space<vmem>> -> memref<80xi32, #tpu.memory_space<vmem>>
    %dma_start3A_70 = tpu.memref_slice %arg3[%add3A_61] : memref<320000xi32, #tpu.memory_space<hbm>> -> memref<80xi32, #tpu.memory_space<hbm>>
    tpu.enqueue_dma source(%dma_start3A_70 : memref<80xi32, #tpu.memory_space<hbm>>) target(%dma_start3A_69 : memref<80xi32, #tpu.memory_space<vmem>>) target_semaphore(%arg15 : memref<!tpu.dma_semaphore, #tpu.memory_space<semaphore_mem>>)
    %mul3A_71 = arith.constant 10000 : i32
    %mul3A_72 = arith.muli %add3A, %mul3A_71 : i32
    %add3A_73 = arith.constant 160 : i32
    %add3A_74 = arith.addi %mul3A_72, %add3A_73 : i32
    %dma_start3A_75 = arith.constant 2 : i32
    %dma_start3A_76 = arith.constant 0 : i32
    %dma_start3A_77 = tpu.memref_slice %arg8[%dma_start3A_75, %dma_start3A_76] : memref<4x80xi32, #tpu.memory_space<vmem>> -> memref<1x80xi32, #tpu.memory_space<vmem>>
    %dma_start3A_78 = tpu.memref_squeeze %dma_start3A_77 : memref<1x80xi32, #tpu.memory_space<vmem>> -> memref<80xi32, #tpu.memory_space<vmem>>
    %dma_start3A_79 = tpu.memref_slice %arg4[%add3A_74] : memref<320000xi32, #tpu.memory_space<hbm>> -> memref<80xi32, #tpu.memory_space<hbm>>
    %dma_start3A_80 = arith.constant 0 : i32
    %dma_start3A_81 = tpu.memref_slice %arg8[%dma_start3A_75, %dma_start3A_80] : memref<4x80xi32, #tpu.memory_space<vmem>> -> memref<1x80xi32, #tpu.memory_space<vmem>>
    %dma_start3A_82 = tpu.memref_squeeze %dma_start3A_81 : memref<1x80xi32, #tpu.memory_space<vmem>> -> memref<80xi32, #tpu.memory_space<vmem>>
    %dma_start3A_83 = tpu.memref_slice %arg4[%add3A_74] : memref<320000xi32, #tpu.memory_space<hbm>> -> memref<80xi32, #tpu.memory_space<hbm>>
    tpu.enqueue_dma source(%dma_start3A_83 : memref<80xi32, #tpu.memory_space<hbm>>) target(%dma_start3A_82 : memref<80xi32, #tpu.memory_space<vmem>>) target_semaphore(%arg19 : memref<!tpu.dma_semaphore, #tpu.memory_space<semaphore_mem>>)
    %mul3A_84 = arith.constant 10000 : i32
    %mul3A_85 = arith.muli %add3A, %mul3A_84 : i32
    %add3A_86 = arith.constant 240 : i32
    %add3A_87 = arith.addi %mul3A_85, %add3A_86 : i32
    %dma_start3A_88 = arith.constant 3 : i32
    %dma_start3A_89 = arith.constant 0 : i32
    %dma_start3A_90 = tpu.memref_slice %arg7[%dma_start3A_88, %dma_start3A_89] : memref<4x80xi32, #tpu.memory_space<vmem>> -> memref<1x80xi32, #tpu.memory_space<vmem>>
    %dma_start3A_91 = tpu.memref_squeeze %dma_start3A_90 : memref<1x80xi32, #tpu.memory_space<vmem>> -> memref<80xi32, #tpu.memory_space<vmem>>
    %dma_start3A_92 = tpu.memref_slice %arg3[%add3A_87] : memref<320000xi32, #tpu.memory_space<hbm>> -> memref<80xi32, #tpu.memory_space<hbm>>
    %dma_start3A_93 = arith.constant 0 : i32
    %dma_start3A_94 = tpu.memref_slice %arg7[%dma_start3A_88, %dma_start3A_93] : memref<4x80xi32, #tpu.memory_space<vmem>> -> memref<1x80xi32, #tpu.memory_space<vmem>>
    %dma_start3A_95 = tpu.memref_squeeze %dma_start3A_94 : memref<1x80xi32, #tpu.memory_space<vmem>> -> memref<80xi32, #tpu.memory_space<vmem>>
    %dma_start3A_96 = tpu.memref_slice %arg3[%add3A_87] : memref<320000xi32, #tpu.memory_space<hbm>> -> memref<80xi32, #tpu.memory_space<hbm>>
    tpu.enqueue_dma source(%dma_start3A_96 : memref<80xi32, #tpu.memory_space<hbm>>) target(%dma_start3A_95 : memref<80xi32, #tpu.memory_space<vmem>>) target_semaphore(%arg16 : memref<!tpu.dma_semaphore, #tpu.memory_space<semaphore_mem>>)
    %mul3A_97 = arith.constant 10000 : i32
    %mul3A_98 = arith.muli %add3A, %mul3A_97 : i32
    %add3A_99 = arith.constant 240 : i32
    %add3A_100 = arith.addi %mul3A_98, %add3A_99 : i32
    %dma_start3A_101 = arith.constant 3 : i32
    %dma_start3A_102 = arith.constant 0 : i32
    %dma_start3A_103 = tpu.memref_slice %arg8[%dma_start3A_101, %dma_start3A_102] : memref<4x80xi32, #tpu.memory_space<vmem>> -> memref<1x80xi32, #tpu.memory_space<vmem>>
    %dma_start3A_104 = tpu.memref_squeeze %dma_start3A_103 : memref<1x80xi32, #tpu.memory_space<vmem>> -> memref<80xi32, #tpu.memory_space<vmem>>
    %dma_start3A_105 = tpu.memref_slice %arg4[%add3A_100] : memref<320000xi32, #tpu.memory_space<hbm>> -> memref<80xi32, #tpu.memory_space<hbm>>
    %dma_start3A_106 = arith.constant 0 : i32
    %dma_start3A_107 = tpu.memref_slice %arg8[%dma_start3A_101, %dma_start3A_106] : memref<4x80xi32, #tpu.memory_space<vmem>> -> memref<1x80xi32, #tpu.memory_space<vmem>>
    %dma_start3A_108 = tpu.memref_squeeze %dma_start3A_107 : memref<1x80xi32, #tpu.memory_space<vmem>> -> memref<80xi32, #tpu.memory_space<vmem>>
    %dma_start3A_109 = tpu.memref_slice %arg4[%add3A_100] : memref<320000xi32, #tpu.memory_space<hbm>> -> memref<80xi32, #tpu.memory_space<hbm>>
    tpu.enqueue_dma source(%dma_start3A_109 : memref<80xi32, #tpu.memory_space<hbm>>) target(%dma_start3A_108 : memref<80xi32, #tpu.memory_space<vmem>>) target_semaphore(%arg20 : memref<!tpu.dma_semaphore, #tpu.memory_space<semaphore_mem>>)
    %dma_wait3A = arith.constant 0 : i32
    %dma_wait3A_110 = arith.constant 0 : i32
    %dma_wait3A_111 = tpu.memref_slice %arg7[%dma_wait3A, %dma_wait3A_110] : memref<4x80xi32, #tpu.memory_space<vmem>> -> memref<1x80xi32, #tpu.memory_space<vmem>>
    %dma_wait3A_112 = tpu.memref_squeeze %dma_wait3A_111 : memref<1x80xi32, #tpu.memory_space<vmem>> -> memref<80xi32, #tpu.memory_space<vmem>>
    %dma_wait3A_113 = arith.constant 0 : i32
    %dma_wait3A_114 = tpu.memref_slice %arg3[%dma_wait3A_113] : memref<320000xi32, #tpu.memory_space<hbm>> -> memref<80xi32, #tpu.memory_space<hbm>>
    %dma_wait3A_115 = arith.constant 0 : i32
    %dma_wait3A_116 = tpu.memref_slice %arg7[%dma_wait3A, %dma_wait3A_115] : memref<4x80xi32, #tpu.memory_space<vmem>> -> memref<1x80xi32, #tpu.memory_space<vmem>>
    %dma_wait3A_117 = tpu.memref_squeeze %dma_wait3A_116 : memref<1x80xi32, #tpu.memory_space<vmem>> -> memref<80xi32, #tpu.memory_space<vmem>>
    %dma_wait3A_118 = arith.constant 0 : i32
    %dma_wait3A_119 = tpu.memref_slice %arg3[%dma_wait3A_118] : memref<320000xi32, #tpu.memory_space<hbm>> -> memref<80xi32, #tpu.memory_space<hbm>>
    tpu.wait_dma2 semaphore(%arg13 : memref<!tpu.dma_semaphore, #tpu.memory_space<semaphore_mem>>) src(%dma_wait3A_119 : memref<80xi32, #tpu.memory_space<hbm>>) dst(%dma_wait3A_117 : memref<80xi32, #tpu.memory_space<vmem>>)
    %dma_start3A_120 = arith.constant 0 : i32
    %dma_start3A_121 = arith.constant 0 : i32
    %dma_start3A_122 = tpu.memref_slice %arg7[%dma_start3A_120, %dma_start3A_121] : memref<4x80xi32, #tpu.memory_space<vmem>> -> memref<1x80xi32, #tpu.memory_space<vmem>>
    %dma_start3A_123 = tpu.memref_squeeze %dma_start3A_122 : memref<1x80xi32, #tpu.memory_space<vmem>> -> memref<80xi32, #tpu.memory_space<vmem>>
    %dma_start3A_124 = arith.constant 0 : i32
    %dma_start3A_125 = arith.constant 0 : i32
    %dma_start3A_126 = tpu.memref_slice %arg2[%dma_start3A_124, %dma_start3A_125] : memref<10000x128xf32, #tpu.memory_space<hbm>> -> memref<10000x128xf32, #tpu.memory_space<hbm>>
    tpu.enqueue_indirect_dma source(%dma_start3A_126 : memref<10000x128xf32, #tpu.memory_space<hbm>>) target(%arg9 : memref<80x128xf32, #tpu.memory_space<vmem>>) offsets(%dma_start3A_123 : memref<80xi32, #tpu.memory_space<vmem>>) semaphore(%arg21 : memref<!tpu.dma_semaphore, #tpu.memory_space<semaphore_mem>>)
    %dma_wait3A_127 = arith.constant 1 : i32
    %dma_wait3A_128 = arith.constant 0 : i32
    %dma_wait3A_129 = tpu.memref_slice %arg7[%dma_wait3A_127, %dma_wait3A_128] : memref<4x80xi32, #tpu.memory_space<vmem>> -> memref<1x80xi32, #tpu.memory_space<vmem>>
    %dma_wait3A_130 = tpu.memref_squeeze %dma_wait3A_129 : memref<1x80xi32, #tpu.memory_space<vmem>> -> memref<80xi32, #tpu.memory_space<vmem>>
    %dma_wait3A_131 = arith.constant 0 : i32
    %dma_wait3A_132 = tpu.memref_slice %arg3[%dma_wait3A_131] : memref<320000xi32, #tpu.memory_space<hbm>> -> memref<80xi32, #tpu.memory_space<hbm>>
    %dma_wait3A_133 = arith.constant 0 : i32
    %dma_wait3A_134 = tpu.memref_slice %arg7[%dma_wait3A_127, %dma_wait3A_133] : memref<4x80xi32, #tpu.memory_space<vmem>> -> memref<1x80xi32, #tpu.memory_space<vmem>>
    %dma_wait3A_135 = tpu.memref_squeeze %dma_wait3A_134 : memref<1x80xi32, #tpu.memory_space<vmem>> -> memref<80xi32, #tpu.memory_space<vmem>>
    %dma_wait3A_136 = arith.constant 0 : i32
    %dma_wait3A_137 = tpu.memref_slice %arg3[%dma_wait3A_136] : memref<320000xi32, #tpu.memory_space<hbm>> -> memref<80xi32, #tpu.memory_space<hbm>>
    tpu.wait_dma2 semaphore(%arg14 : memref<!tpu.dma_semaphore, #tpu.memory_space<semaphore_mem>>) src(%dma_wait3A_137 : memref<80xi32, #tpu.memory_space<hbm>>) dst(%dma_wait3A_135 : memref<80xi32, #tpu.memory_space<vmem>>)
    %dma_start3A_138 = arith.constant 1 : i32
    %dma_start3A_139 = arith.constant 0 : i32
    %dma_start3A_140 = tpu.memref_slice %arg7[%dma_start3A_138, %dma_start3A_139] : memref<4x80xi32, #tpu.memory_space<vmem>> -> memref<1x80xi32, #tpu.memory_space<vmem>>
    %dma_start3A_141 = tpu.memref_squeeze %dma_start3A_140 : memref<1x80xi32, #tpu.memory_space<vmem>> -> memref<80xi32, #tpu.memory_space<vmem>>
    %dma_start3A_142 = arith.constant 0 : i32
    %dma_start3A_143 = arith.constant 0 : i32
    %dma_start3A_144 = tpu.memref_slice %arg2[%dma_start3A_142, %dma_start3A_143] : memref<10000x128xf32, #tpu.memory_space<hbm>> -> memref<10000x128xf32, #tpu.memory_space<hbm>>
    tpu.enqueue_indirect_dma source(%dma_start3A_144 : memref<10000x128xf32, #tpu.memory_space<hbm>>) target(%arg10 : memref<80x128xf32, #tpu.memory_space<vmem>>) offsets(%dma_start3A_141 : memref<80xi32, #tpu.memory_space<vmem>>) semaphore(%arg22 : memref<!tpu.dma_semaphore, #tpu.memory_space<semaphore_mem>>)
    %dma_wait3A_145 = arith.constant 2 : i32
    %dma_wait3A_146 = arith.constant 0 : i32
    %dma_wait3A_147 = tpu.memref_slice %arg7[%dma_wait3A_145, %dma_wait3A_146] : memref<4x80xi32, #tpu.memory_space<vmem>> -> memref<1x80xi32, #tpu.memory_space<vmem>>
    %dma_wait3A_148 = tpu.memref_squeeze %dma_wait3A_147 : memref<1x80xi32, #tpu.memory_space<vmem>> -> memref<80xi32, #tpu.memory_space<vmem>>
    %dma_wait3A_149 = arith.constant 0 : i32
    %dma_wait3A_150 = tpu.memref_slice %arg3[%dma_wait3A_149] : memref<320000xi32, #tpu.memory_space<hbm>> -> memref<80xi32, #tpu.memory_space<hbm>>
    %dma_wait3A_151 = arith.constant 0 : i32
    %dma_wait3A_152 = tpu.memref_slice %arg7[%dma_wait3A_145, %dma_wait3A_151] : memref<4x80xi32, #tpu.memory_space<vmem>> -> memref<1x80xi32, #tpu.memory_space<vmem>>
    %dma_wait3A_153 = tpu.memref_squeeze %dma_wait3A_152 : memref<1x80xi32, #tpu.memory_space<vmem>> -> memref<80xi32, #tpu.memory_space<vmem>>
    %dma_wait3A_154 = arith.constant 0 : i32
    %dma_wait3A_155 = tpu.memref_slice %arg3[%dma_wait3A_154] : memref<320000xi32, #tpu.memory_space<hbm>> -> memref<80xi32, #tpu.memory_space<hbm>>
    tpu.wait_dma2 semaphore(%arg15 : memref<!tpu.dma_semaphore, #tpu.memory_space<semaphore_mem>>) src(%dma_wait3A_155 : memref<80xi32, #tpu.memory_space<hbm>>) dst(%dma_wait3A_153 : memref<80xi32, #tpu.memory_space<vmem>>)
    %dma_start3A_156 = arith.constant 2 : i32
    %dma_start3A_157 = arith.constant 0 : i32
    %dma_start3A_158 = tpu.memref_slice %arg7[%dma_start3A_156, %dma_start3A_157] : memref<4x80xi32, #tpu.memory_space<vmem>> -> memref<1x80xi32, #tpu.memory_space<vmem>>
    %dma_start3A_159 = tpu.memref_squeeze %dma_start3A_158 : memref<1x80xi32, #tpu.memory_space<vmem>> -> memref<80xi32, #tpu.memory_space<vmem>>
    %dma_start3A_160 = arith.constant 0 : i32
    %dma_start3A_161 = arith.constant 0 : i32
    %dma_start3A_162 = tpu.memref_slice %arg2[%dma_start3A_160, %dma_start3A_161] : memref<10000x128xf32, #tpu.memory_space<hbm>> -> memref<10000x128xf32, #tpu.memory_space<hbm>>
    tpu.enqueue_indirect_dma source(%dma_start3A_162 : memref<10000x128xf32, #tpu.memory_space<hbm>>) target(%arg11 : memref<80x128xf32, #tpu.memory_space<vmem>>) offsets(%dma_start3A_159 : memref<80xi32, #tpu.memory_space<vmem>>) semaphore(%arg23 : memref<!tpu.dma_semaphore, #tpu.memory_space<semaphore_mem>>)
    %dma_wait3A_163 = arith.constant 3 : i32
    %dma_wait3A_164 = arith.constant 0 : i32
    %dma_wait3A_165 = tpu.memref_slice %arg7[%dma_wait3A_163, %dma_wait3A_164] : memref<4x80xi32, #tpu.memory_space<vmem>> -> memref<1x80xi32, #tpu.memory_space<vmem>>
    %dma_wait3A_166 = tpu.memref_squeeze %dma_wait3A_165 : memref<1x80xi32, #tpu.memory_space<vmem>> -> memref<80xi32, #tpu.memory_space<vmem>>
    %dma_wait3A_167 = arith.constant 0 : i32
    %dma_wait3A_168 = tpu.memref_slice %arg3[%dma_wait3A_167] : memref<320000xi32, #tpu.memory_space<hbm>> -> memref<80xi32, #tpu.memory_space<hbm>>
    %dma_wait3A_169 = arith.constant 0 : i32
    %dma_wait3A_170 = tpu.memref_slice %arg7[%dma_wait3A_163, %dma_wait3A_169] : memref<4x80xi32, #tpu.memory_space<vmem>> -> memref<1x80xi32, #tpu.memory_space<vmem>>
    %dma_wait3A_171 = tpu.memref_squeeze %dma_wait3A_170 : memref<1x80xi32, #tpu.memory_space<vmem>> -> memref<80xi32, #tpu.memory_space<vmem>>
    %dma_wait3A_172 = arith.constant 0 : i32
    %dma_wait3A_173 = tpu.memref_slice %arg3[%dma_wait3A_172] : memref<320000xi32, #tpu.memory_space<hbm>> -> memref<80xi32, #tpu.memory_space<hbm>>
    tpu.wait_dma2 semaphore(%arg16 : memref<!tpu.dma_semaphore, #tpu.memory_space<semaphore_mem>>) src(%dma_wait3A_173 : memref<80xi32, #tpu.memory_space<hbm>>) dst(%dma_wait3A_171 : memref<80xi32, #tpu.memory_space<vmem>>)
    %dma_start3A_174 = arith.constant 3 : i32
    %dma_start3A_175 = arith.constant 0 : i32
    %dma_start3A_176 = tpu.memref_slice %arg7[%dma_start3A_174, %dma_start3A_175] : memref<4x80xi32, #tpu.memory_space<vmem>> -> memref<1x80xi32, #tpu.memory_space<vmem>>
    %dma_start3A_177 = tpu.memref_squeeze %dma_start3A_176 : memref<1x80xi32, #tpu.memory_space<vmem>> -> memref<80xi32, #tpu.memory_space<vmem>>
    %dma_start3A_178 = arith.constant 0 : i32
    %dma_start3A_179 = arith.constant 0 : i32
    %dma_start3A_180 = tpu.memref_slice %arg2[%dma_start3A_178, %dma_start3A_179] : memref<10000x128xf32, #tpu.memory_space<hbm>> -> memref<10000x128xf32, #tpu.memory_space<hbm>>
    tpu.enqueue_indirect_dma source(%dma_start3A_180 : memref<10000x128xf32, #tpu.memory_space<hbm>>) target(%arg12 : memref<80x128xf32, #tpu.memory_space<vmem>>) offsets(%dma_start3A_177 : memref<80xi32, #tpu.memory_space<vmem>>) semaphore(%arg24 : memref<!tpu.dma_semaphore, #tpu.memory_space<semaphore_mem>>)
    %scan3A = arith.constant 0 : i32
    %scan3A_181 = arith.constant 0 : i32
    %scan3A_182 = arith.constant 31 : i32
    %scan3A_183 = arith.addi %scan3A_181, %scan3A_182 : i32
    %scan3A_184 = arith.constant 1 : i32
    scf.for %scan3A_228 = %scan3A_181 to %scan3A_183 step %scan3A_184  : i32 {
      %mul3A_229 = arith.constant 4 : i32
      %mul3A_230 = arith.muli %scan3A_228, %mul3A_229 : i32
      %add3A_231 = arith.constant 0 : i32
      %add3A_232 = arith.addi %mul3A_230, %add3A_231 : i32
      %dma_wait3A_233 = arith.constant 0 : i32
      %dma_wait3A_234 = arith.constant 0 : i32
      %dma_wait3A_235 = tpu.memref_slice %arg7[%dma_wait3A_233, %dma_wait3A_234] : memref<4x80xi32, #tpu.memory_space<vmem>> -> memref<1x80xi32, #tpu.memory_space<vmem>>
      %dma_wait3A_236 = tpu.memref_squeeze %dma_wait3A_235 : memref<1x80xi32, #tpu.memory_space<vmem>> -> memref<80xi32, #tpu.memory_space<vmem>>
      %dma_wait3A_237 = arith.constant 0 : i32
      %dma_wait3A_238 = arith.constant 0 : i32
      %dma_wait3A_239 = tpu.memref_slice %arg2[%dma_wait3A_237, %dma_wait3A_238] : memref<10000x128xf32, #tpu.memory_space<hbm>> -> memref<10000x128xf32, #tpu.memory_space<hbm>>
      tpu.wait_indirect_dma semaphore(%arg21 : memref<!tpu.dma_semaphore, #tpu.memory_space<semaphore_mem>>) src(%dma_wait3A_239 : memref<10000x128xf32, #tpu.memory_space<hbm>>) dst(%arg9 : memref<80x128xf32, #tpu.memory_space<vmem>>)
      %dma_wait3A_240 = arith.constant 0 : i32
      %dma_wait3A_241 = arith.constant 0 : i32
      %dma_wait3A_242 = tpu.memref_slice %arg8[%dma_wait3A_240, %dma_wait3A_241] : memref<4x80xi32, #tpu.memory_space<vmem>> -> memref<1x80xi32, #tpu.memory_space<vmem>>
      %dma_wait3A_243 = tpu.memref_squeeze %dma_wait3A_242 : memref<1x80xi32, #tpu.memory_space<vmem>> -> memref<80xi32, #tpu.memory_space<vmem>>
      %dma_wait3A_244 = arith.constant 0 : i32
      %dma_wait3A_245 = tpu.memref_slice %arg4[%dma_wait3A_244] : memref<320000xi32, #tpu.memory_space<hbm>> -> memref<80xi32, #tpu.memory_space<hbm>>
      %dma_wait3A_246 = arith.constant 0 : i32
      %dma_wait3A_247 = tpu.memref_slice %arg8[%dma_wait3A_240, %dma_wait3A_246] : memref<4x80xi32, #tpu.memory_space<vmem>> -> memref<1x80xi32, #tpu.memory_space<vmem>>
      %dma_wait3A_248 = tpu.memref_squeeze %dma_wait3A_247 : memref<1x80xi32, #tpu.memory_space<vmem>> -> memref<80xi32, #tpu.memory_space<vmem>>
      %dma_wait3A_249 = arith.constant 0 : i32
      %dma_wait3A_250 = tpu.memref_slice %arg4[%dma_wait3A_249] : memref<320000xi32, #tpu.memory_space<hbm>> -> memref<80xi32, #tpu.memory_space<hbm>>
      tpu.wait_dma2 semaphore(%arg17 : memref<!tpu.dma_semaphore, #tpu.memory_space<semaphore_mem>>) src(%dma_wait3A_250 : memref<80xi32, #tpu.memory_space<hbm>>) dst(%dma_wait3A_248 : memref<80xi32, #tpu.memory_space<vmem>>)
      %dma_start3A_251 = arith.constant 0 : i32
      %dma_start3A_252 = arith.constant 0 : i32
      %dma_start3A_253 = tpu.memref_slice %arg8[%dma_start3A_251, %dma_start3A_252] : memref<4x80xi32, #tpu.memory_space<vmem>> -> memref<1x80xi32, #tpu.memory_space<vmem>>
      %dma_start3A_254 = tpu.memref_squeeze %dma_start3A_253 : memref<1x80xi32, #tpu.memory_space<vmem>> -> memref<80xi32, #tpu.memory_space<vmem>>
      %dma_start3A_255 = arith.constant 0 : i32
      %dma_start3A_256 = arith.constant 0 : i32
      %dma_start3A_257 = tpu.memref_slice %arg29[%dma_start3A_255, %dma_start3A_256] : memref<10000x128xf32, #tpu.memory_space<vmem_shared>> -> memref<10000x128xf32, #tpu.memory_space<vmem_shared>>
      tpu.enqueue_indirect_dma source(%arg9 : memref<80x128xf32, #tpu.memory_space<vmem>>) target(%dma_start3A_257 : memref<10000x128xf32, #tpu.memory_space<vmem_shared>>) offsets(%dma_start3A_254 : memref<80xi32, #tpu.memory_space<vmem>>) semaphore(%arg25 : memref<!tpu.dma_semaphore, #tpu.memory_space<semaphore_mem>>) {add = true}
      %add3A_258 = arith.constant 4 : i32
      %add3A_259 = arith.addi %add3A_232, %add3A_258 : i32
      %lt3A = arith.constant 125 : i32
      %lt3A_260 = arith.cmpi slt, %add3A_259, %lt3A : i32
      %convert_element_type3A_261 = arith.extui %lt3A_260 : i1 to i32
      %cond3A_262 = arith.constant 0 : i32
      %cond3A_263 = arith.cmpi ne, %convert_element_type3A_261, %cond3A_262 : i32
      scf.if %cond3A_263 {
        %add3A_444 = arith.constant 4 : i32
        %add3A_445 = arith.addi %add3A_232, %add3A_444 : i32
        %mul3A_446 = arith.constant 10000 : i32
        %mul3A_447 = arith.muli %add3A, %mul3A_446 : i32
        %mul3A_448 = arith.constant 80 : i32
        %mul3A_449 = arith.muli %add3A_445, %mul3A_448 : i32
        %add3A_450 = arith.addi %mul3A_447, %mul3A_449 : i32
        %dma_start3A_451 = arith.constant 0 : i32
        %dma_start3A_452 = arith.constant 0 : i32
        %dma_start3A_453 = tpu.memref_slice %arg7[%dma_start3A_451, %dma_start3A_452] : memref<4x80xi32, #tpu.memory_space<vmem>> -> memref<1x80xi32, #tpu.memory_space<vmem>>
        %dma_start3A_454 = tpu.memref_squeeze %dma_start3A_453 : memref<1x80xi32, #tpu.memory_space<vmem>> -> memref<80xi32, #tpu.memory_space<vmem>>
        %dma_start3A_455 = tpu.memref_slice %arg3[%add3A_450] : memref<320000xi32, #tpu.memory_space<hbm>> -> memref<80xi32, #tpu.memory_space<hbm>>
        %dma_start3A_456 = arith.constant 0 : i32
        %dma_start3A_457 = tpu.memref_slice %arg7[%dma_start3A_451, %dma_start3A_456] : memref<4x80xi32, #tpu.memory_space<vmem>> -> memref<1x80xi32, #tpu.memory_space<vmem>>
        %dma_start3A_458 = tpu.memref_squeeze %dma_start3A_457 : memref<1x80xi32, #tpu.memory_space<vmem>> -> memref<80xi32, #tpu.memory_space<vmem>>
        %dma_start3A_459 = tpu.memref_slice %arg3[%add3A_450] : memref<320000xi32, #tpu.memory_space<hbm>> -> memref<80xi32, #tpu.memory_space<hbm>>
        tpu.enqueue_dma source(%dma_start3A_459 : memref<80xi32, #tpu.memory_space<hbm>>) target(%dma_start3A_458 : memref<80xi32, #tpu.memory_space<vmem>>) target_semaphore(%arg13 : memref<!tpu.dma_semaphore, #tpu.memory_space<semaphore_mem>>)
      } else {
      }
      %mul3A_264 = arith.constant 4 : i32
      %mul3A_265 = arith.muli %scan3A_228, %mul3A_264 : i32
      %add3A_266 = arith.constant 1 : i32
      %add3A_267 = arith.addi %mul3A_265, %add3A_266 : i32
      %dma_wait3A_268 = arith.constant 0 : i32
      %dma_wait3A_269 = arith.constant 0 : i32
      %dma_wait3A_270 = tpu.memref_slice %arg7[%dma_wait3A_268, %dma_wait3A_269] : memref<4x80xi32, #tpu.memory_space<vmem>> -> memref<1x80xi32, #tpu.memory_space<vmem>>
      %dma_wait3A_271 = tpu.memref_squeeze %dma_wait3A_270 : memref<1x80xi32, #tpu.memory_space<vmem>> -> memref<80xi32, #tpu.memory_space<vmem>>
      %dma_wait3A_272 = arith.constant 0 : i32
      %dma_wait3A_273 = arith.constant 0 : i32
      %dma_wait3A_274 = tpu.memref_slice %arg2[%dma_wait3A_272, %dma_wait3A_273] : memref<10000x128xf32, #tpu.memory_space<hbm>> -> memref<10000x128xf32, #tpu.memory_space<hbm>>
      tpu.wait_indirect_dma semaphore(%arg22 : memref<!tpu.dma_semaphore, #tpu.memory_space<semaphore_mem>>) src(%dma_wait3A_274 : memref<10000x128xf32, #tpu.memory_space<hbm>>) dst(%arg10 : memref<80x128xf32, #tpu.memory_space<vmem>>)
      %dma_wait3A_275 = arith.constant 1 : i32
      %dma_wait3A_276 = arith.constant 0 : i32
      %dma_wait3A_277 = tpu.memref_slice %arg8[%dma_wait3A_275, %dma_wait3A_276] : memref<4x80xi32, #tpu.memory_space<vmem>> -> memref<1x80xi32, #tpu.memory_space<vmem>>
      %dma_wait3A_278 = tpu.memref_squeeze %dma_wait3A_277 : memref<1x80xi32, #tpu.memory_space<vmem>> -> memref<80xi32, #tpu.memory_space<vmem>>
      %dma_wait3A_279 = arith.constant 0 : i32
      %dma_wait3A_280 = tpu.memref_slice %arg4[%dma_wait3A_279] : memref<320000xi32, #tpu.memory_space<hbm>> -> memref<80xi32, #tpu.memory_space<hbm>>
      %dma_wait3A_281 = arith.constant 0 : i32
      %dma_wait3A_282 = tpu.memref_slice %arg8[%dma_wait3A_275, %dma_wait3A_281] : memref<4x80xi32, #tpu.memory_space<vmem>> -> memref<1x80xi32, #tpu.memory_space<vmem>>
      %dma_wait3A_283 = tpu.memref_squeeze %dma_wait3A_282 : memref<1x80xi32, #tpu.memory_space<vmem>> -> memref<80xi32, #tpu.memory_space<vmem>>
      %dma_wait3A_284 = arith.constant 0 : i32
      %dma_wait3A_285 = tpu.memref_slice %arg4[%dma_wait3A_284] : memref<320000xi32, #tpu.memory_space<hbm>> -> memref<80xi32, #tpu.memory_space<hbm>>
      tpu.wait_dma2 semaphore(%arg18 : memref<!tpu.dma_semaphore, #tpu.memory_space<semaphore_mem>>) src(%dma_wait3A_285 : memref<80xi32, #tpu.memory_space<hbm>>) dst(%dma_wait3A_283 : memref<80xi32, #tpu.memory_space<vmem>>)
      %dma_start3A_286 = arith.constant 1 : i32
      %dma_start3A_287 = arith.constant 0 : i32
      %dma_start3A_288 = tpu.memref_slice %arg8[%dma_start3A_286, %dma_start3A_287] : memref<4x80xi32, #tpu.memory_space<vmem>> -> memref<1x80xi32, #tpu.memory_space<vmem>>
      %dma_start3A_289 = tpu.memref_squeeze %dma_start3A_288 : memref<1x80xi32, #tpu.memory_space<vmem>> -> memref<80xi32, #tpu.memory_space<vmem>>
      %dma_start3A_290 = arith.constant 0 : i32
      %dma_start3A_291 = arith.constant 0 : i32
      %dma_start3A_292 = tpu.memref_slice %arg29[%dma_start3A_290, %dma_start3A_291] : memref<10000x128xf32, #tpu.memory_space<vmem_shared>> -> memref<10000x128xf32, #tpu.memory_space<vmem_shared>>
      tpu.enqueue_indirect_dma source(%arg10 : memref<80x128xf32, #tpu.memory_space<vmem>>) target(%dma_start3A_292 : memref<10000x128xf32, #tpu.memory_space<vmem_shared>>) offsets(%dma_start3A_289 : memref<80xi32, #tpu.memory_space<vmem>>) semaphore(%arg26 : memref<!tpu.dma_semaphore, #tpu.memory_space<semaphore_mem>>) {add = true}
      %add3A_293 = arith.constant 4 : i32
      %add3A_294 = arith.addi %add3A_267, %add3A_293 : i32
      %lt3A_295 = arith.constant 125 : i32
      %lt3A_296 = arith.cmpi slt, %add3A_294, %lt3A_295 : i32
      %convert_element_type3A_297 = arith.extui %lt3A_296 : i1 to i32
      %cond3A_298 = arith.constant 0 : i32
      %cond3A_299 = arith.cmpi ne, %convert_element_type3A_297, %cond3A_298 : i32
      scf.if %cond3A_299 {
        %add3A_444 = arith.constant 4 : i32
        %add3A_445 = arith.addi %add3A_267, %add3A_444 : i32
        %mul3A_446 = arith.constant 10000 : i32
        %mul3A_447 = arith.muli %add3A, %mul3A_446 : i32
        %mul3A_448 = arith.constant 80 : i32
        %mul3A_449 = arith.muli %add3A_445, %mul3A_448 : i32
        %add3A_450 = arith.addi %mul3A_447, %mul3A_449 : i32
        %dma_start3A_451 = arith.constant 1 : i32
        %dma_start3A_452 = arith.constant 0 : i32
        %dma_start3A_453 = tpu.memref_slice %arg7[%dma_start3A_451, %dma_start3A_452] : memref<4x80xi32, #tpu.memory_space<vmem>> -> memref<1x80xi32, #tpu.memory_space<vmem>>
        %dma_start3A_454 = tpu.memref_squeeze %dma_start3A_453 : memref<1x80xi32, #tpu.memory_space<vmem>> -> memref<80xi32, #tpu.memory_space<vmem>>
        %dma_start3A_455 = tpu.memref_slice %arg3[%add3A_450] : memref<320000xi32, #tpu.memory_space<hbm>> -> memref<80xi32, #tpu.memory_space<hbm>>
        %dma_start3A_456 = arith.constant 0 : i32
        %dma_start3A_457 = tpu.memref_slice %arg7[%dma_start3A_451, %dma_start3A_456] : memref<4x80xi32, #tpu.memory_space<vmem>> -> memref<1x80xi32, #tpu.memory_space<vmem>>
        %dma_start3A_458 = tpu.memref_squeeze %dma_start3A_457 : memref<1x80xi32, #tpu.memory_space<vmem>> -> memref<80xi32, #tpu.memory_space<vmem>>
        %dma_start3A_459 = tpu.memref_slice %arg3[%add3A_450] : memref<320000xi32, #tpu.memory_space<hbm>> -> memref<80xi32, #tpu.memory_space<hbm>>
        tpu.enqueue_dma source(%dma_start3A_459 : memref<80xi32, #tpu.memory_space<hbm>>) target(%dma_start3A_458 : memref<80xi32, #tpu.memory_space<vmem>>) target_semaphore(%arg14 : memref<!tpu.dma_semaphore, #tpu.memory_space<semaphore_mem>>)
      } else {
      }
      %mul3A_300 = arith.constant 4 : i32
      %mul3A_301 = arith.muli %scan3A_228, %mul3A_300 : i32
      %add3A_302 = arith.constant 2 : i32
      %add3A_303 = arith.addi %mul3A_301, %add3A_302 : i32
      %dma_wait3A_304 = arith.constant 0 : i32
      %dma_wait3A_305 = arith.constant 0 : i32
      %dma_wait3A_306 = tpu.memref_slice %arg7[%dma_wait3A_304, %dma_wait3A_305] : memref<4x80xi32, #tpu.memory_space<vmem>> -> memref<1x80xi32, #tpu.memory_space<vmem>>
      %dma_wait3A_307 = tpu.memref_squeeze %dma_wait3A_306 : memref<1x80xi32, #tpu.memory_space<vmem>> -> memref<80xi32, #tpu.memory_space<vmem>>
      %dma_wait3A_308 = arith.constant 0 : i32
      %dma_wait3A_309 = arith.constant 0 : i32
      %dma_wait3A_310 = tpu.memref_slice %arg2[%dma_wait3A_308, %dma_wait3A_309] : memref<10000x128xf32, #tpu.memory_space<hbm>> -> memref<10000x128xf32, #tpu.memory_space<hbm>>
      tpu.wait_indirect_dma semaphore(%arg23 : memref<!tpu.dma_semaphore, #tpu.memory_space<semaphore_mem>>) src(%dma_wait3A_310 : memref<10000x128xf32, #tpu.memory_space<hbm>>) dst(%arg11 : memref<80x128xf32, #tpu.memory_space<vmem>>)
      %dma_wait3A_311 = arith.constant 2 : i32
      %dma_wait3A_312 = arith.constant 0 : i32
      %dma_wait3A_313 = tpu.memref_slice %arg8[%dma_wait3A_311, %dma_wait3A_312] : memref<4x80xi32, #tpu.memory_space<vmem>> -> memref<1x80xi32, #tpu.memory_space<vmem>>
      %dma_wait3A_314 = tpu.memref_squeeze %dma_wait3A_313 : memref<1x80xi32, #tpu.memory_space<vmem>> -> memref<80xi32, #tpu.memory_space<vmem>>
      %dma_wait3A_315 = arith.constant 0 : i32
      %dma_wait3A_316 = tpu.memref_slice %arg4[%dma_wait3A_315] : memref<320000xi32, #tpu.memory_space<hbm>> -> memref<80xi32, #tpu.memory_space<hbm>>
      %dma_wait3A_317 = arith.constant 0 : i32
      %dma_wait3A_318 = tpu.memref_slice %arg8[%dma_wait3A_311, %dma_wait3A_317] : memref<4x80xi32, #tpu.memory_space<vmem>> -> memref<1x80xi32, #tpu.memory_space<vmem>>
      %dma_wait3A_319 = tpu.memref_squeeze %dma_wait3A_318 : memref<1x80xi32, #tpu.memory_space<vmem>> -> memref<80xi32, #tpu.memory_space<vmem>>
      %dma_wait3A_320 = arith.constant 0 : i32
      %dma_wait3A_321 = tpu.memref_slice %arg4[%dma_wait3A_320] : memref<320000xi32, #tpu.memory_space<hbm>> -> memref<80xi32, #tpu.memory_space<hbm>>
      tpu.wait_dma2 semaphore(%arg19 : memref<!tpu.dma_semaphore, #tpu.memory_space<semaphore_mem>>) src(%dma_wait3A_321 : memref<80xi32, #tpu.memory_space<hbm>>) dst(%dma_wait3A_319 : memref<80xi32, #tpu.memory_space<vmem>>)
      %dma_start3A_322 = arith.constant 2 : i32
      %dma_start3A_323 = arith.constant 0 : i32
      %dma_start3A_324 = tpu.memref_slice %arg8[%dma_start3A_322, %dma_start3A_323] : memref<4x80xi32, #tpu.memory_space<vmem>> -> memref<1x80xi32, #tpu.memory_space<vmem>>
      %dma_start3A_325 = tpu.memref_squeeze %dma_start3A_324 : memref<1x80xi32, #tpu.memory_space<vmem>> -> memref<80xi32, #tpu.memory_space<vmem>>
      %dma_start3A_326 = arith.constant 0 : i32
      %dma_start3A_327 = arith.constant 0 : i32
      %dma_start3A_328 = tpu.memref_slice %arg29[%dma_start3A_326, %dma_start3A_327] : memref<10000x128xf32, #tpu.memory_space<vmem_shared>> -> memref<10000x128xf32, #tpu.memory_space<vmem_shared>>
      tpu.enqueue_indirect_dma source(%arg11 : memref<80x128xf32, #tpu.memory_space<vmem>>) target(%dma_start3A_328 : memref<10000x128xf32, #tpu.memory_space<vmem_shared>>) offsets(%dma_start3A_325 : memref<80xi32, #tpu.memory_space<vmem>>) semaphore(%arg27 : memref<!tpu.dma_semaphore, #tpu.memory_space<semaphore_mem>>) {add = true}
      %add3A_329 = arith.constant 4 : i32
      %add3A_330 = arith.addi %add3A_303, %add3A_329 : i32
      %lt3A_331 = arith.constant 125 : i32
      %lt3A_332 = arith.cmpi slt, %add3A_330, %lt3A_331 : i32
      %convert_element_type3A_333 = arith.extui %lt3A_332 : i1 to i32
      %cond3A_334 = arith.constant 0 : i32
      %cond3A_335 = arith.cmpi ne, %convert_element_type3A_333, %cond3A_334 : i32
      scf.if %cond3A_335 {
        %add3A_444 = arith.constant 4 : i32
        %add3A_445 = arith.addi %add3A_303, %add3A_444 : i32
        %mul3A_446 = arith.constant 10000 : i32
        %mul3A_447 = arith.muli %add3A, %mul3A_446 : i32
        %mul3A_448 = arith.constant 80 : i32
        %mul3A_449 = arith.muli %add3A_445, %mul3A_448 : i32
        %add3A_450 = arith.addi %mul3A_447, %mul3A_449 : i32
        %dma_start3A_451 = arith.constant 2 : i32
        %dma_start3A_452 = arith.constant 0 : i32
        %dma_start3A_453 = tpu.memref_slice %arg7[%dma_start3A_451, %dma_start3A_452] : memref<4x80xi32, #tpu.memory_space<vmem>> -> memref<1x80xi32, #tpu.memory_space<vmem>>
        %dma_start3A_454 = tpu.memref_squeeze %dma_start3A_453 : memref<1x80xi32, #tpu.memory_space<vmem>> -> memref<80xi32, #tpu.memory_space<vmem>>
        %dma_start3A_455 = tpu.memref_slice %arg3[%add3A_450] : memref<320000xi32, #tpu.memory_space<hbm>> -> memref<80xi32, #tpu.memory_space<hbm>>
        %dma_start3A_456 = arith.constant 0 : i32
        %dma_start3A_457 = tpu.memref_slice %arg7[%dma_start3A_451, %dma_start3A_456] : memref<4x80xi32, #tpu.memory_space<vmem>> -> memref<1x80xi32, #tpu.memory_space<vmem>>
        %dma_start3A_458 = tpu.memref_squeeze %dma_start3A_457 : memref<1x80xi32, #tpu.memory_space<vmem>> -> memref<80xi32, #tpu.memory_space<vmem>>
        %dma_start3A_459 = tpu.memref_slice %arg3[%add3A_450] : memref<320000xi32, #tpu.memory_space<hbm>> -> memref<80xi32, #tpu.memory_space<hbm>>
        tpu.enqueue_dma source(%dma_start3A_459 : memref<80xi32, #tpu.memory_space<hbm>>) target(%dma_start3A_458 : memref<80xi32, #tpu.memory_space<vmem>>) target_semaphore(%arg15 : memref<!tpu.dma_semaphore, #tpu.memory_space<semaphore_mem>>)
      } else {
      }
      %mul3A_336 = arith.constant 4 : i32
      %mul3A_337 = arith.muli %scan3A_228, %mul3A_336 : i32
      %add3A_338 = arith.constant 3 : i32
      %add3A_339 = arith.addi %mul3A_337, %add3A_338 : i32
      %dma_wait3A_340 = arith.constant 0 : i32
      %dma_wait3A_341 = arith.constant 0 : i32
      %dma_wait3A_342 = tpu.memref_slice %arg7[%dma_wait3A_340, %dma_wait3A_341] : memref<4x80xi32, #tpu.memory_space<vmem>> -> memref<1x80xi32, #tpu.memory_space<vmem>>
      %dma_wait3A_343 = tpu.memref_squeeze %dma_wait3A_342 : memref<1x80xi32, #tpu.memory_space<vmem>> -> memref<80xi32, #tpu.memory_space<vmem>>
      %dma_wait3A_344 = arith.constant 0 : i32
      %dma_wait3A_345 = arith.constant 0 : i32
      %dma_wait3A_346 = tpu.memref_slice %arg2[%dma_wait3A_344, %dma_wait3A_345] : memref<10000x128xf32, #tpu.memory_space<hbm>> -> memref<10000x128xf32, #tpu.memory_space<hbm>>
      tpu.wait_indirect_dma semaphore(%arg24 : memref<!tpu.dma_semaphore, #tpu.memory_space<semaphore_mem>>) src(%dma_wait3A_346 : memref<10000x128xf32, #tpu.memory_space<hbm>>) dst(%arg12 : memref<80x128xf32, #tpu.memory_space<vmem>>)
      %dma_wait3A_347 = arith.constant 3 : i32
      %dma_wait3A_348 = arith.constant 0 : i32
      %dma_wait3A_349 = tpu.memref_slice %arg8[%dma_wait3A_347, %dma_wait3A_348] : memref<4x80xi32, #tpu.memory_space<vmem>> -> memref<1x80xi32, #tpu.memory_space<vmem>>
      %dma_wait3A_350 = tpu.memref_squeeze %dma_wait3A_349 : memref<1x80xi32, #tpu.memory_space<vmem>> -> memref<80xi32, #tpu.memory_space<vmem>>
      %dma_wait3A_351 = arith.constant 0 : i32
      %dma_wait3A_352 = tpu.memref_slice %arg4[%dma_wait3A_351] : memref<320000xi32, #tpu.memory_space<hbm>> -> memref<80xi32, #tpu.memory_space<hbm>>
      %dma_wait3A_353 = arith.constant 0 : i32
      %dma_wait3A_354 = tpu.memref_slice %arg8[%dma_wait3A_347, %dma_wait3A_353] : memref<4x80xi32, #tpu.memory_space<vmem>> -> memref<1x80xi32, #tpu.memory_space<vmem>>
      %dma_wait3A_355 = tpu.memref_squeeze %dma_wait3A_354 : memref<1x80xi32, #tpu.memory_space<vmem>> -> memref<80xi32, #tpu.memory_space<vmem>>
      %dma_wait3A_356 = arith.constant 0 : i32
      %dma_wait3A_357 = tpu.memref_slice %arg4[%dma_wait3A_356] : memref<320000xi32, #tpu.memory_space<hbm>> -> memref<80xi32, #tpu.memory_space<hbm>>
      tpu.wait_dma2 semaphore(%arg20 : memref<!tpu.dma_semaphore, #tpu.memory_space<semaphore_mem>>) src(%dma_wait3A_357 : memref<80xi32, #tpu.memory_space<hbm>>) dst(%dma_wait3A_355 : memref<80xi32, #tpu.memory_space<vmem>>)
      %dma_start3A_358 = arith.constant 3 : i32
      %dma_start3A_359 = arith.constant 0 : i32
      %dma_start3A_360 = tpu.memref_slice %arg8[%dma_start3A_358, %dma_start3A_359] : memref<4x80xi32, #tpu.memory_space<vmem>> -> memref<1x80xi32, #tpu.memory_space<vmem>>
      %dma_start3A_361 = tpu.memref_squeeze %dma_start3A_360 : memref<1x80xi32, #tpu.memory_space<vmem>> -> memref<80xi32, #tpu.memory_space<vmem>>
      %dma_start3A_362 = arith.constant 0 : i32
      %dma_start3A_363 = arith.constant 0 : i32
      %dma_start3A_364 = tpu.memref_slice %arg29[%dma_start3A_362, %dma_start3A_363] : memref<10000x128xf32, #tpu.memory_space<vmem_shared>> -> memref<10000x128xf32, #tpu.memory_space<vmem_shared>>
      tpu.enqueue_indirect_dma source(%arg12 : memref<80x128xf32, #tpu.memory_space<vmem>>) target(%dma_start3A_364 : memref<10000x128xf32, #tpu.memory_space<vmem_shared>>) offsets(%dma_start3A_361 : memref<80xi32, #tpu.memory_space<vmem>>) semaphore(%arg28 : memref<!tpu.dma_semaphore, #tpu.memory_space<semaphore_mem>>) {add = true}
      %add3A_365 = arith.constant 4 : i32
      %add3A_366 = arith.addi %add3A_339, %add3A_365 : i32
      %lt3A_367 = arith.constant 125 : i32
      %lt3A_368 = arith.cmpi slt, %add3A_366, %lt3A_367 : i32
      %convert_element_type3A_369 = arith.extui %lt3A_368 : i1 to i32
      %cond3A_370 = arith.constant 0 : i32
      %cond3A_371 = arith.cmpi ne, %convert_element_type3A_369, %cond3A_370 : i32
      scf.if %cond3A_371 {
        %add3A_444 = arith.constant 4 : i32
        %add3A_445 = arith.addi %add3A_339, %add3A_444 : i32
        %mul3A_446 = arith.constant 10000 : i32
        %mul3A_447 = arith.muli %add3A, %mul3A_446 : i32
        %mul3A_448 = arith.constant 80 : i32
        %mul3A_449 = arith.muli %add3A_445, %mul3A_448 : i32
        %add3A_450 = arith.addi %mul3A_447, %mul3A_449 : i32
        %dma_start3A_451 = arith.constant 3 : i32
        %dma_start3A_452 = arith.constant 0 : i32
        %dma_start3A_453 = tpu.memref_slice %arg7[%dma_start3A_451, %dma_start3A_452] : memref<4x80xi32, #tpu.memory_space<vmem>> -> memref<1x80xi32, #tpu.memory_space<vmem>>
        %dma_start3A_454 = tpu.memref_squeeze %dma_start3A_453 : memref<1x80xi32, #tpu.memory_space<vmem>> -> memref<80xi32, #tpu.memory_space<vmem>>
        %dma_start3A_455 = tpu.memref_slice %arg3[%add3A_450] : memref<320000xi32, #tpu.memory_space<hbm>> -> memref<80xi32, #tpu.memory_space<hbm>>
        %dma_start3A_456 = arith.constant 0 : i32
        %dma_start3A_457 = tpu.memref_slice %arg7[%dma_start3A_451, %dma_start3A_456] : memref<4x80xi32, #tpu.memory_space<vmem>> -> memref<1x80xi32, #tpu.memory_space<vmem>>
        %dma_start3A_458 = tpu.memref_squeeze %dma_start3A_457 : memref<1x80xi32, #tpu.memory_space<vmem>> -> memref<80xi32, #tpu.memory_space<vmem>>
        %dma_start3A_459 = tpu.memref_slice %arg3[%add3A_450] : memref<320000xi32, #tpu.memory_space<hbm>> -> memref<80xi32, #tpu.memory_space<hbm>>
        tpu.enqueue_dma source(%dma_start3A_459 : memref<80xi32, #tpu.memory_space<hbm>>) target(%dma_start3A_458 : memref<80xi32, #tpu.memory_space<vmem>>) target_semaphore(%arg16 : memref<!tpu.dma_semaphore, #tpu.memory_space<semaphore_mem>>)
      } else {
      }
      %add3A_372 = arith.constant 1 : i32
      %add3A_373 = arith.addi %scan3A_228, %add3A_372 : i32
      %mul3A_374 = arith.constant 4 : i32
      %mul3A_375 = arith.muli %add3A_373, %mul3A_374 : i32
      %add3A_376 = arith.constant 0 : i32
      %add3A_377 = arith.addi %mul3A_375, %add3A_376 : i32
      %dma_wait3A_378 = arith.constant 0 : i32
      %dma_wait3A_379 = arith.constant 0 : i32
      %dma_wait3A_380 = tpu.memref_slice %arg8[%dma_wait3A_378, %dma_wait3A_379] : memref<4x80xi32, #tpu.memory_space<vmem>> -> memref<1x80xi32, #tpu.memory_space<vmem>>
      %dma_wait3A_381 = tpu.memref_squeeze %dma_wait3A_380 : memref<1x80xi32, #tpu.memory_space<vmem>> -> memref<80xi32, #tpu.memory_space<vmem>>
      %dma_wait3A_382 = arith.constant 0 : i32
      %dma_wait3A_383 = arith.constant 0 : i32
      %dma_wait3A_384 = tpu.memref_slice %arg29[%dma_wait3A_382, %dma_wait3A_383] : memref<10000x128xf32, #tpu.memory_space<vmem_shared>> -> memref<10000x128xf32, #tpu.memory_space<vmem_shared>>
      tpu.wait_indirect_dma semaphore(%arg25 : memref<!tpu.dma_semaphore, #tpu.memory_space<semaphore_mem>>) src(%arg9 : memref<80x128xf32, #tpu.memory_space<vmem>>) dst(%dma_wait3A_384 : memref<10000x128xf32, #tpu.memory_space<vmem_shared>>)
      %lt3A_385 = arith.constant 125 : i32
      %lt3A_386 = arith.cmpi slt, %add3A_377, %lt3A_385 : i32
      %convert_element_type3A_387 = arith.extui %lt3A_386 : i1 to i32
      %cond3A_388 = arith.constant 0 : i32
      %cond3A_389 = arith.cmpi ne, %convert_element_type3A_387, %cond3A_388 : i32
      scf.if %cond3A_389 {
        %mul3A_444 = arith.constant 10000 : i32
        %mul3A_445 = arith.muli %add3A, %mul3A_444 : i32
        %mul3A_446 = arith.constant 80 : i32
        %mul3A_447 = arith.muli %add3A_377, %mul3A_446 : i32
        %add3A_448 = arith.addi %mul3A_445, %mul3A_447 : i32
        %dma_start3A_449 = arith.constant 0 : i32
        %dma_start3A_450 = arith.constant 0 : i32
        %dma_start3A_451 = tpu.memref_slice %arg8[%dma_start3A_449, %dma_start3A_450] : memref<4x80xi32, #tpu.memory_space<vmem>> -> memref<1x80xi32, #tpu.memory_space<vmem>>
        %dma_start3A_452 = tpu.memref_squeeze %dma_start3A_451 : memref<1x80xi32, #tpu.memory_space<vmem>> -> memref<80xi32, #tpu.memory_space<vmem>>
        %dma_start3A_453 = tpu.memref_slice %arg4[%add3A_448] : memref<320000xi32, #tpu.memory_space<hbm>> -> memref<80xi32, #tpu.memory_space<hbm>>
        %dma_start3A_454 = arith.constant 0 : i32
        %dma_start3A_455 = tpu.memref_slice %arg8[%dma_start3A_449, %dma_start3A_454] : memref<4x80xi32, #tpu.memory_space<vmem>> -> memref<1x80xi32, #tpu.memory_space<vmem>>
        %dma_start3A_456 = tpu.memref_squeeze %dma_start3A_455 : memref<1x80xi32, #tpu.memory_space<vmem>> -> memref<80xi32, #tpu.memory_space<vmem>>
        %dma_start3A_457 = tpu.memref_slice %arg4[%add3A_448] : memref<320000xi32, #tpu.memory_space<hbm>> -> memref<80xi32, #tpu.memory_space<hbm>>
        tpu.enqueue_dma source(%dma_start3A_457 : memref<80xi32, #tpu.memory_space<hbm>>) target(%dma_start3A_456 : memref<80xi32, #tpu.memory_space<vmem>>) target_semaphore(%arg17 : memref<!tpu.dma_semaphore, #tpu.memory_space<semaphore_mem>>)
        %dma_wait3A_458 = arith.constant 0 : i32
        %dma_wait3A_459 = arith.constant 0 : i32
        %dma_wait3A_460 = tpu.memref_slice %arg7[%dma_wait3A_458, %dma_wait3A_459] : memref<4x80xi32, #tpu.memory_space<vmem>> -> memref<1x80xi32, #tpu.memory_space<vmem>>
        %dma_wait3A_461 = tpu.memref_squeeze %dma_wait3A_460 : memref<1x80xi32, #tpu.memory_space<vmem>> -> memref<80xi32, #tpu.memory_space<vmem>>
        %dma_wait3A_462 = arith.constant 0 : i32
        %dma_wait3A_463 = tpu.memref_slice %arg3[%dma_wait3A_462] : memref<320000xi32, #tpu.memory_space<hbm>> -> memref<80xi32, #tpu.memory_space<hbm>>
        %dma_wait3A_464 = arith.constant 0 : i32
        %dma_wait3A_465 = tpu.memref_slice %arg7[%dma_wait3A_458, %dma_wait3A_464] : memref<4x80xi32, #tpu.memory_space<vmem>> -> memref<1x80xi32, #tpu.memory_space<vmem>>
        %dma_wait3A_466 = tpu.memref_squeeze %dma_wait3A_465 : memref<1x80xi32, #tpu.memory_space<vmem>> -> memref<80xi32, #tpu.memory_space<vmem>>
        %dma_wait3A_467 = arith.constant 0 : i32
        %dma_wait3A_468 = tpu.memref_slice %arg3[%dma_wait3A_467] : memref<320000xi32, #tpu.memory_space<hbm>> -> memref<80xi32, #tpu.memory_space<hbm>>
        tpu.wait_dma2 semaphore(%arg13 : memref<!tpu.dma_semaphore, #tpu.memory_space<semaphore_mem>>) src(%dma_wait3A_468 : memref<80xi32, #tpu.memory_space<hbm>>) dst(%dma_wait3A_466 : memref<80xi32, #tpu.memory_space<vmem>>)
        %dma_start3A_469 = arith.constant 0 : i32
        %dma_start3A_470 = arith.constant 0 : i32
        %dma_start3A_471 = tpu.memref_slice %arg7[%dma_start3A_469, %dma_start3A_470] : memref<4x80xi32, #tpu.memory_space<vmem>> -> memref<1x80xi32, #tpu.memory_space<vmem>>
        %dma_start3A_472 = tpu.memref_squeeze %dma_start3A_471 : memref<1x80xi32, #tpu.memory_space<vmem>> -> memref<80xi32, #tpu.memory_space<vmem>>
        %dma_start3A_473 = arith.constant 0 : i32
        %dma_start3A_474 = arith.constant 0 : i32
        %dma_start3A_475 = tpu.memref_slice %arg2[%dma_start3A_473, %dma_start3A_474] : memref<10000x128xf32, #tpu.memory_space<hbm>> -> memref<10000x128xf32, #tpu.memory_space<hbm>>
        tpu.enqueue_indirect_dma source(%dma_start3A_475 : memref<10000x128xf32, #tpu.memory_space<hbm>>) target(%arg9 : memref<80x128xf32, #tpu.memory_space<vmem>>) offsets(%dma_start3A_472 : memref<80xi32, #tpu.memory_space<vmem>>) semaphore(%arg21 : memref<!tpu.dma_semaphore, #tpu.memory_space<semaphore_mem>>)
      } else {
      }
      %add3A_390 = arith.constant 1 : i32
      %add3A_391 = arith.addi %scan3A_228, %add3A_390 : i32
      %mul3A_392 = arith.constant 4 : i32
      %mul3A_393 = arith.muli %add3A_391, %mul3A_392 : i32
      %add3A_394 = arith.constant 1 : i32
      %add3A_395 = arith.addi %mul3A_393, %add3A_394 : i32
      %dma_wait3A_396 = arith.constant 0 : i32
      %dma_wait3A_397 = arith.constant 0 : i32
      %dma_wait3A_398 = tpu.memref_slice %arg8[%dma_wait3A_396, %dma_wait3A_397] : memref<4x80xi32, #tpu.memory_space<vmem>> -> memref<1x80xi32, #tpu.memory_space<vmem>>
      %dma_wait3A_399 = tpu.memref_squeeze %dma_wait3A_398 : memref<1x80xi32, #tpu.memory_space<vmem>> -> memref<80xi32, #tpu.memory_space<vmem>>
      %dma_wait3A_400 = arith.constant 0 : i32
      %dma_wait3A_401 = arith.constant 0 : i32
      %dma_wait3A_402 = tpu.memref_slice %arg29[%dma_wait3A_400, %dma_wait3A_401] : memref<10000x128xf32, #tpu.memory_space<vmem_shared>> -> memref<10000x128xf32, #tpu.memory_space<vmem_shared>>
      tpu.wait_indirect_dma semaphore(%arg26 : memref<!tpu.dma_semaphore, #tpu.memory_space<semaphore_mem>>) src(%arg10 : memref<80x128xf32, #tpu.memory_space<vmem>>) dst(%dma_wait3A_402 : memref<10000x128xf32, #tpu.memory_space<vmem_shared>>)
      %lt3A_403 = arith.constant 125 : i32
      %lt3A_404 = arith.cmpi slt, %add3A_395, %lt3A_403 : i32
      %convert_element_type3A_405 = arith.extui %lt3A_404 : i1 to i32
      %cond3A_406 = arith.constant 0 : i32
      %cond3A_407 = arith.cmpi ne, %convert_element_type3A_405, %cond3A_406 : i32
      scf.if %cond3A_407 {
        %mul3A_444 = arith.constant 10000 : i32
        %mul3A_445 = arith.muli %add3A, %mul3A_444 : i32
        %mul3A_446 = arith.constant 80 : i32
        %mul3A_447 = arith.muli %add3A_395, %mul3A_446 : i32
        %add3A_448 = arith.addi %mul3A_445, %mul3A_447 : i32
        %dma_start3A_449 = arith.constant 1 : i32
        %dma_start3A_450 = arith.constant 0 : i32
        %dma_start3A_451 = tpu.memref_slice %arg8[%dma_start3A_449, %dma_start3A_450] : memref<4x80xi32, #tpu.memory_space<vmem>> -> memref<1x80xi32, #tpu.memory_space<vmem>>
        %dma_start3A_452 = tpu.memref_squeeze %dma_start3A_451 : memref<1x80xi32, #tpu.memory_space<vmem>> -> memref<80xi32, #tpu.memory_space<vmem>>
        %dma_start3A_453 = tpu.memref_slice %arg4[%add3A_448] : memref<320000xi32, #tpu.memory_space<hbm>> -> memref<80xi32, #tpu.memory_space<hbm>>
        %dma_start3A_454 = arith.constant 0 : i32
        %dma_start3A_455 = tpu.memref_slice %arg8[%dma_start3A_449, %dma_start3A_454] : memref<4x80xi32, #tpu.memory_space<vmem>> -> memref<1x80xi32, #tpu.memory_space<vmem>>
        %dma_start3A_456 = tpu.memref_squeeze %dma_start3A_455 : memref<1x80xi32, #tpu.memory_space<vmem>> -> memref<80xi32, #tpu.memory_space<vmem>>
        %dma_start3A_457 = tpu.memref_slice %arg4[%add3A_448] : memref<320000xi32, #tpu.memory_space<hbm>> -> memref<80xi32, #tpu.memory_space<hbm>>
        tpu.enqueue_dma source(%dma_start3A_457 : memref<80xi32, #tpu.memory_space<hbm>>) target(%dma_start3A_456 : memref<80xi32, #tpu.memory_space<vmem>>) target_semaphore(%arg18 : memref<!tpu.dma_semaphore, #tpu.memory_space<semaphore_mem>>)
        %dma_wait3A_458 = arith.constant 1 : i32
        %dma_wait3A_459 = arith.constant 0 : i32
        %dma_wait3A_460 = tpu.memref_slice %arg7[%dma_wait3A_458, %dma_wait3A_459] : memref<4x80xi32, #tpu.memory_space<vmem>> -> memref<1x80xi32, #tpu.memory_space<vmem>>
        %dma_wait3A_461 = tpu.memref_squeeze %dma_wait3A_460 : memref<1x80xi32, #tpu.memory_space<vmem>> -> memref<80xi32, #tpu.memory_space<vmem>>
        %dma_wait3A_462 = arith.constant 0 : i32
        %dma_wait3A_463 = tpu.memref_slice %arg3[%dma_wait3A_462] : memref<320000xi32, #tpu.memory_space<hbm>> -> memref<80xi32, #tpu.memory_space<hbm>>
        %dma_wait3A_464 = arith.constant 0 : i32
        %dma_wait3A_465 = tpu.memref_slice %arg7[%dma_wait3A_458, %dma_wait3A_464] : memref<4x80xi32, #tpu.memory_space<vmem>> -> memref<1x80xi32, #tpu.memory_space<vmem>>
        %dma_wait3A_466 = tpu.memref_squeeze %dma_wait3A_465 : memref<1x80xi32, #tpu.memory_space<vmem>> -> memref<80xi32, #tpu.memory_space<vmem>>
        %dma_wait3A_467 = arith.constant 0 : i32
        %dma_wait3A_468 = tpu.memref_slice %arg3[%dma_wait3A_467] : memref<320000xi32, #tpu.memory_space<hbm>> -> memref<80xi32, #tpu.memory_space<hbm>>
        tpu.wait_dma2 semaphore(%arg14 : memref<!tpu.dma_semaphore, #tpu.memory_space<semaphore_mem>>) src(%dma_wait3A_468 : memref<80xi32, #tpu.memory_space<hbm>>) dst(%dma_wait3A_466 : memref<80xi32, #tpu.memory_space<vmem>>)
        %dma_start3A_469 = arith.constant 1 : i32
        %dma_start3A_470 = arith.constant 0 : i32
        %dma_start3A_471 = tpu.memref_slice %arg7[%dma_start3A_469, %dma_start3A_470] : memref<4x80xi32, #tpu.memory_space<vmem>> -> memref<1x80xi32, #tpu.memory_space<vmem>>
        %dma_start3A_472 = tpu.memref_squeeze %dma_start3A_471 : memref<1x80xi32, #tpu.memory_space<vmem>> -> memref<80xi32, #tpu.memory_space<vmem>>
        %dma_start3A_473 = arith.constant 0 : i32
        %dma_start3A_474 = arith.constant 0 : i32
        %dma_start3A_475 = tpu.memref_slice %arg2[%dma_start3A_473, %dma_start3A_474] : memref<10000x128xf32, #tpu.memory_space<hbm>> -> memref<10000x128xf32, #tpu.memory_space<hbm>>
        tpu.enqueue_indirect_dma source(%dma_start3A_475 : memref<10000x128xf32, #tpu.memory_space<hbm>>) target(%arg10 : memref<80x128xf32, #tpu.memory_space<vmem>>) offsets(%dma_start3A_472 : memref<80xi32, #tpu.memory_space<vmem>>) semaphore(%arg22 : memref<!tpu.dma_semaphore, #tpu.memory_space<semaphore_mem>>)
      } else {
      }
      %add3A_408 = arith.constant 1 : i32
      %add3A_409 = arith.addi %scan3A_228, %add3A_408 : i32
      %mul3A_410 = arith.constant 4 : i32
      %mul3A_411 = arith.muli %add3A_409, %mul3A_410 : i32
      %add3A_412 = arith.constant 2 : i32
      %add3A_413 = arith.addi %mul3A_411, %add3A_412 : i32
      %dma_wait3A_414 = arith.constant 0 : i32
      %dma_wait3A_415 = arith.constant 0 : i32
      %dma_wait3A_416 = tpu.memref_slice %arg8[%dma_wait3A_414, %dma_wait3A_415] : memref<4x80xi32, #tpu.memory_space<vmem>> -> memref<1x80xi32, #tpu.memory_space<vmem>>
      %dma_wait3A_417 = tpu.memref_squeeze %dma_wait3A_416 : memref<1x80xi32, #tpu.memory_space<vmem>> -> memref<80xi32, #tpu.memory_space<vmem>>
      %dma_wait3A_418 = arith.constant 0 : i32
      %dma_wait3A_419 = arith.constant 0 : i32
      %dma_wait3A_420 = tpu.memref_slice %arg29[%dma_wait3A_418, %dma_wait3A_419] : memref<10000x128xf32, #tpu.memory_space<vmem_shared>> -> memref<10000x128xf32, #tpu.memory_space<vmem_shared>>
      tpu.wait_indirect_dma semaphore(%arg27 : memref<!tpu.dma_semaphore, #tpu.memory_space<semaphore_mem>>) src(%arg11 : memref<80x128xf32, #tpu.memory_space<vmem>>) dst(%dma_wait3A_420 : memref<10000x128xf32, #tpu.memory_space<vmem_shared>>)
      %lt3A_421 = arith.constant 125 : i32
      %lt3A_422 = arith.cmpi slt, %add3A_413, %lt3A_421 : i32
      %convert_element_type3A_423 = arith.extui %lt3A_422 : i1 to i32
      %cond3A_424 = arith.constant 0 : i32
      %cond3A_425 = arith.cmpi ne, %convert_element_type3A_423, %cond3A_424 : i32
      scf.if %cond3A_425 {
        %mul3A_444 = arith.constant 10000 : i32
        %mul3A_445 = arith.muli %add3A, %mul3A_444 : i32
        %mul3A_446 = arith.constant 80 : i32
        %mul3A_447 = arith.muli %add3A_413, %mul3A_446 : i32
        %add3A_448 = arith.addi %mul3A_445, %mul3A_447 : i32
        %dma_start3A_449 = arith.constant 2 : i32
        %dma_start3A_450 = arith.constant 0 : i32
        %dma_start3A_451 = tpu.memref_slice %arg8[%dma_start3A_449, %dma_start3A_450] : memref<4x80xi32, #tpu.memory_space<vmem>> -> memref<1x80xi32, #tpu.memory_space<vmem>>
        %dma_start3A_452 = tpu.memref_squeeze %dma_start3A_451 : memref<1x80xi32, #tpu.memory_space<vmem>> -> memref<80xi32, #tpu.memory_space<vmem>>
        %dma_start3A_453 = tpu.memref_slice %arg4[%add3A_448] : memref<320000xi32, #tpu.memory_space<hbm>> -> memref<80xi32, #tpu.memory_space<hbm>>
        %dma_start3A_454 = arith.constant 0 : i32
        %dma_start3A_455 = tpu.memref_slice %arg8[%dma_start3A_449, %dma_start3A_454] : memref<4x80xi32, #tpu.memory_space<vmem>> -> memref<1x80xi32, #tpu.memory_space<vmem>>
        %dma_start3A_456 = tpu.memref_squeeze %dma_start3A_455 : memref<1x80xi32, #tpu.memory_space<vmem>> -> memref<80xi32, #tpu.memory_space<vmem>>
        %dma_start3A_457 = tpu.memref_slice %arg4[%add3A_448] : memref<320000xi32, #tpu.memory_space<hbm>> -> memref<80xi32, #tpu.memory_space<hbm>>
        tpu.enqueue_dma source(%dma_start3A_457 : memref<80xi32, #tpu.memory_space<hbm>>) target(%dma_start3A_456 : memref<80xi32, #tpu.memory_space<vmem>>) target_semaphore(%arg19 : memref<!tpu.dma_semaphore, #tpu.memory_space<semaphore_mem>>)
        %dma_wait3A_458 = arith.constant 2 : i32
        %dma_wait3A_459 = arith.constant 0 : i32
        %dma_wait3A_460 = tpu.memref_slice %arg7[%dma_wait3A_458, %dma_wait3A_459] : memref<4x80xi32, #tpu.memory_space<vmem>> -> memref<1x80xi32, #tpu.memory_space<vmem>>
        %dma_wait3A_461 = tpu.memref_squeeze %dma_wait3A_460 : memref<1x80xi32, #tpu.memory_space<vmem>> -> memref<80xi32, #tpu.memory_space<vmem>>
        %dma_wait3A_462 = arith.constant 0 : i32
        %dma_wait3A_463 = tpu.memref_slice %arg3[%dma_wait3A_462] : memref<320000xi32, #tpu.memory_space<hbm>> -> memref<80xi32, #tpu.memory_space<hbm>>
        %dma_wait3A_464 = arith.constant 0 : i32
        %dma_wait3A_465 = tpu.memref_slice %arg7[%dma_wait3A_458, %dma_wait3A_464] : memref<4x80xi32, #tpu.memory_space<vmem>> -> memref<1x80xi32, #tpu.memory_space<vmem>>
        %dma_wait3A_466 = tpu.memref_squeeze %dma_wait3A_465 : memref<1x80xi32, #tpu.memory_space<vmem>> -> memref<80xi32, #tpu.memory_space<vmem>>
        %dma_wait3A_467 = arith.constant 0 : i32
        %dma_wait3A_468 = tpu.memref_slice %arg3[%dma_wait3A_467] : memref<320000xi32, #tpu.memory_space<hbm>> -> memref<80xi32, #tpu.memory_space<hbm>>
        tpu.wait_dma2 semaphore(%arg15 : memref<!tpu.dma_semaphore, #tpu.memory_space<semaphore_mem>>) src(%dma_wait3A_468 : memref<80xi32, #tpu.memory_space<hbm>>) dst(%dma_wait3A_466 : memref<80xi32, #tpu.memory_space<vmem>>)
        %dma_start3A_469 = arith.constant 2 : i32
        %dma_start3A_470 = arith.constant 0 : i32
        %dma_start3A_471 = tpu.memref_slice %arg7[%dma_start3A_469, %dma_start3A_470] : memref<4x80xi32, #tpu.memory_space<vmem>> -> memref<1x80xi32, #tpu.memory_space<vmem>>
        %dma_start3A_472 = tpu.memref_squeeze %dma_start3A_471 : memref<1x80xi32, #tpu.memory_space<vmem>> -> memref<80xi32, #tpu.memory_space<vmem>>
        %dma_start3A_473 = arith.constant 0 : i32
        %dma_start3A_474 = arith.constant 0 : i32
        %dma_start3A_475 = tpu.memref_slice %arg2[%dma_start3A_473, %dma_start3A_474] : memref<10000x128xf32, #tpu.memory_space<hbm>> -> memref<10000x128xf32, #tpu.memory_space<hbm>>
        tpu.enqueue_indirect_dma source(%dma_start3A_475 : memref<10000x128xf32, #tpu.memory_space<hbm>>) target(%arg11 : memref<80x128xf32, #tpu.memory_space<vmem>>) offsets(%dma_start3A_472 : memref<80xi32, #tpu.memory_space<vmem>>) semaphore(%arg23 : memref<!tpu.dma_semaphore, #tpu.memory_space<semaphore_mem>>)
      } else {
      }
      %add3A_426 = arith.constant 1 : i32
      %add3A_427 = arith.addi %scan3A_228, %add3A_426 : i32
      %mul3A_428 = arith.constant 4 : i32
      %mul3A_429 = arith.muli %add3A_427, %mul3A_428 : i32
      %add3A_430 = arith.constant 3 : i32
      %add3A_431 = arith.addi %mul3A_429, %add3A_430 : i32
      %dma_wait3A_432 = arith.constant 0 : i32
      %dma_wait3A_433 = arith.constant 0 : i32
      %dma_wait3A_434 = tpu.memref_slice %arg8[%dma_wait3A_432, %dma_wait3A_433] : memref<4x80xi32, #tpu.memory_space<vmem>> -> memref<1x80xi32, #tpu.memory_space<vmem>>
      %dma_wait3A_435 = tpu.memref_squeeze %dma_wait3A_434 : memref<1x80xi32, #tpu.memory_space<vmem>> -> memref<80xi32, #tpu.memory_space<vmem>>
      %dma_wait3A_436 = arith.constant 0 : i32
      %dma_wait3A_437 = arith.constant 0 : i32
      %dma_wait3A_438 = tpu.memref_slice %arg29[%dma_wait3A_436, %dma_wait3A_437] : memref<10000x128xf32, #tpu.memory_space<vmem_shared>> -> memref<10000x128xf32, #tpu.memory_space<vmem_shared>>
      tpu.wait_indirect_dma semaphore(%arg28 : memref<!tpu.dma_semaphore, #tpu.memory_space<semaphore_mem>>) src(%arg12 : memref<80x128xf32, #tpu.memory_space<vmem>>) dst(%dma_wait3A_438 : memref<10000x128xf32, #tpu.memory_space<vmem_shared>>)
      %lt3A_439 = arith.constant 125 : i32
      %lt3A_440 = arith.cmpi slt, %add3A_431, %lt3A_439 : i32
      %convert_element_type3A_441 = arith.extui %lt3A_440 : i1 to i32
      %cond3A_442 = arith.constant 0 : i32
      %cond3A_443 = arith.cmpi ne, %convert_element_type3A_441, %cond3A_442 : i32
      scf.if %cond3A_443 {
        %mul3A_444 = arith.constant 10000 : i32
        %mul3A_445 = arith.muli %add3A, %mul3A_444 : i32
        %mul3A_446 = arith.constant 80 : i32
        %mul3A_447 = arith.muli %add3A_431, %mul3A_446 : i32
        %add3A_448 = arith.addi %mul3A_445, %mul3A_447 : i32
        %dma_start3A_449 = arith.constant 3 : i32
        %dma_start3A_450 = arith.constant 0 : i32
        %dma_start3A_451 = tpu.memref_slice %arg8[%dma_start3A_449, %dma_start3A_450] : memref<4x80xi32, #tpu.memory_space<vmem>> -> memref<1x80xi32, #tpu.memory_space<vmem>>
        %dma_start3A_452 = tpu.memref_squeeze %dma_start3A_451 : memref<1x80xi32, #tpu.memory_space<vmem>> -> memref<80xi32, #tpu.memory_space<vmem>>
        %dma_start3A_453 = tpu.memref_slice %arg4[%add3A_448] : memref<320000xi32, #tpu.memory_space<hbm>> -> memref<80xi32, #tpu.memory_space<hbm>>
        %dma_start3A_454 = arith.constant 0 : i32
        %dma_start3A_455 = tpu.memref_slice %arg8[%dma_start3A_449, %dma_start3A_454] : memref<4x80xi32, #tpu.memory_space<vmem>> -> memref<1x80xi32, #tpu.memory_space<vmem>>
        %dma_start3A_456 = tpu.memref_squeeze %dma_start3A_455 : memref<1x80xi32, #tpu.memory_space<vmem>> -> memref<80xi32, #tpu.memory_space<vmem>>
        %dma_start3A_457 = tpu.memref_slice %arg4[%add3A_448] : memref<320000xi32, #tpu.memory_space<hbm>> -> memref<80xi32, #tpu.memory_space<hbm>>
        tpu.enqueue_dma source(%dma_start3A_457 : memref<80xi32, #tpu.memory_space<hbm>>) target(%dma_start3A_456 : memref<80xi32, #tpu.memory_space<vmem>>) target_semaphore(%arg20 : memref<!tpu.dma_semaphore, #tpu.memory_space<semaphore_mem>>)
        %dma_wait3A_458 = arith.constant 3 : i32
        %dma_wait3A_459 = arith.constant 0 : i32
        %dma_wait3A_460 = tpu.memref_slice %arg7[%dma_wait3A_458, %dma_wait3A_459] : memref<4x80xi32, #tpu.memory_space<vmem>> -> memref<1x80xi32, #tpu.memory_space<vmem>>
        %dma_wait3A_461 = tpu.memref_squeeze %dma_wait3A_460 : memref<1x80xi32, #tpu.memory_space<vmem>> -> memref<80xi32, #tpu.memory_space<vmem>>
        %dma_wait3A_462 = arith.constant 0 : i32
        %dma_wait3A_463 = tpu.memref_slice %arg3[%dma_wait3A_462] : memref<320000xi32, #tpu.memory_space<hbm>> -> memref<80xi32, #tpu.memory_space<hbm>>
        %dma_wait3A_464 = arith.constant 0 : i32
        %dma_wait3A_465 = tpu.memref_slice %arg7[%dma_wait3A_458, %dma_wait3A_464] : memref<4x80xi32, #tpu.memory_space<vmem>> -> memref<1x80xi32, #tpu.memory_space<vmem>>
        %dma_wait3A_466 = tpu.memref_squeeze %dma_wait3A_465 : memref<1x80xi32, #tpu.memory_space<vmem>> -> memref<80xi32, #tpu.memory_space<vmem>>
        %dma_wait3A_467 = arith.constant 0 : i32
        %dma_wait3A_468 = tpu.memref_slice %arg3[%dma_wait3A_467] : memref<320000xi32, #tpu.memory_space<hbm>> -> memref<80xi32, #tpu.memory_space<hbm>>
        tpu.wait_dma2 semaphore(%arg16 : memref<!tpu.dma_semaphore, #tpu.memory_space<semaphore_mem>>) src(%dma_wait3A_468 : memref<80xi32, #tpu.memory_space<hbm>>) dst(%dma_wait3A_466 : memref<80xi32, #tpu.memory_space<vmem>>)
        %dma_start3A_469 = arith.constant 3 : i32
        %dma_start3A_470 = arith.constant 0 : i32
        %dma_start3A_471 = tpu.memref_slice %arg7[%dma_start3A_469, %dma_start3A_470] : memref<4x80xi32, #tpu.memory_space<vmem>> -> memref<1x80xi32, #tpu.memory_space<vmem>>
        %dma_start3A_472 = tpu.memref_squeeze %dma_start3A_471 : memref<1x80xi32, #tpu.memory_space<vmem>> -> memref<80xi32, #tpu.memory_space<vmem>>
        %dma_start3A_473 = arith.constant 0 : i32
        %dma_start3A_474 = arith.constant 0 : i32
        %dma_start3A_475 = tpu.memref_slice %arg2[%dma_start3A_473, %dma_start3A_474] : memref<10000x128xf32, #tpu.memory_space<hbm>> -> memref<10000x128xf32, #tpu.memory_space<hbm>>
        tpu.enqueue_indirect_dma source(%dma_start3A_475 : memref<10000x128xf32, #tpu.memory_space<hbm>>) target(%arg12 : memref<80x128xf32, #tpu.memory_space<vmem>>) offsets(%dma_start3A_472 : memref<80xi32, #tpu.memory_space<vmem>>) semaphore(%arg24 : memref<!tpu.dma_semaphore, #tpu.memory_space<semaphore_mem>>)
      } else {
      }
    }
    %scan3A_185 = arith.constant 31 : i32
    %dma_wait3A_186 = arith.constant 0 : i32
    %dma_wait3A_187 = arith.constant 0 : i32
    %dma_wait3A_188 = tpu.memref_slice %arg7[%dma_wait3A_186, %dma_wait3A_187] : memref<4x80xi32, #tpu.memory_space<vmem>> -> memref<1x80xi32, #tpu.memory_space<vmem>>
    %dma_wait3A_189 = tpu.memref_squeeze %dma_wait3A_188 : memref<1x80xi32, #tpu.memory_space<vmem>> -> memref<80xi32, #tpu.memory_space<vmem>>
    %dma_wait3A_190 = arith.constant 0 : i32
    %dma_wait3A_191 = arith.constant 0 : i32
    %dma_wait3A_192 = tpu.memref_slice %arg2[%dma_wait3A_190, %dma_wait3A_191] : memref<10000x128xf32, #tpu.memory_space<hbm>> -> memref<10000x128xf32, #tpu.memory_space<hbm>>
    tpu.wait_indirect_dma semaphore(%arg21 : memref<!tpu.dma_semaphore, #tpu.memory_space<semaphore_mem>>) src(%dma_wait3A_192 : memref<10000x128xf32, #tpu.memory_space<hbm>>) dst(%arg9 : memref<80x128xf32, #tpu.memory_space<vmem>>)
    %dma_wait3A_193 = arith.constant 0 : i32
    %dma_wait3A_194 = arith.constant 0 : i32
    %dma_wait3A_195 = tpu.memref_slice %arg8[%dma_wait3A_193, %dma_wait3A_194] : memref<4x80xi32, #tpu.memory_space<vmem>> -> memref<1x80xi32, #tpu.memory_space<vmem>>
    %dma_wait3A_196 = tpu.memref_squeeze %dma_wait3A_195 : memref<1x80xi32, #tpu.memory_space<vmem>> -> memref<80xi32, #tpu.memory_space<vmem>>
    %dma_wait3A_197 = arith.constant 0 : i32
    %dma_wait3A_198 = tpu.memref_slice %arg4[%dma_wait3A_197] : memref<320000xi32, #tpu.memory_space<hbm>> -> memref<80xi32, #tpu.memory_space<hbm>>
    %dma_wait3A_199 = arith.constant 0 : i32
    %dma_wait3A_200 = tpu.memref_slice %arg8[%dma_wait3A_193, %dma_wait3A_199] : memref<4x80xi32, #tpu.memory_space<vmem>> -> memref<1x80xi32, #tpu.memory_space<vmem>>
    %dma_wait3A_201 = tpu.memref_squeeze %dma_wait3A_200 : memref<1x80xi32, #tpu.memory_space<vmem>> -> memref<80xi32, #tpu.memory_space<vmem>>
    %dma_wait3A_202 = arith.constant 0 : i32
    %dma_wait3A_203 = tpu.memref_slice %arg4[%dma_wait3A_202] : memref<320000xi32, #tpu.memory_space<hbm>> -> memref<80xi32, #tpu.memory_space<hbm>>
    tpu.wait_dma2 semaphore(%arg17 : memref<!tpu.dma_semaphore, #tpu.memory_space<semaphore_mem>>) src(%dma_wait3A_203 : memref<80xi32, #tpu.memory_space<hbm>>) dst(%dma_wait3A_201 : memref<80xi32, #tpu.memory_space<vmem>>)
    %dma_start3A_204 = arith.constant 0 : i32
    %dma_start3A_205 = arith.constant 0 : i32
    %dma_start3A_206 = tpu.memref_slice %arg8[%dma_start3A_204, %dma_start3A_205] : memref<4x80xi32, #tpu.memory_space<vmem>> -> memref<1x80xi32, #tpu.memory_space<vmem>>
    %dma_start3A_207 = tpu.memref_squeeze %dma_start3A_206 : memref<1x80xi32, #tpu.memory_space<vmem>> -> memref<80xi32, #tpu.memory_space<vmem>>
    %dma_start3A_208 = arith.constant 0 : i32
    %dma_start3A_209 = arith.constant 0 : i32
    %dma_start3A_210 = tpu.memref_slice %arg29[%dma_start3A_208, %dma_start3A_209] : memref<10000x128xf32, #tpu.memory_space<vmem_shared>> -> memref<10000x128xf32, #tpu.memory_space<vmem_shared>>
    tpu.enqueue_indirect_dma source(%arg9 : memref<80x128xf32, #tpu.memory_space<vmem>>) target(%dma_start3A_210 : memref<10000x128xf32, #tpu.memory_space<vmem_shared>>) offsets(%dma_start3A_207 : memref<80xi32, #tpu.memory_space<vmem>>) semaphore(%arg25 : memref<!tpu.dma_semaphore, #tpu.memory_space<semaphore_mem>>) {add = true}
    %dma_wait3A_211 = arith.constant 0 : i32
    %dma_wait3A_212 = arith.constant 0 : i32
    %dma_wait3A_213 = tpu.memref_slice %arg8[%dma_wait3A_211, %dma_wait3A_212] : memref<4x80xi32, #tpu.memory_space<vmem>> -> memref<1x80xi32, #tpu.memory_space<vmem>>
    %dma_wait3A_214 = tpu.memref_squeeze %dma_wait3A_213 : memref<1x80xi32, #tpu.memory_space<vmem>> -> memref<80xi32, #tpu.memory_space<vmem>>
    %dma_wait3A_215 = arith.constant 0 : i32
    %dma_wait3A_216 = arith.constant 0 : i32
    %dma_wait3A_217 = tpu.memref_slice %arg29[%dma_wait3A_215, %dma_wait3A_216] : memref<10000x128xf32, #tpu.memory_space<vmem_shared>> -> memref<10000x128xf32, #tpu.memory_space<vmem_shared>>
    tpu.wait_indirect_dma semaphore(%arg25 : memref<!tpu.dma_semaphore, #tpu.memory_space<semaphore_mem>>) src(%arg9 : memref<80x128xf32, #tpu.memory_space<vmem>>) dst(%dma_wait3A_217 : memref<10000x128xf32, #tpu.memory_space<vmem_shared>>)
    %barrier3A_218 = arith.constant 0 : index
    tpu.barrier barrier_id(%barrier3A_218)
    %mul3A_219 = arith.constant 624 : i32
    %mul3A_220 = arith.muli %arg1, %mul3A_219 : i32
    %mul3A_221 = arith.constant 624 : i32
    %mul3A_222 = arith.muli %arg1, %mul3A_221 : i32
    "tpu.region"() ({
      %run_scoped3A = tpu.sem_alloc : memref<!tpu.dma_semaphore, #tpu.memory_space<semaphore_mem>>
      %dma_start3A_228 = arith.constant 0 : i32
      %dma_start3A_229 = tpu.memref_slice %arg6[%arg0, %mul3A_222, %dma_start3A_228] : memref<2x10000x128xf32, #tpu.memory_space<hbm>> -> memref<1x624x128xf32, #tpu.memory_space<hbm>>
      %dma_start3A_230 = tpu.memref_squeeze %dma_start3A_229 : memref<1x624x128xf32, #tpu.memory_space<hbm>> -> memref<624x128xf32, #tpu.memory_space<hbm>>
      %dma_start3A_231 = arith.constant 0 : i32
      %dma_start3A_232 = tpu.memref_slice %arg29[%mul3A_220, %dma_start3A_231] : memref<10000x128xf32, #tpu.memory_space<vmem_shared>> -> memref<624x128xf32, #tpu.memory_space<vmem_shared>>
      tpu.enqueue_dma source(%dma_start3A_232 : memref<624x128xf32, #tpu.memory_space<vmem_shared>>) target(%dma_start3A_230 : memref<624x128xf32, #tpu.memory_space<hbm>>) target_semaphore(%run_scoped3A : memref<!tpu.dma_semaphore, #tpu.memory_space<semaphore_mem>>)
      %dma_wait3A_233 = arith.constant 0 : i32
      %dma_wait3A_234 = tpu.memref_slice %arg6[%arg0, %mul3A_222, %dma_wait3A_233] : memref<2x10000x128xf32, #tpu.memory_space<hbm>> -> memref<1x624x128xf32, #tpu.memory_space<hbm>>
      %dma_wait3A_235 = tpu.memref_squeeze %dma_wait3A_234 : memref<1x624x128xf32, #tpu.memory_space<hbm>> -> memref<624x128xf32, #tpu.memory_space<hbm>>
      %dma_wait3A_236 = arith.constant 0 : i32
      %dma_wait3A_237 = tpu.memref_slice %arg29[%mul3A_220, %dma_wait3A_236] : memref<10000x128xf32, #tpu.memory_space<vmem_shared>> -> memref<624x128xf32, #tpu.memory_space<vmem_shared>>
      tpu.wait_dma2 semaphore(%run_scoped3A : memref<!tpu.dma_semaphore, #tpu.memory_space<semaphore_mem>>) src(%dma_wait3A_237 : memref<624x128xf32, #tpu.memory_space<vmem_shared>>) dst(%dma_wait3A_235 : memref<624x128xf32, #tpu.memory_space<hbm>>)
      tpu.yield
    }) : () -> ()
    %eq3A_223 = arith.constant 15 : i32
    %eq3A_224 = arith.cmpi eq, %arg1, %eq3A_223 : i32
    %convert_element_type3A_225 = arith.extui %eq3A_224 : i1 to i32
    %cond3A_226 = arith.constant 0 : i32
    %cond3A_227 = arith.cmpi ne, %convert_element_type3A_225, %cond3A_226 : i32
    scf.if %cond3A_227 {
      "tpu.region"() ({
        %run_scoped3A = tpu.sem_alloc : memref<!tpu.dma_semaphore, #tpu.memory_space<semaphore_mem>>
        %dma_start3A_228 = arith.constant 9984 : i32
        %dma_start3A_229 = arith.constant 0 : i32
        %dma_start3A_230 = tpu.memref_slice %arg6[%arg0, %dma_start3A_228, %dma_start3A_229] : memref<2x10000x128xf32, #tpu.memory_space<hbm>> -> memref<1x16x128xf32, #tpu.memory_space<hbm>>
        %dma_start3A_231 = tpu.memref_squeeze %dma_start3A_230 : memref<1x16x128xf32, #tpu.memory_space<hbm>> -> memref<16x128xf32, #tpu.memory_space<hbm>>
        %dma_start3A_232 = arith.constant 9984 : i32
        %dma_start3A_233 = arith.constant 0 : i32
        %dma_start3A_234 = tpu.memref_slice %arg29[%dma_start3A_232, %dma_start3A_233] : memref<10000x128xf32, #tpu.memory_space<vmem_shared>> -> memref<16x128xf32, #tpu.memory_space<vmem_shared>>
        tpu.enqueue_dma source(%dma_start3A_234 : memref<16x128xf32, #tpu.memory_space<vmem_shared>>) target(%dma_start3A_231 : memref<16x128xf32, #tpu.memory_space<hbm>>) target_semaphore(%run_scoped3A : memref<!tpu.dma_semaphore, #tpu.memory_space<semaphore_mem>>)
        %dma_wait3A_235 = arith.constant 9984 : i32
        %dma_wait3A_236 = arith.constant 0 : i32
        %dma_wait3A_237 = tpu.memref_slice %arg6[%arg0, %dma_wait3A_235, %dma_wait3A_236] : memref<2x10000x128xf32, #tpu.memory_space<hbm>> -> memref<1x16x128xf32, #tpu.memory_space<hbm>>
        %dma_wait3A_238 = tpu.memref_squeeze %dma_wait3A_237 : memref<1x16x128xf32, #tpu.memory_space<hbm>> -> memref<16x128xf32, #tpu.memory_space<hbm>>
        %dma_wait3A_239 = arith.constant 9984 : i32
        %dma_wait3A_240 = arith.constant 0 : i32
        %dma_wait3A_241 = tpu.memref_slice %arg29[%dma_wait3A_239, %dma_wait3A_240] : memref<10000x128xf32, #tpu.memory_space<vmem_shared>> -> memref<16x128xf32, #tpu.memory_space<vmem_shared>>
        tpu.wait_dma2 semaphore(%run_scoped3A : memref<!tpu.dma_semaphore, #tpu.memory_space<semaphore_mem>>) src(%dma_wait3A_241 : memref<16x128xf32, #tpu.memory_space<vmem_shared>>) dst(%dma_wait3A_238 : memref<16x128xf32, #tpu.memory_space<hbm>>)
        tpu.yield
      }) : () -> ()
    } else {
    }
    return
  }
}

#map = affine_map<(d0, d1) -> (0, 0, 0)>
#map1 = affine_map<(d0, d1) -> (0, 0)>
module attributes {stable_mosaic.version = 14 : i64} {
  func.func @_deg_kernel(%arg0: i32, %arg1: i32, %arg2: memref<32x125x80xi32, #tpu.memory_space<hbm>>, %arg3: memref<10000x128xf32, #tpu.memory_space<hbm>>, %arg4: memref<80x128xf32, #tpu.memory_space<hbm>>, %arg5: memref<2x10000x128xf32, #tpu.memory_space<hbm>>, %arg6: memref<125x80xi32, #tpu.memory_space<vmem>>, %arg7: memref<80x128xf32, #tpu.memory_space<vmem>>, %arg8: memref<10000x128xf32, #tpu.memory_space<vmem_shared>>, %arg9: memref<!tpu.dma_semaphore, #tpu.memory_space<semaphore_mem>>, %arg10: memref<!tpu.dma_semaphore, #tpu.memory_space<semaphore_mem>>, %arg11: memref<!tpu.dma_semaphore, #tpu.memory_space<semaphore_mem>>, %arg12: memref<!tpu.dma_semaphore, #tpu.memory_space<semaphore_mem>>) attributes {dimension_semantics = [#tpu.dimension_semantics<core_parallel>, #tpu.dimension_semantics<subcore_parallel>], iteration_bounds = array<i64: 2, 16>, scalar_prefetch = 0 : i64, scratch_operands = 7 : i64, tpu.core_type = #tpu.core_type<sc_vector_subcore>, window_params = [{transform_indices = #map}, {transform_indices = #map1}, {transform_indices = #map1}, {transform_indices = #map}]} {
    %mul3A = arith.constant 2 : i32
    %mul3A_0 = arith.muli %arg1, %mul3A : i32
    %add3A = arith.addi %mul3A_0, %arg0 : i32
    %mul3A_1 = arith.constant 624 : i32
    %mul3A_2 = arith.muli %arg1, %mul3A_1 : i32
    %mul3A_3 = arith.constant 624 : i32
    %mul3A_4 = arith.muli %arg1, %mul3A_3 : i32
    "tpu.region"() ({
      %run_scoped3A = tpu.sem_alloc : memref<!tpu.dma_semaphore, #tpu.memory_space<semaphore_mem>>
      %dma_start3A_55 = arith.constant 0 : i32
      %dma_start3A_56 = tpu.memref_slice %arg8[%mul3A_4, %dma_start3A_55] : memref<10000x128xf32, #tpu.memory_space<vmem_shared>> -> memref<624x128xf32, #tpu.memory_space<vmem_shared>>
      %dma_start3A_57 = arith.constant 0 : i32
      %dma_start3A_58 = tpu.memref_slice %arg3[%mul3A_2, %dma_start3A_57] : memref<10000x128xf32, #tpu.memory_space<hbm>> -> memref<624x128xf32, #tpu.memory_space<hbm>>
      tpu.enqueue_dma source(%dma_start3A_58 : memref<624x128xf32, #tpu.memory_space<hbm>>) target(%dma_start3A_56 : memref<624x128xf32, #tpu.memory_space<vmem_shared>>) target_semaphore(%run_scoped3A : memref<!tpu.dma_semaphore, #tpu.memory_space<semaphore_mem>>)
      %dma_wait3A_59 = arith.constant 0 : i32
      %dma_wait3A_60 = tpu.memref_slice %arg8[%mul3A_4, %dma_wait3A_59] : memref<10000x128xf32, #tpu.memory_space<vmem_shared>> -> memref<624x128xf32, #tpu.memory_space<vmem_shared>>
      %dma_wait3A_61 = arith.constant 0 : i32
      %dma_wait3A_62 = tpu.memref_slice %arg3[%mul3A_2, %dma_wait3A_61] : memref<10000x128xf32, #tpu.memory_space<hbm>> -> memref<624x128xf32, #tpu.memory_space<hbm>>
      tpu.wait_dma2 semaphore(%run_scoped3A : memref<!tpu.dma_semaphore, #tpu.memory_space<semaphore_mem>>) src(%dma_wait3A_62 : memref<624x128xf32, #tpu.memory_space<hbm>>) dst(%dma_wait3A_60 : memref<624x128xf32, #tpu.memory_space<vmem_shared>>)
      tpu.yield
    }) : () -> ()
    %eq3A = arith.constant 15 : i32
    %eq3A_5 = arith.cmpi eq, %arg1, %eq3A : i32
    %convert_element_type3A = arith.extui %eq3A_5 : i1 to i32
    %cond3A = arith.constant 0 : i32
    %cond3A_6 = arith.cmpi ne, %convert_element_type3A, %cond3A : i32
    scf.if %cond3A_6 {
      "tpu.region"() ({
        %run_scoped3A = tpu.sem_alloc : memref<!tpu.dma_semaphore, #tpu.memory_space<semaphore_mem>>
        %dma_start3A_55 = arith.constant 9984 : i32
        %dma_start3A_56 = arith.constant 0 : i32
        %dma_start3A_57 = tpu.memref_slice %arg8[%dma_start3A_55, %dma_start3A_56] : memref<10000x128xf32, #tpu.memory_space<vmem_shared>> -> memref<16x128xf32, #tpu.memory_space<vmem_shared>>
        %dma_start3A_58 = arith.constant 9984 : i32
        %dma_start3A_59 = arith.constant 0 : i32
        %dma_start3A_60 = tpu.memref_slice %arg3[%dma_start3A_58, %dma_start3A_59] : memref<10000x128xf32, #tpu.memory_space<hbm>> -> memref<16x128xf32, #tpu.memory_space<hbm>>
        tpu.enqueue_dma source(%dma_start3A_60 : memref<16x128xf32, #tpu.memory_space<hbm>>) target(%dma_start3A_57 : memref<16x128xf32, #tpu.memory_space<vmem_shared>>) target_semaphore(%run_scoped3A : memref<!tpu.dma_semaphore, #tpu.memory_space<semaphore_mem>>)
        %dma_wait3A_61 = arith.constant 9984 : i32
        %dma_wait3A_62 = arith.constant 0 : i32
        %dma_wait3A_63 = tpu.memref_slice %arg8[%dma_wait3A_61, %dma_wait3A_62] : memref<10000x128xf32, #tpu.memory_space<vmem_shared>> -> memref<16x128xf32, #tpu.memory_space<vmem_shared>>
        %dma_wait3A_64 = arith.constant 9984 : i32
        %dma_wait3A_65 = arith.constant 0 : i32
        %dma_wait3A_66 = tpu.memref_slice %arg3[%dma_wait3A_64, %dma_wait3A_65] : memref<10000x128xf32, #tpu.memory_space<hbm>> -> memref<16x128xf32, #tpu.memory_space<hbm>>
        tpu.wait_dma2 semaphore(%run_scoped3A : memref<!tpu.dma_semaphore, #tpu.memory_space<semaphore_mem>>) src(%dma_wait3A_66 : memref<16x128xf32, #tpu.memory_space<hbm>>) dst(%dma_wait3A_63 : memref<16x128xf32, #tpu.memory_space<vmem_shared>>)
        tpu.yield
      }) : () -> ()
    } else {
    }
    "tpu.region"() ({
      %run_scoped3A = tpu.sem_alloc : memref<!tpu.dma_semaphore, #tpu.memory_space<semaphore_mem>>
      %dma_start3A_55 = arith.constant 0 : i32
      %dma_start3A_56 = arith.constant 0 : i32
      %dma_start3A_57 = tpu.memref_slice %arg2[%add3A, %dma_start3A_55, %dma_start3A_56] : memref<32x125x80xi32, #tpu.memory_space<hbm>> -> memref<1x125x80xi32, #tpu.memory_space<hbm>>
      %dma_start3A_58 = tpu.memref_squeeze %dma_start3A_57 : memref<1x125x80xi32, #tpu.memory_space<hbm>> -> memref<125x80xi32, #tpu.memory_space<hbm>>
      %dma_start3A_59 = arith.constant 0 : i32
      %dma_start3A_60 = arith.constant 0 : i32
      %dma_start3A_61 = tpu.memref_slice %arg2[%add3A, %dma_start3A_59, %dma_start3A_60] : memref<32x125x80xi32, #tpu.memory_space<hbm>> -> memref<1x125x80xi32, #tpu.memory_space<hbm>>
      %dma_start3A_62 = tpu.memref_squeeze %dma_start3A_61 : memref<1x125x80xi32, #tpu.memory_space<hbm>> -> memref<125x80xi32, #tpu.memory_space<hbm>>
      tpu.enqueue_dma source(%dma_start3A_62 : memref<125x80xi32, #tpu.memory_space<hbm>>) target(%arg6 : memref<125x80xi32, #tpu.memory_space<vmem>>) target_semaphore(%run_scoped3A : memref<!tpu.dma_semaphore, #tpu.memory_space<semaphore_mem>>)
      %dma_wait3A_63 = arith.constant 0 : i32
      %dma_wait3A_64 = arith.constant 0 : i32
      %dma_wait3A_65 = tpu.memref_slice %arg2[%add3A, %dma_wait3A_63, %dma_wait3A_64] : memref<32x125x80xi32, #tpu.memory_space<hbm>> -> memref<1x125x80xi32, #tpu.memory_space<hbm>>
      %dma_wait3A_66 = tpu.memref_squeeze %dma_wait3A_65 : memref<1x125x80xi32, #tpu.memory_space<hbm>> -> memref<125x80xi32, #tpu.memory_space<hbm>>
      %dma_wait3A_67 = arith.constant 0 : i32
      %dma_wait3A_68 = arith.constant 0 : i32
      %dma_wait3A_69 = tpu.memref_slice %arg2[%add3A, %dma_wait3A_67, %dma_wait3A_68] : memref<32x125x80xi32, #tpu.memory_space<hbm>> -> memref<1x125x80xi32, #tpu.memory_space<hbm>>
      %dma_wait3A_70 = tpu.memref_squeeze %dma_wait3A_69 : memref<1x125x80xi32, #tpu.memory_space<hbm>> -> memref<125x80xi32, #tpu.memory_space<hbm>>
      tpu.wait_dma2 semaphore(%run_scoped3A : memref<!tpu.dma_semaphore, #tpu.memory_space<semaphore_mem>>) src(%dma_wait3A_70 : memref<125x80xi32, #tpu.memory_space<hbm>>) dst(%arg6 : memref<125x80xi32, #tpu.memory_space<vmem>>)
      tpu.yield
    }) : () -> ()
    "tpu.region"() ({
      %run_scoped3A = tpu.sem_alloc : memref<!tpu.dma_semaphore, #tpu.memory_space<semaphore_mem>>
      tpu.enqueue_dma source(%arg4 : memref<80x128xf32, #tpu.memory_space<hbm>>) target(%arg7 : memref<80x128xf32, #tpu.memory_space<vmem>>) target_semaphore(%run_scoped3A : memref<!tpu.dma_semaphore, #tpu.memory_space<semaphore_mem>>)
      tpu.wait_dma2 semaphore(%run_scoped3A : memref<!tpu.dma_semaphore, #tpu.memory_space<semaphore_mem>>) src(%arg4 : memref<80x128xf32, #tpu.memory_space<hbm>>) dst(%arg7 : memref<80x128xf32, #tpu.memory_space<vmem>>)
      tpu.yield
    }) : () -> ()
    %barrier3A = arith.constant 0 : index
    tpu.barrier barrier_id(%barrier3A)
    %dma_start3A = arith.constant 0 : i32
    %dma_start3A_7 = arith.constant 0 : i32
    %dma_start3A_8 = tpu.memref_slice %arg6[%dma_start3A, %dma_start3A_7] : memref<125x80xi32, #tpu.memory_space<vmem>> -> memref<1x80xi32, #tpu.memory_space<vmem>>
    %dma_start3A_9 = tpu.memref_squeeze %dma_start3A_8 : memref<1x80xi32, #tpu.memory_space<vmem>> -> memref<80xi32, #tpu.memory_space<vmem>>
    %dma_start3A_10 = arith.constant 0 : i32
    %dma_start3A_11 = arith.constant 0 : i32
    %dma_start3A_12 = tpu.memref_slice %arg8[%dma_start3A_10, %dma_start3A_11] : memref<10000x128xf32, #tpu.memory_space<vmem_shared>> -> memref<10000x128xf32, #tpu.memory_space<vmem_shared>>
    tpu.enqueue_indirect_dma source(%arg7 : memref<80x128xf32, #tpu.memory_space<vmem>>) target(%dma_start3A_12 : memref<10000x128xf32, #tpu.memory_space<vmem_shared>>) offsets(%dma_start3A_9 : memref<80xi32, #tpu.memory_space<vmem>>) semaphore(%arg9 : memref<!tpu.dma_semaphore, #tpu.memory_space<semaphore_mem>>) {add = true}
    %dma_start3A_13 = arith.constant 1 : i32
    %dma_start3A_14 = arith.constant 0 : i32
    %dma_start3A_15 = tpu.memref_slice %arg6[%dma_start3A_13, %dma_start3A_14] : memref<125x80xi32, #tpu.memory_space<vmem>> -> memref<1x80xi32, #tpu.memory_space<vmem>>
    %dma_start3A_16 = tpu.memref_squeeze %dma_start3A_15 : memref<1x80xi32, #tpu.memory_space<vmem>> -> memref<80xi32, #tpu.memory_space<vmem>>
    %dma_start3A_17 = arith.constant 0 : i32
    %dma_start3A_18 = arith.constant 0 : i32
    %dma_start3A_19 = tpu.memref_slice %arg8[%dma_start3A_17, %dma_start3A_18] : memref<10000x128xf32, #tpu.memory_space<vmem_shared>> -> memref<10000x128xf32, #tpu.memory_space<vmem_shared>>
    tpu.enqueue_indirect_dma source(%arg7 : memref<80x128xf32, #tpu.memory_space<vmem>>) target(%dma_start3A_19 : memref<10000x128xf32, #tpu.memory_space<vmem_shared>>) offsets(%dma_start3A_16 : memref<80xi32, #tpu.memory_space<vmem>>) semaphore(%arg10 : memref<!tpu.dma_semaphore, #tpu.memory_space<semaphore_mem>>) {add = true}
    %dma_start3A_20 = arith.constant 2 : i32
    %dma_start3A_21 = arith.constant 0 : i32
    %dma_start3A_22 = tpu.memref_slice %arg6[%dma_start3A_20, %dma_start3A_21] : memref<125x80xi32, #tpu.memory_space<vmem>> -> memref<1x80xi32, #tpu.memory_space<vmem>>
    %dma_start3A_23 = tpu.memref_squeeze %dma_start3A_22 : memref<1x80xi32, #tpu.memory_space<vmem>> -> memref<80xi32, #tpu.memory_space<vmem>>
    %dma_start3A_24 = arith.constant 0 : i32
    %dma_start3A_25 = arith.constant 0 : i32
    %dma_start3A_26 = tpu.memref_slice %arg8[%dma_start3A_24, %dma_start3A_25] : memref<10000x128xf32, #tpu.memory_space<vmem_shared>> -> memref<10000x128xf32, #tpu.memory_space<vmem_shared>>
    tpu.enqueue_indirect_dma source(%arg7 : memref<80x128xf32, #tpu.memory_space<vmem>>) target(%dma_start3A_26 : memref<10000x128xf32, #tpu.memory_space<vmem_shared>>) offsets(%dma_start3A_23 : memref<80xi32, #tpu.memory_space<vmem>>) semaphore(%arg11 : memref<!tpu.dma_semaphore, #tpu.memory_space<semaphore_mem>>) {add = true}
    %dma_start3A_27 = arith.constant 3 : i32
    %dma_start3A_28 = arith.constant 0 : i32
    %dma_start3A_29 = tpu.memref_slice %arg6[%dma_start3A_27, %dma_start3A_28] : memref<125x80xi32, #tpu.memory_space<vmem>> -> memref<1x80xi32, #tpu.memory_space<vmem>>
    %dma_start3A_30 = tpu.memref_squeeze %dma_start3A_29 : memref<1x80xi32, #tpu.memory_space<vmem>> -> memref<80xi32, #tpu.memory_space<vmem>>
    %dma_start3A_31 = arith.constant 0 : i32
    %dma_start3A_32 = arith.constant 0 : i32
    %dma_start3A_33 = tpu.memref_slice %arg8[%dma_start3A_31, %dma_start3A_32] : memref<10000x128xf32, #tpu.memory_space<vmem_shared>> -> memref<10000x128xf32, #tpu.memory_space<vmem_shared>>
    tpu.enqueue_indirect_dma source(%arg7 : memref<80x128xf32, #tpu.memory_space<vmem>>) target(%dma_start3A_33 : memref<10000x128xf32, #tpu.memory_space<vmem_shared>>) offsets(%dma_start3A_30 : memref<80xi32, #tpu.memory_space<vmem>>) semaphore(%arg12 : memref<!tpu.dma_semaphore, #tpu.memory_space<semaphore_mem>>) {add = true}
    %scan3A = arith.constant 0 : i32
    %scan3A_34 = arith.constant 0 : i32
    %scan3A_35 = arith.constant 31 : i32
    %scan3A_36 = arith.addi %scan3A_34, %scan3A_35 : i32
    %scan3A_37 = arith.constant 1 : i32
    scf.for %scan3A_55 = %scan3A_34 to %scan3A_36 step %scan3A_37  : i32 {
      %add3A_56 = arith.constant 1 : i32
      %add3A_57 = arith.addi %scan3A_55, %add3A_56 : i32
      %mul3A_58 = arith.constant 4 : i32
      %mul3A_59 = arith.muli %add3A_57, %mul3A_58 : i32
      %add3A_60 = arith.constant 0 : i32
      %add3A_61 = arith.addi %mul3A_59, %add3A_60 : i32
      %dma_wait3A_62 = arith.constant 0 : i32
      %dma_wait3A_63 = arith.constant 0 : i32
      %dma_wait3A_64 = tpu.memref_slice %arg6[%dma_wait3A_62, %dma_wait3A_63] : memref<125x80xi32, #tpu.memory_space<vmem>> -> memref<1x80xi32, #tpu.memory_space<vmem>>
      %dma_wait3A_65 = tpu.memref_squeeze %dma_wait3A_64 : memref<1x80xi32, #tpu.memory_space<vmem>> -> memref<80xi32, #tpu.memory_space<vmem>>
      %dma_wait3A_66 = arith.constant 0 : i32
      %dma_wait3A_67 = arith.constant 0 : i32
      %dma_wait3A_68 = tpu.memref_slice %arg8[%dma_wait3A_66, %dma_wait3A_67] : memref<10000x128xf32, #tpu.memory_space<vmem_shared>> -> memref<10000x128xf32, #tpu.memory_space<vmem_shared>>
      tpu.wait_indirect_dma semaphore(%arg9 : memref<!tpu.dma_semaphore, #tpu.memory_space<semaphore_mem>>) src(%arg7 : memref<80x128xf32, #tpu.memory_space<vmem>>) dst(%dma_wait3A_68 : memref<10000x128xf32, #tpu.memory_space<vmem_shared>>)
      %lt3A = arith.constant 125 : i32
      %lt3A_69 = arith.cmpi slt, %add3A_61, %lt3A : i32
      %convert_element_type3A_70 = arith.extui %lt3A_69 : i1 to i32
      %cond3A_71 = arith.constant 0 : i32
      %cond3A_72 = arith.cmpi ne, %convert_element_type3A_70, %cond3A_71 : i32
      scf.if %cond3A_72 {
        %dma_start3A_127 = arith.constant 0 : i32
        %dma_start3A_128 = tpu.memref_slice %arg6[%add3A_61, %dma_start3A_127] : memref<125x80xi32, #tpu.memory_space<vmem>> -> memref<1x80xi32, #tpu.memory_space<vmem>>
        %dma_start3A_129 = tpu.memref_squeeze %dma_start3A_128 : memref<1x80xi32, #tpu.memory_space<vmem>> -> memref<80xi32, #tpu.memory_space<vmem>>
        %dma_start3A_130 = arith.constant 0 : i32
        %dma_start3A_131 = arith.constant 0 : i32
        %dma_start3A_132 = tpu.memref_slice %arg8[%dma_start3A_130, %dma_start3A_131] : memref<10000x128xf32, #tpu.memory_space<vmem_shared>> -> memref<10000x128xf32, #tpu.memory_space<vmem_shared>>
        tpu.enqueue_indirect_dma source(%arg7 : memref<80x128xf32, #tpu.memory_space<vmem>>) target(%dma_start3A_132 : memref<10000x128xf32, #tpu.memory_space<vmem_shared>>) offsets(%dma_start3A_129 : memref<80xi32, #tpu.memory_space<vmem>>) semaphore(%arg9 : memref<!tpu.dma_semaphore, #tpu.memory_space<semaphore_mem>>) {add = true}
      } else {
      }
      %add3A_73 = arith.constant 1 : i32
      %add3A_74 = arith.addi %scan3A_55, %add3A_73 : i32
      %mul3A_75 = arith.constant 4 : i32
      %mul3A_76 = arith.muli %add3A_74, %mul3A_75 : i32
      %add3A_77 = arith.constant 1 : i32
      %add3A_78 = arith.addi %mul3A_76, %add3A_77 : i32
      %dma_wait3A_79 = arith.constant 0 : i32
      %dma_wait3A_80 = arith.constant 0 : i32
      %dma_wait3A_81 = tpu.memref_slice %arg6[%dma_wait3A_79, %dma_wait3A_80] : memref<125x80xi32, #tpu.memory_space<vmem>> -> memref<1x80xi32, #tpu.memory_space<vmem>>
      %dma_wait3A_82 = tpu.memref_squeeze %dma_wait3A_81 : memref<1x80xi32, #tpu.memory_space<vmem>> -> memref<80xi32, #tpu.memory_space<vmem>>
      %dma_wait3A_83 = arith.constant 0 : i32
      %dma_wait3A_84 = arith.constant 0 : i32
      %dma_wait3A_85 = tpu.memref_slice %arg8[%dma_wait3A_83, %dma_wait3A_84] : memref<10000x128xf32, #tpu.memory_space<vmem_shared>> -> memref<10000x128xf32, #tpu.memory_space<vmem_shared>>
      tpu.wait_indirect_dma semaphore(%arg10 : memref<!tpu.dma_semaphore, #tpu.memory_space<semaphore_mem>>) src(%arg7 : memref<80x128xf32, #tpu.memory_space<vmem>>) dst(%dma_wait3A_85 : memref<10000x128xf32, #tpu.memory_space<vmem_shared>>)
      %lt3A_86 = arith.constant 125 : i32
      %lt3A_87 = arith.cmpi slt, %add3A_78, %lt3A_86 : i32
      %convert_element_type3A_88 = arith.extui %lt3A_87 : i1 to i32
      %cond3A_89 = arith.constant 0 : i32
      %cond3A_90 = arith.cmpi ne, %convert_element_type3A_88, %cond3A_89 : i32
      scf.if %cond3A_90 {
        %dma_start3A_127 = arith.constant 0 : i32
        %dma_start3A_128 = tpu.memref_slice %arg6[%add3A_78, %dma_start3A_127] : memref<125x80xi32, #tpu.memory_space<vmem>> -> memref<1x80xi32, #tpu.memory_space<vmem>>
        %dma_start3A_129 = tpu.memref_squeeze %dma_start3A_128 : memref<1x80xi32, #tpu.memory_space<vmem>> -> memref<80xi32, #tpu.memory_space<vmem>>
        %dma_start3A_130 = arith.constant 0 : i32
        %dma_start3A_131 = arith.constant 0 : i32
        %dma_start3A_132 = tpu.memref_slice %arg8[%dma_start3A_130, %dma_start3A_131] : memref<10000x128xf32, #tpu.memory_space<vmem_shared>> -> memref<10000x128xf32, #tpu.memory_space<vmem_shared>>
        tpu.enqueue_indirect_dma source(%arg7 : memref<80x128xf32, #tpu.memory_space<vmem>>) target(%dma_start3A_132 : memref<10000x128xf32, #tpu.memory_space<vmem_shared>>) offsets(%dma_start3A_129 : memref<80xi32, #tpu.memory_space<vmem>>) semaphore(%arg10 : memref<!tpu.dma_semaphore, #tpu.memory_space<semaphore_mem>>) {add = true}
      } else {
      }
      %add3A_91 = arith.constant 1 : i32
      %add3A_92 = arith.addi %scan3A_55, %add3A_91 : i32
      %mul3A_93 = arith.constant 4 : i32
      %mul3A_94 = arith.muli %add3A_92, %mul3A_93 : i32
      %add3A_95 = arith.constant 2 : i32
      %add3A_96 = arith.addi %mul3A_94, %add3A_95 : i32
      %dma_wait3A_97 = arith.constant 0 : i32
      %dma_wait3A_98 = arith.constant 0 : i32
      %dma_wait3A_99 = tpu.memref_slice %arg6[%dma_wait3A_97, %dma_wait3A_98] : memref<125x80xi32, #tpu.memory_space<vmem>> -> memref<1x80xi32, #tpu.memory_space<vmem>>
      %dma_wait3A_100 = tpu.memref_squeeze %dma_wait3A_99 : memref<1x80xi32, #tpu.memory_space<vmem>> -> memref<80xi32, #tpu.memory_space<vmem>>
      %dma_wait3A_101 = arith.constant 0 : i32
      %dma_wait3A_102 = arith.constant 0 : i32
      %dma_wait3A_103 = tpu.memref_slice %arg8[%dma_wait3A_101, %dma_wait3A_102] : memref<10000x128xf32, #tpu.memory_space<vmem_shared>> -> memref<10000x128xf32, #tpu.memory_space<vmem_shared>>
      tpu.wait_indirect_dma semaphore(%arg11 : memref<!tpu.dma_semaphore, #tpu.memory_space<semaphore_mem>>) src(%arg7 : memref<80x128xf32, #tpu.memory_space<vmem>>) dst(%dma_wait3A_103 : memref<10000x128xf32, #tpu.memory_space<vmem_shared>>)
      %lt3A_104 = arith.constant 125 : i32
      %lt3A_105 = arith.cmpi slt, %add3A_96, %lt3A_104 : i32
      %convert_element_type3A_106 = arith.extui %lt3A_105 : i1 to i32
      %cond3A_107 = arith.constant 0 : i32
      %cond3A_108 = arith.cmpi ne, %convert_element_type3A_106, %cond3A_107 : i32
      scf.if %cond3A_108 {
        %dma_start3A_127 = arith.constant 0 : i32
        %dma_start3A_128 = tpu.memref_slice %arg6[%add3A_96, %dma_start3A_127] : memref<125x80xi32, #tpu.memory_space<vmem>> -> memref<1x80xi32, #tpu.memory_space<vmem>>
        %dma_start3A_129 = tpu.memref_squeeze %dma_start3A_128 : memref<1x80xi32, #tpu.memory_space<vmem>> -> memref<80xi32, #tpu.memory_space<vmem>>
        %dma_start3A_130 = arith.constant 0 : i32
        %dma_start3A_131 = arith.constant 0 : i32
        %dma_start3A_132 = tpu.memref_slice %arg8[%dma_start3A_130, %dma_start3A_131] : memref<10000x128xf32, #tpu.memory_space<vmem_shared>> -> memref<10000x128xf32, #tpu.memory_space<vmem_shared>>
        tpu.enqueue_indirect_dma source(%arg7 : memref<80x128xf32, #tpu.memory_space<vmem>>) target(%dma_start3A_132 : memref<10000x128xf32, #tpu.memory_space<vmem_shared>>) offsets(%dma_start3A_129 : memref<80xi32, #tpu.memory_space<vmem>>) semaphore(%arg11 : memref<!tpu.dma_semaphore, #tpu.memory_space<semaphore_mem>>) {add = true}
      } else {
      }
      %add3A_109 = arith.constant 1 : i32
      %add3A_110 = arith.addi %scan3A_55, %add3A_109 : i32
      %mul3A_111 = arith.constant 4 : i32
      %mul3A_112 = arith.muli %add3A_110, %mul3A_111 : i32
      %add3A_113 = arith.constant 3 : i32
      %add3A_114 = arith.addi %mul3A_112, %add3A_113 : i32
      %dma_wait3A_115 = arith.constant 0 : i32
      %dma_wait3A_116 = arith.constant 0 : i32
      %dma_wait3A_117 = tpu.memref_slice %arg6[%dma_wait3A_115, %dma_wait3A_116] : memref<125x80xi32, #tpu.memory_space<vmem>> -> memref<1x80xi32, #tpu.memory_space<vmem>>
      %dma_wait3A_118 = tpu.memref_squeeze %dma_wait3A_117 : memref<1x80xi32, #tpu.memory_space<vmem>> -> memref<80xi32, #tpu.memory_space<vmem>>
      %dma_wait3A_119 = arith.constant 0 : i32
      %dma_wait3A_120 = arith.constant 0 : i32
      %dma_wait3A_121 = tpu.memref_slice %arg8[%dma_wait3A_119, %dma_wait3A_120] : memref<10000x128xf32, #tpu.memory_space<vmem_shared>> -> memref<10000x128xf32, #tpu.memory_space<vmem_shared>>
      tpu.wait_indirect_dma semaphore(%arg12 : memref<!tpu.dma_semaphore, #tpu.memory_space<semaphore_mem>>) src(%arg7 : memref<80x128xf32, #tpu.memory_space<vmem>>) dst(%dma_wait3A_121 : memref<10000x128xf32, #tpu.memory_space<vmem_shared>>)
      %lt3A_122 = arith.constant 125 : i32
      %lt3A_123 = arith.cmpi slt, %add3A_114, %lt3A_122 : i32
      %convert_element_type3A_124 = arith.extui %lt3A_123 : i1 to i32
      %cond3A_125 = arith.constant 0 : i32
      %cond3A_126 = arith.cmpi ne, %convert_element_type3A_124, %cond3A_125 : i32
      scf.if %cond3A_126 {
        %dma_start3A_127 = arith.constant 0 : i32
        %dma_start3A_128 = tpu.memref_slice %arg6[%add3A_114, %dma_start3A_127] : memref<125x80xi32, #tpu.memory_space<vmem>> -> memref<1x80xi32, #tpu.memory_space<vmem>>
        %dma_start3A_129 = tpu.memref_squeeze %dma_start3A_128 : memref<1x80xi32, #tpu.memory_space<vmem>> -> memref<80xi32, #tpu.memory_space<vmem>>
        %dma_start3A_130 = arith.constant 0 : i32
        %dma_start3A_131 = arith.constant 0 : i32
        %dma_start3A_132 = tpu.memref_slice %arg8[%dma_start3A_130, %dma_start3A_131] : memref<10000x128xf32, #tpu.memory_space<vmem_shared>> -> memref<10000x128xf32, #tpu.memory_space<vmem_shared>>
        tpu.enqueue_indirect_dma source(%arg7 : memref<80x128xf32, #tpu.memory_space<vmem>>) target(%dma_start3A_132 : memref<10000x128xf32, #tpu.memory_space<vmem_shared>>) offsets(%dma_start3A_129 : memref<80xi32, #tpu.memory_space<vmem>>) semaphore(%arg12 : memref<!tpu.dma_semaphore, #tpu.memory_space<semaphore_mem>>) {add = true}
      } else {
      }
    }
    %scan3A_38 = arith.constant 31 : i32
    %dma_wait3A = arith.constant 0 : i32
    %dma_wait3A_39 = arith.constant 0 : i32
    %dma_wait3A_40 = tpu.memref_slice %arg6[%dma_wait3A, %dma_wait3A_39] : memref<125x80xi32, #tpu.memory_space<vmem>> -> memref<1x80xi32, #tpu.memory_space<vmem>>
    %dma_wait3A_41 = tpu.memref_squeeze %dma_wait3A_40 : memref<1x80xi32, #tpu.memory_space<vmem>> -> memref<80xi32, #tpu.memory_space<vmem>>
    %dma_wait3A_42 = arith.constant 0 : i32
    %dma_wait3A_43 = arith.constant 0 : i32
    %dma_wait3A_44 = tpu.memref_slice %arg8[%dma_wait3A_42, %dma_wait3A_43] : memref<10000x128xf32, #tpu.memory_space<vmem_shared>> -> memref<10000x128xf32, #tpu.memory_space<vmem_shared>>
    tpu.wait_indirect_dma semaphore(%arg9 : memref<!tpu.dma_semaphore, #tpu.memory_space<semaphore_mem>>) src(%arg7 : memref<80x128xf32, #tpu.memory_space<vmem>>) dst(%dma_wait3A_44 : memref<10000x128xf32, #tpu.memory_space<vmem_shared>>)
    %barrier3A_45 = arith.constant 0 : index
    tpu.barrier barrier_id(%barrier3A_45)
    %mul3A_46 = arith.constant 624 : i32
    %mul3A_47 = arith.muli %arg1, %mul3A_46 : i32
    %mul3A_48 = arith.constant 624 : i32
    %mul3A_49 = arith.muli %arg1, %mul3A_48 : i32
    "tpu.region"() ({
      %run_scoped3A = tpu.sem_alloc : memref<!tpu.dma_semaphore, #tpu.memory_space<semaphore_mem>>
      %dma_start3A_55 = arith.constant 0 : i32
      %dma_start3A_56 = tpu.memref_slice %arg5[%arg0, %mul3A_49, %dma_start3A_55] : memref<2x10000x128xf32, #tpu.memory_space<hbm>> -> memref<1x624x128xf32, #tpu.memory_space<hbm>>
      %dma_start3A_57 = tpu.memref_squeeze %dma_start3A_56 : memref<1x624x128xf32, #tpu.memory_space<hbm>> -> memref<624x128xf32, #tpu.memory_space<hbm>>
      %dma_start3A_58 = arith.constant 0 : i32
      %dma_start3A_59 = tpu.memref_slice %arg8[%mul3A_47, %dma_start3A_58] : memref<10000x128xf32, #tpu.memory_space<vmem_shared>> -> memref<624x128xf32, #tpu.memory_space<vmem_shared>>
      tpu.enqueue_dma source(%dma_start3A_59 : memref<624x128xf32, #tpu.memory_space<vmem_shared>>) target(%dma_start3A_57 : memref<624x128xf32, #tpu.memory_space<hbm>>) target_semaphore(%run_scoped3A : memref<!tpu.dma_semaphore, #tpu.memory_space<semaphore_mem>>)
      %dma_wait3A_60 = arith.constant 0 : i32
      %dma_wait3A_61 = tpu.memref_slice %arg5[%arg0, %mul3A_49, %dma_wait3A_60] : memref<2x10000x128xf32, #tpu.memory_space<hbm>> -> memref<1x624x128xf32, #tpu.memory_space<hbm>>
      %dma_wait3A_62 = tpu.memref_squeeze %dma_wait3A_61 : memref<1x624x128xf32, #tpu.memory_space<hbm>> -> memref<624x128xf32, #tpu.memory_space<hbm>>
      %dma_wait3A_63 = arith.constant 0 : i32
      %dma_wait3A_64 = tpu.memref_slice %arg8[%mul3A_47, %dma_wait3A_63] : memref<10000x128xf32, #tpu.memory_space<vmem_shared>> -> memref<624x128xf32, #tpu.memory_space<vmem_shared>>
      tpu.wait_dma2 semaphore(%run_scoped3A : memref<!tpu.dma_semaphore, #tpu.memory_space<semaphore_mem>>) src(%dma_wait3A_64 : memref<624x128xf32, #tpu.memory_space<vmem_shared>>) dst(%dma_wait3A_62 : memref<624x128xf32, #tpu.memory_space<hbm>>)
      tpu.yield
    }) : () -> ()
    %eq3A_50 = arith.constant 15 : i32
    %eq3A_51 = arith.cmpi eq, %arg1, %eq3A_50 : i32
    %convert_element_type3A_52 = arith.extui %eq3A_51 : i1 to i32
    %cond3A_53 = arith.constant 0 : i32
    %cond3A_54 = arith.cmpi ne, %convert_element_type3A_52, %cond3A_53 : i32
    scf.if %cond3A_54 {
      "tpu.region"() ({
        %run_scoped3A = tpu.sem_alloc : memref<!tpu.dma_semaphore, #tpu.memory_space<semaphore_mem>>
        %dma_start3A_55 = arith.constant 9984 : i32
        %dma_start3A_56 = arith.constant 0 : i32
        %dma_start3A_57 = tpu.memref_slice %arg5[%arg0, %dma_start3A_55, %dma_start3A_56] : memref<2x10000x128xf32, #tpu.memory_space<hbm>> -> memref<1x16x128xf32, #tpu.memory_space<hbm>>
        %dma_start3A_58 = tpu.memref_squeeze %dma_start3A_57 : memref<1x16x128xf32, #tpu.memory_space<hbm>> -> memref<16x128xf32, #tpu.memory_space<hbm>>
        %dma_start3A_59 = arith.constant 9984 : i32
        %dma_start3A_60 = arith.constant 0 : i32
        %dma_start3A_61 = tpu.memref_slice %arg8[%dma_start3A_59, %dma_start3A_60] : memref<10000x128xf32, #tpu.memory_space<vmem_shared>> -> memref<16x128xf32, #tpu.memory_space<vmem_shared>>
        tpu.enqueue_dma source(%dma_start3A_61 : memref<16x128xf32, #tpu.memory_space<vmem_shared>>) target(%dma_start3A_58 : memref<16x128xf32, #tpu.memory_space<hbm>>) target_semaphore(%run_scoped3A : memref<!tpu.dma_semaphore, #tpu.memory_space<semaphore_mem>>)
        %dma_wait3A_62 = arith.constant 9984 : i32
        %dma_wait3A_63 = arith.constant 0 : i32
        %dma_wait3A_64 = tpu.memref_slice %arg5[%arg0, %dma_wait3A_62, %dma_wait3A_63] : memref<2x10000x128xf32, #tpu.memory_space<hbm>> -> memref<1x16x128xf32, #tpu.memory_space<hbm>>
        %dma_wait3A_65 = tpu.memref_squeeze %dma_wait3A_64 : memref<1x16x128xf32, #tpu.memory_space<hbm>> -> memref<16x128xf32, #tpu.memory_space<hbm>>
        %dma_wait3A_66 = arith.constant 9984 : i32
        %dma_wait3A_67 = arith.constant 0 : i32
        %dma_wait3A_68 = tpu.memref_slice %arg8[%dma_wait3A_66, %dma_wait3A_67] : memref<10000x128xf32, #tpu.memory_space<vmem_shared>> -> memref<16x128xf32, #tpu.memory_space<vmem_shared>>
        tpu.wait_dma2 semaphore(%run_scoped3A : memref<!tpu.dma_semaphore, #tpu.memory_space<semaphore_mem>>) src(%dma_wait3A_68 : memref<16x128xf32, #tpu.memory_space<vmem_shared>>) dst(%dma_wait3A_65 : memref<16x128xf32, #tpu.memory_space<hbm>>)
        tpu.yield
      }) : () -> ()
    } else {
    }
    return
  }
}

#map = affine_map<(d0, d1) -> (0, 0)>
#map1 = affine_map<(d0, d1) -> (0)>
#map2 = affine_map<(d0, d1) -> (0, 0, 0)>
module attributes {stable_mosaic.version = 14 : i64} {
  func.func @_agg_kernel(%arg0: i32, %arg1: i32, %arg2: memref<10000x128xf32, #tpu.memory_space<hbm>>, %arg3: memref<320000xi32, #tpu.memory_space<hbm>>, %arg4: memref<320000xi32, #tpu.memory_space<hbm>>, %arg5: memref<10000x128xf32, #tpu.memory_space<hbm>>, %arg6: memref<2x10000x128xf32, #tpu.memory_space<hbm>>, %arg7: memref<4x80xi32, #tpu.memory_space<vmem>>, %arg8: memref<4x80xi32, #tpu.memory_space<vmem>>, %arg9: memref<80x128xf32, #tpu.memory_space<vmem>>, %arg10: memref<80x128xf32, #tpu.memory_space<vmem>>, %arg11: memref<80x128xf32, #tpu.memory_space<vmem>>, %arg12: memref<80x128xf32, #tpu.memory_space<vmem>>, %arg13: memref<!tpu.dma_semaphore, #tpu.memory_space<semaphore_mem>>, %arg14: memref<!tpu.dma_semaphore, #tpu.memory_space<semaphore_mem>>, %arg15: memref<!tpu.dma_semaphore, #tpu.memory_space<semaphore_mem>>, %arg16: memref<!tpu.dma_semaphore, #tpu.memory_space<semaphore_mem>>, %arg17: memref<!tpu.dma_semaphore, #tpu.memory_space<semaphore_mem>>, %arg18: memref<!tpu.dma_semaphore, #tpu.memory_space<semaphore_mem>>, %arg19: memref<!tpu.dma_semaphore, #tpu.memory_space<semaphore_mem>>, %arg20: memref<!tpu.dma_semaphore, #tpu.memory_space<semaphore_mem>>, %arg21: memref<!tpu.dma_semaphore, #tpu.memory_space<semaphore_mem>>, %arg22: memref<!tpu.dma_semaphore, #tpu.memory_space<semaphore_mem>>, %arg23: memref<!tpu.dma_semaphore, #tpu.memory_space<semaphore_mem>>, %arg24: memref<!tpu.dma_semaphore, #tpu.memory_space<semaphore_mem>>, %arg25: memref<!tpu.dma_semaphore, #tpu.memory_space<semaphore_mem>>, %arg26: memref<!tpu.dma_semaphore, #tpu.memory_space<semaphore_mem>>, %arg27: memref<!tpu.dma_semaphore, #tpu.memory_space<semaphore_mem>>, %arg28: memref<!tpu.dma_semaphore, #tpu.memory_space<semaphore_mem>>, %arg29: memref<10000x128xf32, #tpu.memory_space<vmem_shared>>) attributes {dimension_semantics = [#tpu.dimension_semantics<core_parallel>, #tpu.dimension_semantics<subcore_parallel>], iteration_bounds = array<i64: 2, 16>, scalar_prefetch = 0 : i64, scratch_operands = 23 : i64, tpu.core_type = #tpu.core_type<sc_vector_subcore>, window_params = [{transform_indices = #map}, {transform_indices = #map1}, {transform_indices = #map1}, {transform_indices = #map}, {transform_indices = #map2}]} {
    %mul3A = arith.constant 2 : i32
    %mul3A_0 = arith.muli %arg1, %mul3A : i32
    %add3A = arith.addi %mul3A_0, %arg0 : i32
    %mul3A_1 = arith.constant 624 : i32
    %mul3A_2 = arith.muli %arg1, %mul3A_1 : i32
    %mul3A_3 = arith.constant 624 : i32
    %mul3A_4 = arith.muli %arg1, %mul3A_3 : i32
    "tpu.region"() ({
      %run_scoped3A = tpu.sem_alloc : memref<!tpu.dma_semaphore, #tpu.memory_space<semaphore_mem>>
      %dma_start3A_228 = arith.constant 0 : i32
      %dma_start3A_229 = tpu.memref_slice %arg29[%mul3A_4, %dma_start3A_228] : memref<10000x128xf32, #tpu.memory_space<vmem_shared>> -> memref<624x128xf32, #tpu.memory_space<vmem_shared>>
      %dma_start3A_230 = arith.constant 0 : i32
      %dma_start3A_231 = tpu.memref_slice %arg5[%mul3A_2, %dma_start3A_230] : memref<10000x128xf32, #tpu.memory_space<hbm>> -> memref<624x128xf32, #tpu.memory_space<hbm>>
      tpu.enqueue_dma source(%dma_start3A_231 : memref<624x128xf32, #tpu.memory_space<hbm>>) target(%dma_start3A_229 : memref<624x128xf32, #tpu.memory_space<vmem_shared>>) target_semaphore(%run_scoped3A : memref<!tpu.dma_semaphore, #tpu.memory_space<semaphore_mem>>)
      %dma_wait3A_232 = arith.constant 0 : i32
      %dma_wait3A_233 = tpu.memref_slice %arg29[%mul3A_4, %dma_wait3A_232] : memref<10000x128xf32, #tpu.memory_space<vmem_shared>> -> memref<624x128xf32, #tpu.memory_space<vmem_shared>>
      %dma_wait3A_234 = arith.constant 0 : i32
      %dma_wait3A_235 = tpu.memref_slice %arg5[%mul3A_2, %dma_wait3A_234] : memref<10000x128xf32, #tpu.memory_space<hbm>> -> memref<624x128xf32, #tpu.memory_space<hbm>>
      tpu.wait_dma2 semaphore(%run_scoped3A : memref<!tpu.dma_semaphore, #tpu.memory_space<semaphore_mem>>) src(%dma_wait3A_235 : memref<624x128xf32, #tpu.memory_space<hbm>>) dst(%dma_wait3A_233 : memref<624x128xf32, #tpu.memory_space<vmem_shared>>)
      tpu.yield
    }) : () -> ()
    %eq3A = arith.constant 15 : i32
    %eq3A_5 = arith.cmpi eq, %arg1, %eq3A : i32
    %convert_element_type3A = arith.extui %eq3A_5 : i1 to i32
    %cond3A = arith.constant 0 : i32
    %cond3A_6 = arith.cmpi ne, %convert_element_type3A, %cond3A : i32
    scf.if %cond3A_6 {
      "tpu.region"() ({
        %run_scoped3A = tpu.sem_alloc : memref<!tpu.dma_semaphore, #tpu.memory_space<semaphore_mem>>
        %dma_start3A_228 = arith.constant 9984 : i32
        %dma_start3A_229 = arith.constant 0 : i32
        %dma_start3A_230 = tpu.memref_slice %arg29[%dma_start3A_228, %dma_start3A_229] : memref<10000x128xf32, #tpu.memory_space<vmem_shared>> -> memref<16x128xf32, #tpu.memory_space<vmem_shared>>
        %dma_start3A_231 = arith.constant 9984 : i32
        %dma_start3A_232 = arith.constant 0 : i32
        %dma_start3A_233 = tpu.memref_slice %arg5[%dma_start3A_231, %dma_start3A_232] : memref<10000x128xf32, #tpu.memory_space<hbm>> -> memref<16x128xf32, #tpu.memory_space<hbm>>
        tpu.enqueue_dma source(%dma_start3A_233 : memref<16x128xf32, #tpu.memory_space<hbm>>) target(%dma_start3A_230 : memref<16x128xf32, #tpu.memory_space<vmem_shared>>) target_semaphore(%run_scoped3A : memref<!tpu.dma_semaphore, #tpu.memory_space<semaphore_mem>>)
        %dma_wait3A_234 = arith.constant 9984 : i32
        %dma_wait3A_235 = arith.constant 0 : i32
        %dma_wait3A_236 = tpu.memref_slice %arg29[%dma_wait3A_234, %dma_wait3A_235] : memref<10000x128xf32, #tpu.memory_space<vmem_shared>> -> memref<16x128xf32, #tpu.memory_space<vmem_shared>>
        %dma_wait3A_237 = arith.constant 9984 : i32
        %dma_wait3A_238 = arith.constant 0 : i32
        %dma_wait3A_239 = tpu.memref_slice %arg5[%dma_wait3A_237, %dma_wait3A_238] : memref<10000x128xf32, #tpu.memory_space<hbm>> -> memref<16x128xf32, #tpu.memory_space<hbm>>
        tpu.wait_dma2 semaphore(%run_scoped3A : memref<!tpu.dma_semaphore, #tpu.memory_space<semaphore_mem>>) src(%dma_wait3A_239 : memref<16x128xf32, #tpu.memory_space<hbm>>) dst(%dma_wait3A_236 : memref<16x128xf32, #tpu.memory_space<vmem_shared>>)
        tpu.yield
      }) : () -> ()
    } else {
    }
    %barrier3A = arith.constant 0 : index
    tpu.barrier barrier_id(%barrier3A)
    %mul3A_7 = arith.constant 10000 : i32
    %mul3A_8 = arith.muli %add3A, %mul3A_7 : i32
    %add3A_9 = arith.constant 0 : i32
    %add3A_10 = arith.addi %mul3A_8, %add3A_9 : i32
    %dma_start3A = arith.constant 0 : i32
    %dma_start3A_11 = arith.constant 0 : i32
    %dma_start3A_12 = tpu.memref_slice %arg7[%dma_start3A, %dma_start3A_11] : memref<4x80xi32, #tpu.memory_space<vmem>> -> memref<1x80xi32, #tpu.memory_space<vmem>>
    %dma_start3A_13 = tpu.memref_squeeze %dma_start3A_12 : memref<1x80xi32, #tpu.memory_space<vmem>> -> memref<80xi32, #tpu.memory_space<vmem>>
    %dma_start3A_14 = tpu.memref_slice %arg3[%add3A_10] : memref<320000xi32, #tpu.memory_space<hbm>> -> memref<80xi32, #tpu.memory_space<hbm>>
    %dma_start3A_15 = arith.constant 0 : i32
    %dma_start3A_16 = tpu.memref_slice %arg7[%dma_start3A, %dma_start3A_15] : memref<4x80xi32, #tpu.memory_space<vmem>> -> memref<1x80xi32, #tpu.memory_space<vmem>>
    %dma_start3A_17 = tpu.memref_squeeze %dma_start3A_16 : memref<1x80xi32, #tpu.memory_space<vmem>> -> memref<80xi32, #tpu.memory_space<vmem>>
    %dma_start3A_18 = tpu.memref_slice %arg3[%add3A_10] : memref<320000xi32, #tpu.memory_space<hbm>> -> memref<80xi32, #tpu.memory_space<hbm>>
    tpu.enqueue_dma source(%dma_start3A_18 : memref<80xi32, #tpu.memory_space<hbm>>) target(%dma_start3A_17 : memref<80xi32, #tpu.memory_space<vmem>>) target_semaphore(%arg13 : memref<!tpu.dma_semaphore, #tpu.memory_space<semaphore_mem>>)
    %mul3A_19 = arith.constant 10000 : i32
    %mul3A_20 = arith.muli %add3A, %mul3A_19 : i32
    %add3A_21 = arith.constant 0 : i32
    %add3A_22 = arith.addi %mul3A_20, %add3A_21 : i32
    %dma_start3A_23 = arith.constant 0 : i32
    %dma_start3A_24 = arith.constant 0 : i32
    %dma_start3A_25 = tpu.memref_slice %arg8[%dma_start3A_23, %dma_start3A_24] : memref<4x80xi32, #tpu.memory_space<vmem>> -> memref<1x80xi32, #tpu.memory_space<vmem>>
    %dma_start3A_26 = tpu.memref_squeeze %dma_start3A_25 : memref<1x80xi32, #tpu.memory_space<vmem>> -> memref<80xi32, #tpu.memory_space<vmem>>
    %dma_start3A_27 = tpu.memref_slice %arg4[%add3A_22] : memref<320000xi32, #tpu.memory_space<hbm>> -> memref<80xi32, #tpu.memory_space<hbm>>
    %dma_start3A_28 = arith.constant 0 : i32
    %dma_start3A_29 = tpu.memref_slice %arg8[%dma_start3A_23, %dma_start3A_28] : memref<4x80xi32, #tpu.memory_space<vmem>> -> memref<1x80xi32, #tpu.memory_space<vmem>>
    %dma_start3A_30 = tpu.memref_squeeze %dma_start3A_29 : memref<1x80xi32, #tpu.memory_space<vmem>> -> memref<80xi32, #tpu.memory_space<vmem>>
    %dma_start3A_31 = tpu.memref_slice %arg4[%add3A_22] : memref<320000xi32, #tpu.memory_space<hbm>> -> memref<80xi32, #tpu.memory_space<hbm>>
    tpu.enqueue_dma source(%dma_start3A_31 : memref<80xi32, #tpu.memory_space<hbm>>) target(%dma_start3A_30 : memref<80xi32, #tpu.memory_space<vmem>>) target_semaphore(%arg17 : memref<!tpu.dma_semaphore, #tpu.memory_space<semaphore_mem>>)
    %mul3A_32 = arith.constant 10000 : i32
    %mul3A_33 = arith.muli %add3A, %mul3A_32 : i32
    %add3A_34 = arith.constant 80 : i32
    %add3A_35 = arith.addi %mul3A_33, %add3A_34 : i32
    %dma_start3A_36 = arith.constant 1 : i32
    %dma_start3A_37 = arith.constant 0 : i32
    %dma_start3A_38 = tpu.memref_slice %arg7[%dma_start3A_36, %dma_start3A_37] : memref<4x80xi32, #tpu.memory_space<vmem>> -> memref<1x80xi32, #tpu.memory_space<vmem>>
    %dma_start3A_39 = tpu.memref_squeeze %dma_start3A_38 : memref<1x80xi32, #tpu.memory_space<vmem>> -> memref<80xi32, #tpu.memory_space<vmem>>
    %dma_start3A_40 = tpu.memref_slice %arg3[%add3A_35] : memref<320000xi32, #tpu.memory_space<hbm>> -> memref<80xi32, #tpu.memory_space<hbm>>
    %dma_start3A_41 = arith.constant 0 : i32
    %dma_start3A_42 = tpu.memref_slice %arg7[%dma_start3A_36, %dma_start3A_41] : memref<4x80xi32, #tpu.memory_space<vmem>> -> memref<1x80xi32, #tpu.memory_space<vmem>>
    %dma_start3A_43 = tpu.memref_squeeze %dma_start3A_42 : memref<1x80xi32, #tpu.memory_space<vmem>> -> memref<80xi32, #tpu.memory_space<vmem>>
    %dma_start3A_44 = tpu.memref_slice %arg3[%add3A_35] : memref<320000xi32, #tpu.memory_space<hbm>> -> memref<80xi32, #tpu.memory_space<hbm>>
    tpu.enqueue_dma source(%dma_start3A_44 : memref<80xi32, #tpu.memory_space<hbm>>) target(%dma_start3A_43 : memref<80xi32, #tpu.memory_space<vmem>>) target_semaphore(%arg14 : memref<!tpu.dma_semaphore, #tpu.memory_space<semaphore_mem>>)
    %mul3A_45 = arith.constant 10000 : i32
    %mul3A_46 = arith.muli %add3A, %mul3A_45 : i32
    %add3A_47 = arith.constant 80 : i32
    %add3A_48 = arith.addi %mul3A_46, %add3A_47 : i32
    %dma_start3A_49 = arith.constant 1 : i32
    %dma_start3A_50 = arith.constant 0 : i32
    %dma_start3A_51 = tpu.memref_slice %arg8[%dma_start3A_49, %dma_start3A_50] : memref<4x80xi32, #tpu.memory_space<vmem>> -> memref<1x80xi32, #tpu.memory_space<vmem>>
    %dma_start3A_52 = tpu.memref_squeeze %dma_start3A_51 : memref<1x80xi32, #tpu.memory_space<vmem>> -> memref<80xi32, #tpu.memory_space<vmem>>
    %dma_start3A_53 = tpu.memref_slice %arg4[%add3A_48] : memref<320000xi32, #tpu.memory_space<hbm>> -> memref<80xi32, #tpu.memory_space<hbm>>
    %dma_start3A_54 = arith.constant 0 : i32
    %dma_start3A_55 = tpu.memref_slice %arg8[%dma_start3A_49, %dma_start3A_54] : memref<4x80xi32, #tpu.memory_space<vmem>> -> memref<1x80xi32, #tpu.memory_space<vmem>>
    %dma_start3A_56 = tpu.memref_squeeze %dma_start3A_55 : memref<1x80xi32, #tpu.memory_space<vmem>> -> memref<80xi32, #tpu.memory_space<vmem>>
    %dma_start3A_57 = tpu.memref_slice %arg4[%add3A_48] : memref<320000xi32, #tpu.memory_space<hbm>> -> memref<80xi32, #tpu.memory_space<hbm>>
    tpu.enqueue_dma source(%dma_start3A_57 : memref<80xi32, #tpu.memory_space<hbm>>) target(%dma_start3A_56 : memref<80xi32, #tpu.memory_space<vmem>>) target_semaphore(%arg18 : memref<!tpu.dma_semaphore, #tpu.memory_space<semaphore_mem>>)
    %mul3A_58 = arith.constant 10000 : i32
    %mul3A_59 = arith.muli %add3A, %mul3A_58 : i32
    %add3A_60 = arith.constant 160 : i32
    %add3A_61 = arith.addi %mul3A_59, %add3A_60 : i32
    %dma_start3A_62 = arith.constant 2 : i32
    %dma_start3A_63 = arith.constant 0 : i32
    %dma_start3A_64 = tpu.memref_slice %arg7[%dma_start3A_62, %dma_start3A_63] : memref<4x80xi32, #tpu.memory_space<vmem>> -> memref<1x80xi32, #tpu.memory_space<vmem>>
    %dma_start3A_65 = tpu.memref_squeeze %dma_start3A_64 : memref<1x80xi32, #tpu.memory_space<vmem>> -> memref<80xi32, #tpu.memory_space<vmem>>
    %dma_start3A_66 = tpu.memref_slice %arg3[%add3A_61] : memref<320000xi32, #tpu.memory_space<hbm>> -> memref<80xi32, #tpu.memory_space<hbm>>
    %dma_start3A_67 = arith.constant 0 : i32
    %dma_start3A_68 = tpu.memref_slice %arg7[%dma_start3A_62, %dma_start3A_67] : memref<4x80xi32, #tpu.memory_space<vmem>> -> memref<1x80xi32, #tpu.memory_space<vmem>>
    %dma_start3A_69 = tpu.memref_squeeze %dma_start3A_68 : memref<1x80xi32, #tpu.memory_space<vmem>> -> memref<80xi32, #tpu.memory_space<vmem>>
    %dma_start3A_70 = tpu.memref_slice %arg3[%add3A_61] : memref<320000xi32, #tpu.memory_space<hbm>> -> memref<80xi32, #tpu.memory_space<hbm>>
    tpu.enqueue_dma source(%dma_start3A_70 : memref<80xi32, #tpu.memory_space<hbm>>) target(%dma_start3A_69 : memref<80xi32, #tpu.memory_space<vmem>>) target_semaphore(%arg15 : memref<!tpu.dma_semaphore, #tpu.memory_space<semaphore_mem>>)
    %mul3A_71 = arith.constant 10000 : i32
    %mul3A_72 = arith.muli %add3A, %mul3A_71 : i32
    %add3A_73 = arith.constant 160 : i32
    %add3A_74 = arith.addi %mul3A_72, %add3A_73 : i32
    %dma_start3A_75 = arith.constant 2 : i32
    %dma_start3A_76 = arith.constant 0 : i32
    %dma_start3A_77 = tpu.memref_slice %arg8[%dma_start3A_75, %dma_start3A_76] : memref<4x80xi32, #tpu.memory_space<vmem>> -> memref<1x80xi32, #tpu.memory_space<vmem>>
    %dma_start3A_78 = tpu.memref_squeeze %dma_start3A_77 : memref<1x80xi32, #tpu.memory_space<vmem>> -> memref<80xi32, #tpu.memory_space<vmem>>
    %dma_start3A_79 = tpu.memref_slice %arg4[%add3A_74] : memref<320000xi32, #tpu.memory_space<hbm>> -> memref<80xi32, #tpu.memory_space<hbm>>
    %dma_start3A_80 = arith.constant 0 : i32
    %dma_start3A_81 = tpu.memref_slice %arg8[%dma_start3A_75, %dma_start3A_80] : memref<4x80xi32, #tpu.memory_space<vmem>> -> memref<1x80xi32, #tpu.memory_space<vmem>>
    %dma_start3A_82 = tpu.memref_squeeze %dma_start3A_81 : memref<1x80xi32, #tpu.memory_space<vmem>> -> memref<80xi32, #tpu.memory_space<vmem>>
    %dma_start3A_83 = tpu.memref_slice %arg4[%add3A_74] : memref<320000xi32, #tpu.memory_space<hbm>> -> memref<80xi32, #tpu.memory_space<hbm>>
    tpu.enqueue_dma source(%dma_start3A_83 : memref<80xi32, #tpu.memory_space<hbm>>) target(%dma_start3A_82 : memref<80xi32, #tpu.memory_space<vmem>>) target_semaphore(%arg19 : memref<!tpu.dma_semaphore, #tpu.memory_space<semaphore_mem>>)
    %mul3A_84 = arith.constant 10000 : i32
    %mul3A_85 = arith.muli %add3A, %mul3A_84 : i32
    %add3A_86 = arith.constant 240 : i32
    %add3A_87 = arith.addi %mul3A_85, %add3A_86 : i32
    %dma_start3A_88 = arith.constant 3 : i32
    %dma_start3A_89 = arith.constant 0 : i32
    %dma_start3A_90 = tpu.memref_slice %arg7[%dma_start3A_88, %dma_start3A_89] : memref<4x80xi32, #tpu.memory_space<vmem>> -> memref<1x80xi32, #tpu.memory_space<vmem>>
    %dma_start3A_91 = tpu.memref_squeeze %dma_start3A_90 : memref<1x80xi32, #tpu.memory_space<vmem>> -> memref<80xi32, #tpu.memory_space<vmem>>
    %dma_start3A_92 = tpu.memref_slice %arg3[%add3A_87] : memref<320000xi32, #tpu.memory_space<hbm>> -> memref<80xi32, #tpu.memory_space<hbm>>
    %dma_start3A_93 = arith.constant 0 : i32
    %dma_start3A_94 = tpu.memref_slice %arg7[%dma_start3A_88, %dma_start3A_93] : memref<4x80xi32, #tpu.memory_space<vmem>> -> memref<1x80xi32, #tpu.memory_space<vmem>>
    %dma_start3A_95 = tpu.memref_squeeze %dma_start3A_94 : memref<1x80xi32, #tpu.memory_space<vmem>> -> memref<80xi32, #tpu.memory_space<vmem>>
    %dma_start3A_96 = tpu.memref_slice %arg3[%add3A_87] : memref<320000xi32, #tpu.memory_space<hbm>> -> memref<80xi32, #tpu.memory_space<hbm>>
    tpu.enqueue_dma source(%dma_start3A_96 : memref<80xi32, #tpu.memory_space<hbm>>) target(%dma_start3A_95 : memref<80xi32, #tpu.memory_space<vmem>>) target_semaphore(%arg16 : memref<!tpu.dma_semaphore, #tpu.memory_space<semaphore_mem>>)
    %mul3A_97 = arith.constant 10000 : i32
    %mul3A_98 = arith.muli %add3A, %mul3A_97 : i32
    %add3A_99 = arith.constant 240 : i32
    %add3A_100 = arith.addi %mul3A_98, %add3A_99 : i32
    %dma_start3A_101 = arith.constant 3 : i32
    %dma_start3A_102 = arith.constant 0 : i32
    %dma_start3A_103 = tpu.memref_slice %arg8[%dma_start3A_101, %dma_start3A_102] : memref<4x80xi32, #tpu.memory_space<vmem>> -> memref<1x80xi32, #tpu.memory_space<vmem>>
    %dma_start3A_104 = tpu.memref_squeeze %dma_start3A_103 : memref<1x80xi32, #tpu.memory_space<vmem>> -> memref<80xi32, #tpu.memory_space<vmem>>
    %dma_start3A_105 = tpu.memref_slice %arg4[%add3A_100] : memref<320000xi32, #tpu.memory_space<hbm>> -> memref<80xi32, #tpu.memory_space<hbm>>
    %dma_start3A_106 = arith.constant 0 : i32
    %dma_start3A_107 = tpu.memref_slice %arg8[%dma_start3A_101, %dma_start3A_106] : memref<4x80xi32, #tpu.memory_space<vmem>> -> memref<1x80xi32, #tpu.memory_space<vmem>>
    %dma_start3A_108 = tpu.memref_squeeze %dma_start3A_107 : memref<1x80xi32, #tpu.memory_space<vmem>> -> memref<80xi32, #tpu.memory_space<vmem>>
    %dma_start3A_109 = tpu.memref_slice %arg4[%add3A_100] : memref<320000xi32, #tpu.memory_space<hbm>> -> memref<80xi32, #tpu.memory_space<hbm>>
    tpu.enqueue_dma source(%dma_start3A_109 : memref<80xi32, #tpu.memory_space<hbm>>) target(%dma_start3A_108 : memref<80xi32, #tpu.memory_space<vmem>>) target_semaphore(%arg20 : memref<!tpu.dma_semaphore, #tpu.memory_space<semaphore_mem>>)
    %dma_wait3A = arith.constant 0 : i32
    %dma_wait3A_110 = arith.constant 0 : i32
    %dma_wait3A_111 = tpu.memref_slice %arg7[%dma_wait3A, %dma_wait3A_110] : memref<4x80xi32, #tpu.memory_space<vmem>> -> memref<1x80xi32, #tpu.memory_space<vmem>>
    %dma_wait3A_112 = tpu.memref_squeeze %dma_wait3A_111 : memref<1x80xi32, #tpu.memory_space<vmem>> -> memref<80xi32, #tpu.memory_space<vmem>>
    %dma_wait3A_113 = arith.constant 0 : i32
    %dma_wait3A_114 = tpu.memref_slice %arg3[%dma_wait3A_113] : memref<320000xi32, #tpu.memory_space<hbm>> -> memref<80xi32, #tpu.memory_space<hbm>>
    %dma_wait3A_115 = arith.constant 0 : i32
    %dma_wait3A_116 = tpu.memref_slice %arg7[%dma_wait3A, %dma_wait3A_115] : memref<4x80xi32, #tpu.memory_space<vmem>> -> memref<1x80xi32, #tpu.memory_space<vmem>>
    %dma_wait3A_117 = tpu.memref_squeeze %dma_wait3A_116 : memref<1x80xi32, #tpu.memory_space<vmem>> -> memref<80xi32, #tpu.memory_space<vmem>>
    %dma_wait3A_118 = arith.constant 0 : i32
    %dma_wait3A_119 = tpu.memref_slice %arg3[%dma_wait3A_118] : memref<320000xi32, #tpu.memory_space<hbm>> -> memref<80xi32, #tpu.memory_space<hbm>>
    tpu.wait_dma2 semaphore(%arg13 : memref<!tpu.dma_semaphore, #tpu.memory_space<semaphore_mem>>) src(%dma_wait3A_119 : memref<80xi32, #tpu.memory_space<hbm>>) dst(%dma_wait3A_117 : memref<80xi32, #tpu.memory_space<vmem>>)
    %dma_start3A_120 = arith.constant 0 : i32
    %dma_start3A_121 = arith.constant 0 : i32
    %dma_start3A_122 = tpu.memref_slice %arg7[%dma_start3A_120, %dma_start3A_121] : memref<4x80xi32, #tpu.memory_space<vmem>> -> memref<1x80xi32, #tpu.memory_space<vmem>>
    %dma_start3A_123 = tpu.memref_squeeze %dma_start3A_122 : memref<1x80xi32, #tpu.memory_space<vmem>> -> memref<80xi32, #tpu.memory_space<vmem>>
    %dma_start3A_124 = arith.constant 0 : i32
    %dma_start3A_125 = arith.constant 0 : i32
    %dma_start3A_126 = tpu.memref_slice %arg2[%dma_start3A_124, %dma_start3A_125] : memref<10000x128xf32, #tpu.memory_space<hbm>> -> memref<10000x128xf32, #tpu.memory_space<hbm>>
    tpu.enqueue_indirect_dma source(%dma_start3A_126 : memref<10000x128xf32, #tpu.memory_space<hbm>>) target(%arg9 : memref<80x128xf32, #tpu.memory_space<vmem>>) offsets(%dma_start3A_123 : memref<80xi32, #tpu.memory_space<vmem>>) semaphore(%arg21 : memref<!tpu.dma_semaphore, #tpu.memory_space<semaphore_mem>>)
    %dma_wait3A_127 = arith.constant 1 : i32
    %dma_wait3A_128 = arith.constant 0 : i32
    %dma_wait3A_129 = tpu.memref_slice %arg7[%dma_wait3A_127, %dma_wait3A_128] : memref<4x80xi32, #tpu.memory_space<vmem>> -> memref<1x80xi32, #tpu.memory_space<vmem>>
    %dma_wait3A_130 = tpu.memref_squeeze %dma_wait3A_129 : memref<1x80xi32, #tpu.memory_space<vmem>> -> memref<80xi32, #tpu.memory_space<vmem>>
    %dma_wait3A_131 = arith.constant 0 : i32
    %dma_wait3A_132 = tpu.memref_slice %arg3[%dma_wait3A_131] : memref<320000xi32, #tpu.memory_space<hbm>> -> memref<80xi32, #tpu.memory_space<hbm>>
    %dma_wait3A_133 = arith.constant 0 : i32
    %dma_wait3A_134 = tpu.memref_slice %arg7[%dma_wait3A_127, %dma_wait3A_133] : memref<4x80xi32, #tpu.memory_space<vmem>> -> memref<1x80xi32, #tpu.memory_space<vmem>>
    %dma_wait3A_135 = tpu.memref_squeeze %dma_wait3A_134 : memref<1x80xi32, #tpu.memory_space<vmem>> -> memref<80xi32, #tpu.memory_space<vmem>>
    %dma_wait3A_136 = arith.constant 0 : i32
    %dma_wait3A_137 = tpu.memref_slice %arg3[%dma_wait3A_136] : memref<320000xi32, #tpu.memory_space<hbm>> -> memref<80xi32, #tpu.memory_space<hbm>>
    tpu.wait_dma2 semaphore(%arg14 : memref<!tpu.dma_semaphore, #tpu.memory_space<semaphore_mem>>) src(%dma_wait3A_137 : memref<80xi32, #tpu.memory_space<hbm>>) dst(%dma_wait3A_135 : memref<80xi32, #tpu.memory_space<vmem>>)
    %dma_start3A_138 = arith.constant 1 : i32
    %dma_start3A_139 = arith.constant 0 : i32
    %dma_start3A_140 = tpu.memref_slice %arg7[%dma_start3A_138, %dma_start3A_139] : memref<4x80xi32, #tpu.memory_space<vmem>> -> memref<1x80xi32, #tpu.memory_space<vmem>>
    %dma_start3A_141 = tpu.memref_squeeze %dma_start3A_140 : memref<1x80xi32, #tpu.memory_space<vmem>> -> memref<80xi32, #tpu.memory_space<vmem>>
    %dma_start3A_142 = arith.constant 0 : i32
    %dma_start3A_143 = arith.constant 0 : i32
    %dma_start3A_144 = tpu.memref_slice %arg2[%dma_start3A_142, %dma_start3A_143] : memref<10000x128xf32, #tpu.memory_space<hbm>> -> memref<10000x128xf32, #tpu.memory_space<hbm>>
    tpu.enqueue_indirect_dma source(%dma_start3A_144 : memref<10000x128xf32, #tpu.memory_space<hbm>>) target(%arg10 : memref<80x128xf32, #tpu.memory_space<vmem>>) offsets(%dma_start3A_141 : memref<80xi32, #tpu.memory_space<vmem>>) semaphore(%arg22 : memref<!tpu.dma_semaphore, #tpu.memory_space<semaphore_mem>>)
    %dma_wait3A_145 = arith.constant 2 : i32
    %dma_wait3A_146 = arith.constant 0 : i32
    %dma_wait3A_147 = tpu.memref_slice %arg7[%dma_wait3A_145, %dma_wait3A_146] : memref<4x80xi32, #tpu.memory_space<vmem>> -> memref<1x80xi32, #tpu.memory_space<vmem>>
    %dma_wait3A_148 = tpu.memref_squeeze %dma_wait3A_147 : memref<1x80xi32, #tpu.memory_space<vmem>> -> memref<80xi32, #tpu.memory_space<vmem>>
    %dma_wait3A_149 = arith.constant 0 : i32
    %dma_wait3A_150 = tpu.memref_slice %arg3[%dma_wait3A_149] : memref<320000xi32, #tpu.memory_space<hbm>> -> memref<80xi32, #tpu.memory_space<hbm>>
    %dma_wait3A_151 = arith.constant 0 : i32
    %dma_wait3A_152 = tpu.memref_slice %arg7[%dma_wait3A_145, %dma_wait3A_151] : memref<4x80xi32, #tpu.memory_space<vmem>> -> memref<1x80xi32, #tpu.memory_space<vmem>>
    %dma_wait3A_153 = tpu.memref_squeeze %dma_wait3A_152 : memref<1x80xi32, #tpu.memory_space<vmem>> -> memref<80xi32, #tpu.memory_space<vmem>>
    %dma_wait3A_154 = arith.constant 0 : i32
    %dma_wait3A_155 = tpu.memref_slice %arg3[%dma_wait3A_154] : memref<320000xi32, #tpu.memory_space<hbm>> -> memref<80xi32, #tpu.memory_space<hbm>>
    tpu.wait_dma2 semaphore(%arg15 : memref<!tpu.dma_semaphore, #tpu.memory_space<semaphore_mem>>) src(%dma_wait3A_155 : memref<80xi32, #tpu.memory_space<hbm>>) dst(%dma_wait3A_153 : memref<80xi32, #tpu.memory_space<vmem>>)
    %dma_start3A_156 = arith.constant 2 : i32
    %dma_start3A_157 = arith.constant 0 : i32
    %dma_start3A_158 = tpu.memref_slice %arg7[%dma_start3A_156, %dma_start3A_157] : memref<4x80xi32, #tpu.memory_space<vmem>> -> memref<1x80xi32, #tpu.memory_space<vmem>>
    %dma_start3A_159 = tpu.memref_squeeze %dma_start3A_158 : memref<1x80xi32, #tpu.memory_space<vmem>> -> memref<80xi32, #tpu.memory_space<vmem>>
    %dma_start3A_160 = arith.constant 0 : i32
    %dma_start3A_161 = arith.constant 0 : i32
    %dma_start3A_162 = tpu.memref_slice %arg2[%dma_start3A_160, %dma_start3A_161] : memref<10000x128xf32, #tpu.memory_space<hbm>> -> memref<10000x128xf32, #tpu.memory_space<hbm>>
    tpu.enqueue_indirect_dma source(%dma_start3A_162 : memref<10000x128xf32, #tpu.memory_space<hbm>>) target(%arg11 : memref<80x128xf32, #tpu.memory_space<vmem>>) offsets(%dma_start3A_159 : memref<80xi32, #tpu.memory_space<vmem>>) semaphore(%arg23 : memref<!tpu.dma_semaphore, #tpu.memory_space<semaphore_mem>>)
    %dma_wait3A_163 = arith.constant 3 : i32
    %dma_wait3A_164 = arith.constant 0 : i32
    %dma_wait3A_165 = tpu.memref_slice %arg7[%dma_wait3A_163, %dma_wait3A_164] : memref<4x80xi32, #tpu.memory_space<vmem>> -> memref<1x80xi32, #tpu.memory_space<vmem>>
    %dma_wait3A_166 = tpu.memref_squeeze %dma_wait3A_165 : memref<1x80xi32, #tpu.memory_space<vmem>> -> memref<80xi32, #tpu.memory_space<vmem>>
    %dma_wait3A_167 = arith.constant 0 : i32
    %dma_wait3A_168 = tpu.memref_slice %arg3[%dma_wait3A_167] : memref<320000xi32, #tpu.memory_space<hbm>> -> memref<80xi32, #tpu.memory_space<hbm>>
    %dma_wait3A_169 = arith.constant 0 : i32
    %dma_wait3A_170 = tpu.memref_slice %arg7[%dma_wait3A_163, %dma_wait3A_169] : memref<4x80xi32, #tpu.memory_space<vmem>> -> memref<1x80xi32, #tpu.memory_space<vmem>>
    %dma_wait3A_171 = tpu.memref_squeeze %dma_wait3A_170 : memref<1x80xi32, #tpu.memory_space<vmem>> -> memref<80xi32, #tpu.memory_space<vmem>>
    %dma_wait3A_172 = arith.constant 0 : i32
    %dma_wait3A_173 = tpu.memref_slice %arg3[%dma_wait3A_172] : memref<320000xi32, #tpu.memory_space<hbm>> -> memref<80xi32, #tpu.memory_space<hbm>>
    tpu.wait_dma2 semaphore(%arg16 : memref<!tpu.dma_semaphore, #tpu.memory_space<semaphore_mem>>) src(%dma_wait3A_173 : memref<80xi32, #tpu.memory_space<hbm>>) dst(%dma_wait3A_171 : memref<80xi32, #tpu.memory_space<vmem>>)
    %dma_start3A_174 = arith.constant 3 : i32
    %dma_start3A_175 = arith.constant 0 : i32
    %dma_start3A_176 = tpu.memref_slice %arg7[%dma_start3A_174, %dma_start3A_175] : memref<4x80xi32, #tpu.memory_space<vmem>> -> memref<1x80xi32, #tpu.memory_space<vmem>>
    %dma_start3A_177 = tpu.memref_squeeze %dma_start3A_176 : memref<1x80xi32, #tpu.memory_space<vmem>> -> memref<80xi32, #tpu.memory_space<vmem>>
    %dma_start3A_178 = arith.constant 0 : i32
    %dma_start3A_179 = arith.constant 0 : i32
    %dma_start3A_180 = tpu.memref_slice %arg2[%dma_start3A_178, %dma_start3A_179] : memref<10000x128xf32, #tpu.memory_space<hbm>> -> memref<10000x128xf32, #tpu.memory_space<hbm>>
    tpu.enqueue_indirect_dma source(%dma_start3A_180 : memref<10000x128xf32, #tpu.memory_space<hbm>>) target(%arg12 : memref<80x128xf32, #tpu.memory_space<vmem>>) offsets(%dma_start3A_177 : memref<80xi32, #tpu.memory_space<vmem>>) semaphore(%arg24 : memref<!tpu.dma_semaphore, #tpu.memory_space<semaphore_mem>>)
    %scan3A = arith.constant 0 : i32
    %scan3A_181 = arith.constant 0 : i32
    %scan3A_182 = arith.constant 31 : i32
    %scan3A_183 = arith.addi %scan3A_181, %scan3A_182 : i32
    %scan3A_184 = arith.constant 1 : i32
    scf.for %scan3A_228 = %scan3A_181 to %scan3A_183 step %scan3A_184  : i32 {
      %mul3A_229 = arith.constant 4 : i32
      %mul3A_230 = arith.muli %scan3A_228, %mul3A_229 : i32
      %add3A_231 = arith.constant 0 : i32
      %add3A_232 = arith.addi %mul3A_230, %add3A_231 : i32
      %dma_wait3A_233 = arith.constant 0 : i32
      %dma_wait3A_234 = arith.constant 0 : i32
      %dma_wait3A_235 = tpu.memref_slice %arg7[%dma_wait3A_233, %dma_wait3A_234] : memref<4x80xi32, #tpu.memory_space<vmem>> -> memref<1x80xi32, #tpu.memory_space<vmem>>
      %dma_wait3A_236 = tpu.memref_squeeze %dma_wait3A_235 : memref<1x80xi32, #tpu.memory_space<vmem>> -> memref<80xi32, #tpu.memory_space<vmem>>
      %dma_wait3A_237 = arith.constant 0 : i32
      %dma_wait3A_238 = arith.constant 0 : i32
      %dma_wait3A_239 = tpu.memref_slice %arg2[%dma_wait3A_237, %dma_wait3A_238] : memref<10000x128xf32, #tpu.memory_space<hbm>> -> memref<10000x128xf32, #tpu.memory_space<hbm>>
      tpu.wait_indirect_dma semaphore(%arg21 : memref<!tpu.dma_semaphore, #tpu.memory_space<semaphore_mem>>) src(%dma_wait3A_239 : memref<10000x128xf32, #tpu.memory_space<hbm>>) dst(%arg9 : memref<80x128xf32, #tpu.memory_space<vmem>>)
      %dma_wait3A_240 = arith.constant 0 : i32
      %dma_wait3A_241 = arith.constant 0 : i32
      %dma_wait3A_242 = tpu.memref_slice %arg8[%dma_wait3A_240, %dma_wait3A_241] : memref<4x80xi32, #tpu.memory_space<vmem>> -> memref<1x80xi32, #tpu.memory_space<vmem>>
      %dma_wait3A_243 = tpu.memref_squeeze %dma_wait3A_242 : memref<1x80xi32, #tpu.memory_space<vmem>> -> memref<80xi32, #tpu.memory_space<vmem>>
      %dma_wait3A_244 = arith.constant 0 : i32
      %dma_wait3A_245 = tpu.memref_slice %arg4[%dma_wait3A_244] : memref<320000xi32, #tpu.memory_space<hbm>> -> memref<80xi32, #tpu.memory_space<hbm>>
      %dma_wait3A_246 = arith.constant 0 : i32
      %dma_wait3A_247 = tpu.memref_slice %arg8[%dma_wait3A_240, %dma_wait3A_246] : memref<4x80xi32, #tpu.memory_space<vmem>> -> memref<1x80xi32, #tpu.memory_space<vmem>>
      %dma_wait3A_248 = tpu.memref_squeeze %dma_wait3A_247 : memref<1x80xi32, #tpu.memory_space<vmem>> -> memref<80xi32, #tpu.memory_space<vmem>>
      %dma_wait3A_249 = arith.constant 0 : i32
      %dma_wait3A_250 = tpu.memref_slice %arg4[%dma_wait3A_249] : memref<320000xi32, #tpu.memory_space<hbm>> -> memref<80xi32, #tpu.memory_space<hbm>>
      tpu.wait_dma2 semaphore(%arg17 : memref<!tpu.dma_semaphore, #tpu.memory_space<semaphore_mem>>) src(%dma_wait3A_250 : memref<80xi32, #tpu.memory_space<hbm>>) dst(%dma_wait3A_248 : memref<80xi32, #tpu.memory_space<vmem>>)
      %dma_start3A_251 = arith.constant 0 : i32
      %dma_start3A_252 = arith.constant 0 : i32
      %dma_start3A_253 = tpu.memref_slice %arg8[%dma_start3A_251, %dma_start3A_252] : memref<4x80xi32, #tpu.memory_space<vmem>> -> memref<1x80xi32, #tpu.memory_space<vmem>>
      %dma_start3A_254 = tpu.memref_squeeze %dma_start3A_253 : memref<1x80xi32, #tpu.memory_space<vmem>> -> memref<80xi32, #tpu.memory_space<vmem>>
      %dma_start3A_255 = arith.constant 0 : i32
      %dma_start3A_256 = arith.constant 0 : i32
      %dma_start3A_257 = tpu.memref_slice %arg29[%dma_start3A_255, %dma_start3A_256] : memref<10000x128xf32, #tpu.memory_space<vmem_shared>> -> memref<10000x128xf32, #tpu.memory_space<vmem_shared>>
      tpu.enqueue_indirect_dma source(%arg9 : memref<80x128xf32, #tpu.memory_space<vmem>>) target(%dma_start3A_257 : memref<10000x128xf32, #tpu.memory_space<vmem_shared>>) offsets(%dma_start3A_254 : memref<80xi32, #tpu.memory_space<vmem>>) semaphore(%arg25 : memref<!tpu.dma_semaphore, #tpu.memory_space<semaphore_mem>>) {add = true}
      %add3A_258 = arith.constant 4 : i32
      %add3A_259 = arith.addi %add3A_232, %add3A_258 : i32
      %lt3A = arith.constant 125 : i32
      %lt3A_260 = arith.cmpi slt, %add3A_259, %lt3A : i32
      %convert_element_type3A_261 = arith.extui %lt3A_260 : i1 to i32
      %cond3A_262 = arith.constant 0 : i32
      %cond3A_263 = arith.cmpi ne, %convert_element_type3A_261, %cond3A_262 : i32
      scf.if %cond3A_263 {
        %add3A_444 = arith.constant 4 : i32
        %add3A_445 = arith.addi %add3A_232, %add3A_444 : i32
        %mul3A_446 = arith.constant 10000 : i32
        %mul3A_447 = arith.muli %add3A, %mul3A_446 : i32
        %mul3A_448 = arith.constant 80 : i32
        %mul3A_449 = arith.muli %add3A_445, %mul3A_448 : i32
        %add3A_450 = arith.addi %mul3A_447, %mul3A_449 : i32
        %dma_start3A_451 = arith.constant 0 : i32
        %dma_start3A_452 = arith.constant 0 : i32
        %dma_start3A_453 = tpu.memref_slice %arg7[%dma_start3A_451, %dma_start3A_452] : memref<4x80xi32, #tpu.memory_space<vmem>> -> memref<1x80xi32, #tpu.memory_space<vmem>>
        %dma_start3A_454 = tpu.memref_squeeze %dma_start3A_453 : memref<1x80xi32, #tpu.memory_space<vmem>> -> memref<80xi32, #tpu.memory_space<vmem>>
        %dma_start3A_455 = tpu.memref_slice %arg3[%add3A_450] : memref<320000xi32, #tpu.memory_space<hbm>> -> memref<80xi32, #tpu.memory_space<hbm>>
        %dma_start3A_456 = arith.constant 0 : i32
        %dma_start3A_457 = tpu.memref_slice %arg7[%dma_start3A_451, %dma_start3A_456] : memref<4x80xi32, #tpu.memory_space<vmem>> -> memref<1x80xi32, #tpu.memory_space<vmem>>
        %dma_start3A_458 = tpu.memref_squeeze %dma_start3A_457 : memref<1x80xi32, #tpu.memory_space<vmem>> -> memref<80xi32, #tpu.memory_space<vmem>>
        %dma_start3A_459 = tpu.memref_slice %arg3[%add3A_450] : memref<320000xi32, #tpu.memory_space<hbm>> -> memref<80xi32, #tpu.memory_space<hbm>>
        tpu.enqueue_dma source(%dma_start3A_459 : memref<80xi32, #tpu.memory_space<hbm>>) target(%dma_start3A_458 : memref<80xi32, #tpu.memory_space<vmem>>) target_semaphore(%arg13 : memref<!tpu.dma_semaphore, #tpu.memory_space<semaphore_mem>>)
      } else {
      }
      %mul3A_264 = arith.constant 4 : i32
      %mul3A_265 = arith.muli %scan3A_228, %mul3A_264 : i32
      %add3A_266 = arith.constant 1 : i32
      %add3A_267 = arith.addi %mul3A_265, %add3A_266 : i32
      %dma_wait3A_268 = arith.constant 0 : i32
      %dma_wait3A_269 = arith.constant 0 : i32
      %dma_wait3A_270 = tpu.memref_slice %arg7[%dma_wait3A_268, %dma_wait3A_269] : memref<4x80xi32, #tpu.memory_space<vmem>> -> memref<1x80xi32, #tpu.memory_space<vmem>>
      %dma_wait3A_271 = tpu.memref_squeeze %dma_wait3A_270 : memref<1x80xi32, #tpu.memory_space<vmem>> -> memref<80xi32, #tpu.memory_space<vmem>>
      %dma_wait3A_272 = arith.constant 0 : i32
      %dma_wait3A_273 = arith.constant 0 : i32
      %dma_wait3A_274 = tpu.memref_slice %arg2[%dma_wait3A_272, %dma_wait3A_273] : memref<10000x128xf32, #tpu.memory_space<hbm>> -> memref<10000x128xf32, #tpu.memory_space<hbm>>
      tpu.wait_indirect_dma semaphore(%arg22 : memref<!tpu.dma_semaphore, #tpu.memory_space<semaphore_mem>>) src(%dma_wait3A_274 : memref<10000x128xf32, #tpu.memory_space<hbm>>) dst(%arg10 : memref<80x128xf32, #tpu.memory_space<vmem>>)
      %dma_wait3A_275 = arith.constant 1 : i32
      %dma_wait3A_276 = arith.constant 0 : i32
      %dma_wait3A_277 = tpu.memref_slice %arg8[%dma_wait3A_275, %dma_wait3A_276] : memref<4x80xi32, #tpu.memory_space<vmem>> -> memref<1x80xi32, #tpu.memory_space<vmem>>
      %dma_wait3A_278 = tpu.memref_squeeze %dma_wait3A_277 : memref<1x80xi32, #tpu.memory_space<vmem>> -> memref<80xi32, #tpu.memory_space<vmem>>
      %dma_wait3A_279 = arith.constant 0 : i32
      %dma_wait3A_280 = tpu.memref_slice %arg4[%dma_wait3A_279] : memref<320000xi32, #tpu.memory_space<hbm>> -> memref<80xi32, #tpu.memory_space<hbm>>
      %dma_wait3A_281 = arith.constant 0 : i32
      %dma_wait3A_282 = tpu.memref_slice %arg8[%dma_wait3A_275, %dma_wait3A_281] : memref<4x80xi32, #tpu.memory_space<vmem>> -> memref<1x80xi32, #tpu.memory_space<vmem>>
      %dma_wait3A_283 = tpu.memref_squeeze %dma_wait3A_282 : memref<1x80xi32, #tpu.memory_space<vmem>> -> memref<80xi32, #tpu.memory_space<vmem>>
      %dma_wait3A_284 = arith.constant 0 : i32
      %dma_wait3A_285 = tpu.memref_slice %arg4[%dma_wait3A_284] : memref<320000xi32, #tpu.memory_space<hbm>> -> memref<80xi32, #tpu.memory_space<hbm>>
      tpu.wait_dma2 semaphore(%arg18 : memref<!tpu.dma_semaphore, #tpu.memory_space<semaphore_mem>>) src(%dma_wait3A_285 : memref<80xi32, #tpu.memory_space<hbm>>) dst(%dma_wait3A_283 : memref<80xi32, #tpu.memory_space<vmem>>)
      %dma_start3A_286 = arith.constant 1 : i32
      %dma_start3A_287 = arith.constant 0 : i32
      %dma_start3A_288 = tpu.memref_slice %arg8[%dma_start3A_286, %dma_start3A_287] : memref<4x80xi32, #tpu.memory_space<vmem>> -> memref<1x80xi32, #tpu.memory_space<vmem>>
      %dma_start3A_289 = tpu.memref_squeeze %dma_start3A_288 : memref<1x80xi32, #tpu.memory_space<vmem>> -> memref<80xi32, #tpu.memory_space<vmem>>
      %dma_start3A_290 = arith.constant 0 : i32
      %dma_start3A_291 = arith.constant 0 : i32
      %dma_start3A_292 = tpu.memref_slice %arg29[%dma_start3A_290, %dma_start3A_291] : memref<10000x128xf32, #tpu.memory_space<vmem_shared>> -> memref<10000x128xf32, #tpu.memory_space<vmem_shared>>
      tpu.enqueue_indirect_dma source(%arg10 : memref<80x128xf32, #tpu.memory_space<vmem>>) target(%dma_start3A_292 : memref<10000x128xf32, #tpu.memory_space<vmem_shared>>) offsets(%dma_start3A_289 : memref<80xi32, #tpu.memory_space<vmem>>) semaphore(%arg26 : memref<!tpu.dma_semaphore, #tpu.memory_space<semaphore_mem>>) {add = true}
      %add3A_293 = arith.constant 4 : i32
      %add3A_294 = arith.addi %add3A_267, %add3A_293 : i32
      %lt3A_295 = arith.constant 125 : i32
      %lt3A_296 = arith.cmpi slt, %add3A_294, %lt3A_295 : i32
      %convert_element_type3A_297 = arith.extui %lt3A_296 : i1 to i32
      %cond3A_298 = arith.constant 0 : i32
      %cond3A_299 = arith.cmpi ne, %convert_element_type3A_297, %cond3A_298 : i32
      scf.if %cond3A_299 {
        %add3A_444 = arith.constant 4 : i32
        %add3A_445 = arith.addi %add3A_267, %add3A_444 : i32
        %mul3A_446 = arith.constant 10000 : i32
        %mul3A_447 = arith.muli %add3A, %mul3A_446 : i32
        %mul3A_448 = arith.constant 80 : i32
        %mul3A_449 = arith.muli %add3A_445, %mul3A_448 : i32
        %add3A_450 = arith.addi %mul3A_447, %mul3A_449 : i32
        %dma_start3A_451 = arith.constant 1 : i32
        %dma_start3A_452 = arith.constant 0 : i32
        %dma_start3A_453 = tpu.memref_slice %arg7[%dma_start3A_451, %dma_start3A_452] : memref<4x80xi32, #tpu.memory_space<vmem>> -> memref<1x80xi32, #tpu.memory_space<vmem>>
        %dma_start3A_454 = tpu.memref_squeeze %dma_start3A_453 : memref<1x80xi32, #tpu.memory_space<vmem>> -> memref<80xi32, #tpu.memory_space<vmem>>
        %dma_start3A_455 = tpu.memref_slice %arg3[%add3A_450] : memref<320000xi32, #tpu.memory_space<hbm>> -> memref<80xi32, #tpu.memory_space<hbm>>
        %dma_start3A_456 = arith.constant 0 : i32
        %dma_start3A_457 = tpu.memref_slice %arg7[%dma_start3A_451, %dma_start3A_456] : memref<4x80xi32, #tpu.memory_space<vmem>> -> memref<1x80xi32, #tpu.memory_space<vmem>>
        %dma_start3A_458 = tpu.memref_squeeze %dma_start3A_457 : memref<1x80xi32, #tpu.memory_space<vmem>> -> memref<80xi32, #tpu.memory_space<vmem>>
        %dma_start3A_459 = tpu.memref_slice %arg3[%add3A_450] : memref<320000xi32, #tpu.memory_space<hbm>> -> memref<80xi32, #tpu.memory_space<hbm>>
        tpu.enqueue_dma source(%dma_start3A_459 : memref<80xi32, #tpu.memory_space<hbm>>) target(%dma_start3A_458 : memref<80xi32, #tpu.memory_space<vmem>>) target_semaphore(%arg14 : memref<!tpu.dma_semaphore, #tpu.memory_space<semaphore_mem>>)
      } else {
      }
      %mul3A_300 = arith.constant 4 : i32
      %mul3A_301 = arith.muli %scan3A_228, %mul3A_300 : i32
      %add3A_302 = arith.constant 2 : i32
      %add3A_303 = arith.addi %mul3A_301, %add3A_302 : i32
      %dma_wait3A_304 = arith.constant 0 : i32
      %dma_wait3A_305 = arith.constant 0 : i32
      %dma_wait3A_306 = tpu.memref_slice %arg7[%dma_wait3A_304, %dma_wait3A_305] : memref<4x80xi32, #tpu.memory_space<vmem>> -> memref<1x80xi32, #tpu.memory_space<vmem>>
      %dma_wait3A_307 = tpu.memref_squeeze %dma_wait3A_306 : memref<1x80xi32, #tpu.memory_space<vmem>> -> memref<80xi32, #tpu.memory_space<vmem>>
      %dma_wait3A_308 = arith.constant 0 : i32
      %dma_wait3A_309 = arith.constant 0 : i32
      %dma_wait3A_310 = tpu.memref_slice %arg2[%dma_wait3A_308, %dma_wait3A_309] : memref<10000x128xf32, #tpu.memory_space<hbm>> -> memref<10000x128xf32, #tpu.memory_space<hbm>>
      tpu.wait_indirect_dma semaphore(%arg23 : memref<!tpu.dma_semaphore, #tpu.memory_space<semaphore_mem>>) src(%dma_wait3A_310 : memref<10000x128xf32, #tpu.memory_space<hbm>>) dst(%arg11 : memref<80x128xf32, #tpu.memory_space<vmem>>)
      %dma_wait3A_311 = arith.constant 2 : i32
      %dma_wait3A_312 = arith.constant 0 : i32
      %dma_wait3A_313 = tpu.memref_slice %arg8[%dma_wait3A_311, %dma_wait3A_312] : memref<4x80xi32, #tpu.memory_space<vmem>> -> memref<1x80xi32, #tpu.memory_space<vmem>>
      %dma_wait3A_314 = tpu.memref_squeeze %dma_wait3A_313 : memref<1x80xi32, #tpu.memory_space<vmem>> -> memref<80xi32, #tpu.memory_space<vmem>>
      %dma_wait3A_315 = arith.constant 0 : i32
      %dma_wait3A_316 = tpu.memref_slice %arg4[%dma_wait3A_315] : memref<320000xi32, #tpu.memory_space<hbm>> -> memref<80xi32, #tpu.memory_space<hbm>>
      %dma_wait3A_317 = arith.constant 0 : i32
      %dma_wait3A_318 = tpu.memref_slice %arg8[%dma_wait3A_311, %dma_wait3A_317] : memref<4x80xi32, #tpu.memory_space<vmem>> -> memref<1x80xi32, #tpu.memory_space<vmem>>
      %dma_wait3A_319 = tpu.memref_squeeze %dma_wait3A_318 : memref<1x80xi32, #tpu.memory_space<vmem>> -> memref<80xi32, #tpu.memory_space<vmem>>
      %dma_wait3A_320 = arith.constant 0 : i32
      %dma_wait3A_321 = tpu.memref_slice %arg4[%dma_wait3A_320] : memref<320000xi32, #tpu.memory_space<hbm>> -> memref<80xi32, #tpu.memory_space<hbm>>
      tpu.wait_dma2 semaphore(%arg19 : memref<!tpu.dma_semaphore, #tpu.memory_space<semaphore_mem>>) src(%dma_wait3A_321 : memref<80xi32, #tpu.memory_space<hbm>>) dst(%dma_wait3A_319 : memref<80xi32, #tpu.memory_space<vmem>>)
      %dma_start3A_322 = arith.constant 2 : i32
      %dma_start3A_323 = arith.constant 0 : i32
      %dma_start3A_324 = tpu.memref_slice %arg8[%dma_start3A_322, %dma_start3A_323] : memref<4x80xi32, #tpu.memory_space<vmem>> -> memref<1x80xi32, #tpu.memory_space<vmem>>
      %dma_start3A_325 = tpu.memref_squeeze %dma_start3A_324 : memref<1x80xi32, #tpu.memory_space<vmem>> -> memref<80xi32, #tpu.memory_space<vmem>>
      %dma_start3A_326 = arith.constant 0 : i32
      %dma_start3A_327 = arith.constant 0 : i32
      %dma_start3A_328 = tpu.memref_slice %arg29[%dma_start3A_326, %dma_start3A_327] : memref<10000x128xf32, #tpu.memory_space<vmem_shared>> -> memref<10000x128xf32, #tpu.memory_space<vmem_shared>>
      tpu.enqueue_indirect_dma source(%arg11 : memref<80x128xf32, #tpu.memory_space<vmem>>) target(%dma_start3A_328 : memref<10000x128xf32, #tpu.memory_space<vmem_shared>>) offsets(%dma_start3A_325 : memref<80xi32, #tpu.memory_space<vmem>>) semaphore(%arg27 : memref<!tpu.dma_semaphore, #tpu.memory_space<semaphore_mem>>) {add = true}
      %add3A_329 = arith.constant 4 : i32
      %add3A_330 = arith.addi %add3A_303, %add3A_329 : i32
      %lt3A_331 = arith.constant 125 : i32
      %lt3A_332 = arith.cmpi slt, %add3A_330, %lt3A_331 : i32
      %convert_element_type3A_333 = arith.extui %lt3A_332 : i1 to i32
      %cond3A_334 = arith.constant 0 : i32
      %cond3A_335 = arith.cmpi ne, %convert_element_type3A_333, %cond3A_334 : i32
      scf.if %cond3A_335 {
        %add3A_444 = arith.constant 4 : i32
        %add3A_445 = arith.addi %add3A_303, %add3A_444 : i32
        %mul3A_446 = arith.constant 10000 : i32
        %mul3A_447 = arith.muli %add3A, %mul3A_446 : i32
        %mul3A_448 = arith.constant 80 : i32
        %mul3A_449 = arith.muli %add3A_445, %mul3A_448 : i32
        %add3A_450 = arith.addi %mul3A_447, %mul3A_449 : i32
        %dma_start3A_451 = arith.constant 2 : i32
        %dma_start3A_452 = arith.constant 0 : i32
        %dma_start3A_453 = tpu.memref_slice %arg7[%dma_start3A_451, %dma_start3A_452] : memref<4x80xi32, #tpu.memory_space<vmem>> -> memref<1x80xi32, #tpu.memory_space<vmem>>
        %dma_start3A_454 = tpu.memref_squeeze %dma_start3A_453 : memref<1x80xi32, #tpu.memory_space<vmem>> -> memref<80xi32, #tpu.memory_space<vmem>>
        %dma_start3A_455 = tpu.memref_slice %arg3[%add3A_450] : memref<320000xi32, #tpu.memory_space<hbm>> -> memref<80xi32, #tpu.memory_space<hbm>>
        %dma_start3A_456 = arith.constant 0 : i32
        %dma_start3A_457 = tpu.memref_slice %arg7[%dma_start3A_451, %dma_start3A_456] : memref<4x80xi32, #tpu.memory_space<vmem>> -> memref<1x80xi32, #tpu.memory_space<vmem>>
        %dma_start3A_458 = tpu.memref_squeeze %dma_start3A_457 : memref<1x80xi32, #tpu.memory_space<vmem>> -> memref<80xi32, #tpu.memory_space<vmem>>
        %dma_start3A_459 = tpu.memref_slice %arg3[%add3A_450] : memref<320000xi32, #tpu.memory_space<hbm>> -> memref<80xi32, #tpu.memory_space<hbm>>
        tpu.enqueue_dma source(%dma_start3A_459 : memref<80xi32, #tpu.memory_space<hbm>>) target(%dma_start3A_458 : memref<80xi32, #tpu.memory_space<vmem>>) target_semaphore(%arg15 : memref<!tpu.dma_semaphore, #tpu.memory_space<semaphore_mem>>)
      } else {
      }
      %mul3A_336 = arith.constant 4 : i32
      %mul3A_337 = arith.muli %scan3A_228, %mul3A_336 : i32
      %add3A_338 = arith.constant 3 : i32
      %add3A_339 = arith.addi %mul3A_337, %add3A_338 : i32
      %dma_wait3A_340 = arith.constant 0 : i32
      %dma_wait3A_341 = arith.constant 0 : i32
      %dma_wait3A_342 = tpu.memref_slice %arg7[%dma_wait3A_340, %dma_wait3A_341] : memref<4x80xi32, #tpu.memory_space<vmem>> -> memref<1x80xi32, #tpu.memory_space<vmem>>
      %dma_wait3A_343 = tpu.memref_squeeze %dma_wait3A_342 : memref<1x80xi32, #tpu.memory_space<vmem>> -> memref<80xi32, #tpu.memory_space<vmem>>
      %dma_wait3A_344 = arith.constant 0 : i32
      %dma_wait3A_345 = arith.constant 0 : i32
      %dma_wait3A_346 = tpu.memref_slice %arg2[%dma_wait3A_344, %dma_wait3A_345] : memref<10000x128xf32, #tpu.memory_space<hbm>> -> memref<10000x128xf32, #tpu.memory_space<hbm>>
      tpu.wait_indirect_dma semaphore(%arg24 : memref<!tpu.dma_semaphore, #tpu.memory_space<semaphore_mem>>) src(%dma_wait3A_346 : memref<10000x128xf32, #tpu.memory_space<hbm>>) dst(%arg12 : memref<80x128xf32, #tpu.memory_space<vmem>>)
      %dma_wait3A_347 = arith.constant 3 : i32
      %dma_wait3A_348 = arith.constant 0 : i32
      %dma_wait3A_349 = tpu.memref_slice %arg8[%dma_wait3A_347, %dma_wait3A_348] : memref<4x80xi32, #tpu.memory_space<vmem>> -> memref<1x80xi32, #tpu.memory_space<vmem>>
      %dma_wait3A_350 = tpu.memref_squeeze %dma_wait3A_349 : memref<1x80xi32, #tpu.memory_space<vmem>> -> memref<80xi32, #tpu.memory_space<vmem>>
      %dma_wait3A_351 = arith.constant 0 : i32
      %dma_wait3A_352 = tpu.memref_slice %arg4[%dma_wait3A_351] : memref<320000xi32, #tpu.memory_space<hbm>> -> memref<80xi32, #tpu.memory_space<hbm>>
      %dma_wait3A_353 = arith.constant 0 : i32
      %dma_wait3A_354 = tpu.memref_slice %arg8[%dma_wait3A_347, %dma_wait3A_353] : memref<4x80xi32, #tpu.memory_space<vmem>> -> memref<1x80xi32, #tpu.memory_space<vmem>>
      %dma_wait3A_355 = tpu.memref_squeeze %dma_wait3A_354 : memref<1x80xi32, #tpu.memory_space<vmem>> -> memref<80xi32, #tpu.memory_space<vmem>>
      %dma_wait3A_356 = arith.constant 0 : i32
      %dma_wait3A_357 = tpu.memref_slice %arg4[%dma_wait3A_356] : memref<320000xi32, #tpu.memory_space<hbm>> -> memref<80xi32, #tpu.memory_space<hbm>>
      tpu.wait_dma2 semaphore(%arg20 : memref<!tpu.dma_semaphore, #tpu.memory_space<semaphore_mem>>) src(%dma_wait3A_357 : memref<80xi32, #tpu.memory_space<hbm>>) dst(%dma_wait3A_355 : memref<80xi32, #tpu.memory_space<vmem>>)
      %dma_start3A_358 = arith.constant 3 : i32
      %dma_start3A_359 = arith.constant 0 : i32
      %dma_start3A_360 = tpu.memref_slice %arg8[%dma_start3A_358, %dma_start3A_359] : memref<4x80xi32, #tpu.memory_space<vmem>> -> memref<1x80xi32, #tpu.memory_space<vmem>>
      %dma_start3A_361 = tpu.memref_squeeze %dma_start3A_360 : memref<1x80xi32, #tpu.memory_space<vmem>> -> memref<80xi32, #tpu.memory_space<vmem>>
      %dma_start3A_362 = arith.constant 0 : i32
      %dma_start3A_363 = arith.constant 0 : i32
      %dma_start3A_364 = tpu.memref_slice %arg29[%dma_start3A_362, %dma_start3A_363] : memref<10000x128xf32, #tpu.memory_space<vmem_shared>> -> memref<10000x128xf32, #tpu.memory_space<vmem_shared>>
      tpu.enqueue_indirect_dma source(%arg12 : memref<80x128xf32, #tpu.memory_space<vmem>>) target(%dma_start3A_364 : memref<10000x128xf32, #tpu.memory_space<vmem_shared>>) offsets(%dma_start3A_361 : memref<80xi32, #tpu.memory_space<vmem>>) semaphore(%arg28 : memref<!tpu.dma_semaphore, #tpu.memory_space<semaphore_mem>>) {add = true}
      %add3A_365 = arith.constant 4 : i32
      %add3A_366 = arith.addi %add3A_339, %add3A_365 : i32
      %lt3A_367 = arith.constant 125 : i32
      %lt3A_368 = arith.cmpi slt, %add3A_366, %lt3A_367 : i32
      %convert_element_type3A_369 = arith.extui %lt3A_368 : i1 to i32
      %cond3A_370 = arith.constant 0 : i32
      %cond3A_371 = arith.cmpi ne, %convert_element_type3A_369, %cond3A_370 : i32
      scf.if %cond3A_371 {
        %add3A_444 = arith.constant 4 : i32
        %add3A_445 = arith.addi %add3A_339, %add3A_444 : i32
        %mul3A_446 = arith.constant 10000 : i32
        %mul3A_447 = arith.muli %add3A, %mul3A_446 : i32
        %mul3A_448 = arith.constant 80 : i32
        %mul3A_449 = arith.muli %add3A_445, %mul3A_448 : i32
        %add3A_450 = arith.addi %mul3A_447, %mul3A_449 : i32
        %dma_start3A_451 = arith.constant 3 : i32
        %dma_start3A_452 = arith.constant 0 : i32
        %dma_start3A_453 = tpu.memref_slice %arg7[%dma_start3A_451, %dma_start3A_452] : memref<4x80xi32, #tpu.memory_space<vmem>> -> memref<1x80xi32, #tpu.memory_space<vmem>>
        %dma_start3A_454 = tpu.memref_squeeze %dma_start3A_453 : memref<1x80xi32, #tpu.memory_space<vmem>> -> memref<80xi32, #tpu.memory_space<vmem>>
        %dma_start3A_455 = tpu.memref_slice %arg3[%add3A_450] : memref<320000xi32, #tpu.memory_space<hbm>> -> memref<80xi32, #tpu.memory_space<hbm>>
        %dma_start3A_456 = arith.constant 0 : i32
        %dma_start3A_457 = tpu.memref_slice %arg7[%dma_start3A_451, %dma_start3A_456] : memref<4x80xi32, #tpu.memory_space<vmem>> -> memref<1x80xi32, #tpu.memory_space<vmem>>
        %dma_start3A_458 = tpu.memref_squeeze %dma_start3A_457 : memref<1x80xi32, #tpu.memory_space<vmem>> -> memref<80xi32, #tpu.memory_space<vmem>>
        %dma_start3A_459 = tpu.memref_slice %arg3[%add3A_450] : memref<320000xi32, #tpu.memory_space<hbm>> -> memref<80xi32, #tpu.memory_space<hbm>>
        tpu.enqueue_dma source(%dma_start3A_459 : memref<80xi32, #tpu.memory_space<hbm>>) target(%dma_start3A_458 : memref<80xi32, #tpu.memory_space<vmem>>) target_semaphore(%arg16 : memref<!tpu.dma_semaphore, #tpu.memory_space<semaphore_mem>>)
      } else {
      }
      %add3A_372 = arith.constant 1 : i32
      %add3A_373 = arith.addi %scan3A_228, %add3A_372 : i32
      %mul3A_374 = arith.constant 4 : i32
      %mul3A_375 = arith.muli %add3A_373, %mul3A_374 : i32
      %add3A_376 = arith.constant 0 : i32
      %add3A_377 = arith.addi %mul3A_375, %add3A_376 : i32
      %dma_wait3A_378 = arith.constant 0 : i32
      %dma_wait3A_379 = arith.constant 0 : i32
      %dma_wait3A_380 = tpu.memref_slice %arg8[%dma_wait3A_378, %dma_wait3A_379] : memref<4x80xi32, #tpu.memory_space<vmem>> -> memref<1x80xi32, #tpu.memory_space<vmem>>
      %dma_wait3A_381 = tpu.memref_squeeze %dma_wait3A_380 : memref<1x80xi32, #tpu.memory_space<vmem>> -> memref<80xi32, #tpu.memory_space<vmem>>
      %dma_wait3A_382 = arith.constant 0 : i32
      %dma_wait3A_383 = arith.constant 0 : i32
      %dma_wait3A_384 = tpu.memref_slice %arg29[%dma_wait3A_382, %dma_wait3A_383] : memref<10000x128xf32, #tpu.memory_space<vmem_shared>> -> memref<10000x128xf32, #tpu.memory_space<vmem_shared>>
      tpu.wait_indirect_dma semaphore(%arg25 : memref<!tpu.dma_semaphore, #tpu.memory_space<semaphore_mem>>) src(%arg9 : memref<80x128xf32, #tpu.memory_space<vmem>>) dst(%dma_wait3A_384 : memref<10000x128xf32, #tpu.memory_space<vmem_shared>>)
      %lt3A_385 = arith.constant 125 : i32
      %lt3A_386 = arith.cmpi slt, %add3A_377, %lt3A_385 : i32
      %convert_element_type3A_387 = arith.extui %lt3A_386 : i1 to i32
      %cond3A_388 = arith.constant 0 : i32
      %cond3A_389 = arith.cmpi ne, %convert_element_type3A_387, %cond3A_388 : i32
      scf.if %cond3A_389 {
        %mul3A_444 = arith.constant 10000 : i32
        %mul3A_445 = arith.muli %add3A, %mul3A_444 : i32
        %mul3A_446 = arith.constant 80 : i32
        %mul3A_447 = arith.muli %add3A_377, %mul3A_446 : i32
        %add3A_448 = arith.addi %mul3A_445, %mul3A_447 : i32
        %dma_start3A_449 = arith.constant 0 : i32
        %dma_start3A_450 = arith.constant 0 : i32
        %dma_start3A_451 = tpu.memref_slice %arg8[%dma_start3A_449, %dma_start3A_450] : memref<4x80xi32, #tpu.memory_space<vmem>> -> memref<1x80xi32, #tpu.memory_space<vmem>>
        %dma_start3A_452 = tpu.memref_squeeze %dma_start3A_451 : memref<1x80xi32, #tpu.memory_space<vmem>> -> memref<80xi32, #tpu.memory_space<vmem>>
        %dma_start3A_453 = tpu.memref_slice %arg4[%add3A_448] : memref<320000xi32, #tpu.memory_space<hbm>> -> memref<80xi32, #tpu.memory_space<hbm>>
        %dma_start3A_454 = arith.constant 0 : i32
        %dma_start3A_455 = tpu.memref_slice %arg8[%dma_start3A_449, %dma_start3A_454] : memref<4x80xi32, #tpu.memory_space<vmem>> -> memref<1x80xi32, #tpu.memory_space<vmem>>
        %dma_start3A_456 = tpu.memref_squeeze %dma_start3A_455 : memref<1x80xi32, #tpu.memory_space<vmem>> -> memref<80xi32, #tpu.memory_space<vmem>>
        %dma_start3A_457 = tpu.memref_slice %arg4[%add3A_448] : memref<320000xi32, #tpu.memory_space<hbm>> -> memref<80xi32, #tpu.memory_space<hbm>>
        tpu.enqueue_dma source(%dma_start3A_457 : memref<80xi32, #tpu.memory_space<hbm>>) target(%dma_start3A_456 : memref<80xi32, #tpu.memory_space<vmem>>) target_semaphore(%arg17 : memref<!tpu.dma_semaphore, #tpu.memory_space<semaphore_mem>>)
        %dma_wait3A_458 = arith.constant 0 : i32
        %dma_wait3A_459 = arith.constant 0 : i32
        %dma_wait3A_460 = tpu.memref_slice %arg7[%dma_wait3A_458, %dma_wait3A_459] : memref<4x80xi32, #tpu.memory_space<vmem>> -> memref<1x80xi32, #tpu.memory_space<vmem>>
        %dma_wait3A_461 = tpu.memref_squeeze %dma_wait3A_460 : memref<1x80xi32, #tpu.memory_space<vmem>> -> memref<80xi32, #tpu.memory_space<vmem>>
        %dma_wait3A_462 = arith.constant 0 : i32
        %dma_wait3A_463 = tpu.memref_slice %arg3[%dma_wait3A_462] : memref<320000xi32, #tpu.memory_space<hbm>> -> memref<80xi32, #tpu.memory_space<hbm>>
        %dma_wait3A_464 = arith.constant 0 : i32
        %dma_wait3A_465 = tpu.memref_slice %arg7[%dma_wait3A_458, %dma_wait3A_464] : memref<4x80xi32, #tpu.memory_space<vmem>> -> memref<1x80xi32, #tpu.memory_space<vmem>>
        %dma_wait3A_466 = tpu.memref_squeeze %dma_wait3A_465 : memref<1x80xi32, #tpu.memory_space<vmem>> -> memref<80xi32, #tpu.memory_space<vmem>>
        %dma_wait3A_467 = arith.constant 0 : i32
        %dma_wait3A_468 = tpu.memref_slice %arg3[%dma_wait3A_467] : memref<320000xi32, #tpu.memory_space<hbm>> -> memref<80xi32, #tpu.memory_space<hbm>>
        tpu.wait_dma2 semaphore(%arg13 : memref<!tpu.dma_semaphore, #tpu.memory_space<semaphore_mem>>) src(%dma_wait3A_468 : memref<80xi32, #tpu.memory_space<hbm>>) dst(%dma_wait3A_466 : memref<80xi32, #tpu.memory_space<vmem>>)
        %dma_start3A_469 = arith.constant 0 : i32
        %dma_start3A_470 = arith.constant 0 : i32
        %dma_start3A_471 = tpu.memref_slice %arg7[%dma_start3A_469, %dma_start3A_470] : memref<4x80xi32, #tpu.memory_space<vmem>> -> memref<1x80xi32, #tpu.memory_space<vmem>>
        %dma_start3A_472 = tpu.memref_squeeze %dma_start3A_471 : memref<1x80xi32, #tpu.memory_space<vmem>> -> memref<80xi32, #tpu.memory_space<vmem>>
        %dma_start3A_473 = arith.constant 0 : i32
        %dma_start3A_474 = arith.constant 0 : i32
        %dma_start3A_475 = tpu.memref_slice %arg2[%dma_start3A_473, %dma_start3A_474] : memref<10000x128xf32, #tpu.memory_space<hbm>> -> memref<10000x128xf32, #tpu.memory_space<hbm>>
        tpu.enqueue_indirect_dma source(%dma_start3A_475 : memref<10000x128xf32, #tpu.memory_space<hbm>>) target(%arg9 : memref<80x128xf32, #tpu.memory_space<vmem>>) offsets(%dma_start3A_472 : memref<80xi32, #tpu.memory_space<vmem>>) semaphore(%arg21 : memref<!tpu.dma_semaphore, #tpu.memory_space<semaphore_mem>>)
      } else {
      }
      %add3A_390 = arith.constant 1 : i32
      %add3A_391 = arith.addi %scan3A_228, %add3A_390 : i32
      %mul3A_392 = arith.constant 4 : i32
      %mul3A_393 = arith.muli %add3A_391, %mul3A_392 : i32
      %add3A_394 = arith.constant 1 : i32
      %add3A_395 = arith.addi %mul3A_393, %add3A_394 : i32
      %dma_wait3A_396 = arith.constant 0 : i32
      %dma_wait3A_397 = arith.constant 0 : i32
      %dma_wait3A_398 = tpu.memref_slice %arg8[%dma_wait3A_396, %dma_wait3A_397] : memref<4x80xi32, #tpu.memory_space<vmem>> -> memref<1x80xi32, #tpu.memory_space<vmem>>
      %dma_wait3A_399 = tpu.memref_squeeze %dma_wait3A_398 : memref<1x80xi32, #tpu.memory_space<vmem>> -> memref<80xi32, #tpu.memory_space<vmem>>
      %dma_wait3A_400 = arith.constant 0 : i32
      %dma_wait3A_401 = arith.constant 0 : i32
      %dma_wait3A_402 = tpu.memref_slice %arg29[%dma_wait3A_400, %dma_wait3A_401] : memref<10000x128xf32, #tpu.memory_space<vmem_shared>> -> memref<10000x128xf32, #tpu.memory_space<vmem_shared>>
      tpu.wait_indirect_dma semaphore(%arg26 : memref<!tpu.dma_semaphore, #tpu.memory_space<semaphore_mem>>) src(%arg10 : memref<80x128xf32, #tpu.memory_space<vmem>>) dst(%dma_wait3A_402 : memref<10000x128xf32, #tpu.memory_space<vmem_shared>>)
      %lt3A_403 = arith.constant 125 : i32
      %lt3A_404 = arith.cmpi slt, %add3A_395, %lt3A_403 : i32
      %convert_element_type3A_405 = arith.extui %lt3A_404 : i1 to i32
      %cond3A_406 = arith.constant 0 : i32
      %cond3A_407 = arith.cmpi ne, %convert_element_type3A_405, %cond3A_406 : i32
      scf.if %cond3A_407 {
        %mul3A_444 = arith.constant 10000 : i32
        %mul3A_445 = arith.muli %add3A, %mul3A_444 : i32
        %mul3A_446 = arith.constant 80 : i32
        %mul3A_447 = arith.muli %add3A_395, %mul3A_446 : i32
        %add3A_448 = arith.addi %mul3A_445, %mul3A_447 : i32
        %dma_start3A_449 = arith.constant 1 : i32
        %dma_start3A_450 = arith.constant 0 : i32
        %dma_start3A_451 = tpu.memref_slice %arg8[%dma_start3A_449, %dma_start3A_450] : memref<4x80xi32, #tpu.memory_space<vmem>> -> memref<1x80xi32, #tpu.memory_space<vmem>>
        %dma_start3A_452 = tpu.memref_squeeze %dma_start3A_451 : memref<1x80xi32, #tpu.memory_space<vmem>> -> memref<80xi32, #tpu.memory_space<vmem>>
        %dma_start3A_453 = tpu.memref_slice %arg4[%add3A_448] : memref<320000xi32, #tpu.memory_space<hbm>> -> memref<80xi32, #tpu.memory_space<hbm>>
        %dma_start3A_454 = arith.constant 0 : i32
        %dma_start3A_455 = tpu.memref_slice %arg8[%dma_start3A_449, %dma_start3A_454] : memref<4x80xi32, #tpu.memory_space<vmem>> -> memref<1x80xi32, #tpu.memory_space<vmem>>
        %dma_start3A_456 = tpu.memref_squeeze %dma_start3A_455 : memref<1x80xi32, #tpu.memory_space<vmem>> -> memref<80xi32, #tpu.memory_space<vmem>>
        %dma_start3A_457 = tpu.memref_slice %arg4[%add3A_448] : memref<320000xi32, #tpu.memory_space<hbm>> -> memref<80xi32, #tpu.memory_space<hbm>>
        tpu.enqueue_dma source(%dma_start3A_457 : memref<80xi32, #tpu.memory_space<hbm>>) target(%dma_start3A_456 : memref<80xi32, #tpu.memory_space<vmem>>) target_semaphore(%arg18 : memref<!tpu.dma_semaphore, #tpu.memory_space<semaphore_mem>>)
        %dma_wait3A_458 = arith.constant 1 : i32
        %dma_wait3A_459 = arith.constant 0 : i32
        %dma_wait3A_460 = tpu.memref_slice %arg7[%dma_wait3A_458, %dma_wait3A_459] : memref<4x80xi32, #tpu.memory_space<vmem>> -> memref<1x80xi32, #tpu.memory_space<vmem>>
        %dma_wait3A_461 = tpu.memref_squeeze %dma_wait3A_460 : memref<1x80xi32, #tpu.memory_space<vmem>> -> memref<80xi32, #tpu.memory_space<vmem>>
        %dma_wait3A_462 = arith.constant 0 : i32
        %dma_wait3A_463 = tpu.memref_slice %arg3[%dma_wait3A_462] : memref<320000xi32, #tpu.memory_space<hbm>> -> memref<80xi32, #tpu.memory_space<hbm>>
        %dma_wait3A_464 = arith.constant 0 : i32
        %dma_wait3A_465 = tpu.memref_slice %arg7[%dma_wait3A_458, %dma_wait3A_464] : memref<4x80xi32, #tpu.memory_space<vmem>> -> memref<1x80xi32, #tpu.memory_space<vmem>>
        %dma_wait3A_466 = tpu.memref_squeeze %dma_wait3A_465 : memref<1x80xi32, #tpu.memory_space<vmem>> -> memref<80xi32, #tpu.memory_space<vmem>>
        %dma_wait3A_467 = arith.constant 0 : i32
        %dma_wait3A_468 = tpu.memref_slice %arg3[%dma_wait3A_467] : memref<320000xi32, #tpu.memory_space<hbm>> -> memref<80xi32, #tpu.memory_space<hbm>>
        tpu.wait_dma2 semaphore(%arg14 : memref<!tpu.dma_semaphore, #tpu.memory_space<semaphore_mem>>) src(%dma_wait3A_468 : memref<80xi32, #tpu.memory_space<hbm>>) dst(%dma_wait3A_466 : memref<80xi32, #tpu.memory_space<vmem>>)
        %dma_start3A_469 = arith.constant 1 : i32
        %dma_start3A_470 = arith.constant 0 : i32
        %dma_start3A_471 = tpu.memref_slice %arg7[%dma_start3A_469, %dma_start3A_470] : memref<4x80xi32, #tpu.memory_space<vmem>> -> memref<1x80xi32, #tpu.memory_space<vmem>>
        %dma_start3A_472 = tpu.memref_squeeze %dma_start3A_471 : memref<1x80xi32, #tpu.memory_space<vmem>> -> memref<80xi32, #tpu.memory_space<vmem>>
        %dma_start3A_473 = arith.constant 0 : i32
        %dma_start3A_474 = arith.constant 0 : i32
        %dma_start3A_475 = tpu.memref_slice %arg2[%dma_start3A_473, %dma_start3A_474] : memref<10000x128xf32, #tpu.memory_space<hbm>> -> memref<10000x128xf32, #tpu.memory_space<hbm>>
        tpu.enqueue_indirect_dma source(%dma_start3A_475 : memref<10000x128xf32, #tpu.memory_space<hbm>>) target(%arg10 : memref<80x128xf32, #tpu.memory_space<vmem>>) offsets(%dma_start3A_472 : memref<80xi32, #tpu.memory_space<vmem>>) semaphore(%arg22 : memref<!tpu.dma_semaphore, #tpu.memory_space<semaphore_mem>>)
      } else {
      }
      %add3A_408 = arith.constant 1 : i32
      %add3A_409 = arith.addi %scan3A_228, %add3A_408 : i32
      %mul3A_410 = arith.constant 4 : i32
      %mul3A_411 = arith.muli %add3A_409, %mul3A_410 : i32
      %add3A_412 = arith.constant 2 : i32
      %add3A_413 = arith.addi %mul3A_411, %add3A_412 : i32
      %dma_wait3A_414 = arith.constant 0 : i32
      %dma_wait3A_415 = arith.constant 0 : i32
      %dma_wait3A_416 = tpu.memref_slice %arg8[%dma_wait3A_414, %dma_wait3A_415] : memref<4x80xi32, #tpu.memory_space<vmem>> -> memref<1x80xi32, #tpu.memory_space<vmem>>
      %dma_wait3A_417 = tpu.memref_squeeze %dma_wait3A_416 : memref<1x80xi32, #tpu.memory_space<vmem>> -> memref<80xi32, #tpu.memory_space<vmem>>
      %dma_wait3A_418 = arith.constant 0 : i32
      %dma_wait3A_419 = arith.constant 0 : i32
      %dma_wait3A_420 = tpu.memref_slice %arg29[%dma_wait3A_418, %dma_wait3A_419] : memref<10000x128xf32, #tpu.memory_space<vmem_shared>> -> memref<10000x128xf32, #tpu.memory_space<vmem_shared>>
      tpu.wait_indirect_dma semaphore(%arg27 : memref<!tpu.dma_semaphore, #tpu.memory_space<semaphore_mem>>) src(%arg11 : memref<80x128xf32, #tpu.memory_space<vmem>>) dst(%dma_wait3A_420 : memref<10000x128xf32, #tpu.memory_space<vmem_shared>>)
      %lt3A_421 = arith.constant 125 : i32
      %lt3A_422 = arith.cmpi slt, %add3A_413, %lt3A_421 : i32
      %convert_element_type3A_423 = arith.extui %lt3A_422 : i1 to i32
      %cond3A_424 = arith.constant 0 : i32
      %cond3A_425 = arith.cmpi ne, %convert_element_type3A_423, %cond3A_424 : i32
      scf.if %cond3A_425 {
        %mul3A_444 = arith.constant 10000 : i32
        %mul3A_445 = arith.muli %add3A, %mul3A_444 : i32
        %mul3A_446 = arith.constant 80 : i32
        %mul3A_447 = arith.muli %add3A_413, %mul3A_446 : i32
        %add3A_448 = arith.addi %mul3A_445, %mul3A_447 : i32
        %dma_start3A_449 = arith.constant 2 : i32
        %dma_start3A_450 = arith.constant 0 : i32
        %dma_start3A_451 = tpu.memref_slice %arg8[%dma_start3A_449, %dma_start3A_450] : memref<4x80xi32, #tpu.memory_space<vmem>> -> memref<1x80xi32, #tpu.memory_space<vmem>>
        %dma_start3A_452 = tpu.memref_squeeze %dma_start3A_451 : memref<1x80xi32, #tpu.memory_space<vmem>> -> memref<80xi32, #tpu.memory_space<vmem>>
        %dma_start3A_453 = tpu.memref_slice %arg4[%add3A_448] : memref<320000xi32, #tpu.memory_space<hbm>> -> memref<80xi32, #tpu.memory_space<hbm>>
        %dma_start3A_454 = arith.constant 0 : i32
        %dma_start3A_455 = tpu.memref_slice %arg8[%dma_start3A_449, %dma_start3A_454] : memref<4x80xi32, #tpu.memory_space<vmem>> -> memref<1x80xi32, #tpu.memory_space<vmem>>
        %dma_start3A_456 = tpu.memref_squeeze %dma_start3A_455 : memref<1x80xi32, #tpu.memory_space<vmem>> -> memref<80xi32, #tpu.memory_space<vmem>>
        %dma_start3A_457 = tpu.memref_slice %arg4[%add3A_448] : memref<320000xi32, #tpu.memory_space<hbm>> -> memref<80xi32, #tpu.memory_space<hbm>>
        tpu.enqueue_dma source(%dma_start3A_457 : memref<80xi32, #tpu.memory_space<hbm>>) target(%dma_start3A_456 : memref<80xi32, #tpu.memory_space<vmem>>) target_semaphore(%arg19 : memref<!tpu.dma_semaphore, #tpu.memory_space<semaphore_mem>>)
        %dma_wait3A_458 = arith.constant 2 : i32
        %dma_wait3A_459 = arith.constant 0 : i32
        %dma_wait3A_460 = tpu.memref_slice %arg7[%dma_wait3A_458, %dma_wait3A_459] : memref<4x80xi32, #tpu.memory_space<vmem>> -> memref<1x80xi32, #tpu.memory_space<vmem>>
        %dma_wait3A_461 = tpu.memref_squeeze %dma_wait3A_460 : memref<1x80xi32, #tpu.memory_space<vmem>> -> memref<80xi32, #tpu.memory_space<vmem>>
        %dma_wait3A_462 = arith.constant 0 : i32
        %dma_wait3A_463 = tpu.memref_slice %arg3[%dma_wait3A_462] : memref<320000xi32, #tpu.memory_space<hbm>> -> memref<80xi32, #tpu.memory_space<hbm>>
        %dma_wait3A_464 = arith.constant 0 : i32
        %dma_wait3A_465 = tpu.memref_slice %arg7[%dma_wait3A_458, %dma_wait3A_464] : memref<4x80xi32, #tpu.memory_space<vmem>> -> memref<1x80xi32, #tpu.memory_space<vmem>>
        %dma_wait3A_466 = tpu.memref_squeeze %dma_wait3A_465 : memref<1x80xi32, #tpu.memory_space<vmem>> -> memref<80xi32, #tpu.memory_space<vmem>>
        %dma_wait3A_467 = arith.constant 0 : i32
        %dma_wait3A_468 = tpu.memref_slice %arg3[%dma_wait3A_467] : memref<320000xi32, #tpu.memory_space<hbm>> -> memref<80xi32, #tpu.memory_space<hbm>>
        tpu.wait_dma2 semaphore(%arg15 : memref<!tpu.dma_semaphore, #tpu.memory_space<semaphore_mem>>) src(%dma_wait3A_468 : memref<80xi32, #tpu.memory_space<hbm>>) dst(%dma_wait3A_466 : memref<80xi32, #tpu.memory_space<vmem>>)
        %dma_start3A_469 = arith.constant 2 : i32
        %dma_start3A_470 = arith.constant 0 : i32
        %dma_start3A_471 = tpu.memref_slice %arg7[%dma_start3A_469, %dma_start3A_470] : memref<4x80xi32, #tpu.memory_space<vmem>> -> memref<1x80xi32, #tpu.memory_space<vmem>>
        %dma_start3A_472 = tpu.memref_squeeze %dma_start3A_471 : memref<1x80xi32, #tpu.memory_space<vmem>> -> memref<80xi32, #tpu.memory_space<vmem>>
        %dma_start3A_473 = arith.constant 0 : i32
        %dma_start3A_474 = arith.constant 0 : i32
        %dma_start3A_475 = tpu.memref_slice %arg2[%dma_start3A_473, %dma_start3A_474] : memref<10000x128xf32, #tpu.memory_space<hbm>> -> memref<10000x128xf32, #tpu.memory_space<hbm>>
        tpu.enqueue_indirect_dma source(%dma_start3A_475 : memref<10000x128xf32, #tpu.memory_space<hbm>>) target(%arg11 : memref<80x128xf32, #tpu.memory_space<vmem>>) offsets(%dma_start3A_472 : memref<80xi32, #tpu.memory_space<vmem>>) semaphore(%arg23 : memref<!tpu.dma_semaphore, #tpu.memory_space<semaphore_mem>>)
      } else {
      }
      %add3A_426 = arith.constant 1 : i32
      %add3A_427 = arith.addi %scan3A_228, %add3A_426 : i32
      %mul3A_428 = arith.constant 4 : i32
      %mul3A_429 = arith.muli %add3A_427, %mul3A_428 : i32
      %add3A_430 = arith.constant 3 : i32
      %add3A_431 = arith.addi %mul3A_429, %add3A_430 : i32
      %dma_wait3A_432 = arith.constant 0 : i32
      %dma_wait3A_433 = arith.constant 0 : i32
      %dma_wait3A_434 = tpu.memref_slice %arg8[%dma_wait3A_432, %dma_wait3A_433] : memref<4x80xi32, #tpu.memory_space<vmem>> -> memref<1x80xi32, #tpu.memory_space<vmem>>
      %dma_wait3A_435 = tpu.memref_squeeze %dma_wait3A_434 : memref<1x80xi32, #tpu.memory_space<vmem>> -> memref<80xi32, #tpu.memory_space<vmem>>
      %dma_wait3A_436 = arith.constant 0 : i32
      %dma_wait3A_437 = arith.constant 0 : i32
      %dma_wait3A_438 = tpu.memref_slice %arg29[%dma_wait3A_436, %dma_wait3A_437] : memref<10000x128xf32, #tpu.memory_space<vmem_shared>> -> memref<10000x128xf32, #tpu.memory_space<vmem_shared>>
      tpu.wait_indirect_dma semaphore(%arg28 : memref<!tpu.dma_semaphore, #tpu.memory_space<semaphore_mem>>) src(%arg12 : memref<80x128xf32, #tpu.memory_space<vmem>>) dst(%dma_wait3A_438 : memref<10000x128xf32, #tpu.memory_space<vmem_shared>>)
      %lt3A_439 = arith.constant 125 : i32
      %lt3A_440 = arith.cmpi slt, %add3A_431, %lt3A_439 : i32
      %convert_element_type3A_441 = arith.extui %lt3A_440 : i1 to i32
      %cond3A_442 = arith.constant 0 : i32
      %cond3A_443 = arith.cmpi ne, %convert_element_type3A_441, %cond3A_442 : i32
      scf.if %cond3A_443 {
        %mul3A_444 = arith.constant 10000 : i32
        %mul3A_445 = arith.muli %add3A, %mul3A_444 : i32
        %mul3A_446 = arith.constant 80 : i32
        %mul3A_447 = arith.muli %add3A_431, %mul3A_446 : i32
        %add3A_448 = arith.addi %mul3A_445, %mul3A_447 : i32
        %dma_start3A_449 = arith.constant 3 : i32
        %dma_start3A_450 = arith.constant 0 : i32
        %dma_start3A_451 = tpu.memref_slice %arg8[%dma_start3A_449, %dma_start3A_450] : memref<4x80xi32, #tpu.memory_space<vmem>> -> memref<1x80xi32, #tpu.memory_space<vmem>>
        %dma_start3A_452 = tpu.memref_squeeze %dma_start3A_451 : memref<1x80xi32, #tpu.memory_space<vmem>> -> memref<80xi32, #tpu.memory_space<vmem>>
        %dma_start3A_453 = tpu.memref_slice %arg4[%add3A_448] : memref<320000xi32, #tpu.memory_space<hbm>> -> memref<80xi32, #tpu.memory_space<hbm>>
        %dma_start3A_454 = arith.constant 0 : i32
        %dma_start3A_455 = tpu.memref_slice %arg8[%dma_start3A_449, %dma_start3A_454] : memref<4x80xi32, #tpu.memory_space<vmem>> -> memref<1x80xi32, #tpu.memory_space<vmem>>
        %dma_start3A_456 = tpu.memref_squeeze %dma_start3A_455 : memref<1x80xi32, #tpu.memory_space<vmem>> -> memref<80xi32, #tpu.memory_space<vmem>>
        %dma_start3A_457 = tpu.memref_slice %arg4[%add3A_448] : memref<320000xi32, #tpu.memory_space<hbm>> -> memref<80xi32, #tpu.memory_space<hbm>>
        tpu.enqueue_dma source(%dma_start3A_457 : memref<80xi32, #tpu.memory_space<hbm>>) target(%dma_start3A_456 : memref<80xi32, #tpu.memory_space<vmem>>) target_semaphore(%arg20 : memref<!tpu.dma_semaphore, #tpu.memory_space<semaphore_mem>>)
        %dma_wait3A_458 = arith.constant 3 : i32
        %dma_wait3A_459 = arith.constant 0 : i32
        %dma_wait3A_460 = tpu.memref_slice %arg7[%dma_wait3A_458, %dma_wait3A_459] : memref<4x80xi32, #tpu.memory_space<vmem>> -> memref<1x80xi32, #tpu.memory_space<vmem>>
        %dma_wait3A_461 = tpu.memref_squeeze %dma_wait3A_460 : memref<1x80xi32, #tpu.memory_space<vmem>> -> memref<80xi32, #tpu.memory_space<vmem>>
        %dma_wait3A_462 = arith.constant 0 : i32
        %dma_wait3A_463 = tpu.memref_slice %arg3[%dma_wait3A_462] : memref<320000xi32, #tpu.memory_space<hbm>> -> memref<80xi32, #tpu.memory_space<hbm>>
        %dma_wait3A_464 = arith.constant 0 : i32
        %dma_wait3A_465 = tpu.memref_slice %arg7[%dma_wait3A_458, %dma_wait3A_464] : memref<4x80xi32, #tpu.memory_space<vmem>> -> memref<1x80xi32, #tpu.memory_space<vmem>>
        %dma_wait3A_466 = tpu.memref_squeeze %dma_wait3A_465 : memref<1x80xi32, #tpu.memory_space<vmem>> -> memref<80xi32, #tpu.memory_space<vmem>>
        %dma_wait3A_467 = arith.constant 0 : i32
        %dma_wait3A_468 = tpu.memref_slice %arg3[%dma_wait3A_467] : memref<320000xi32, #tpu.memory_space<hbm>> -> memref<80xi32, #tpu.memory_space<hbm>>
        tpu.wait_dma2 semaphore(%arg16 : memref<!tpu.dma_semaphore, #tpu.memory_space<semaphore_mem>>) src(%dma_wait3A_468 : memref<80xi32, #tpu.memory_space<hbm>>) dst(%dma_wait3A_466 : memref<80xi32, #tpu.memory_space<vmem>>)
        %dma_start3A_469 = arith.constant 3 : i32
        %dma_start3A_470 = arith.constant 0 : i32
        %dma_start3A_471 = tpu.memref_slice %arg7[%dma_start3A_469, %dma_start3A_470] : memref<4x80xi32, #tpu.memory_space<vmem>> -> memref<1x80xi32, #tpu.memory_space<vmem>>
        %dma_start3A_472 = tpu.memref_squeeze %dma_start3A_471 : memref<1x80xi32, #tpu.memory_space<vmem>> -> memref<80xi32, #tpu.memory_space<vmem>>
        %dma_start3A_473 = arith.constant 0 : i32
        %dma_start3A_474 = arith.constant 0 : i32
        %dma_start3A_475 = tpu.memref_slice %arg2[%dma_start3A_473, %dma_start3A_474] : memref<10000x128xf32, #tpu.memory_space<hbm>> -> memref<10000x128xf32, #tpu.memory_space<hbm>>
        tpu.enqueue_indirect_dma source(%dma_start3A_475 : memref<10000x128xf32, #tpu.memory_space<hbm>>) target(%arg12 : memref<80x128xf32, #tpu.memory_space<vmem>>) offsets(%dma_start3A_472 : memref<80xi32, #tpu.memory_space<vmem>>) semaphore(%arg24 : memref<!tpu.dma_semaphore, #tpu.memory_space<semaphore_mem>>)
      } else {
      }
    }
    %scan3A_185 = arith.constant 31 : i32
    %dma_wait3A_186 = arith.constant 0 : i32
    %dma_wait3A_187 = arith.constant 0 : i32
    %dma_wait3A_188 = tpu.memref_slice %arg7[%dma_wait3A_186, %dma_wait3A_187] : memref<4x80xi32, #tpu.memory_space<vmem>> -> memref<1x80xi32, #tpu.memory_space<vmem>>
    %dma_wait3A_189 = tpu.memref_squeeze %dma_wait3A_188 : memref<1x80xi32, #tpu.memory_space<vmem>> -> memref<80xi32, #tpu.memory_space<vmem>>
    %dma_wait3A_190 = arith.constant 0 : i32
    %dma_wait3A_191 = arith.constant 0 : i32
    %dma_wait3A_192 = tpu.memref_slice %arg2[%dma_wait3A_190, %dma_wait3A_191] : memref<10000x128xf32, #tpu.memory_space<hbm>> -> memref<10000x128xf32, #tpu.memory_space<hbm>>
    tpu.wait_indirect_dma semaphore(%arg21 : memref<!tpu.dma_semaphore, #tpu.memory_space<semaphore_mem>>) src(%dma_wait3A_192 : memref<10000x128xf32, #tpu.memory_space<hbm>>) dst(%arg9 : memref<80x128xf32, #tpu.memory_space<vmem>>)
    %dma_wait3A_193 = arith.constant 0 : i32
    %dma_wait3A_194 = arith.constant 0 : i32
    %dma_wait3A_195 = tpu.memref_slice %arg8[%dma_wait3A_193, %dma_wait3A_194] : memref<4x80xi32, #tpu.memory_space<vmem>> -> memref<1x80xi32, #tpu.memory_space<vmem>>
    %dma_wait3A_196 = tpu.memref_squeeze %dma_wait3A_195 : memref<1x80xi32, #tpu.memory_space<vmem>> -> memref<80xi32, #tpu.memory_space<vmem>>
    %dma_wait3A_197 = arith.constant 0 : i32
    %dma_wait3A_198 = tpu.memref_slice %arg4[%dma_wait3A_197] : memref<320000xi32, #tpu.memory_space<hbm>> -> memref<80xi32, #tpu.memory_space<hbm>>
    %dma_wait3A_199 = arith.constant 0 : i32
    %dma_wait3A_200 = tpu.memref_slice %arg8[%dma_wait3A_193, %dma_wait3A_199] : memref<4x80xi32, #tpu.memory_space<vmem>> -> memref<1x80xi32, #tpu.memory_space<vmem>>
    %dma_wait3A_201 = tpu.memref_squeeze %dma_wait3A_200 : memref<1x80xi32, #tpu.memory_space<vmem>> -> memref<80xi32, #tpu.memory_space<vmem>>
    %dma_wait3A_202 = arith.constant 0 : i32
    %dma_wait3A_203 = tpu.memref_slice %arg4[%dma_wait3A_202] : memref<320000xi32, #tpu.memory_space<hbm>> -> memref<80xi32, #tpu.memory_space<hbm>>
    tpu.wait_dma2 semaphore(%arg17 : memref<!tpu.dma_semaphore, #tpu.memory_space<semaphore_mem>>) src(%dma_wait3A_203 : memref<80xi32, #tpu.memory_space<hbm>>) dst(%dma_wait3A_201 : memref<80xi32, #tpu.memory_space<vmem>>)
    %dma_start3A_204 = arith.constant 0 : i32
    %dma_start3A_205 = arith.constant 0 : i32
    %dma_start3A_206 = tpu.memref_slice %arg8[%dma_start3A_204, %dma_start3A_205] : memref<4x80xi32, #tpu.memory_space<vmem>> -> memref<1x80xi32, #tpu.memory_space<vmem>>
    %dma_start3A_207 = tpu.memref_squeeze %dma_start3A_206 : memref<1x80xi32, #tpu.memory_space<vmem>> -> memref<80xi32, #tpu.memory_space<vmem>>
    %dma_start3A_208 = arith.constant 0 : i32
    %dma_start3A_209 = arith.constant 0 : i32
    %dma_start3A_210 = tpu.memref_slice %arg29[%dma_start3A_208, %dma_start3A_209] : memref<10000x128xf32, #tpu.memory_space<vmem_shared>> -> memref<10000x128xf32, #tpu.memory_space<vmem_shared>>
    tpu.enqueue_indirect_dma source(%arg9 : memref<80x128xf32, #tpu.memory_space<vmem>>) target(%dma_start3A_210 : memref<10000x128xf32, #tpu.memory_space<vmem_shared>>) offsets(%dma_start3A_207 : memref<80xi32, #tpu.memory_space<vmem>>) semaphore(%arg25 : memref<!tpu.dma_semaphore, #tpu.memory_space<semaphore_mem>>) {add = true}
    %dma_wait3A_211 = arith.constant 0 : i32
    %dma_wait3A_212 = arith.constant 0 : i32
    %dma_wait3A_213 = tpu.memref_slice %arg8[%dma_wait3A_211, %dma_wait3A_212] : memref<4x80xi32, #tpu.memory_space<vmem>> -> memref<1x80xi32, #tpu.memory_space<vmem>>
    %dma_wait3A_214 = tpu.memref_squeeze %dma_wait3A_213 : memref<1x80xi32, #tpu.memory_space<vmem>> -> memref<80xi32, #tpu.memory_space<vmem>>
    %dma_wait3A_215 = arith.constant 0 : i32
    %dma_wait3A_216 = arith.constant 0 : i32
    %dma_wait3A_217 = tpu.memref_slice %arg29[%dma_wait3A_215, %dma_wait3A_216] : memref<10000x128xf32, #tpu.memory_space<vmem_shared>> -> memref<10000x128xf32, #tpu.memory_space<vmem_shared>>
    tpu.wait_indirect_dma semaphore(%arg25 : memref<!tpu.dma_semaphore, #tpu.memory_space<semaphore_mem>>) src(%arg9 : memref<80x128xf32, #tpu.memory_space<vmem>>) dst(%dma_wait3A_217 : memref<10000x128xf32, #tpu.memory_space<vmem_shared>>)
    %barrier3A_218 = arith.constant 0 : index
    tpu.barrier barrier_id(%barrier3A_218)
    %mul3A_219 = arith.constant 624 : i32
    %mul3A_220 = arith.muli %arg1, %mul3A_219 : i32
    %mul3A_221 = arith.constant 624 : i32
    %mul3A_222 = arith.muli %arg1, %mul3A_221 : i32
    "tpu.region"() ({
      %run_scoped3A = tpu.sem_alloc : memref<!tpu.dma_semaphore, #tpu.memory_space<semaphore_mem>>
      %dma_start3A_228 = arith.constant 0 : i32
      %dma_start3A_229 = tpu.memref_slice %arg6[%arg0, %mul3A_222, %dma_start3A_228] : memref<2x10000x128xf32, #tpu.memory_space<hbm>> -> memref<1x624x128xf32, #tpu.memory_space<hbm>>
      %dma_start3A_230 = tpu.memref_squeeze %dma_start3A_229 : memref<1x624x128xf32, #tpu.memory_space<hbm>> -> memref<624x128xf32, #tpu.memory_space<hbm>>
      %dma_start3A_231 = arith.constant 0 : i32
      %dma_start3A_232 = tpu.memref_slice %arg29[%mul3A_220, %dma_start3A_231] : memref<10000x128xf32, #tpu.memory_space<vmem_shared>> -> memref<624x128xf32, #tpu.memory_space<vmem_shared>>
      tpu.enqueue_dma source(%dma_start3A_232 : memref<624x128xf32, #tpu.memory_space<vmem_shared>>) target(%dma_start3A_230 : memref<624x128xf32, #tpu.memory_space<hbm>>) target_semaphore(%run_scoped3A : memref<!tpu.dma_semaphore, #tpu.memory_space<semaphore_mem>>)
      %dma_wait3A_233 = arith.constant 0 : i32
      %dma_wait3A_234 = tpu.memref_slice %arg6[%arg0, %mul3A_222, %dma_wait3A_233] : memref<2x10000x128xf32, #tpu.memory_space<hbm>> -> memref<1x624x128xf32, #tpu.memory_space<hbm>>
      %dma_wait3A_235 = tpu.memref_squeeze %dma_wait3A_234 : memref<1x624x128xf32, #tpu.memory_space<hbm>> -> memref<624x128xf32, #tpu.memory_space<hbm>>
      %dma_wait3A_236 = arith.constant 0 : i32
      %dma_wait3A_237 = tpu.memref_slice %arg29[%mul3A_220, %dma_wait3A_236] : memref<10000x128xf32, #tpu.memory_space<vmem_shared>> -> memref<624x128xf32, #tpu.memory_space<vmem_shared>>
      tpu.wait_dma2 semaphore(%run_scoped3A : memref<!tpu.dma_semaphore, #tpu.memory_space<semaphore_mem>>) src(%dma_wait3A_237 : memref<624x128xf32, #tpu.memory_space<vmem_shared>>) dst(%dma_wait3A_235 : memref<624x128xf32, #tpu.memory_space<hbm>>)
      tpu.yield
    }) : () -> ()
    %eq3A_223 = arith.constant 15 : i32
    %eq3A_224 = arith.cmpi eq, %arg1, %eq3A_223 : i32
    %convert_element_type3A_225 = arith.extui %eq3A_224 : i1 to i32
    %cond3A_226 = arith.constant 0 : i32
    %cond3A_227 = arith.cmpi ne, %convert_element_type3A_225, %cond3A_226 : i32
    scf.if %cond3A_227 {
      "tpu.region"() ({
        %run_scoped3A = tpu.sem_alloc : memref<!tpu.dma_semaphore, #tpu.memory_space<semaphore_mem>>
        %dma_start3A_228 = arith.constant 9984 : i32
        %dma_start3A_229 = arith.constant 0 : i32
        %dma_start3A_230 = tpu.memref_slice %arg6[%arg0, %dma_start3A_228, %dma_start3A_229] : memref<2x10000x128xf32, #tpu.memory_space<hbm>> -> memref<1x16x128xf32, #tpu.memory_space<hbm>>
        %dma_start3A_231 = tpu.memref_squeeze %dma_start3A_230 : memref<1x16x128xf32, #tpu.memory_space<hbm>> -> memref<16x128xf32, #tpu.memory_space<hbm>>
        %dma_start3A_232 = arith.constant 9984 : i32
        %dma_start3A_233 = arith.constant 0 : i32
        %dma_start3A_234 = tpu.memref_slice %arg29[%dma_start3A_232, %dma_start3A_233] : memref<10000x128xf32, #tpu.memory_space<vmem_shared>> -> memref<16x128xf32, #tpu.memory_space<vmem_shared>>
        tpu.enqueue_dma source(%dma_start3A_234 : memref<16x128xf32, #tpu.memory_space<vmem_shared>>) target(%dma_start3A_231 : memref<16x128xf32, #tpu.memory_space<hbm>>) target_semaphore(%run_scoped3A : memref<!tpu.dma_semaphore, #tpu.memory_space<semaphore_mem>>)
        %dma_wait3A_235 = arith.constant 9984 : i32
        %dma_wait3A_236 = arith.constant 0 : i32
        %dma_wait3A_237 = tpu.memref_slice %arg6[%arg0, %dma_wait3A_235, %dma_wait3A_236] : memref<2x10000x128xf32, #tpu.memory_space<hbm>> -> memref<1x16x128xf32, #tpu.memory_space<hbm>>
        %dma_wait3A_238 = tpu.memref_squeeze %dma_wait3A_237 : memref<1x16x128xf32, #tpu.memory_space<hbm>> -> memref<16x128xf32, #tpu.memory_space<hbm>>
        %dma_wait3A_239 = arith.constant 9984 : i32
        %dma_wait3A_240 = arith.constant 0 : i32
        %dma_wait3A_241 = tpu.memref_slice %arg29[%dma_wait3A_239, %dma_wait3A_240] : memref<10000x128xf32, #tpu.memory_space<vmem_shared>> -> memref<16x128xf32, #tpu.memory_space<vmem_shared>>
        tpu.wait_dma2 semaphore(%run_scoped3A : memref<!tpu.dma_semaphore, #tpu.memory_space<semaphore_mem>>) src(%dma_wait3A_241 : memref<16x128xf32, #tpu.memory_space<vmem_shared>>) dst(%dma_wait3A_238 : memref<16x128xf32, #tpu.memory_space<hbm>>)
        tpu.yield
      }) : () -> ()
    } else {
    }
    return
  }
}

module attributes {stable_mosaic.version = 14 : i64} {
  func.func @_k1_body(%arg0: i32, %arg1: memref<1000x128xf32, #tpu.memory_space<vmem>>, %arg2: memref<128x128xf32, #tpu.memory_space<vmem>>, %arg3: memref<2x1000x8xf32, #tpu.memory_space<vmem>>, %arg4: memref<1000x128xf32, #tpu.memory_space<vmem>>) attributes {dimension_semantics = [#tpu.dimension_semantics<arbitrary>], iteration_bounds = array<i64: 10>, scalar_prefetch = 0 : i64, scratch_operands = 0 : i64, tpu.core_type = #tpu.core_type<tc>, window_params = [{transform_indices = @transform_0, window_bounds = array<i64: 1000, 128>}, {pipeline_mode = #tpu.pipeline_mode<synchronous>, transform_indices = @transform_1, window_bounds = array<i64: 128, 128>}, {transform_indices = @transform_2, window_bounds = array<i64: 2, 1000, 8>}, {transform_indices = @transform_3, window_bounds = array<i64: 1000, 128>}]} {
    %get3A = arith.constant 0 : index
    %get3A_0 = arith.constant 0 : index
    %get3A_1 = arith.constant 0 : index
    %get3A_2 = vector.load %arg3[%get3A, %get3A_0, %get3A_1] : memref<2x1000x8xf32, #tpu.memory_space<vmem>>, vector<1x1000x1xf32>
    %get3A_3 = vector.shape_cast %get3A_2 : vector<1x1000x1xf32> to vector<1000x1xf32>
    %get3A_4 = arith.constant 1 : index
    %get3A_5 = arith.constant 0 : index
    %get3A_6 = arith.constant 0 : index
    %get3A_7 = vector.load %arg3[%get3A_4, %get3A_5, %get3A_6] : memref<2x1000x8xf32, #tpu.memory_space<vmem>>, vector<1x1000x1xf32>
    %get3A_8 = vector.shape_cast %get3A_7 : vector<1x1000x1xf32> to vector<1000x1xf32>
    %add3A = arith.addf %get3A_3, %get3A_8 : vector<1000x1xf32>
    %add3A_9 = arith.constant 1.000000e+00 : f32
    %add3A_10 = vector.broadcast %add3A_9 : f32 to vector<1000x1xf32>
    %add3A_11 = arith.addf %add3A, %add3A_10 : vector<1000x1xf32>
    %rsqrt3A = math.rsqrt %add3A_11 : vector<1000x1xf32>
    %get3A_12 = arith.constant 0 : index
    %get3A_13 = arith.constant 0 : index
    %get3A_14 = vector.load %arg1[%get3A_12, %get3A_13] : memref<1000x128xf32, #tpu.memory_space<vmem>>, vector<1000x128xf32>
    %get3A_15 = arith.constant 0 : index
    %get3A_16 = arith.constant 0 : index
    %get3A_17 = vector.load %arg2[%get3A_15, %get3A_16] : memref<128x128xf32, #tpu.memory_space<vmem>>, vector<128x128xf32>
    %dot_general3A = arith.constant dense<0.000000e+00> : vector<1000x128xf32>
    %dot_general3A_18 = tpu.matmul %get3A_14, %get3A_17, %dot_general3A {dimension_numbers = #tpu.dot_dimension_numbers<[1], [0], [0], [1], [0, 0, 1, 1], [], []>, transpose_lhs_hint = false} : vector<1000x128xf32>, vector<128x128xf32>, vector<1000x128xf32> -> vector<1000x128xf32>
    %mul3A = vector.broadcast %rsqrt3A : vector<1000x1xf32> to vector<1000x128xf32>
    %mul3A_19 = arith.mulf %mul3A, %dot_general3A_18 : vector<1000x128xf32>
    %swap3A = arith.constant 0 : index
    %swap3A_20 = arith.constant 0 : index
    %swap3A_21 = vector.load %arg4[%swap3A, %swap3A_20] : memref<1000x128xf32, #tpu.memory_space<vmem>>, vector<1000x128xf32>
    tpu.vector_store %arg4[%swap3A, %swap3A_20], %mul3A_19 {strides = array<i32>} : memref<1000x128xf32, #tpu.memory_space<vmem>>, vector<1000x128xf32>,
    return
  }
  func.func @transform_0(%arg0: i32) -> (i32, i32) {
    %c0_i32 = arith.constant 0 : i32
    %c0_i32_0 = arith.constant 0 : i32
    return %arg0, %c0_i32 : i32, i32
  }
  func.func @transform_1(%arg0: i32) -> (i32, i32) {
    %c0_i32 = arith.constant 0 : i32
    %c0_i32_0 = arith.constant 0 : i32
    %c0_i32_1 = arith.constant 0 : i32
    return %c0_i32, %c0_i32_0 : i32, i32
  }
  func.func @transform_2(%arg0: i32) -> (i32, i32, i32) {
    %c0_i32 = arith.constant 0 : i32
    %c0_i32_0 = arith.constant 0 : i32
    %c0_i32_1 = arith.constant 0 : i32
    return %c0_i32, %arg0, %c0_i32_0 : i32, i32, i32
  }
  func.func @transform_3(%arg0: i32) -> (i32, i32) {
    %c0_i32 = arith.constant 0 : i32
    %c0_i32_0 = arith.constant 0 : i32
    return %arg0, %c0_i32 : i32, i32
  }
}

module attributes {stable_mosaic.version = 14 : i64} {
  func.func @_k2_body(%arg0: i32, %arg1: memref<2x1000x128xf32, #tpu.memory_space<vmem>>, %arg2: memref<1000x128xf32, #tpu.memory_space<vmem>>, %arg3: memref<1x128xf32, #tpu.memory_space<vmem>>, %arg4: memref<2x1000x8xf32, #tpu.memory_space<vmem>>, %arg5: memref<128x128xf32, #tpu.memory_space<vmem>>, %arg6: memref<1000x128xf32, #tpu.memory_space<vmem>>, %arg7: memref<1000x128xf32, #tpu.memory_space<vmem>>) attributes {dimension_semantics = [#tpu.dimension_semantics<arbitrary>], iteration_bounds = array<i64: 10>, scalar_prefetch = 0 : i64, scratch_operands = 0 : i64, tpu.core_type = #tpu.core_type<tc>, window_params = [{transform_indices = @transform_0, window_bounds = array<i64: 2, 1000, 128>}, {transform_indices = @transform_1, window_bounds = array<i64: 1000, 128>}, {pipeline_mode = #tpu.pipeline_mode<synchronous>, transform_indices = @transform_2, window_bounds = array<i64: 1, 128>}, {transform_indices = @transform_3, window_bounds = array<i64: 2, 1000, 8>}, {pipeline_mode = #tpu.pipeline_mode<synchronous>, transform_indices = @transform_4, window_bounds = array<i64: 128, 128>}, {transform_indices = @transform_5, window_bounds = array<i64: 1000, 128>}, {transform_indices = @transform_6, window_bounds = array<i64: 1000, 128>}]} {
    %get3A = arith.constant 0 : index
    %get3A_0 = arith.constant 0 : index
    %get3A_1 = arith.constant 0 : index
    %get3A_2 = vector.load %arg4[%get3A, %get3A_0, %get3A_1] : memref<2x1000x8xf32, #tpu.memory_space<vmem>>, vector<1x1000x1xf32>
    %get3A_3 = vector.shape_cast %get3A_2 : vector<1x1000x1xf32> to vector<1000x1xf32>
    %get3A_4 = arith.constant 1 : index
    %get3A_5 = arith.constant 0 : index
    %get3A_6 = arith.constant 0 : index
    %get3A_7 = vector.load %arg4[%get3A_4, %get3A_5, %get3A_6] : memref<2x1000x8xf32, #tpu.memory_space<vmem>>, vector<1x1000x1xf32>
    %get3A_8 = vector.shape_cast %get3A_7 : vector<1x1000x1xf32> to vector<1000x1xf32>
    %add3A = arith.addf %get3A_3, %get3A_8 : vector<1000x1xf32>
    %add3A_9 = arith.constant 1.000000e+00 : f32
    %add3A_10 = vector.broadcast %add3A_9 : f32 to vector<1000x1xf32>
    %add3A_11 = arith.addf %add3A, %add3A_10 : vector<1000x1xf32>
    %rsqrt3A = math.rsqrt %add3A_11 : vector<1000x1xf32>
    %get3A_12 = arith.constant 0 : index
    %get3A_13 = arith.constant 0 : index
    %get3A_14 = arith.constant 0 : index
    %get3A_15 = vector.load %arg1[%get3A_12, %get3A_13, %get3A_14] : memref<2x1000x128xf32, #tpu.memory_space<vmem>>, vector<1x1000x128xf32>
    %get3A_16 = vector.shape_cast %get3A_15 : vector<1x1000x128xf32> to vector<1000x128xf32>
    %get3A_17 = arith.constant 1 : index
    %get3A_18 = arith.constant 0 : index
    %get3A_19 = arith.constant 0 : index
    %get3A_20 = vector.load %arg1[%get3A_17, %get3A_18, %get3A_19] : memref<2x1000x128xf32, #tpu.memory_space<vmem>>, vector<1x1000x128xf32>
    %get3A_21 = vector.shape_cast %get3A_20 : vector<1x1000x128xf32> to vector<1000x128xf32>
    %add3A_22 = arith.addf %get3A_16, %get3A_21 : vector<1000x128xf32>
    %get3A_23 = arith.constant 0 : index
    %get3A_24 = arith.constant 0 : index
    %get3A_25 = vector.load %arg2[%get3A_23, %get3A_24] : memref<1000x128xf32, #tpu.memory_space<vmem>>, vector<1000x128xf32>
    %add3A_26 = arith.addf %add3A_22, %get3A_25 : vector<1000x128xf32>
    %mul3A = vector.broadcast %rsqrt3A : vector<1000x1xf32> to vector<1000x128xf32>
    %mul3A_27 = arith.mulf %mul3A, %add3A_26 : vector<1000x128xf32>
    %get3A_28 = arith.constant 0 : index
    %get3A_29 = arith.constant 0 : index
    %get3A_30 = vector.load %arg3[%get3A_28, %get3A_29] : memref<1x128xf32, #tpu.memory_space<vmem>>, vector<1x128xf32>
    %add3A_31 = vector.broadcast %get3A_30 : vector<1x128xf32> to vector<1000x128xf32>
    %add3A_32 = arith.addf %mul3A_27, %add3A_31 : vector<1000x128xf32>
    %max3A = arith.constant 0.000000e+00 : f32
    %max3A_33 = vector.broadcast %max3A : f32 to vector<1000x128xf32>
    %max3A_34 = arith.maximumf %add3A_32, %max3A_33 : vector<1000x128xf32>
    %swap3A = arith.constant 0 : index
    %swap3A_35 = arith.constant 0 : index
    %swap3A_36 = vector.load %arg6[%swap3A, %swap3A_35] : memref<1000x128xf32, #tpu.memory_space<vmem>>, vector<1000x128xf32>
    tpu.vector_store %arg6[%swap3A, %swap3A_35], %max3A_34 {strides = array<i32>} : memref<1000x128xf32, #tpu.memory_space<vmem>>, vector<1000x128xf32>,
    %get3A_37 = arith.constant 0 : index
    %get3A_38 = arith.constant 0 : index
    %get3A_39 = vector.load %arg5[%get3A_37, %get3A_38] : memref<128x128xf32, #tpu.memory_space<vmem>>, vector<128x128xf32>
    %dot_general3A = arith.constant dense<0.000000e+00> : vector<1000x128xf32>
    %dot_general3A_40 = tpu.matmul %max3A_34, %get3A_39, %dot_general3A {dimension_numbers = #tpu.dot_dimension_numbers<[1], [0], [0], [1], [0, 0, 1, 1], [], []>, transpose_lhs_hint = false} : vector<1000x128xf32>, vector<128x128xf32>, vector<1000x128xf32> -> vector<1000x128xf32>
    %mul3A_41 = vector.broadcast %rsqrt3A : vector<1000x1xf32> to vector<1000x128xf32>
    %mul3A_42 = arith.mulf %mul3A_41, %dot_general3A_40 : vector<1000x128xf32>
    %swap3A_43 = arith.constant 0 : index
    %swap3A_44 = arith.constant 0 : index
    %swap3A_45 = vector.load %arg7[%swap3A_43, %swap3A_44] : memref<1000x128xf32, #tpu.memory_space<vmem>>, vector<1000x128xf32>
    tpu.vector_store %arg7[%swap3A_43, %swap3A_44], %mul3A_42 {strides = array<i32>} : memref<1000x128xf32, #tpu.memory_space<vmem>>, vector<1000x128xf32>,
    return
  }
  func.func @transform_0(%arg0: i32) -> (i32, i32, i32) {
    %c0_i32 = arith.constant 0 : i32
    %c0_i32_0 = arith.constant 0 : i32
    %c0_i32_1 = arith.constant 0 : i32
    return %c0_i32, %arg0, %c0_i32_0 : i32, i32, i32
  }
  func.func @transform_1(%arg0: i32) -> (i32, i32) {
    %c0_i32 = arith.constant 0 : i32
    %c0_i32_0 = arith.constant 0 : i32
    return %arg0, %c0_i32 : i32, i32
  }
  func.func @transform_2(%arg0: i32) -> (i32, i32) {
    %c0_i32 = arith.constant 0 : i32
    %c0_i32_0 = arith.constant 0 : i32
    %c0_i32_1 = arith.constant 0 : i32
    return %c0_i32, %c0_i32_0 : i32, i32
  }
  func.func @transform_3(%arg0: i32) -> (i32, i32, i32) {
    %c0_i32 = arith.constant 0 : i32
    %c0_i32_0 = arith.constant 0 : i32
    %c0_i32_1 = arith.constant 0 : i32
    return %c0_i32, %arg0, %c0_i32_0 : i32, i32, i32
  }
  func.func @transform_4(%arg0: i32) -> (i32, i32) {
    %c0_i32 = arith.constant 0 : i32
    %c0_i32_0 = arith.constant 0 : i32
    %c0_i32_1 = arith.constant 0 : i32
    return %c0_i32, %c0_i32_0 : i32, i32
  }
  func.func @transform_5(%arg0: i32) -> (i32, i32) {
    %c0_i32 = arith.constant 0 : i32
    %c0_i32_0 = arith.constant 0 : i32
    return %arg0, %c0_i32 : i32, i32
  }
  func.func @transform_6(%arg0: i32) -> (i32, i32) {
    %c0_i32 = arith.constant 0 : i32
    %c0_i32_0 = arith.constant 0 : i32
    return %arg0, %c0_i32 : i32, i32
  }
}

module attributes {stable_mosaic.version = 14 : i64} {
  func.func @_k3_body(%arg0: i32, %arg1: memref<2x1000x128xf32, #tpu.memory_space<vmem>>, %arg2: memref<1000x128xf32, #tpu.memory_space<vmem>>, %arg3: memref<1x128xf32, #tpu.memory_space<vmem>>, %arg4: memref<2x1000x8xf32, #tpu.memory_space<vmem>>, %arg5: memref<1000x128xf32, #tpu.memory_space<vmem>>, %arg6: memref<128x40xf32, #tpu.memory_space<vmem>>, %arg7: memref<1x40xf32, #tpu.memory_space<vmem>>, %arg8: memref<1000x128xf32, #tpu.memory_space<vmem>>, %arg9: memref<1000x40xf32, #tpu.memory_space<vmem>>) attributes {dimension_semantics = [#tpu.dimension_semantics<arbitrary>], iteration_bounds = array<i64: 10>, scalar_prefetch = 0 : i64, scratch_operands = 0 : i64, tpu.core_type = #tpu.core_type<tc>, window_params = [{transform_indices = @transform_0, window_bounds = array<i64: 2, 1000, 128>}, {transform_indices = @transform_1, window_bounds = array<i64: 1000, 128>}, {pipeline_mode = #tpu.pipeline_mode<synchronous>, transform_indices = @transform_2, window_bounds = array<i64: 1, 128>}, {transform_indices = @transform_3, window_bounds = array<i64: 2, 1000, 8>}, {transform_indices = @transform_4, window_bounds = array<i64: 1000, 128>}, {pipeline_mode = #tpu.pipeline_mode<synchronous>, transform_indices = @transform_5, window_bounds = array<i64: 128, 40>}, {pipeline_mode = #tpu.pipeline_mode<synchronous>, transform_indices = @transform_6, window_bounds = array<i64: 1, 40>}, {transform_indices = @transform_7, window_bounds = array<i64: 1000, 128>}, {transform_indices = @transform_8, window_bounds = array<i64: 1000, 40>}]} {
    %get3A = arith.constant 0 : index
    %get3A_0 = arith.constant 0 : index
    %get3A_1 = arith.constant 0 : index
    %get3A_2 = vector.load %arg4[%get3A, %get3A_0, %get3A_1] : memref<2x1000x8xf32, #tpu.memory_space<vmem>>, vector<1x1000x1xf32>
    %get3A_3 = vector.shape_cast %get3A_2 : vector<1x1000x1xf32> to vector<1000x1xf32>
    %get3A_4 = arith.constant 1 : index
    %get3A_5 = arith.constant 0 : index
    %get3A_6 = arith.constant 0 : index
    %get3A_7 = vector.load %arg4[%get3A_4, %get3A_5, %get3A_6] : memref<2x1000x8xf32, #tpu.memory_space<vmem>>, vector<1x1000x1xf32>
    %get3A_8 = vector.shape_cast %get3A_7 : vector<1x1000x1xf32> to vector<1000x1xf32>
    %add3A = arith.addf %get3A_3, %get3A_8 : vector<1000x1xf32>
    %add3A_9 = arith.constant 1.000000e+00 : f32
    %add3A_10 = vector.broadcast %add3A_9 : f32 to vector<1000x1xf32>
    %add3A_11 = arith.addf %add3A, %add3A_10 : vector<1000x1xf32>
    %rsqrt3A = math.rsqrt %add3A_11 : vector<1000x1xf32>
    %get3A_12 = arith.constant 0 : index
    %get3A_13 = arith.constant 0 : index
    %get3A_14 = arith.constant 0 : index
    %get3A_15 = vector.load %arg1[%get3A_12, %get3A_13, %get3A_14] : memref<2x1000x128xf32, #tpu.memory_space<vmem>>, vector<1x1000x128xf32>
    %get3A_16 = vector.shape_cast %get3A_15 : vector<1x1000x128xf32> to vector<1000x128xf32>
    %get3A_17 = arith.constant 1 : index
    %get3A_18 = arith.constant 0 : index
    %get3A_19 = arith.constant 0 : index
    %get3A_20 = vector.load %arg1[%get3A_17, %get3A_18, %get3A_19] : memref<2x1000x128xf32, #tpu.memory_space<vmem>>, vector<1x1000x128xf32>
    %get3A_21 = vector.shape_cast %get3A_20 : vector<1x1000x128xf32> to vector<1000x128xf32>
    %add3A_22 = arith.addf %get3A_16, %get3A_21 : vector<1000x128xf32>
    %get3A_23 = arith.constant 0 : index
    %get3A_24 = arith.constant 0 : index
    %get3A_25 = vector.load %arg2[%get3A_23, %get3A_24] : memref<1000x128xf32, #tpu.memory_space<vmem>>, vector<1000x128xf32>
    %add3A_26 = arith.addf %add3A_22, %get3A_25 : vector<1000x128xf32>
    %mul3A = vector.broadcast %rsqrt3A : vector<1000x1xf32> to vector<1000x128xf32>
    %mul3A_27 = arith.mulf %mul3A, %add3A_26 : vector<1000x128xf32>
    %get3A_28 = arith.constant 0 : index
    %get3A_29 = arith.constant 0 : index
    %get3A_30 = vector.load %arg3[%get3A_28, %get3A_29] : memref<1x128xf32, #tpu.memory_space<vmem>>, vector<1x128xf32>
    %add3A_31 = vector.broadcast %get3A_30 : vector<1x128xf32> to vector<1000x128xf32>
    %add3A_32 = arith.addf %mul3A_27, %add3A_31 : vector<1000x128xf32>
    %max3A = arith.constant 0.000000e+00 : f32
    %max3A_33 = vector.broadcast %max3A : f32 to vector<1000x128xf32>
    %max3A_34 = arith.maximumf %add3A_32, %max3A_33 : vector<1000x128xf32>
    %get3A_35 = arith.constant 0 : index
    %get3A_36 = arith.constant 0 : index
    %get3A_37 = vector.load %arg5[%get3A_35, %get3A_36] : memref<1000x128xf32, #tpu.memory_space<vmem>>, vector<1000x128xf32>
    %max3A_38 = arith.maximumf %get3A_37, %max3A_34 : vector<1000x128xf32>
    %swap3A = arith.constant 0 : index
    %swap3A_39 = arith.constant 0 : index
    %swap3A_40 = vector.load %arg8[%swap3A, %swap3A_39] : memref<1000x128xf32, #tpu.memory_space<vmem>>, vector<1000x128xf32>
    tpu.vector_store %arg8[%swap3A, %swap3A_39], %max3A_38 {strides = array<i32>} : memref<1000x128xf32, #tpu.memory_space<vmem>>, vector<1000x128xf32>,
    %get3A_41 = arith.constant 0 : index
    %get3A_42 = arith.constant 0 : index
    %get3A_43 = vector.load %arg6[%get3A_41, %get3A_42] : memref<128x40xf32, #tpu.memory_space<vmem>>, vector<128x40xf32>
    %dot_general3A = arith.constant dense<0.000000e+00> : vector<1000x40xf32>
    %dot_general3A_44 = tpu.matmul %max3A_38, %get3A_43, %dot_general3A {dimension_numbers = #tpu.dot_dimension_numbers<[1], [0], [0], [1], [0, 0, 1, 1], [], []>, transpose_lhs_hint = false} : vector<1000x128xf32>, vector<128x40xf32>, vector<1000x40xf32> -> vector<1000x40xf32>
    %get3A_45 = arith.constant 0 : index
    %get3A_46 = arith.constant 0 : index
    %get3A_47 = vector.load %arg7[%get3A_45, %get3A_46] : memref<1x40xf32, #tpu.memory_space<vmem>>, vector<1x40xf32>
    %add3A_48 = vector.broadcast %get3A_47 : vector<1x40xf32> to vector<1000x40xf32>
    %add3A_49 = arith.addf %dot_general3A_44, %add3A_48 : vector<1000x40xf32>
    %swap3A_50 = arith.constant 0 : index
    %swap3A_51 = arith.constant 0 : index
    %swap3A_52 = vector.load %arg9[%swap3A_50, %swap3A_51] : memref<1000x40xf32, #tpu.memory_space<vmem>>, vector<1000x40xf32>
    tpu.vector_store %arg9[%swap3A_50, %swap3A_51], %add3A_49 {strides = array<i32>} : memref<1000x40xf32, #tpu.memory_space<vmem>>, vector<1000x40xf32>,
    return
  }
  func.func @transform_0(%arg0: i32) -> (i32, i32, i32) {
    %c0_i32 = arith.constant 0 : i32
    %c0_i32_0 = arith.constant 0 : i32
    %c0_i32_1 = arith.constant 0 : i32
    return %c0_i32, %arg0, %c0_i32_0 : i32, i32, i32
  }
  func.func @transform_1(%arg0: i32) -> (i32, i32) {
    %c0_i32 = arith.constant 0 : i32
    %c0_i32_0 = arith.constant 0 : i32
    return %arg0, %c0_i32 : i32, i32
  }
  func.func @transform_2(%arg0: i32) -> (i32, i32) {
    %c0_i32 = arith.constant 0 : i32
    %c0_i32_0 = arith.constant 0 : i32
    %c0_i32_1 = arith.constant 0 : i32
    return %c0_i32, %c0_i32_0 : i32, i32
  }
  func.func @transform_3(%arg0: i32) -> (i32, i32, i32) {
    %c0_i32 = arith.constant 0 : i32
    %c0_i32_0 = arith.constant 0 : i32
    %c0_i32_1 = arith.constant 0 : i32
    return %c0_i32, %arg0, %c0_i32_0 : i32, i32, i32
  }
  func.func @transform_4(%arg0: i32) -> (i32, i32) {
    %c0_i32 = arith.constant 0 : i32
    %c0_i32_0 = arith.constant 0 : i32
    return %arg0, %c0_i32 : i32, i32
  }
  func.func @transform_5(%arg0: i32) -> (i32, i32) {
    %c0_i32 = arith.constant 0 : i32
    %c0_i32_0 = arith.constant 0 : i32
    %c0_i32_1 = arith.constant 0 : i32
    return %c0_i32, %c0_i32_0 : i32, i32
  }
  func.func @transform_6(%arg0: i32) -> (i32, i32) {
    %c0_i32 = arith.constant 0 : i32
    %c0_i32_0 = arith.constant 0 : i32
    %c0_i32_1 = arith.constant 0 : i32
    return %c0_i32, %c0_i32_0 : i32, i32
  }
  func.func @transform_7(%arg0: i32) -> (i32, i32) {
    %c0_i32 = arith.constant 0 : i32
    %c0_i32_0 = arith.constant 0 : i32
    return %arg0, %c0_i32 : i32, i32
  }
  func.func @transform_8(%arg0: i32) -> (i32, i32) {
    %c0_i32 = arith.constant 0 : i32
    %c0_i32_0 = arith.constant 0 : i32
    return %arg0, %c0_i32 : i32, i32
  }
}

</mosaic_0001>

<sc_bundles>
// kernel: kernel.11.cloned.1.call-start
scs
__scs_entry_jumppad:
0x0: {  	(pc) =	sbr.rel $0x88, $3  }
0x1: {  	(tag) =	ssettag $0x0;
	lr =	simm.s32 $0x1  }
0x2: {  	[smem:$0x3F99] =	sst lr;
	_ =	strace $0xD0000000  }
0x3: {  	_ = 	snop  }
0x4: {  	_ = 	snop  }
0x5: {  	_ = 	snop  }
0x6: {  	_ = 	snop  }
0x7: {  	_ = 	snop  }
__scs_overlays_trampoline_lowered:
0x8: {  	[smem:$0x3FA8] =	sst s0  }
0x9: {  	[smem:$0x3FA9] =	sst s1  }
0xa: {  	[smem:$0x3FAA] =	sst s2  }
0xb: {  	[smem:$0x3FAB] =	sst s3  }
0xc: {  	[smem:$0x3FAC] =	sst s4  }
0xd: {  	[smem:$0x3FAD] =	sst s5  }
0xe: {  	[smem:$0x3FAE] =	sst s6  }
0xf: {  	[smem:$0x3FAF] =	sst s7  }
0x10: {  	[smem:$0x3FB0] =	sst s8  }
0x11: {  	[smem:$0x3FB1] =	sst s9;
	s0 =	simm.s32 @!p0 $0x0  }
0x12: {  	s1 =	sld [smem:$0x3F97];
	s0 =	simm.s32 @p0 $0x1  }
0x13: {  	[smem:$0x3FB2] =	sst s0;
	s0 =	simm.s32 @!p1 $0x0  }
0x14: {  	s2 =	sld [smem:$0x3F96];
	s0 =	simm.s32 @p1 $0x1  }
0x15: {  	[smem:$0x3FB3] =	sst s0;
	s0 =	simm.s32 @!p2 $0x0  }
0x16: {  	s3 =	sld [smem:$0x3FDB];
	s0 =	simm.s32 @p2 $0x1  }
0x17: {  	s4 =	simm.s32 $0x1BF5;
	[smem:$0x3FB5] =	sst s0  }
0x18: {  	s0 =	sld [smem:$0x3F98];
	_ =	swait.ge [sflag:s4], $0x0  }
0x19: {  	s7 =	sld [smem:$0x3F99]  }
0x1a: {  	s8 =	sadd.s32 $0xFFFFE003, lr  }
0x1b: {  	s9 =	sadd.s32 $0xFFFFFEF7, lr;
	s5 =	simm.s32 $0xFFFFFFFF;
	p2 =	slt.u32 s8, $0xFFFFF086  }
0x1c: {  	p1 =	slt.u32 s9, $0xF7A;
	s5 =	simm.s32 @!p2 $0x0  }
0x1d: {  	s5 =	simm.s32 @p1 $0x1;
	p0 =	seq.s32 s7, s2  }
0x1e: {  	s7 =	smul.u32 @!p0 $0xF7A, s2;
	p2 =	seq.s32 @!p0 s5, $0x0  }
0x1f: {  	s9 =	smul.u32 $0xF7A, s1;
	s8 =	simm.s32 @!p0 $0x1BF5;
	p2 =	por !p2, p0  }
0x20: {  	[sflag:s8] =	ssyncset.s32 @!p0 $0xFFFFF086;
	s6 =	sadd.s32 @!p0 s3, s7;
	s7 =	simm.s32 @!p0 $0x108  }
0x21: {  	s3 =	sadd.s32 s3, s9;
	s6 =	sadd.s32 @!p0 $0x88, s6;
	s7 =	simm.s32 @p2 $0x1082  }
0x22: {  	[simem:s7], [sflag:s8] =	dma.local @!p0 [hbm:s6], $0xF7A  }
0x23: {  	s9 =	sor.u32 $0xD0000000, s2;
	s6 =	simm.s32 $0x108;
	_ =	swait.ge @!p0 [sflag:s8], $0x0  }
0x24: {  	s3 =	sadd.s32 $0x88, s3;
	s6 =	simm.s32 @!p1 $0x1082;
	[sflag:s4] =	ssyncset.s32 $0xFFFFF086  }
0x25: {  	[simem:s6], [sflag:s4] =	dma.local [hbm:s3], $0xF7A  }
0x26: {  	[smem:$0x3F99] =	sst s1;
	(tag) =	ssettag s2;
	_ =	strace s9  }
0x27: {  	s1 =	sld [smem:$0x3FA9]  }
0x28: {  	s2 =	sld [smem:$0x3FAA]  }
0x29: {  	s4 =	sld [smem:$0x3FAC]  }
0x2a: {  	p0 =	seq.s32 s5, $0x0;
	s5 =	sld [smem:$0x3FAD]  }
0x2b: {  	s6 =	sld [smem:$0x3FAE]  }
0x2c: {  	s7 =	sld [smem:$0x3FAF]  }
0x2d: {  	s3 =	simm.s32 $0x108;
	s8 =	sld [smem:$0x3FB0]  }
0x2e: {  	s3 =	simm.s32 @!p0 $0x1082;
	s9 =	sld [smem:$0x3FB1]  }
0x2f: {  	lr =	sadd.s32 s0, s3;
	s0 =	sld [smem:$0x3FA8]  }
0x30: {  	s3 =	sld [smem:$0x3FAB]  }
0x31: {  	[smem:$0x3FB4] =	sst s10  }
0x32: {  	s10 =	sld [smem:$0x3FB2];
	_ =	sdelay $0x3  }
0x33: {  	p0 =	seq.s32 s10, $0x1;
	s10 =	sld [smem:$0x3FB4];
	_ =	sdelay $0x3  }
0x34: {  	[smem:$0x3FB4] =	sst s10  }
0x35: {  	s10 =	sld [smem:$0x3FB3];
	_ =	sdelay $0x3  }
0x36: {  	p1 =	seq.s32 s10, $0x1;
	s10 =	sld [smem:$0x3FB4];
	_ =	sdelay $0x3  }
0x37: {  	[smem:$0x3FB4] =	sst s10  }
0x38: {  	s10 =	sld [smem:$0x3FB5]  }
0x39: {  	_ = 	snop;
	(pc) =	sbr.ind lr, $3  }
0x3a: {  	_ = 	snop  }
0x3b: {  	_ = 	snop  }
0x3c: {  	p2 =	seq.s32 s10, $0x1;
	s10 =	sld [smem:$0x3FB4]  }
0x3d: {  	_ =	shalt  }
0x3e: {  	_ =	shalt  }
0x3f: {  	_ =	shalt  }
0x40: {  	_ =	shalt  }
0x41: {  	_ =	shalt  }
0x42: {  	_ =	shalt  }
0x43: {  	_ =	shalt  }
0x44: {  	_ =	shalt  }
0x45: {  	_ =	shalt  }
0x46: {  	_ =	shalt  }
0x47: {  	_ =	shalt  }
0x48: {  	_ =	shalt  }
0x49: {  	_ =	shalt  }
0x4a: {  	_ =	shalt  }
0x4b: {  	_ =	shalt  }
0x4c: {  	_ =	shalt  }
0x4d: {  	_ =	shalt  }
0x4e: {  	_ =	shalt  }
0x4f: {  	_ =	shalt  }
0x50: {  	_ =	shalt  }
0x51: {  	_ =	shalt  }
0x52: {  	_ =	shalt  }
0x53: {  	_ =	shalt  }
0x54: {  	_ =	shalt  }
0x55: {  	_ =	shalt  }
0x56: {  	_ =	shalt  }
0x57: {  	_ =	shalt  }
0x58: {  	_ =	shalt  }
0x59: {  	_ =	shalt  }
0x5a: {  	_ =	shalt  }
0x5b: {  	_ =	shalt  }
0x5c: {  	_ =	shalt  }
0x5d: {  	_ =	shalt  }
0x5e: {  	_ =	shalt  }
0x5f: {  	_ =	shalt  }
0x60: {  	_ =	shalt  }
0x61: {  	_ =	shalt  }
0x62: {  	_ =	shalt  }
0x63: {  	_ =	shalt  }
0x64: {  	_ =	shalt  }
0x65: {  	_ =	shalt  }
0x66: {  	_ =	shalt  }
0x67: {  	_ =	shalt  }
0x68: {  	_ =	shalt  }
0x69: {  	_ =	shalt  }
0x6a: {  	_ =	shalt  }
0x6b: {  	_ =	shalt  }
0x6c: {  	_ =	shalt  }
0x6d: {  	_ =	shalt  }
0x6e: {  	_ =	shalt  }
0x6f: {  	_ =	shalt  }
0x70: {  	_ =	shalt  }
0x71: {  	_ =	shalt  }
0x72: {  	_ =	shalt  }
0x73: {  	_ =	shalt  }
0x74: {  	_ =	shalt  }
0x75: {  	_ =	shalt  }
0x76: {  	_ =	shalt  }
0x77: {  	_ =	shalt  }
0x78: {  	_ =	shalt  }
0x79: {  	_ =	shalt  }
0x7a: {  	_ =	shalt  }
0x7b: {  	_ =	shalt  }
0x7c: {  	_ =	shalt  }
0x7d: {  	_ =	shalt  }
0x7e: {  	_ =	shalt  }
0x7f: {  	_ =	shalt  }
0x80: {  	_ =	shalt  }
0x81: {  	_ =	shalt  }
0x82: {  	_ =	shalt  }
0x83: {  	_ =	shalt  }
0x84: {  	_ =	shalt  }
0x85: {  	_ =	shalt  }
0x86: {  	_ =	shalt  }
0x87: {  	_ =	shalt  }
.Lfunc_end0:
.L_simem_size_0:
called_computation.1_lowered:
.L_overlay_start_0:
0x88: {  	s2 =	sld [smem:$0x3FD9]  }
0x89: {  	s3 =	sld [smem:$0x3FFE];
	_ =	sdelay $0x1  }
0x8a: {  	s1 =	srdreg.scid  }
0x8b: {  	s0 =	sand.u32 $0x1, s1  }
0x8c: {  	s14 =	sshll.u32 s0, $0xA;
	s2 =	sadd.s32 s3, s2  }
0x8d: {  	s2 =	sadd.s32 s2, s14  }
0x8e: {  	[smem:$0x3FC0] =	sst s2  }
0x8f: {  	_ = 	snop  }
0x90: {  	s2 =	sld [smem:$0x3FD0];
	_ =	sdelay $0x2  }
0x91: {  	s15 =	simm.s32 $0xA;
	s4 =	simm.s32 $0x10  }
0x92: {  	[smem:s4], [sflag:s15] =	dma.local [hbm:s2], $0x1  }
0x93: {  	_ =	swait.eq [sflag:s15], $0x1  }
0x94: {  	[sflag:s15] =	ssyncset.done $0x0  }
0x95: {  	s16 =	sld [smem:$0x10];
	[sflag:s15] =	ssyncadd.s32 $0xFFFFFFFF  }
0x96: {  	s17 =	sld [smem:$0x11];
	(tm) =	ssettm $0x1  }
0x97: {  	s18 =	sld [smem:$0x3FFB];
	_ =	sdelay $0x3  }
0x98: {  	_ =	strace s18  }
0x99: {  	s4 =	sld [smem:$0x3FFC];
	_ =	sdelay $0x3  }
0x9a: {  	_ =	strace s4  }
0x9b: {  	s4 =	sld [smem:$0x3FFD];
	_ =	sdelay $0x3  }
0x9c: {  	_ =	strace s4  }
0x9d: {  	_ =	strace $0x8FFFFFFF  }
0x9e: {  	s19 =	sld [smem:$0x3FDB];
	_ =	sdelay $0x1  }
0x9f: {  	s5 =	simm.s32 $_scs_section_size  }
0xa0: {  	s6 =	simm.s32 $_size__tile_overlayer_lowered;
	s7 =	simm.s32 $_tile_overlayer_lowered  }
0xa1: {  	s22 =	simm.s32 $0x1BFF;
	s21 =	sshll.u32 s7, $0x1;
	s4 =	sadd.s32 s5, s19  }
0xa2: {  	s8 =	simm.s32 $0x0;
	s20 =	sshll.u32 s6, $0x1;
	s6 =	sadd.s32 s21, s4  }
0xa3: {  	[timem:s8], [sflag:s22] =	dma.local [hbm:s6], s20  }
0xa4: {  	_ =	swait.ge [sflag:s22], s20  }
0xa5: {  	s5 =	ssub.s32 $0x0, s20;
	[sflag:s22] =	ssyncset.done $0x0  }
0xa6: {  	[sflag:s22] =	ssyncadd.s32 s5;
	_ =	sdelay $0x1  }
0xa7: {  	s23 =	simm.s32 $0x1B8B  }
0xa8: {  	_ =	swait.ge [sflag:s23], $0x1  }
0xa9: {  	[sflag:s23] =	ssyncset.done $0x0  }
0xaa: {  	s25 =	simm.s32 $0x1B8E;
	s24 =	sld [smem:$0x3FFE];
	[sflag:s23] =	ssyncadd.s32 $0xFFFFFFFF  }
0xab: {  	s26 =	simm.s32 $execute0_lowered;
	[smem:$0x3FD2] =	sst s25  }
0xac: {  	s6 =	sshll.u32 s26, $0x1;
	_ =	strace $0x80000049;
	[dreg:$0x1] =	wrdreg $0xFFFFFFFF  }
0xad: {  	s28 =	simm.s32 $_size_execute0_lowered;
	s4 =	sadd.s32 s4, s6;
	[dreg:$0x0] =	wrdreg $0x0  }
0xae: {  	s6 =	sshll.u32 s28, $0x1;
	[dreg:$0x2] =	wrdreg s4  }
0xaf: {  	[dreg:$0x3] =	wrdreg s6  }
0xb0: {  	[dreg:$0x4] =	wrdreg $0xC0  }
0xb1: {  	_ =	task [dreg:s8], $0x5FFFF  }
0xb2: {  	[dreg:$0x1] =	wrdreg $0xFFFFFFFF  }
0xb3: {  	[dreg:$0x0] =	wrdreg $0x60  }
0xb4: {  	[dreg:$0x2] =	wrdreg s24  }
0xb5: {  	[dreg:$0x3] =	wrdreg s17  }
0xb6: {  	[dreg:$0x4] =	wrdreg s16  }
0xb7: {  	[dreg:$0x5] =	wrdreg $0xA4000  }
0xb8: {  	[dreg:$0x6] =	wrdreg $0x9  }
0xb9: {  	_ =	task.clear_ibuf [dreg:s8], $0x7FFFF;
	_ =	strace $0x90000049  }
0xba: {  	s29 =	simm.s32 $0x9;
	_ =	strace $0x8000004B  }
0xbb: {  	_ =	swait.ge [sflag:s29], $0x1  }
0xbc: {  	[sflag:s29] =	ssyncadd.s32 $0xFFFFFFFF  }
0xbd: {  	_ =	strace $0x9000004B  }
0xbe: {  	_ =	sfence  }
0xbf: {  	s30 =	sld [smem:$0x0];
	_ =	sdelay $0x2  }
0xc0: {  	s31 =	sshll.u32 s1, $0xD;
	s1 =	sshrl.u32 s1, $0x2  }
0xc1: {  	s3 =	sand.u32 $0x4000, s31;
	s1 =	sadd.s32 s1, s30  }
0xc2: {  	s0 =	sor.u32 s3, s0;
	s1 =	sshll.u32 s1, $0x11  }
0xc3: {  	s0 =	sor.u32 s1, s0  }
0xc4: {  	s0 =	sadd.s32 $0x8F2B, s0  }
0xc5: {  	[sflag:s0] =	ssyncadd.remote.s32 $0x1  }
0xc6: {  	_ =	sfence.sel $0xFFFF  }
0xc7: {  	[dreg:$0x0] =	wrdreg $0xFFFFFFFF;
	(pc) =	sbr.abs _section_cstart, $3  }
0xc8: {  	[dreg:$0x1] =	wrdreg $0xFFFFFFFF  }
0xc9: {  	_ =	task.clear_ibuf [dreg:s8], $0x2FFFF;
	_ =	strace $0x9FFFFFFF  }
0xca: {  	(tm) =	ssettm $0x7FFFFFFF  }
0xcb: {  	_ =	shalt  }
tec
execute0_lowered:
.L_overlay_start_1:
0x0: {  	(tag) =	ssettag $0x1  }
0x1: {  	s0 =	rddreg [dreg:$0x0]  }
0x2: {  	s1 =	rddreg [dreg:$0x1]  }
0x3: {  	s3 =	rddreg [dreg:$0x2]  }
0x4: {  	s2 =	rddreg [dreg:$0x3]  }
0x5: {  	s4 =	simm.s32 $0x0;
	s5 =	srdreg.scid;
	s15 =	stileid.u32  }
0x6: {  	s28 =	simm.s32 $0x380;
	s30 =	simm.s32 $0x50;
	s29 =	simm.s32 $0x2C00  }
0x7: {  	[smem:$0x7FF] =	sst s4;
	s7 =	sand.u32 $0x1, s5;
	s5 =	sadd.s32 $0x6AE00, s0  }
0x8: {  	s9 =	smul.u32 $0x4E000, s15;
	s6 =	sadd.s32 $0x2800, s0;
	s0 =	sadd.s32 $0x92000, s0  }
0x9: {  	s11 =	sshll.u32 s15, $0x1;
	s12 =	smul.u32 $0x13800, s15;
	s16 =	sshll.u32 s15, $0x6  }
0xa: {  	s18 =	sadd.s32 $0x138000, s2;
	s19 =	smul.u32 $0x4E20, s15;
	p0 =	sne.s32 s15, $0xF  }
0xb: {  	s15 =	simm.s32 $0x5;
	_ =	strace $0x8000004A;
	s8 =	ssub.s32 $0x2, s7  }
0xc: {  	s13 =	sor.u32 s7, s11;
	s23 =	sor.u32 $0x1C11, s16;
	s17 =	smul.u32 $0x138800, s7  }
0xd: {  	[dreg:$0xe] =	wrdreg s18;
	s21 =	smul.u32 $0x2710, s7;
	s10 =	sshrl.u32 s8, $0x1  }
0xe: {  	s9 =	sshrl.u32 s9, $0x2;
	s14 =	sshrl.u32 s12, $0x3;
	[dreg:$0xd] =	wrdreg s23  }
0xf: {  	s8 =	ssub.s32 s8, s10;
	s9 =	sadd.s32 s9, s2;
	s10 =	smul.u32 $0x2710, s13  }
0x10: {  	s12 =	sadd.s32 s12, s17;
	[dreg:$0xb] =	wrdreg s9;
	s9 =	sadd.s32 s3, s14  }
0x11: {  	s3 =	sadd.s32 $0x27000, s3;
	s12 =	sshrl.u32 s12, $0x3;
	[dreg:$0xc] =	wrdreg s9  }
0x12: {  	s10 =	sshrl.u32 s10, $0x3;
	[dreg:$0xf] =	wrdreg s3;
	s3 =	sadd.s32 s21, s19  }
0x13: {  	s25 =	sadd.s32 s0, s12;
	s9 =	sshrl.u32 s17, $0x3;
	s20 =	sadd.s32 s1, s10  }
0x14: {  	s22 =	sadd.s32 s6, s10;
	s24 =	sadd.s32 $0xA, s10;
	[dreg:$0x13] =	wrdreg s25  }
0x15: {  	s26 =	sadd.s32 $0x230, s3;
	s0 =	sadd.s32 s0, s9;
	[dreg:$0x10] =	wrdreg s20  }
0x16: {  	s14 =	sadd.s32 $0x1E0, s3;
	s25 =	smax.u32 s8, $0x1;
	[dreg:$0x11] =	wrdreg s22  }
0x17: {  	s17 =	sadd.s32 $0x190, s3;
	s3 =	sadd.s32 $0x140, s3;
	[dreg:$0x1a] =	wrdreg s25  }
0x18: {  	s13 =	sadd.s32 s1, s24;
	s31 =	sshrl.u32 s26, $0x3;
	[dreg:$0x1b] =	wrdreg s3  }
0x19: {  	s11 =	sshrl.u32 s14, $0x3;
	s7 =	sadd.s32 s6, s24;
	[dreg:$0x12] =	wrdreg s13  }
0x1a: {  	s14 =	sadd.s32 $0x14, s10;
	s0 =	sadd.s32 $0x27000, s0;
	[dreg:$0x14] =	wrdreg s7  }
0x1b: {  	s22 =	sadd.s32 $0x1E, s10;
	s16 =	sadd.s32 s31, s6;
	[dreg:$0x19] =	wrdreg s0  }
0x1c: {  	s25 =	simm.s32 $0x200;
	s18 =	sadd.s32 s11, s6;
	[dreg:$0x5] =	wrdreg s16  }
0x1d: {  	s10 =	simm.s32 $0x280;
	s20 =	sadd.s32 s1, s14;
	[dreg:$0x6] =	wrdreg s18  }
0x1e: {  	s3 =	simm.s32 $0x1;
	s21 =	sadd.s32 s6, s14;
	[dreg:$0x15] =	wrdreg s20  }
0x1f: {  	s13 =	sshrl.u32 s17, $0x3;
	s9 =	sadd.s32 s31, s1;
	[dreg:$0x16] =	wrdreg s21  }
0x20: {  	s24 =	sadd.s32 s1, s22;
	s7 =	sadd.s32 s6, s22;
	[dreg:$0x8] =	wrdreg s9  }
0x21: {  	s26 =	sadd.s32 s11, s1;
	s14 =	simm.s32 $0x9;
	[dreg:$0x17] =	wrdreg s24  }
0x22: {  	s17 =	simm.s32 $0x6;
	s22 =	simm.s32 $0xF;
	[dreg:$0x18] =	wrdreg s7  }
0x23: {  	s11 =	simm.s32 $0x0;
	s19 =	sadd.s32 s13, s6;
	[dreg:$0x9] =	wrdreg s26  }
0x24: {  	s31 =	sadd.s32 s13, s1;
	s9 =	simm.s32 $0x11;
	s7 =	simm.s32 $0x400  }
0x25: {  	s13 =	simm.s32 $0x7C00;
	s16 =	simm.s32 $0xA;
	s18 =	simm.s32 $0xC  }
0x26: {  	s20 =	simm.s32 $0xD;
	s21 =	simm.s32 $0xE;
	[dreg:$0x7] =	wrdreg s19  }
0x27: {  	s26 =	simm.s32 $0x10;
	[dreg:$0xa] =	wrdreg s31;
	s19 =	simm.s32 $0x8  }
.LBB2_1:
0x28: {  	[dreg:$0x1c] =	wrdreg s11  }
0x29: {  	s0 =	rddreg [dreg:$0xb]  }
0x2a: {  	s12 =	rddreg [dreg:$0xc];
	s8 =	sshrl.u32 s0, $0x3  }
0x2b: {  	[dreg:$0x1d] =	wrdreg s8  }
0x2c: {  	[spmem:s8], [sflag:s23] =	dma.local [hbm:s12], $0x2700  }
0x2d: {  	_ =	swait.ge [sflag:s9], $0x2700  }
0x2e: {  	s0 =	rddreg [dreg:$0xe]  }
0x2f: {  	[sflag:s9] =	ssyncset.done $0x0;
	s8 =	sshrl.u32 @!p0 s0, $0x3;
	s0 =	rddreg [dreg:$0xf]  }
0x30: {  	[sflag:s9] =	ssyncadd.s32 $0xFFFFD900;
	[dreg:$0x1e] =	wrdreg s8  }
0x31: {  	[spmem:s8], [sflag:s23] =	dma.local @!p0 [hbm:s0], $0x100  }
0x32: {  	s8 =	simm.s32 @!p0 $0x11  }
0x33: {  	_ =	swait.ge @!p0 [sflag:s8], $0x100  }
0x34: {  	[sflag:s8] =	ssyncset.done @!p0 $0x0  }
0x35: {  	[sflag:s8] =	ssyncadd.s32 @!p0 $0xFFFFFF00  }
0x36: {  	[bflag:$0x0] =	sbarrier.arrive $0xFFFF  }
0x37: {  	s24 =	rddreg [dreg:$0x10]  }
0x38: {  	[tilespmem:s4], [sflag:$0x1] =	stream.linear.gather [hbm4b:s24+s4], $0x50, $0x38;
	[tilespmem:$0x1DC80] =	vst v63  }
0x39: {  	s8 =	rddreg [dreg:$0x11]  }
0x3a: {  	[tilespmem:s25], [sflag:$0x5] =	stream.linear.gather [hbm4b:s8+s4], $0x50, $0x38;
	[tilespmem:$0x1DC80] =	vst v63  }
0x3b: {  	s9 =	rddreg [dreg:$0x12];
	s8 =	simm.s32 $0x80  }
0x3c: {  	[tilespmem:s8], [sflag:$0x2] =	stream.linear.gather [hbm4b:s9+s4], $0x50, $0x38;
	[tilespmem:$0x1DC80] =	vst v63  }
0x3d: {  	s11 =	rddreg [dreg:$0x14]  }
0x3e: {  	[tilespmem:s10], [sflag:$0x6] =	stream.linear.gather [hbm4b:s11+s4], $0x50, $0x38;
	[tilespmem:$0x1DC80] =	vst v63  }
0x3f: {  	s12 =	rddreg [dreg:$0x15];
	s9 =	simm.s32 $0x100  }
0x40: {  	[tilespmem:s9], [sflag:$0x3] =	stream.linear.gather [hbm4b:s12+s4], $0x50, $0x38;
	[tilespmem:$0x1DC80] =	vst v63  }
0x41: {  	s23 =	rddreg [dreg:$0x16];
	s24 =	simm.s32 $0x300  }
0x42: {  	[tilespmem:s24], [sflag:$0x7] =	stream.linear.gather [hbm4b:s23+s4], $0x50, $0x38;
	[tilespmem:$0x1DC80] =	vst v63  }
0x43: {  	s11 =	simm.s32 $0x180;
	s12 =	rddreg [dreg:$0x17]  }
0x44: {  	[tilespmem:s11], [sflag:$0x4] =	stream.linear.gather [hbm4b:s12+s4], $0x50, $0x38;
	[tilespmem:$0x1DC80] =	vst v63  }
0x45: {  	s23 =	rddreg [dreg:$0x18]  }
0x46: {  	[tilespmem:s28], [sflag:$0x8] =	stream.linear.gather [hbm4b:s23+s4], $0x50, $0x38;
	[tilespmem:$0x1DC80] =	vst v63  }
0x47: {  	_ =	swait.ge [sflag:s3], $0x50  }
0x48: {  	[sflag:s3] =	ssyncset.done $0x0  }
0x49: {  	s24 =	simm.s32 $0x2;
	[sflag:s3] =	ssyncadd.s32 $0xFFFFFFB0  }
0x4a: {  	[tilespmem:s7], [sflag:$0x9] =	stream.indirect.gather [hbm4b:s5+s30], $0x80, s4, s30, $0xb8;
	[tilespmem:$0x1DC80] =	vst v63  }
0x4b: {  	_ =	swait.ge [sflag:s24], $0x50  }
0x4c: {  	[sflag:s24] =	ssyncset.done $0x0  }
0x4d: {  	[sflag:s24] =	ssyncadd.s32 $0xFFFFFFB0  }
0x4e: {  	[tilespmem:s29], [sflag:$0xA] =	stream.indirect.gather [hbm4b:s5+s30], $0x80, s8, s30, $0xb8;
	[tilespmem:$0x1DC80] =	vst v63  }
0x4f: {  	s8 =	simm.s32 $0x3  }
0x50: {  	_ =	swait.ge [sflag:s8], $0x50  }
0x51: {  	[sflag:s8] =	ssyncset.done $0x0  }
0x52: {  	s12 =	simm.s32 $0x5400;
	s23 =	simm.s32 $0x4;
	[sflag:s8] =	ssyncadd.s32 $0xFFFFFFB0  }
0x53: {  	[tilespmem:s12], [sflag:$0xB] =	stream.indirect.gather [hbm4b:s5+s30], $0x80, s9, s30, $0xb8;
	[tilespmem:$0x1DC80] =	vst v63  }
0x54: {  	_ =	swait.ge [sflag:s23], $0x50  }
0x55: {  	[sflag:s23] =	ssyncset.done $0x0  }
0x56: {  	[sflag:s23] =	ssyncadd.s32 $0xFFFFFFB0  }
0x57: {  	[tilespmem:s13], [sflag:$0xC] =	stream.indirect.gather [hbm4b:s5+s30], $0x80, s11, s30, $0xb8;
	[tilespmem:$0x1DC80] =	vst v63  }
0x58: {  	_ =	swait.ge [sflag:s14], $0x2800  }
0x59: {  	[sflag:s14] =	ssyncset.done $0x0  }
0x5a: {  	[sflag:s14] =	ssyncadd.s32 $0xFFFFD800  }
0x5b: {  	_ =	swait.ge [sflag:s15], $0x50  }
0x5c: {  	[sflag:s15] =	ssyncset.done $0x0;
	s0 =	rddreg [dreg:$0x1b]  }
0x5d: {  	[sflag:s15] =	ssyncadd.s32 $0xFFFFFFB0;
	s8 =	sshrl.u32 s0, $0x3  }
0x5e: {  	[spmem:s2] =	stream.indirect.scatter.add.f32 [tilespmem:s7], [sflag:$0xD], $0x80, s25, s30, $0xb8;
	[tilespmem:$0x1DC80] =	vst v63  }
0x5f: {  	s24 =	sadd.s32 s1, s8  }
0x60: {  	[tilespmem:s4], [sflag:$0x1] =	stream.linear.gather [hbm4b:s24+s4], $0x50, $0x38;
	[tilespmem:$0x1DC80] =	vst v63  }
0x61: {  	_ =	swait.ge [sflag:s16], $0x2800  }
0x62: {  	[sflag:s16] =	ssyncset.done $0x0  }
0x63: {  	[sflag:s16] =	ssyncadd.s32 $0xFFFFD800  }
0x64: {  	_ =	swait.ge [sflag:s17], $0x50  }
0x65: {  	p1 =	por $0x0, $0x0;
	[sflag:s17] =	ssyncset.done $0x0  }
0x66: {  	s9 =	simm.s32 @p1 $0xB;
	[sflag:s17] =	ssyncadd.s32 $0xFFFFFFB0  }
0x67: {  	[spmem:s2] =	stream.indirect.scatter.add.f32 [tilespmem:s29], [sflag:$0xE], $0x80, s10, s30, $0xb8;
	[tilespmem:$0x1DC80] =	vst v63  }
0x68: {  	_ =	swait.ge @p1 [sflag:s9], $0x2800  }
0x69: {  	[sflag:s9] =	ssyncset.done @p1 $0x0  }
0x6a: {  	s11 =	simm.s32 @p1 $0x7;
	[sflag:s9] =	ssyncadd.s32 @p1 $0xFFFFD800  }
0x6b: {  	s12 =	simm.s32 @p1 $0x5400;
	_ =	swait.ge @p1 [sflag:s11], $0x50  }
0x6c: {  	s24 =	simm.s32 @p1 $0x50;
	s9 =	simm.s32 @p1 $0x300;
	[sflag:s11] =	ssyncset.done @p1 $0x0  }
0x6d: {  	s23 =	rddreg [dreg:$0xa];
	[sflag:s11] =	ssyncadd.s32 @p1 $0xFFFFFFB0;
	s11 =	simm.s32 @!p1 $0x0  }
0x6e: {  	[spmem:s2] =	stream.indirect.scatter.add.f32 @p1 [tilespmem:s12], [sflag:$0xF], $0x80, s9, s24, $0xb8;
	[tilespmem:$0x1DC80] =	vst v63  }
0x6f: {  	s9 =	simm.s32 @!p1 $0x80;
	s12 =	sadd.s32 @!p1 $0x0, s23;
	s23 =	simm.s32 @!p1 $0xB  }
0x70: {  	[tilespmem:s9], [sflag:$0x2] =	stream.linear.gather @!p1 [hbm4b:s12+s11], $0x50, $0x38;
	[tilespmem:$0x1DC80] =	vst v63  }
0x71: {  	_ =	swait.ge @!p1 [sflag:s23], $0x2800  }
0x72: {  	[sflag:s23] =	ssyncset.done @!p1 $0x0  }
0x73: {  	s9 =	simm.s32 @!p1 $0x7;
	[sflag:s23] =	ssyncadd.s32 @!p1 $0xFFFFD800  }
0x74: {  	_ =	swait.ge @!p1 [sflag:s9], $0x50  }
0x75: {  	s31 =	simm.s32 @!p1 $0x50;
	s24 =	simm.s32 @!p1 $0x5400;
	[sflag:s9] =	ssyncset.done @!p1 $0x0  }
0x76: {  	s12 =	simm.s32 @!p1 $0x300;
	s23 =	rddreg [dreg:$0x9];
	[sflag:s9] =	ssyncadd.s32 @!p1 $0xFFFFFFB0  }
0x77: {  	[spmem:s2] =	stream.indirect.scatter.add.f32 @!p1 [tilespmem:s24], [sflag:$0xF], $0x80, s12, s31, $0xb8;
	[tilespmem:$0x1DC80] =	vst v63  }
0x78: {  	s9 =	simm.s32 @!p1 $0x100;
	s12 =	sadd.s32 @!p1 $0x0, s23  }
0x79: {  	[tilespmem:s9], [sflag:$0x3] =	stream.linear.gather @!p1 [hbm4b:s12+s11], $0x50, $0x38;
	[tilespmem:$0x1DC80] =	vst v63  }
0x7a: {  	_ =	swait.ge [sflag:s18], $0x2800  }
0x7b: {  	[sflag:s18] =	ssyncset.done $0x0  }
0x7c: {  	[sflag:s18] =	ssyncadd.s32 $0xFFFFD800  }
0x7d: {  	_ =	swait.ge [sflag:s19], $0x50  }
0x7e: {  	[sflag:s19] =	ssyncset.done $0x0  }
0x7f: {  	s9 =	rddreg [dreg:$0x8];
	[sflag:s19] =	ssyncadd.s32 $0xFFFFFFB0  }
0x80: {  	[spmem:s2] =	stream.indirect.scatter.add.f32 [tilespmem:s13], [sflag:$0x10], $0x80, s28, s30, $0xb8;
	[tilespmem:$0x1DC80] =	vst v63  }
0x81: {  	s12 =	simm.s32 @!p1 $0x180;
	s9 =	sadd.s32 @!p1 $0x0, s9  }
0x82: {  	[tilespmem:s12], [sflag:$0x4] =	stream.linear.gather @!p1 [hbm4b:s9+s11], $0x50, $0x38;
	[tilespmem:$0x1DC80] =	vst v63  }
0x83: {  	_ =	swait.ge [sflag:s20], $0x2800  }
0x84: {  	[sflag:s20] =	ssyncset.done $0x0  }
0x85: {  	s8 =	sadd.s32 s6, s8;
	[sflag:s20] =	ssyncadd.s32 $0xFFFFD800  }
0x86: {  	[tilespmem:s25], [sflag:$0x5] =	stream.linear.gather [hbm4b:s8+s4], $0x50, $0x38;
	[tilespmem:$0x1DC80] =	vst v63  }
0x87: {  	_ =	swait.ge [sflag:s3], $0x50  }
0x88: {  	[sflag:s3] =	ssyncset.done $0x0  }
0x89: {  	p1 =	por $0x0, $0x0;
	[sflag:s3] =	ssyncadd.s32 $0xFFFFFFB0  }
0x8a: {  	[tilespmem:s7], [sflag:$0x9] =	stream.indirect.gather [hbm4b:s5+s30], $0x80, s4, s30, $0xb8;
	[tilespmem:$0x1DC80] =	vst v63  }
0x8b: {  	s9 =	simm.s32 @!p1 $0x0;
	_ =	swait.ge [sflag:s21], $0x2800  }
0x8c: {  	s11 =	simm.s32 @!p1 $0x280;
	s8 =	rddreg [dreg:$0x7];
	[sflag:s21] =	ssyncset.done $0x0  }
0x8d: {  	s12 =	simm.s32 @!p1 $0x2;
	[sflag:s21] =	ssyncadd.s32 $0xFFFFD800;
	s8 =	sadd.s32 @!p1 $0x0, s8  }
0x8e: {  	[tilespmem:s11], [sflag:$0x6] =	stream.linear.gather @!p1 [hbm4b:s8+s9], $0x50, $0x38;
	[tilespmem:$0x1DC80] =	vst v63  }
0x8f: {  	_ =	swait.ge @!p1 [sflag:s12], $0x50  }
0x90: {  	s8 =	simm.s32 @!p1 $0x2C00;
	[sflag:s12] =	ssyncset.done @!p1 $0x0  }
0x91: {  	s9 =	simm.s32 @!p1 $0x50;
	s11 =	simm.s32 @!p1 $0x80;
	[sflag:s12] =	ssyncadd.s32 @!p1 $0xFFFFFFB0  }
0x92: {  	[tilespmem:s8], [sflag:$0xA] =	stream.indirect.gather @!p1 [hbm4b:s5+s9], $0x80, s11, s9, $0xb8;
	[tilespmem:$0x1DC80] =	vst v63  }
0x93: {  	p1 =	por $0x0, $0x0  }
0x94: {  	_ =	swait.ge [sflag:s22], $0x2800;
	s9 =	simm.s32 @!p1 $0x0  }
0x95: {  	s11 =	simm.s32 @!p1 $0x300;
	s8 =	rddreg [dreg:$0x6];
	[sflag:s22] =	ssyncset.done $0x0  }
0x96: {  	s12 =	simm.s32 @!p1 $0x3;
	[sflag:s22] =	ssyncadd.s32 $0xFFFFD800;
	s8 =	sadd.s32 @!p1 $0x0, s8  }
0x97: {  	[tilespmem:s11], [sflag:$0x7] =	stream.linear.gather @!p1 [hbm4b:s8+s9], $0x50, $0x38;
	[tilespmem:$0x1DC80] =	vst v63  }
0x98: {  	p2 =	por $0x0, $0x0;
	_ =	swait.ge @!p1 [sflag:s12], $0x50  }
0x99: {  	s23 =	simm.s32 @!p2 $0x380;
	s8 =	simm.s32 @!p1 $0x5400;
	[sflag:s12] =	ssyncset.done @!p1 $0x0  }
0x9a: {  	s9 =	simm.s32 @!p1 $0x50;
	s11 =	simm.s32 @!p1 $0x100;
	[sflag:s12] =	ssyncadd.s32 @!p1 $0xFFFFFFB0  }
0x9b: {  	[tilespmem:s8], [sflag:$0xB] =	stream.indirect.gather @!p1 [hbm4b:s5+s9], $0x80, s11, s9, $0xb8;
	[tilespmem:$0x1DC80] =	vst v63  }
0x9c: {  	s24 =	simm.s32 @!p2 $0x4;
	s31 =	simm.s32 @!p2 $0x7C00;
	_ =	swait.ge [sflag:s26], $0x2800  }
0x9d: {  	s12 =	simm.s32 $0x28;
	s8 =	rddreg [dreg:$0x5];
	[sflag:s26] =	ssyncset.done $0x0  }
0x9e: {  	s9 =	simm.s32 @!p2 $0x0;
	[sflag:s26] =	ssyncadd.s32 $0xFFFFD800;
	s8 =	sadd.s32 @!p2 $0x0, s8  }
0x9f: {  	[tilespmem:s23], [sflag:$0x8] =	stream.linear.gather @!p2 [hbm4b:s8+s9], $0x50, $0x38;
	[tilespmem:$0x1DC80] =	vst v63  }
0xa0: {  	s11 =	simm.s32 $0x7;
	s23 =	sadd.s32 $0x140, s0;
	_ =	swait.ge @!p2 [sflag:s24], $0x50  }
0xa1: {  	s8 =	simm.s32 @!p2 $0x50;
	s9 =	simm.s32 @!p2 $0x180;
	[sflag:s24] =	ssyncset.done @!p2 $0x0  }
.LBB2_2:
0xa2: {  	[sflag:s24] =	ssyncadd.s32 @!p2 $0xFFFFFFB0  }
0xa3: {  	[tilespmem:s31], [sflag:$0xC] =	stream.indirect.gather @!p2 [hbm4b:s5+s8], $0x80, s9, s8, $0xb8;
	[tilespmem:$0x1DC80] =	vst v63  }
0xa4: {  	_ =	swait.ge [sflag:s14], $0x2800  }
0xa5: {  	[sflag:s14] =	ssyncset.done $0x0  }
0xa6: {  	[sflag:s14] =	ssyncadd.s32 $0xFFFFD800  }
0xa7: {  	_ =	swait.ge [sflag:s15], $0x50  }
0xa8: {  	[sflag:s15] =	ssyncset.done $0x0  }
0xa9: {  	s31 =	sshrl.u32 s23, $0x3;
	[sflag:s15] =	ssyncadd.s32 $0xFFFFFFB0  }
0xaa: {  	[spmem:s2] =	stream.indirect.scatter.add.f32 [tilespmem:s7], [sflag:$0xD], $0x80, s25, s30, $0xb8;
	[tilespmem:$0x1DC80] =	vst v63  }
0xab: {  	s0 =	sadd.s32 s1, s31  }
0xac: {  	[tilespmem:s4], [sflag:$0x1] =	stream.linear.gather [hbm4b:s0+s4], $0x50, $0x38;
	[tilespmem:$0x1DC80] =	vst v63  }
0xad: {  	_ =	swait.ge [sflag:s16], $0x2800  }
0xae: {  	[sflag:s16] =	ssyncset.done $0x0  }
0xaf: {  	[sflag:s16] =	ssyncadd.s32 $0xFFFFD800  }
0xb0: {  	s24 =	smov.u32 s12;
	_ =	swait.ge [sflag:s17], $0x50  }
0xb1: {  	p2 =	seq.s32 s24, $0x4B0;
	[sflag:s17] =	ssyncset.done $0x0  }
0xb2: {  	s8 =	simm.s32 @p2 $0xB;
	[sflag:s17] =	ssyncadd.s32 $0xFFFFFFB0  }
0xb3: {  	[spmem:s2] =	stream.indirect.scatter.add.f32 [tilespmem:s29], [sflag:$0xE], $0x80, s10, s30, $0xb8;
	[tilespmem:$0x1DC80] =	vst v63  }
0xb4: {  	_ =	swait.ge @p2 [sflag:s8], $0x2800  }
0xb5: {  	[sflag:s8] =	ssyncset.done @p2 $0x0  }
0xb6: {  	s9 =	simm.s32 @p2 $0x7;
	[sflag:s8] =	ssyncadd.s32 @p2 $0xFFFFD800  }
0xb7: {  	s0 =	simm.s32 @!p2 $0x80;
	s29 =	simm.s32 @p2 $0x5400;
	_ =	swait.ge @p2 [sflag:s9], $0x50  }
0xb8: {  	s10 =	smov.u32 s1;
	s1 =	simm.s32 @p2 $0x50;
	[sflag:s9] =	ssyncset.done @p2 $0x0  }
0xb9: {  	s8 =	simm.s32 @p2 $0x300;
	s28 =	rddreg [dreg:$0xa];
	[sflag:s9] =	ssyncadd.s32 @p2 $0xFFFFFFB0  }
0xba: {  	[spmem:s2] =	stream.indirect.scatter.add.f32 @p2 [tilespmem:s29], [sflag:$0xF], $0x80, s8, s1, $0xb8;
	[tilespmem:$0x1DC80] =	vst v63  }
0xbb: {  	s9 =	simm.s32 @!p2 $0x0;
	s1 =	sadd.s32 @!p2 s24, s28;
	s8 =	simm.s32 @!p2 $0xB  }
0xbc: {  	[tilespmem:s0], [sflag:$0x2] =	stream.linear.gather @!p2 [hbm4b:s1+s9], $0x50, $0x38;
	[tilespmem:$0x1DC80] =	vst v63  }
0xbd: {  	_ =	swait.ge @!p2 [sflag:s8], $0x2800  }
0xbe: {  	[sflag:s8] =	ssyncset.done @!p2 $0x0  }
0xbf: {  	s0 =	simm.s32 @!p2 $0x7;
	[sflag:s8] =	ssyncadd.s32 @!p2 $0xFFFFD800  }
0xc0: {  	_ =	swait.ge @!p2 [sflag:s0], $0x50  }
0xc1: {  	s28 =	simm.s32 @!p2 $0x50;
	s1 =	simm.s32 @!p2 $0x300;
	[sflag:s0] =	ssyncset.done @!p2 $0x0  }
0xc2: {  	s8 =	simm.s32 @!p2 $0x5400;
	s29 =	rddreg [dreg:$0x9];
	[sflag:s0] =	ssyncadd.s32 @!p2 $0xFFFFFFB0  }
0xc3: {  	[spmem:s2] =	stream.indirect.scatter.add.f32 @!p2 [tilespmem:s8], [sflag:$0xF], $0x80, s1, s28, $0xb8;
	[tilespmem:$0x1DC80] =	vst v63  }
0xc4: {  	s0 =	simm.s32 @!p2 $0x100;
	s1 =	sadd.s32 @!p2 s24, s29  }
0xc5: {  	[tilespmem:s0], [sflag:$0x3] =	stream.linear.gather @!p2 [hbm4b:s1+s9], $0x50, $0x38;
	[tilespmem:$0x1DC80] =	vst v63  }
0xc6: {  	_ =	swait.ge [sflag:s18], $0x2800  }
0xc7: {  	[sflag:s18] =	ssyncset.done $0x0  }
0xc8: {  	[sflag:s18] =	ssyncadd.s32 $0xFFFFD800  }
0xc9: {  	_ =	swait.ge [sflag:s19], $0x50  }
0xca: {  	[sflag:s19] =	ssyncset.done $0x0  }
0xcb: {  	s28 =	simm.s32 $0x380;
	s0 =	rddreg [dreg:$0x8];
	[sflag:s19] =	ssyncadd.s32 $0xFFFFFFB0  }
0xcc: {  	[spmem:s2] =	stream.indirect.scatter.add.f32 [tilespmem:s13], [sflag:$0x10], $0x80, s28, s30, $0xb8;
	[tilespmem:$0x1DC80] =	vst v63  }
0xcd: {  	s1 =	simm.s32 @!p2 $0x180;
	s0 =	sadd.s32 @!p2 s24, s0  }
0xce: {  	[tilespmem:s1], [sflag:$0x4] =	stream.linear.gather @!p2 [hbm4b:s0+s9], $0x50, $0x38;
	[tilespmem:$0x1DC80] =	vst v63  }
0xcf: {  	_ =	swait.ge [sflag:s20], $0x2800  }
0xd0: {  	[sflag:s20] =	ssyncset.done $0x0  }
0xd1: {  	s1 =	sadd.s32 s6, s31;
	[sflag:s20] =	ssyncadd.s32 $0xFFFFD800  }
0xd2: {  	[tilespmem:s25], [sflag:$0x5] =	stream.linear.gather [hbm4b:s1+s4], $0x50, $0x38;
	[tilespmem:$0x1DC80] =	vst v63  }
0xd3: {  	s11 =	sadd.s32 $0x4, s11;
	_ =	swait.ge [sflag:s3], $0x50  }
0xd4: {  	s8 =	sadd.s32 $0xFFFFFFFE, s11;
	[sflag:s3] =	ssyncset.done $0x0  }
0xd5: {  	p2 =	sgt.u32 s8, $0x7C;
	[sflag:s3] =	ssyncadd.s32 $0xFFFFFFB0  }
0xd6: {  	[tilespmem:s7], [sflag:$0x9] =	stream.indirect.gather [hbm4b:s5+s30], $0x80, s4, s30, $0xb8;
	[tilespmem:$0x1DC80] =	vst v63  }
0xd7: {  	s0 =	simm.s32 @!p2 $0x0;
	_ =	swait.ge [sflag:s21], $0x2800  }
0xd8: {  	s8 =	simm.s32 @!p2 $0x280;
	s1 =	rddreg [dreg:$0x7];
	[sflag:s21] =	ssyncset.done $0x0  }
0xd9: {  	s9 =	simm.s32 @!p2 $0x2;
	[sflag:s21] =	ssyncadd.s32 $0xFFFFD800;
	s1 =	sadd.s32 @!p2 s24, s1  }
0xda: {  	[tilespmem:s8], [sflag:$0x6] =	stream.linear.gather @!p2 [hbm4b:s1+s0], $0x50, $0x38;
	[tilespmem:$0x1DC80] =	vst v63  }
0xdb: {  	_ =	swait.ge @!p2 [sflag:s9], $0x50  }
0xdc: {  	s0 =	simm.s32 @!p2 $0x2C00;
	s1 =	simm.s32 @!p2 $0x50;
	[sflag:s9] =	ssyncset.done @!p2 $0x0  }
0xdd: {  	s8 =	simm.s32 @!p2 $0x80;
	[sflag:s9] =	ssyncadd.s32 @!p2 $0xFFFFFFB0;
	s9 =	sadd.s32 $0xFFFFFFFF, s11  }
0xde: {  	[tilespmem:s0], [sflag:$0xA] =	stream.indirect.gather @!p2 [hbm4b:s5+s1], $0x80, s8, s1, $0xb8;
	[tilespmem:$0x1DC80] =	vst v63  }
0xdf: {  	p2 =	sgt.u32 s9, $0x7C  }
0xe0: {  	s12 =	sadd.s32 $0x28, s12;
	_ =	swait.ge [sflag:s22], $0x2800;
	s0 =	simm.s32 @!p2 $0x0  }
0xe1: {  	s8 =	simm.s32 @!p2 $0x300;
	s1 =	rddreg [dreg:$0x6];
	[sflag:s22] =	ssyncset.done $0x0  }
0xe2: {  	s9 =	simm.s32 @!p2 $0x3;
	[sflag:s22] =	ssyncadd.s32 $0xFFFFD800;
	s1 =	sadd.s32 @!p2 s24, s1  }
0xe3: {  	[tilespmem:s8], [sflag:$0x7] =	stream.linear.gather @!p2 [hbm4b:s1+s0], $0x50, $0x38;
	[tilespmem:$0x1DC80] =	vst v63  }
0xe4: {  	p1 =	sne.s32 s12, $0x4D8;
	_ =	swait.ge @!p2 [sflag:s9], $0x50  }
0xe5: {  	s23 =	sadd.s32 $0x140, s23;
	s0 =	simm.s32 @!p2 $0x5400;
	[sflag:s9] =	ssyncset.done @!p2 $0x0  }
0xe6: {  	s1 =	simm.s32 @!p2 $0x50;
	s8 =	simm.s32 @!p2 $0x100;
	[sflag:s9] =	ssyncadd.s32 @!p2 $0xFFFFFFB0  }
0xe7: {  	[tilespmem:s0], [sflag:$0xB] =	stream.indirect.gather @!p2 [hbm4b:s5+s1], $0x80, s8, s1, $0xb8;
	[tilespmem:$0x1DC80] =	vst v63  }
0xe8: {  	s29 =	simm.s32 $0x2C00;
	p2 =	sgt.u32 s11, $0x7C;
	_ =	swait.ge [sflag:s26], $0x2800  }
0xe9: {  	s1 =	simm.s32 @!p2 $0x0;
	s8 =	simm.s32 @!p2 $0x380;
	s31 =	simm.s32 @!p2 $0x7C00  }
.Ltmp0:
0xea: {  	s0 =	rddreg [dreg:$0x5];
	[sflag:s26] =	ssyncset.done $0x0;
	(pc) =	sbr.rel @p1 .LBB2_2-.Ltmp0, $4  }
0xeb: {  	[sflag:s26] =	ssyncadd.s32 $0xFFFFD800;
	s0 =	sadd.s32 @!p2 s24, s0;
	s24 =	simm.s32 @!p2 $0x4  }
0xec: {  	[tilespmem:s8], [sflag:$0x8] =	stream.linear.gather @!p2 [hbm4b:s0+s1], $0x50, $0x38;
	[tilespmem:$0x1DC80] =	vst v63  }
0xed: {  	s9 =	simm.s32 @!p2 $0x180;
	s1 =	smov.u32 s10;
	_ =	swait.ge @!p2 [sflag:s24], $0x50  }
0xee: {  	s10 =	simm.s32 $0x280;
	s8 =	simm.s32 @!p2 $0x50;
	[sflag:s24] =	ssyncset.done @!p2 $0x0  }
0xef: {  	[sflag:s24] =	ssyncadd.s32 @!p2 $0xFFFFFFB0  }
0xf0: {  	[tilespmem:s31], [sflag:$0xC] =	stream.indirect.gather @!p2 [hbm4b:s5+s8], $0x80, s9, s8, $0xb8;
	[tilespmem:$0x1DC80] =	vst v63  }
0xf1: {  	_ =	swait.ge [sflag:s14], $0x2800  }
0xf2: {  	[sflag:s14] =	ssyncset.done $0x0  }
0xf3: {  	[sflag:s14] =	ssyncadd.s32 $0xFFFFD800  }
0xf4: {  	_ =	swait.ge [sflag:s15], $0x50  }
0xf5: {  	[sflag:s15] =	ssyncset.done $0x0  }
0xf6: {  	[sflag:s15] =	ssyncadd.s32 $0xFFFFFFB0  }
0xf7: {  	[spmem:s2] =	stream.indirect.scatter.add.f32 [tilespmem:s7], [sflag:$0xD], $0x80, s25, s30, $0xb8;
	[tilespmem:$0x1DC80] =	vst v63  }
0xf8: {  	_ =	swait.ge [sflag:s20], $0x2800  }
0xf9: {  	[sflag:s20] =	ssyncset.done $0x0  }
0xfa: {  	[sflag:s20] =	ssyncadd.s32 $0xFFFFD800  }
0xfb: {  	[bflag:$0x0] =	sbarrier.arrive $0xFFFF  }
0xfc: {  	s23 =	rddreg [dreg:$0xd]  }
0xfd: {  	s0 =	rddreg [dreg:$0x13]  }
0xfe: {  	s9 =	simm.s32 $0x11;
	s24 =	rddreg [dreg:$0x1d]  }
0xff: {  	[hbm:s0], [sflag:s23] =	dma.local [spmem:s24], $0x2700  }
0x100: {  	_ =	swait.ge [sflag:s9], $0x2700  }
0x101: {  	[sflag:s9] =	ssyncset.done $0x0;
	s0 =	rddreg [dreg:$0x19]  }
0x102: {  	s8 =	rddreg [dreg:$0x1e];
	[sflag:s9] =	ssyncadd.s32 $0xFFFFD900  }
0x103: {  	[hbm:s0], [sflag:s23] =	dma.local @!p0 [spmem:s8], $0x100  }
0x104: {  	s0 =	simm.s32 @!p0 $0x11  }
0x105: {  	_ =	swait.ge @!p0 [sflag:s0], $0x100  }
0x106: {  	s11 =	rddreg [dreg:$0x1c]  }
0x107: {  	s31 =	rddreg [dreg:$0x1a];
	s11 =	sadd.s32 $0x1, s11  }
0x108: {  	p1 =	sne.s32 s11, s31  }
.Ltmp1:
0x109: {  	_ = 	snop;
	(pc) =	sbr.rel @p1 .LBB2_1-.Ltmp1, $3  }
0x10a: {  	_ =	sdelay $0x1  }
0x10b: {  	[sflag:s0] =	ssyncset.done @!p0 $0x0  }
0x10c: {  	[sflag:s0] =	ssyncadd.s32 @!p0 $0xFFFFFF00  }
0x10d: {  	_ =	sfence.sel $0x180000  }
0x10e: {  	[bflag:$0x0] =	sbarrier.arrive $0xFFFF  }
0x10f: {  	_ =	strace $0x9000004A  }
0x110: {  	s0 =	stileid.u32;
	[bflag:$0x2] =	sbarrier.arrive $0xFFFF  }
0x111: {  	p0 =	sne.s32 s0, $0x0;
	s0 =	rddreg [dreg:$0x4]  }
0x112: {  	s0 =	sadd.s32 @!p0 $0x100000, s0  }
0x113: {  	[sflag:s0] =	ssyncadd.tile.s32 @!p0 $0x1;
	_ =	shalt  }
.Lfunc_end2:
_tile_overlayer_lowered:
.L_overlay_start_2:
0x114: {  	(tag) =	ssettag $0x2  }
0x115: {  	s0 =	rddreg [dreg:$0x0];
	s2 =	stileid.u32  }
0x116: {  	s1 =	rddreg [dreg:$0x1];
	p0 =	sne.s32 s2, $0x0  }
0x117: {  	s3 =	rddreg [dreg:$0x2];
	[bflag:$0x3] =	sbarrier.arrive $0xFFFF;
	s2 =	simm.s32 @!p0 $0x1C11  }
0x118: {  	[timem:s3], [sflag:s2] =	dma.local @!p0 [hbm:s0], s1  }
0x119: {  	s0 =	simm.s32 @!p0 $0x11  }
0x11a: {  	_ =	swait.ge @!p0 [sflag:s0], s1  }
0x11b: {  	s1 =	ssub.s32 @!p0 $0x0, s1;
	[sflag:s0] =	ssyncset.done @!p0 $0x0  }
0x11c: {  	[sflag:s0] =	ssyncadd.s32 @!p0 s1  }
0x11d: {  	[bflag:$0x3] =	sbarrier.arrive $0xFFFF  }
0x11e: {  	_ =	shalt  }

// kernel: kernel.14.cloned.1.call-start
scs
__scs_entry_jumppad:
0x0: {  	(pc) =	sbr.rel $0x88, $3  }
0x1: {  	(tag) =	ssettag $0x0;
	lr =	simm.s32 $0x1  }
0x2: {  	[smem:$0x3F99] =	sst lr;
	_ =	strace $0xD0000000  }
0x3: {  	_ = 	snop  }
0x4: {  	_ = 	snop  }
0x5: {  	_ = 	snop  }
0x6: {  	_ = 	snop  }
0x7: {  	_ = 	snop  }
__scs_overlays_trampoline_lowered:
0x8: {  	[smem:$0x3FA8] =	sst s0  }
0x9: {  	[smem:$0x3FA9] =	sst s1  }
0xa: {  	[smem:$0x3FAA] =	sst s2  }
0xb: {  	[smem:$0x3FAB] =	sst s3  }
0xc: {  	[smem:$0x3FAC] =	sst s4  }
0xd: {  	[smem:$0x3FAD] =	sst s5  }
0xe: {  	[smem:$0x3FAE] =	sst s6  }
0xf: {  	[smem:$0x3FAF] =	sst s7  }
0x10: {  	[smem:$0x3FB0] =	sst s8  }
0x11: {  	[smem:$0x3FB1] =	sst s9;
	s0 =	simm.s32 @!p0 $0x0  }
0x12: {  	s1 =	sld [smem:$0x3F97];
	s0 =	simm.s32 @p0 $0x1  }
0x13: {  	[smem:$0x3FB2] =	sst s0;
	s0 =	simm.s32 @!p1 $0x0  }
0x14: {  	s2 =	sld [smem:$0x3F96];
	s0 =	simm.s32 @p1 $0x1  }
0x15: {  	[smem:$0x3FB3] =	sst s0;
	s0 =	simm.s32 @!p2 $0x0  }
0x16: {  	s3 =	sld [smem:$0x3FDB];
	s0 =	simm.s32 @p2 $0x1  }
0x17: {  	s4 =	simm.s32 $0x1BF5;
	[smem:$0x3FB5] =	sst s0  }
0x18: {  	s0 =	sld [smem:$0x3F98];
	_ =	swait.ge [sflag:s4], $0x0  }
0x19: {  	s7 =	sld [smem:$0x3F99]  }
0x1a: {  	s8 =	sadd.s32 $0xFFFFE003, lr  }
0x1b: {  	s9 =	sadd.s32 $0xFFFFFEF7, lr;
	s5 =	simm.s32 $0xFFFFFFFF;
	p2 =	slt.u32 s8, $0xFFFFF086  }
0x1c: {  	p1 =	slt.u32 s9, $0xF7A;
	s5 =	simm.s32 @!p2 $0x0  }
0x1d: {  	s5 =	simm.s32 @p1 $0x1;
	p0 =	seq.s32 s7, s2  }
0x1e: {  	s7 =	smul.u32 @!p0 $0xF7A, s2;
	p2 =	seq.s32 @!p0 s5, $0x0  }
0x1f: {  	s9 =	smul.u32 $0xF7A, s1;
	s8 =	simm.s32 @!p0 $0x1BF5;
	p2 =	por !p2, p0  }
0x20: {  	[sflag:s8] =	ssyncset.s32 @!p0 $0xFFFFF086;
	s6 =	sadd.s32 @!p0 s3, s7;
	s7 =	simm.s32 @!p0 $0x108  }
0x21: {  	s3 =	sadd.s32 s3, s9;
	s6 =	sadd.s32 @!p0 $0x88, s6;
	s7 =	simm.s32 @p2 $0x1082  }
0x22: {  	[simem:s7], [sflag:s8] =	dma.local @!p0 [hbm:s6], $0xF7A  }
0x23: {  	s9 =	sor.u32 $0xD0000000, s2;
	s6 =	simm.s32 $0x108;
	_ =	swait.ge @!p0 [sflag:s8], $0x0  }
0x24: {  	s3 =	sadd.s32 $0x88, s3;
	s6 =	simm.s32 @!p1 $0x1082;
	[sflag:s4] =	ssyncset.s32 $0xFFFFF086  }
0x25: {  	[simem:s6], [sflag:s4] =	dma.local [hbm:s3], $0xF7A  }
0x26: {  	[smem:$0x3F99] =	sst s1;
	(tag) =	ssettag s2;
	_ =	strace s9  }
0x27: {  	s1 =	sld [smem:$0x3FA9]  }
0x28: {  	s2 =	sld [smem:$0x3FAA]  }
0x29: {  	s4 =	sld [smem:$0x3FAC]  }
0x2a: {  	p0 =	seq.s32 s5, $0x0;
	s5 =	sld [smem:$0x3FAD]  }
0x2b: {  	s6 =	sld [smem:$0x3FAE]  }
0x2c: {  	s7 =	sld [smem:$0x3FAF]  }
0x2d: {  	s3 =	simm.s32 $0x108;
	s8 =	sld [smem:$0x3FB0]  }
0x2e: {  	s3 =	simm.s32 @!p0 $0x1082;
	s9 =	sld [smem:$0x3FB1]  }
0x2f: {  	lr =	sadd.s32 s0, s3;
	s0 =	sld [smem:$0x3FA8]  }
0x30: {  	s3 =	sld [smem:$0x3FAB]  }
0x31: {  	[smem:$0x3FB4] =	sst s10  }
0x32: {  	s10 =	sld [smem:$0x3FB2];
	_ =	sdelay $0x3  }
0x33: {  	p0 =	seq.s32 s10, $0x1;
	s10 =	sld [smem:$0x3FB4];
	_ =	sdelay $0x3  }
0x34: {  	[smem:$0x3FB4] =	sst s10  }
0x35: {  	s10 =	sld [smem:$0x3FB3];
	_ =	sdelay $0x3  }
0x36: {  	p1 =	seq.s32 s10, $0x1;
	s10 =	sld [smem:$0x3FB4];
	_ =	sdelay $0x3  }
0x37: {  	[smem:$0x3FB4] =	sst s10  }
0x38: {  	s10 =	sld [smem:$0x3FB5]  }
0x39: {  	_ = 	snop;
	(pc) =	sbr.ind lr, $3  }
0x3a: {  	_ = 	snop  }
0x3b: {  	_ = 	snop  }
0x3c: {  	p2 =	seq.s32 s10, $0x1;
	s10 =	sld [smem:$0x3FB4]  }
0x3d: {  	_ =	shalt  }
0x3e: {  	_ =	shalt  }
0x3f: {  	_ =	shalt  }
0x40: {  	_ =	shalt  }
0x41: {  	_ =	shalt  }
0x42: {  	_ =	shalt  }
0x43: {  	_ =	shalt  }
0x44: {  	_ =	shalt  }
0x45: {  	_ =	shalt  }
0x46: {  	_ =	shalt  }
0x47: {  	_ =	shalt  }
0x48: {  	_ =	shalt  }
0x49: {  	_ =	shalt  }
0x4a: {  	_ =	shalt  }
0x4b: {  	_ =	shalt  }
0x4c: {  	_ =	shalt  }
0x4d: {  	_ =	shalt  }
0x4e: {  	_ =	shalt  }
0x4f: {  	_ =	shalt  }
0x50: {  	_ =	shalt  }
0x51: {  	_ =	shalt  }
0x52: {  	_ =	shalt  }
0x53: {  	_ =	shalt  }
0x54: {  	_ =	shalt  }
0x55: {  	_ =	shalt  }
0x56: {  	_ =	shalt  }
0x57: {  	_ =	shalt  }
0x58: {  	_ =	shalt  }
0x59: {  	_ =	shalt  }
0x5a: {  	_ =	shalt  }
0x5b: {  	_ =	shalt  }
0x5c: {  	_ =	shalt  }
0x5d: {  	_ =	shalt  }
0x5e: {  	_ =	shalt  }
0x5f: {  	_ =	shalt  }
0x60: {  	_ =	shalt  }
0x61: {  	_ =	shalt  }
0x62: {  	_ =	shalt  }
0x63: {  	_ =	shalt  }
0x64: {  	_ =	shalt  }
0x65: {  	_ =	shalt  }
0x66: {  	_ =	shalt  }
0x67: {  	_ =	shalt  }
0x68: {  	_ =	shalt  }
0x69: {  	_ =	shalt  }
0x6a: {  	_ =	shalt  }
0x6b: {  	_ =	shalt  }
0x6c: {  	_ =	shalt  }
0x6d: {  	_ =	shalt  }
0x6e: {  	_ =	shalt  }
0x6f: {  	_ =	shalt  }
0x70: {  	_ =	shalt  }
0x71: {  	_ =	shalt  }
0x72: {  	_ =	shalt  }
0x73: {  	_ =	shalt  }
0x74: {  	_ =	shalt  }
0x75: {  	_ =	shalt  }
0x76: {  	_ =	shalt  }
0x77: {  	_ =	shalt  }
0x78: {  	_ =	shalt  }
0x79: {  	_ =	shalt  }
0x7a: {  	_ =	shalt  }
0x7b: {  	_ =	shalt  }
0x7c: {  	_ =	shalt  }
0x7d: {  	_ =	shalt  }
0x7e: {  	_ =	shalt  }
0x7f: {  	_ =	shalt  }
0x80: {  	_ =	shalt  }
0x81: {  	_ =	shalt  }
0x82: {  	_ =	shalt  }
0x83: {  	_ =	shalt  }
0x84: {  	_ =	shalt  }
0x85: {  	_ =	shalt  }
0x86: {  	_ =	shalt  }
0x87: {  	_ =	shalt  }
.Lfunc_end0:
.L_simem_size_0:
called_computation.2_lowered:
.L_overlay_start_0:
0x88: {  	s2 =	sld [smem:$0x3FD9]  }
0x89: {  	s3 =	sld [smem:$0x3FFE];
	_ =	sdelay $0x1  }
0x8a: {  	s1 =	srdreg.scid  }
0x8b: {  	s0 =	sand.u32 $0x1, s1  }
0x8c: {  	s14 =	sshll.u32 s0, $0xA;
	s2 =	sadd.s32 s3, s2  }
0x8d: {  	s2 =	sadd.s32 s2, s14  }
0x8e: {  	[smem:$0x3FC0] =	sst s2  }
0x8f: {  	_ = 	snop  }
0x90: {  	s2 =	sld [smem:$0x3FD0];
	_ =	sdelay $0x2  }
0x91: {  	s15 =	simm.s32 $0xA;
	s4 =	simm.s32 $0x10  }
0x92: {  	[smem:s4], [sflag:s15] =	dma.local [hbm:s2], $0x1  }
0x93: {  	_ =	swait.eq [sflag:s15], $0x1  }
0x94: {  	[sflag:s15] =	ssyncset.done $0x0  }
0x95: {  	s16 =	sld [smem:$0x10];
	[sflag:s15] =	ssyncadd.s32 $0xFFFFFFFF  }
0x96: {  	s17 =	sld [smem:$0x11];
	(tm) =	ssettm $0x1  }
0x97: {  	s18 =	sld [smem:$0x3FFB];
	_ =	sdelay $0x3  }
0x98: {  	_ =	strace s18  }
0x99: {  	s4 =	sld [smem:$0x3FFC];
	_ =	sdelay $0x3  }
0x9a: {  	_ =	strace s4  }
0x9b: {  	s4 =	sld [smem:$0x3FFD];
	_ =	sdelay $0x3  }
0x9c: {  	_ =	strace s4  }
0x9d: {  	_ =	strace $0x8FFFFFFF  }
0x9e: {  	s19 =	sld [smem:$0x3FDB];
	_ =	sdelay $0x1  }
0x9f: {  	s5 =	simm.s32 $_scs_section_size  }
0xa0: {  	s6 =	simm.s32 $_size__tile_overlayer_lowered;
	s7 =	simm.s32 $_tile_overlayer_lowered  }
0xa1: {  	s22 =	simm.s32 $0x1BFF;
	s21 =	sshll.u32 s7, $0x1;
	s4 =	sadd.s32 s5, s19  }
0xa2: {  	s8 =	simm.s32 $0x0;
	s20 =	sshll.u32 s6, $0x1;
	s6 =	sadd.s32 s21, s4  }
0xa3: {  	[timem:s8], [sflag:s22] =	dma.local [hbm:s6], s20  }
0xa4: {  	_ =	swait.ge [sflag:s22], s20  }
0xa5: {  	s5 =	ssub.s32 $0x0, s20;
	[sflag:s22] =	ssyncset.done $0x0  }
0xa6: {  	[sflag:s22] =	ssyncadd.s32 s5;
	_ =	sdelay $0x1  }
0xa7: {  	s23 =	simm.s32 $0x1B8B  }
0xa8: {  	_ =	swait.ge [sflag:s23], $0x1  }
0xa9: {  	[sflag:s23] =	ssyncset.done $0x0  }
0xaa: {  	s25 =	simm.s32 $0x1B8E;
	s24 =	sld [smem:$0x3FFE];
	[sflag:s23] =	ssyncadd.s32 $0xFFFFFFFF  }
0xab: {  	s26 =	simm.s32 $execute0_lowered;
	[smem:$0x3FD2] =	sst s25  }
0xac: {  	s6 =	sshll.u32 s26, $0x1;
	_ =	strace $0x8000004C;
	[dreg:$0x1] =	wrdreg $0xFFFFFFFF  }
0xad: {  	s28 =	simm.s32 $_size_execute0_lowered;
	s4 =	sadd.s32 s4, s6;
	[dreg:$0x0] =	wrdreg $0x0  }
0xae: {  	s6 =	sshll.u32 s28, $0x1;
	[dreg:$0x2] =	wrdreg s4  }
0xaf: {  	[dreg:$0x3] =	wrdreg s6  }
0xb0: {  	[dreg:$0x4] =	wrdreg $0xC0  }
0xb1: {  	_ =	task [dreg:s8], $0x5FFFF  }
0xb2: {  	[dreg:$0x1] =	wrdreg $0xFFFFFFFF  }
0xb3: {  	[dreg:$0x0] =	wrdreg $0x60  }
0xb4: {  	[dreg:$0x2] =	wrdreg s24  }
0xb5: {  	[dreg:$0x3] =	wrdreg s17  }
0xb6: {  	[dreg:$0x4] =	wrdreg s16  }
0xb7: {  	[dreg:$0x5] =	wrdreg $0xA4000  }
0xb8: {  	[dreg:$0x6] =	wrdreg $0x9  }
0xb9: {  	_ =	task.clear_ibuf [dreg:s8], $0x7FFFF;
	_ =	strace $0x9000004C  }
0xba: {  	s29 =	simm.s32 $0x9;
	_ =	strace $0x8000004E  }
0xbb: {  	_ =	swait.ge [sflag:s29], $0x1  }
0xbc: {  	[sflag:s29] =	ssyncadd.s32 $0xFFFFFFFF  }
0xbd: {  	_ =	strace $0x9000004E  }
0xbe: {  	_ =	sfence  }
0xbf: {  	s30 =	sld [smem:$0x0];
	_ =	sdelay $0x2  }
0xc0: {  	s31 =	sshll.u32 s1, $0xD;
	s1 =	sshrl.u32 s1, $0x2  }
0xc1: {  	s3 =	sand.u32 $0x4000, s31;
	s1 =	sadd.s32 s1, s30  }
0xc2: {  	s0 =	sor.u32 s3, s0;
	s1 =	sshll.u32 s1, $0x11  }
0xc3: {  	s0 =	sor.u32 s1, s0  }
0xc4: {  	s0 =	sadd.s32 $0x8F2B, s0  }
0xc5: {  	[sflag:s0] =	ssyncadd.remote.s32 $0x1  }
0xc6: {  	_ =	sfence.sel $0xFFFF  }
0xc7: {  	[dreg:$0x0] =	wrdreg $0xFFFFFFFF;
	(pc) =	sbr.abs _section_cstart, $3  }
0xc8: {  	[dreg:$0x1] =	wrdreg $0xFFFFFFFF  }
0xc9: {  	_ =	task.clear_ibuf [dreg:s8], $0x2FFFF;
	_ =	strace $0x9FFFFFFF  }
0xca: {  	(tm) =	ssettm $0x7FFFFFFF  }
0xcb: {  	_ =	shalt  }
tec
execute0_lowered:
.L_overlay_start_1:
0x0: {  	(tag) =	ssettag $0x1  }
0x1: {  	s0 =	rddreg [dreg:$0x0]  }
0x2: {  	s1 =	rddreg [dreg:$0x1]  }
0x3: {  	s3 =	rddreg [dreg:$0x2]  }
0x4: {  	s2 =	rddreg [dreg:$0x3]  }
0x5: {  	s4 =	simm.s32 $0x0;
	s5 =	srdreg.scid;
	s15 =	stileid.u32  }
0x6: {  	s28 =	simm.s32 $0x380;
	s30 =	simm.s32 $0x50;
	s29 =	simm.s32 $0x2C00  }
0x7: {  	[smem:$0x7FF] =	sst s4;
	s7 =	sand.u32 $0x1, s5;
	s5 =	sadd.s32 $0x6AE00, s0  }
0x8: {  	s9 =	smul.u32 $0x4E000, s15;
	s6 =	sadd.s32 $0x2800, s0;
	s0 =	sadd.s32 $0x92000, s0  }
0x9: {  	s11 =	sshll.u32 s15, $0x1;
	s12 =	smul.u32 $0x13800, s15;
	s16 =	sshll.u32 s15, $0x6  }
0xa: {  	s18 =	sadd.s32 $0x138000, s2;
	s19 =	smul.u32 $0x4E20, s15;
	p0 =	sne.s32 s15, $0xF  }
0xb: {  	s15 =	simm.s32 $0x5;
	_ =	strace $0x8000004D;
	s8 =	ssub.s32 $0x2, s7  }
0xc: {  	s13 =	sor.u32 s7, s11;
	s23 =	sor.u32 $0x1C11, s16;
	s17 =	smul.u32 $0x138800, s7  }
0xd: {  	[dreg:$0xe] =	wrdreg s18;
	s21 =	smul.u32 $0x2710, s7;
	s10 =	sshrl.u32 s8, $0x1  }
0xe: {  	s9 =	sshrl.u32 s9, $0x2;
	s14 =	sshrl.u32 s12, $0x3;
	[dreg:$0xd] =	wrdreg s23  }
0xf: {  	s8 =	ssub.s32 s8, s10;
	s9 =	sadd.s32 s9, s2;
	s10 =	smul.u32 $0x2710, s13  }
0x10: {  	s12 =	sadd.s32 s12, s17;
	[dreg:$0xb] =	wrdreg s9;
	s9 =	sadd.s32 s3, s14  }
0x11: {  	s3 =	sadd.s32 $0x27000, s3;
	s12 =	sshrl.u32 s12, $0x3;
	[dreg:$0xc] =	wrdreg s9  }
0x12: {  	s10 =	sshrl.u32 s10, $0x3;
	[dreg:$0xf] =	wrdreg s3;
	s3 =	sadd.s32 s21, s19  }
0x13: {  	s25 =	sadd.s32 s0, s12;
	s9 =	sshrl.u32 s17, $0x3;
	s20 =	sadd.s32 s1, s10  }
0x14: {  	s22 =	sadd.s32 s6, s10;
	s24 =	sadd.s32 $0xA, s10;
	[dreg:$0x13] =	wrdreg s25  }
0x15: {  	s26 =	sadd.s32 $0x230, s3;
	s0 =	sadd.s32 s0, s9;
	[dreg:$0x10] =	wrdreg s20  }
0x16: {  	s14 =	sadd.s32 $0x1E0, s3;
	s25 =	smax.u32 s8, $0x1;
	[dreg:$0x11] =	wrdreg s22  }
0x17: {  	s17 =	sadd.s32 $0x190, s3;
	s3 =	sadd.s32 $0x140, s3;
	[dreg:$0x1a] =	wrdreg s25  }
0x18: {  	s13 =	sadd.s32 s1, s24;
	s31 =	sshrl.u32 s26, $0x3;
	[dreg:$0x1b] =	wrdreg s3  }
0x19: {  	s11 =	sshrl.u32 s14, $0x3;
	s7 =	sadd.s32 s6, s24;
	[dreg:$0x12] =	wrdreg s13  }
0x1a: {  	s14 =	sadd.s32 $0x14, s10;
	s0 =	sadd.s32 $0x27000, s0;
	[dreg:$0x14] =	wrdreg s7  }
0x1b: {  	s22 =	sadd.s32 $0x1E, s10;
	s16 =	sadd.s32 s31, s6;
	[dreg:$0x19] =	wrdreg s0  }
0x1c: {  	s25 =	simm.s32 $0x200;
	s18 =	sadd.s32 s11, s6;
	[dreg:$0x5] =	wrdreg s16  }
0x1d: {  	s10 =	simm.s32 $0x280;
	s20 =	sadd.s32 s1, s14;
	[dreg:$0x6] =	wrdreg s18  }
0x1e: {  	s3 =	simm.s32 $0x1;
	s21 =	sadd.s32 s6, s14;
	[dreg:$0x15] =	wrdreg s20  }
0x1f: {  	s13 =	sshrl.u32 s17, $0x3;
	s9 =	sadd.s32 s31, s1;
	[dreg:$0x16] =	wrdreg s21  }
0x20: {  	s24 =	sadd.s32 s1, s22;
	s7 =	sadd.s32 s6, s22;
	[dreg:$0x8] =	wrdreg s9  }
0x21: {  	s26 =	sadd.s32 s11, s1;
	s14 =	simm.s32 $0x9;
	[dreg:$0x17] =	wrdreg s24  }
0x22: {  	s17 =	simm.s32 $0x6;
	s22 =	simm.s32 $0xF;
	[dreg:$0x18] =	wrdreg s7  }
0x23: {  	s11 =	simm.s32 $0x0;
	s19 =	sadd.s32 s13, s6;
	[dreg:$0x9] =	wrdreg s26  }
0x24: {  	s31 =	sadd.s32 s13, s1;
	s9 =	simm.s32 $0x11;
	s7 =	simm.s32 $0x400  }
0x25: {  	s13 =	simm.s32 $0x7C00;
	s16 =	simm.s32 $0xA;
	s18 =	simm.s32 $0xC  }
0x26: {  	s20 =	simm.s32 $0xD;
	s21 =	simm.s32 $0xE;
	[dreg:$0x7] =	wrdreg s19  }
0x27: {  	s26 =	simm.s32 $0x10;
	[dreg:$0xa] =	wrdreg s31;
	s19 =	simm.s32 $0x8  }
.LBB2_1:
0x28: {  	[dreg:$0x1c] =	wrdreg s11  }
0x29: {  	s0 =	rddreg [dreg:$0xb]  }
0x2a: {  	s12 =	rddreg [dreg:$0xc];
	s8 =	sshrl.u32 s0, $0x3  }
0x2b: {  	[dreg:$0x1d] =	wrdreg s8  }
0x2c: {  	[spmem:s8], [sflag:s23] =	dma.local [hbm:s12], $0x2700  }
0x2d: {  	_ =	swait.ge [sflag:s9], $0x2700  }
0x2e: {  	s0 =	rddreg [dreg:$0xe]  }
0x2f: {  	[sflag:s9] =	ssyncset.done $0x0;
	s8 =	sshrl.u32 @!p0 s0, $0x3;
	s0 =	rddreg [dreg:$0xf]  }
0x30: {  	[sflag:s9] =	ssyncadd.s32 $0xFFFFD900;
	[dreg:$0x1e] =	wrdreg s8  }
0x31: {  	[spmem:s8], [sflag:s23] =	dma.local @!p0 [hbm:s0], $0x100  }
0x32: {  	s8 =	simm.s32 @!p0 $0x11  }
0x33: {  	_ =	swait.ge @!p0 [sflag:s8], $0x100  }
0x34: {  	[sflag:s8] =	ssyncset.done @!p0 $0x0  }
0x35: {  	[sflag:s8] =	ssyncadd.s32 @!p0 $0xFFFFFF00  }
0x36: {  	[bflag:$0x0] =	sbarrier.arrive $0xFFFF  }
0x37: {  	s24 =	rddreg [dreg:$0x10]  }
0x38: {  	[tilespmem:s4], [sflag:$0x1] =	stream.linear.gather [hbm4b:s24+s4], $0x50, $0x38;
	[tilespmem:$0x1DC80] =	vst v63  }
0x39: {  	s8 =	rddreg [dreg:$0x11]  }
0x3a: {  	[tilespmem:s25], [sflag:$0x5] =	stream.linear.gather [hbm4b:s8+s4], $0x50, $0x38;
	[tilespmem:$0x1DC80] =	vst v63  }
0x3b: {  	s9 =	rddreg [dreg:$0x12];
	s8 =	simm.s32 $0x80  }
0x3c: {  	[tilespmem:s8], [sflag:$0x2] =	stream.linear.gather [hbm4b:s9+s4], $0x50, $0x38;
	[tilespmem:$0x1DC80] =	vst v63  }
0x3d: {  	s11 =	rddreg [dreg:$0x14]  }
0x3e: {  	[tilespmem:s10], [sflag:$0x6] =	stream.linear.gather [hbm4b:s11+s4], $0x50, $0x38;
	[tilespmem:$0x1DC80] =	vst v63  }
0x3f: {  	s12 =	rddreg [dreg:$0x15];
	s9 =	simm.s32 $0x100  }
0x40: {  	[tilespmem:s9], [sflag:$0x3] =	stream.linear.gather [hbm4b:s12+s4], $0x50, $0x38;
	[tilespmem:$0x1DC80] =	vst v63  }
0x41: {  	s23 =	rddreg [dreg:$0x16];
	s24 =	simm.s32 $0x300  }
0x42: {  	[tilespmem:s24], [sflag:$0x7] =	stream.linear.gather [hbm4b:s23+s4], $0x50, $0x38;
	[tilespmem:$0x1DC80] =	vst v63  }
0x43: {  	s11 =	simm.s32 $0x180;
	s12 =	rddreg [dreg:$0x17]  }
0x44: {  	[tilespmem:s11], [sflag:$0x4] =	stream.linear.gather [hbm4b:s12+s4], $0x50, $0x38;
	[tilespmem:$0x1DC80] =	vst v63  }
0x45: {  	s23 =	rddreg [dreg:$0x18]  }
0x46: {  	[tilespmem:s28], [sflag:$0x8] =	stream.linear.gather [hbm4b:s23+s4], $0x50, $0x38;
	[tilespmem:$0x1DC80] =	vst v63  }
0x47: {  	_ =	swait.ge [sflag:s3], $0x50  }
0x48: {  	[sflag:s3] =	ssyncset.done $0x0  }
0x49: {  	s24 =	simm.s32 $0x2;
	[sflag:s3] =	ssyncadd.s32 $0xFFFFFFB0  }
0x4a: {  	[tilespmem:s7], [sflag:$0x9] =	stream.indirect.gather [hbm4b:s5+s30], $0x80, s4, s30, $0xb8;
	[tilespmem:$0x1DC80] =	vst v63  }
0x4b: {  	_ =	swait.ge [sflag:s24], $0x50  }
0x4c: {  	[sflag:s24] =	ssyncset.done $0x0  }
0x4d: {  	[sflag:s24] =	ssyncadd.s32 $0xFFFFFFB0  }
0x4e: {  	[tilespmem:s29], [sflag:$0xA] =	stream.indirect.gather [hbm4b:s5+s30], $0x80, s8, s30, $0xb8;
	[tilespmem:$0x1DC80] =	vst v63  }
0x4f: {  	s8 =	simm.s32 $0x3  }
0x50: {  	_ =	swait.ge [sflag:s8], $0x50  }
0x51: {  	[sflag:s8] =	ssyncset.done $0x0  }
0x52: {  	s12 =	simm.s32 $0x5400;
	s23 =	simm.s32 $0x4;
	[sflag:s8] =	ssyncadd.s32 $0xFFFFFFB0  }
0x53: {  	[tilespmem:s12], [sflag:$0xB] =	stream.indirect.gather [hbm4b:s5+s30], $0x80, s9, s30, $0xb8;
	[tilespmem:$0x1DC80] =	vst v63  }
0x54: {  	_ =	swait.ge [sflag:s23], $0x50  }
0x55: {  	[sflag:s23] =	ssyncset.done $0x0  }
0x56: {  	[sflag:s23] =	ssyncadd.s32 $0xFFFFFFB0  }
0x57: {  	[tilespmem:s13], [sflag:$0xC] =	stream.indirect.gather [hbm4b:s5+s30], $0x80, s11, s30, $0xb8;
	[tilespmem:$0x1DC80] =	vst v63  }
0x58: {  	_ =	swait.ge [sflag:s14], $0x2800  }
0x59: {  	[sflag:s14] =	ssyncset.done $0x0  }
0x5a: {  	[sflag:s14] =	ssyncadd.s32 $0xFFFFD800  }
0x5b: {  	_ =	swait.ge [sflag:s15], $0x50  }
0x5c: {  	[sflag:s15] =	ssyncset.done $0x0;
	s0 =	rddreg [dreg:$0x1b]  }
0x5d: {  	[sflag:s15] =	ssyncadd.s32 $0xFFFFFFB0;
	s8 =	sshrl.u32 s0, $0x3  }
0x5e: {  	[spmem:s2] =	stream.indirect.scatter.add.f32 [tilespmem:s7], [sflag:$0xD], $0x80, s25, s30, $0xb8;
	[tilespmem:$0x1DC80] =	vst v63  }
0x5f: {  	s24 =	sadd.s32 s1, s8  }
0x60: {  	[tilespmem:s4], [sflag:$0x1] =	stream.linear.gather [hbm4b:s24+s4], $0x50, $0x38;
	[tilespmem:$0x1DC80] =	vst v63  }
0x61: {  	_ =	swait.ge [sflag:s16], $0x2800  }
0x62: {  	[sflag:s16] =	ssyncset.done $0x0  }
0x63: {  	[sflag:s16] =	ssyncadd.s32 $0xFFFFD800  }
0x64: {  	_ =	swait.ge [sflag:s17], $0x50  }
0x65: {  	p1 =	por $0x0, $0x0;
	[sflag:s17] =	ssyncset.done $0x0  }
0x66: {  	s9 =	simm.s32 @p1 $0xB;
	[sflag:s17] =	ssyncadd.s32 $0xFFFFFFB0  }
0x67: {  	[spmem:s2] =	stream.indirect.scatter.add.f32 [tilespmem:s29], [sflag:$0xE], $0x80, s10, s30, $0xb8;
	[tilespmem:$0x1DC80] =	vst v63  }
0x68: {  	_ =	swait.ge @p1 [sflag:s9], $0x2800  }
0x69: {  	[sflag:s9] =	ssyncset.done @p1 $0x0  }
0x6a: {  	s11 =	simm.s32 @p1 $0x7;
	[sflag:s9] =	ssyncadd.s32 @p1 $0xFFFFD800  }
0x6b: {  	s12 =	simm.s32 @p1 $0x5400;
	_ =	swait.ge @p1 [sflag:s11], $0x50  }
0x6c: {  	s24 =	simm.s32 @p1 $0x50;
	s9 =	simm.s32 @p1 $0x300;
	[sflag:s11] =	ssyncset.done @p1 $0x0  }
0x6d: {  	s23 =	rddreg [dreg:$0xa];
	[sflag:s11] =	ssyncadd.s32 @p1 $0xFFFFFFB0;
	s11 =	simm.s32 @!p1 $0x0  }
0x6e: {  	[spmem:s2] =	stream.indirect.scatter.add.f32 @p1 [tilespmem:s12], [sflag:$0xF], $0x80, s9, s24, $0xb8;
	[tilespmem:$0x1DC80] =	vst v63  }
0x6f: {  	s9 =	simm.s32 @!p1 $0x80;
	s12 =	sadd.s32 @!p1 $0x0, s23;
	s23 =	simm.s32 @!p1 $0xB  }
0x70: {  	[tilespmem:s9], [sflag:$0x2] =	stream.linear.gather @!p1 [hbm4b:s12+s11], $0x50, $0x38;
	[tilespmem:$0x1DC80] =	vst v63  }
0x71: {  	_ =	swait.ge @!p1 [sflag:s23], $0x2800  }
0x72: {  	[sflag:s23] =	ssyncset.done @!p1 $0x0  }
0x73: {  	s9 =	simm.s32 @!p1 $0x7;
	[sflag:s23] =	ssyncadd.s32 @!p1 $0xFFFFD800  }
0x74: {  	_ =	swait.ge @!p1 [sflag:s9], $0x50  }
0x75: {  	s31 =	simm.s32 @!p1 $0x50;
	s24 =	simm.s32 @!p1 $0x5400;
	[sflag:s9] =	ssyncset.done @!p1 $0x0  }
0x76: {  	s12 =	simm.s32 @!p1 $0x300;
	s23 =	rddreg [dreg:$0x9];
	[sflag:s9] =	ssyncadd.s32 @!p1 $0xFFFFFFB0  }
0x77: {  	[spmem:s2] =	stream.indirect.scatter.add.f32 @!p1 [tilespmem:s24], [sflag:$0xF], $0x80, s12, s31, $0xb8;
	[tilespmem:$0x1DC80] =	vst v63  }
0x78: {  	s9 =	simm.s32 @!p1 $0x100;
	s12 =	sadd.s32 @!p1 $0x0, s23  }
0x79: {  	[tilespmem:s9], [sflag:$0x3] =	stream.linear.gather @!p1 [hbm4b:s12+s11], $0x50, $0x38;
	[tilespmem:$0x1DC80] =	vst v63  }
0x7a: {  	_ =	swait.ge [sflag:s18], $0x2800  }
0x7b: {  	[sflag:s18] =	ssyncset.done $0x0  }
0x7c: {  	[sflag:s18] =	ssyncadd.s32 $0xFFFFD800  }
0x7d: {  	_ =	swait.ge [sflag:s19], $0x50  }
0x7e: {  	[sflag:s19] =	ssyncset.done $0x0  }
0x7f: {  	s9 =	rddreg [dreg:$0x8];
	[sflag:s19] =	ssyncadd.s32 $0xFFFFFFB0  }
0x80: {  	[spmem:s2] =	stream.indirect.scatter.add.f32 [tilespmem:s13], [sflag:$0x10], $0x80, s28, s30, $0xb8;
	[tilespmem:$0x1DC80] =	vst v63  }
0x81: {  	s12 =	simm.s32 @!p1 $0x180;
	s9 =	sadd.s32 @!p1 $0x0, s9  }
0x82: {  	[tilespmem:s12], [sflag:$0x4] =	stream.linear.gather @!p1 [hbm4b:s9+s11], $0x50, $0x38;
	[tilespmem:$0x1DC80] =	vst v63  }
0x83: {  	_ =	swait.ge [sflag:s20], $0x2800  }
0x84: {  	[sflag:s20] =	ssyncset.done $0x0  }
0x85: {  	s8 =	sadd.s32 s6, s8;
	[sflag:s20] =	ssyncadd.s32 $0xFFFFD800  }
0x86: {  	[tilespmem:s25], [sflag:$0x5] =	stream.linear.gather [hbm4b:s8+s4], $0x50, $0x38;
	[tilespmem:$0x1DC80] =	vst v63  }
0x87: {  	_ =	swait.ge [sflag:s3], $0x50  }
0x88: {  	[sflag:s3] =	ssyncset.done $0x0  }
0x89: {  	p1 =	por $0x0, $0x0;
	[sflag:s3] =	ssyncadd.s32 $0xFFFFFFB0  }
0x8a: {  	[tilespmem:s7], [sflag:$0x9] =	stream.indirect.gather [hbm4b:s5+s30], $0x80, s4, s30, $0xb8;
	[tilespmem:$0x1DC80] =	vst v63  }
0x8b: {  	s9 =	simm.s32 @!p1 $0x0;
	_ =	swait.ge [sflag:s21], $0x2800  }
0x8c: {  	s11 =	simm.s32 @!p1 $0x280;
	s8 =	rddreg [dreg:$0x7];
	[sflag:s21] =	ssyncset.done $0x0  }
0x8d: {  	s12 =	simm.s32 @!p1 $0x2;
	[sflag:s21] =	ssyncadd.s32 $0xFFFFD800;
	s8 =	sadd.s32 @!p1 $0x0, s8  }
0x8e: {  	[tilespmem:s11], [sflag:$0x6] =	stream.linear.gather @!p1 [hbm4b:s8+s9], $0x50, $0x38;
	[tilespmem:$0x1DC80] =	vst v63  }
0x8f: {  	_ =	swait.ge @!p1 [sflag:s12], $0x50  }
0x90: {  	s8 =	simm.s32 @!p1 $0x2C00;
	[sflag:s12] =	ssyncset.done @!p1 $0x0  }
0x91: {  	s9 =	simm.s32 @!p1 $0x50;
	s11 =	simm.s32 @!p1 $0x80;
	[sflag:s12] =	ssyncadd.s32 @!p1 $0xFFFFFFB0  }
0x92: {  	[tilespmem:s8], [sflag:$0xA] =	stream.indirect.gather @!p1 [hbm4b:s5+s9], $0x80, s11, s9, $0xb8;
	[tilespmem:$0x1DC80] =	vst v63  }
0x93: {  	p1 =	por $0x0, $0x0  }
0x94: {  	_ =	swait.ge [sflag:s22], $0x2800;
	s9 =	simm.s32 @!p1 $0x0  }
0x95: {  	s11 =	simm.s32 @!p1 $0x300;
	s8 =	rddreg [dreg:$0x6];
	[sflag:s22] =	ssyncset.done $0x0  }
0x96: {  	s12 =	simm.s32 @!p1 $0x3;
	[sflag:s22] =	ssyncadd.s32 $0xFFFFD800;
	s8 =	sadd.s32 @!p1 $0x0, s8  }
0x97: {  	[tilespmem:s11], [sflag:$0x7] =	stream.linear.gather @!p1 [hbm4b:s8+s9], $0x50, $0x38;
	[tilespmem:$0x1DC80] =	vst v63  }
0x98: {  	p2 =	por $0x0, $0x0;
	_ =	swait.ge @!p1 [sflag:s12], $0x50  }
0x99: {  	s23 =	simm.s32 @!p2 $0x380;
	s8 =	simm.s32 @!p1 $0x5400;
	[sflag:s12] =	ssyncset.done @!p1 $0x0  }
0x9a: {  	s9 =	simm.s32 @!p1 $0x50;
	s11 =	simm.s32 @!p1 $0x100;
	[sflag:s12] =	ssyncadd.s32 @!p1 $0xFFFFFFB0  }
0x9b: {  	[tilespmem:s8], [sflag:$0xB] =	stream.indirect.gather @!p1 [hbm4b:s5+s9], $0x80, s11, s9, $0xb8;
	[tilespmem:$0x1DC80] =	vst v63  }
0x9c: {  	s24 =	simm.s32 @!p2 $0x4;
	s31 =	simm.s32 @!p2 $0x7C00;
	_ =	swait.ge [sflag:s26], $0x2800  }
0x9d: {  	s12 =	simm.s32 $0x28;
	s8 =	rddreg [dreg:$0x5];
	[sflag:s26] =	ssyncset.done $0x0  }
0x9e: {  	s9 =	simm.s32 @!p2 $0x0;
	[sflag:s26] =	ssyncadd.s32 $0xFFFFD800;
	s8 =	sadd.s32 @!p2 $0x0, s8  }
0x9f: {  	[tilespmem:s23], [sflag:$0x8] =	stream.linear.gather @!p2 [hbm4b:s8+s9], $0x50, $0x38;
	[tilespmem:$0x1DC80] =	vst v63  }
0xa0: {  	s11 =	simm.s32 $0x7;
	s23 =	sadd.s32 $0x140, s0;
	_ =	swait.ge @!p2 [sflag:s24], $0x50  }
0xa1: {  	s8 =	simm.s32 @!p2 $0x50;
	s9 =	simm.s32 @!p2 $0x180;
	[sflag:s24] =	ssyncset.done @!p2 $0x0  }
.LBB2_2:
0xa2: {  	[sflag:s24] =	ssyncadd.s32 @!p2 $0xFFFFFFB0  }
0xa3: {  	[tilespmem:s31], [sflag:$0xC] =	stream.indirect.gather @!p2 [hbm4b:s5+s8], $0x80, s9, s8, $0xb8;
	[tilespmem:$0x1DC80] =	vst v63  }
0xa4: {  	_ =	swait.ge [sflag:s14], $0x2800  }
0xa5: {  	[sflag:s14] =	ssyncset.done $0x0  }
0xa6: {  	[sflag:s14] =	ssyncadd.s32 $0xFFFFD800  }
0xa7: {  	_ =	swait.ge [sflag:s15], $0x50  }
0xa8: {  	[sflag:s15] =	ssyncset.done $0x0  }
0xa9: {  	s31 =	sshrl.u32 s23, $0x3;
	[sflag:s15] =	ssyncadd.s32 $0xFFFFFFB0  }
0xaa: {  	[spmem:s2] =	stream.indirect.scatter.add.f32 [tilespmem:s7], [sflag:$0xD], $0x80, s25, s30, $0xb8;
	[tilespmem:$0x1DC80] =	vst v63  }
0xab: {  	s0 =	sadd.s32 s1, s31  }
0xac: {  	[tilespmem:s4], [sflag:$0x1] =	stream.linear.gather [hbm4b:s0+s4], $0x50, $0x38;
	[tilespmem:$0x1DC80] =	vst v63  }
0xad: {  	_ =	swait.ge [sflag:s16], $0x2800  }
0xae: {  	[sflag:s16] =	ssyncset.done $0x0  }
0xaf: {  	[sflag:s16] =	ssyncadd.s32 $0xFFFFD800  }
0xb0: {  	s24 =	smov.u32 s12;
	_ =	swait.ge [sflag:s17], $0x50  }
0xb1: {  	p2 =	seq.s32 s24, $0x4B0;
	[sflag:s17] =	ssyncset.done $0x0  }
0xb2: {  	s8 =	simm.s32 @p2 $0xB;
	[sflag:s17] =	ssyncadd.s32 $0xFFFFFFB0  }
0xb3: {  	[spmem:s2] =	stream.indirect.scatter.add.f32 [tilespmem:s29], [sflag:$0xE], $0x80, s10, s30, $0xb8;
	[tilespmem:$0x1DC80] =	vst v63  }
0xb4: {  	_ =	swait.ge @p2 [sflag:s8], $0x2800  }
0xb5: {  	[sflag:s8] =	ssyncset.done @p2 $0x0  }
0xb6: {  	s9 =	simm.s32 @p2 $0x7;
	[sflag:s8] =	ssyncadd.s32 @p2 $0xFFFFD800  }
0xb7: {  	s0 =	simm.s32 @!p2 $0x80;
	s29 =	simm.s32 @p2 $0x5400;
	_ =	swait.ge @p2 [sflag:s9], $0x50  }
0xb8: {  	s10 =	smov.u32 s1;
	s1 =	simm.s32 @p2 $0x50;
	[sflag:s9] =	ssyncset.done @p2 $0x0  }
0xb9: {  	s8 =	simm.s32 @p2 $0x300;
	s28 =	rddreg [dreg:$0xa];
	[sflag:s9] =	ssyncadd.s32 @p2 $0xFFFFFFB0  }
0xba: {  	[spmem:s2] =	stream.indirect.scatter.add.f32 @p2 [tilespmem:s29], [sflag:$0xF], $0x80, s8, s1, $0xb8;
	[tilespmem:$0x1DC80] =	vst v63  }
0xbb: {  	s9 =	simm.s32 @!p2 $0x0;
	s1 =	sadd.s32 @!p2 s24, s28;
	s8 =	simm.s32 @!p2 $0xB  }
0xbc: {  	[tilespmem:s0], [sflag:$0x2] =	stream.linear.gather @!p2 [hbm4b:s1+s9], $0x50, $0x38;
	[tilespmem:$0x1DC80] =	vst v63  }
0xbd: {  	_ =	swait.ge @!p2 [sflag:s8], $0x2800  }
0xbe: {  	[sflag:s8] =	ssyncset.done @!p2 $0x0  }
0xbf: {  	s0 =	simm.s32 @!p2 $0x7;
	[sflag:s8] =	ssyncadd.s32 @!p2 $0xFFFFD800  }
0xc0: {  	_ =	swait.ge @!p2 [sflag:s0], $0x50  }
0xc1: {  	s28 =	simm.s32 @!p2 $0x50;
	s1 =	simm.s32 @!p2 $0x300;
	[sflag:s0] =	ssyncset.done @!p2 $0x0  }
0xc2: {  	s8 =	simm.s32 @!p2 $0x5400;
	s29 =	rddreg [dreg:$0x9];
	[sflag:s0] =	ssyncadd.s32 @!p2 $0xFFFFFFB0  }
0xc3: {  	[spmem:s2] =	stream.indirect.scatter.add.f32 @!p2 [tilespmem:s8], [sflag:$0xF], $0x80, s1, s28, $0xb8;
	[tilespmem:$0x1DC80] =	vst v63  }
0xc4: {  	s0 =	simm.s32 @!p2 $0x100;
	s1 =	sadd.s32 @!p2 s24, s29  }
0xc5: {  	[tilespmem:s0], [sflag:$0x3] =	stream.linear.gather @!p2 [hbm4b:s1+s9], $0x50, $0x38;
	[tilespmem:$0x1DC80] =	vst v63  }
0xc6: {  	_ =	swait.ge [sflag:s18], $0x2800  }
0xc7: {  	[sflag:s18] =	ssyncset.done $0x0  }
0xc8: {  	[sflag:s18] =	ssyncadd.s32 $0xFFFFD800  }
0xc9: {  	_ =	swait.ge [sflag:s19], $0x50  }
0xca: {  	[sflag:s19] =	ssyncset.done $0x0  }
0xcb: {  	s28 =	simm.s32 $0x380;
	s0 =	rddreg [dreg:$0x8];
	[sflag:s19] =	ssyncadd.s32 $0xFFFFFFB0  }
0xcc: {  	[spmem:s2] =	stream.indirect.scatter.add.f32 [tilespmem:s13], [sflag:$0x10], $0x80, s28, s30, $0xb8;
	[tilespmem:$0x1DC80] =	vst v63  }
0xcd: {  	s1 =	simm.s32 @!p2 $0x180;
	s0 =	sadd.s32 @!p2 s24, s0  }
0xce: {  	[tilespmem:s1], [sflag:$0x4] =	stream.linear.gather @!p2 [hbm4b:s0+s9], $0x50, $0x38;
	[tilespmem:$0x1DC80] =	vst v63  }
0xcf: {  	_ =	swait.ge [sflag:s20], $0x2800  }
0xd0: {  	[sflag:s20] =	ssyncset.done $0x0  }
0xd1: {  	s1 =	sadd.s32 s6, s31;
	[sflag:s20] =	ssyncadd.s32 $0xFFFFD800  }
0xd2: {  	[tilespmem:s25], [sflag:$0x5] =	stream.linear.gather [hbm4b:s1+s4], $0x50, $0x38;
	[tilespmem:$0x1DC80] =	vst v63  }
0xd3: {  	s11 =	sadd.s32 $0x4, s11;
	_ =	swait.ge [sflag:s3], $0x50  }
0xd4: {  	s8 =	sadd.s32 $0xFFFFFFFE, s11;
	[sflag:s3] =	ssyncset.done $0x0  }
0xd5: {  	p2 =	sgt.u32 s8, $0x7C;
	[sflag:s3] =	ssyncadd.s32 $0xFFFFFFB0  }
0xd6: {  	[tilespmem:s7], [sflag:$0x9] =	stream.indirect.gather [hbm4b:s5+s30], $0x80, s4, s30, $0xb8;
	[tilespmem:$0x1DC80] =	vst v63  }
0xd7: {  	s0 =	simm.s32 @!p2 $0x0;
	_ =	swait.ge [sflag:s21], $0x2800  }
0xd8: {  	s8 =	simm.s32 @!p2 $0x280;
	s1 =	rddreg [dreg:$0x7];
	[sflag:s21] =	ssyncset.done $0x0  }
0xd9: {  	s9 =	simm.s32 @!p2 $0x2;
	[sflag:s21] =	ssyncadd.s32 $0xFFFFD800;
	s1 =	sadd.s32 @!p2 s24, s1  }
0xda: {  	[tilespmem:s8], [sflag:$0x6] =	stream.linear.gather @!p2 [hbm4b:s1+s0], $0x50, $0x38;
	[tilespmem:$0x1DC80] =	vst v63  }
0xdb: {  	_ =	swait.ge @!p2 [sflag:s9], $0x50  }
0xdc: {  	s0 =	simm.s32 @!p2 $0x2C00;
	s1 =	simm.s32 @!p2 $0x50;
	[sflag:s9] =	ssyncset.done @!p2 $0x0  }
0xdd: {  	s8 =	simm.s32 @!p2 $0x80;
	[sflag:s9] =	ssyncadd.s32 @!p2 $0xFFFFFFB0;
	s9 =	sadd.s32 $0xFFFFFFFF, s11  }
0xde: {  	[tilespmem:s0], [sflag:$0xA] =	stream.indirect.gather @!p2 [hbm4b:s5+s1], $0x80, s8, s1, $0xb8;
	[tilespmem:$0x1DC80] =	vst v63  }
0xdf: {  	p2 =	sgt.u32 s9, $0x7C  }
0xe0: {  	s12 =	sadd.s32 $0x28, s12;
	_ =	swait.ge [sflag:s22], $0x2800;
	s0 =	simm.s32 @!p2 $0x0  }
0xe1: {  	s8 =	simm.s32 @!p2 $0x300;
	s1 =	rddreg [dreg:$0x6];
	[sflag:s22] =	ssyncset.done $0x0  }
0xe2: {  	s9 =	simm.s32 @!p2 $0x3;
	[sflag:s22] =	ssyncadd.s32 $0xFFFFD800;
	s1 =	sadd.s32 @!p2 s24, s1  }
0xe3: {  	[tilespmem:s8], [sflag:$0x7] =	stream.linear.gather @!p2 [hbm4b:s1+s0], $0x50, $0x38;
	[tilespmem:$0x1DC80] =	vst v63  }
0xe4: {  	p1 =	sne.s32 s12, $0x4D8;
	_ =	swait.ge @!p2 [sflag:s9], $0x50  }
0xe5: {  	s23 =	sadd.s32 $0x140, s23;
	s0 =	simm.s32 @!p2 $0x5400;
	[sflag:s9] =	ssyncset.done @!p2 $0x0  }
0xe6: {  	s1 =	simm.s32 @!p2 $0x50;
	s8 =	simm.s32 @!p2 $0x100;
	[sflag:s9] =	ssyncadd.s32 @!p2 $0xFFFFFFB0  }
0xe7: {  	[tilespmem:s0], [sflag:$0xB] =	stream.indirect.gather @!p2 [hbm4b:s5+s1], $0x80, s8, s1, $0xb8;
	[tilespmem:$0x1DC80] =	vst v63  }
0xe8: {  	s29 =	simm.s32 $0x2C00;
	p2 =	sgt.u32 s11, $0x7C;
	_ =	swait.ge [sflag:s26], $0x2800  }
0xe9: {  	s1 =	simm.s32 @!p2 $0x0;
	s8 =	simm.s32 @!p2 $0x380;
	s31 =	simm.s32 @!p2 $0x7C00  }
.Ltmp0:
0xea: {  	s0 =	rddreg [dreg:$0x5];
	[sflag:s26] =	ssyncset.done $0x0;
	(pc) =	sbr.rel @p1 .LBB2_2-.Ltmp0, $4  }
0xeb: {  	[sflag:s26] =	ssyncadd.s32 $0xFFFFD800;
	s0 =	sadd.s32 @!p2 s24, s0;
	s24 =	simm.s32 @!p2 $0x4  }
0xec: {  	[tilespmem:s8], [sflag:$0x8] =	stream.linear.gather @!p2 [hbm4b:s0+s1], $0x50, $0x38;
	[tilespmem:$0x1DC80] =	vst v63  }
0xed: {  	s9 =	simm.s32 @!p2 $0x180;
	s1 =	smov.u32 s10;
	_ =	swait.ge @!p2 [sflag:s24], $0x50  }
0xee: {  	s10 =	simm.s32 $0x280;
	s8 =	simm.s32 @!p2 $0x50;
	[sflag:s24] =	ssyncset.done @!p2 $0x0  }
0xef: {  	[sflag:s24] =	ssyncadd.s32 @!p2 $0xFFFFFFB0  }
0xf0: {  	[tilespmem:s31], [sflag:$0xC] =	stream.indirect.gather @!p2 [hbm4b:s5+s8], $0x80, s9, s8, $0xb8;
	[tilespmem:$0x1DC80] =	vst v63  }
0xf1: {  	_ =	swait.ge [sflag:s14], $0x2800  }
0xf2: {  	[sflag:s14] =	ssyncset.done $0x0  }
0xf3: {  	[sflag:s14] =	ssyncadd.s32 $0xFFFFD800  }
0xf4: {  	_ =	swait.ge [sflag:s15], $0x50  }
0xf5: {  	[sflag:s15] =	ssyncset.done $0x0  }
0xf6: {  	[sflag:s15] =	ssyncadd.s32 $0xFFFFFFB0  }
0xf7: {  	[spmem:s2] =	stream.indirect.scatter.add.f32 [tilespmem:s7], [sflag:$0xD], $0x80, s25, s30, $0xb8;
	[tilespmem:$0x1DC80] =	vst v63  }
0xf8: {  	_ =	swait.ge [sflag:s20], $0x2800  }
0xf9: {  	[sflag:s20] =	ssyncset.done $0x0  }
0xfa: {  	[sflag:s20] =	ssyncadd.s32 $0xFFFFD800  }
0xfb: {  	[bflag:$0x0] =	sbarrier.arrive $0xFFFF  }
0xfc: {  	s23 =	rddreg [dreg:$0xd]  }
0xfd: {  	s0 =	rddreg [dreg:$0x13]  }
0xfe: {  	s9 =	simm.s32 $0x11;
	s24 =	rddreg [dreg:$0x1d]  }
0xff: {  	[hbm:s0], [sflag:s23] =	dma.local [spmem:s24], $0x2700  }
0x100: {  	_ =	swait.ge [sflag:s9], $0x2700  }
0x101: {  	[sflag:s9] =	ssyncset.done $0x0;
	s0 =	rddreg [dreg:$0x19]  }
0x102: {  	s8 =	rddreg [dreg:$0x1e];
	[sflag:s9] =	ssyncadd.s32 $0xFFFFD900  }
0x103: {  	[hbm:s0], [sflag:s23] =	dma.local @!p0 [spmem:s8], $0x100  }
0x104: {  	s0 =	simm.s32 @!p0 $0x11  }
0x105: {  	_ =	swait.ge @!p0 [sflag:s0], $0x100  }
0x106: {  	s11 =	rddreg [dreg:$0x1c]  }
0x107: {  	s31 =	rddreg [dreg:$0x1a];
	s11 =	sadd.s32 $0x1, s11  }
0x108: {  	p1 =	sne.s32 s11, s31  }
.Ltmp1:
0x109: {  	_ = 	snop;
	(pc) =	sbr.rel @p1 .LBB2_1-.Ltmp1, $3  }
0x10a: {  	_ =	sdelay $0x1  }
0x10b: {  	[sflag:s0] =	ssyncset.done @!p0 $0x0  }
0x10c: {  	[sflag:s0] =	ssyncadd.s32 @!p0 $0xFFFFFF00  }
0x10d: {  	_ =	sfence.sel $0x180000  }
0x10e: {  	[bflag:$0x0] =	sbarrier.arrive $0xFFFF  }
0x10f: {  	_ =	strace $0x9000004D  }
0x110: {  	s0 =	stileid.u32;
	[bflag:$0x2] =	sbarrier.arrive $0xFFFF  }
0x111: {  	p0 =	sne.s32 s0, $0x0;
	s0 =	rddreg [dreg:$0x4]  }
0x112: {  	s0 =	sadd.s32 @!p0 $0x100000, s0  }
0x113: {  	[sflag:s0] =	ssyncadd.tile.s32 @!p0 $0x1;
	_ =	shalt  }
.Lfunc_end2:
_tile_overlayer_lowered:
.L_overlay_start_2:
0x114: {  	(tag) =	ssettag $0x2  }
0x115: {  	s0 =	rddreg [dreg:$0x0];
	s2 =	stileid.u32  }
0x116: {  	s1 =	rddreg [dreg:$0x1];
	p0 =	sne.s32 s2, $0x0  }
0x117: {  	s3 =	rddreg [dreg:$0x2];
	[bflag:$0x3] =	sbarrier.arrive $0xFFFF;
	s2 =	simm.s32 @!p0 $0x1C11  }
0x118: {  	[timem:s3], [sflag:s2] =	dma.local @!p0 [hbm:s0], s1  }
0x119: {  	s0 =	simm.s32 @!p0 $0x11  }
0x11a: {  	_ =	swait.ge @!p0 [sflag:s0], s1  }
0x11b: {  	s1 =	ssub.s32 @!p0 $0x0, s1;
	[sflag:s0] =	ssyncset.done @!p0 $0x0  }
0x11c: {  	[sflag:s0] =	ssyncadd.s32 @!p0 s1  }
0x11d: {  	[bflag:$0x3] =	sbarrier.arrive $0xFFFF  }
0x11e: {  	_ =	shalt  }

// kernel: kernel.8.cloned.1.call-start
scs
__scs_entry_jumppad:
0x0: {  	(pc) =	sbr.rel $0x88, $3  }
0x1: {  	(tag) =	ssettag $0x0;
	lr =	simm.s32 $0x1  }
0x2: {  	[smem:$0x3F99] =	sst lr;
	_ =	strace $0xD0000000  }
0x3: {  	_ = 	snop  }
0x4: {  	_ = 	snop  }
0x5: {  	_ = 	snop  }
0x6: {  	_ = 	snop  }
0x7: {  	_ = 	snop  }
__scs_overlays_trampoline_lowered:
0x8: {  	[smem:$0x3FA8] =	sst s0  }
0x9: {  	[smem:$0x3FA9] =	sst s1  }
0xa: {  	[smem:$0x3FAA] =	sst s2  }
0xb: {  	[smem:$0x3FAB] =	sst s3  }
0xc: {  	[smem:$0x3FAC] =	sst s4  }
0xd: {  	[smem:$0x3FAD] =	sst s5  }
0xe: {  	[smem:$0x3FAE] =	sst s6  }
0xf: {  	[smem:$0x3FAF] =	sst s7  }
0x10: {  	[smem:$0x3FB0] =	sst s8  }
0x11: {  	[smem:$0x3FB1] =	sst s9;
	s0 =	simm.s32 @!p0 $0x0  }
0x12: {  	s1 =	sld [smem:$0x3F97];
	s0 =	simm.s32 @p0 $0x1  }
0x13: {  	[smem:$0x3FB2] =	sst s0;
	s0 =	simm.s32 @!p1 $0x0  }
0x14: {  	s2 =	sld [smem:$0x3F96];
	s0 =	simm.s32 @p1 $0x1  }
0x15: {  	[smem:$0x3FB3] =	sst s0;
	s0 =	simm.s32 @!p2 $0x0  }
0x16: {  	s3 =	sld [smem:$0x3FDB];
	s0 =	simm.s32 @p2 $0x1  }
0x17: {  	s4 =	simm.s32 $0x1BF5;
	[smem:$0x3FB5] =	sst s0  }
0x18: {  	s0 =	sld [smem:$0x3F98];
	_ =	swait.ge [sflag:s4], $0x0  }
0x19: {  	s7 =	sld [smem:$0x3F99]  }
0x1a: {  	s8 =	sadd.s32 $0xFFFFE003, lr  }
0x1b: {  	s9 =	sadd.s32 $0xFFFFFEF7, lr;
	s5 =	simm.s32 $0xFFFFFFFF;
	p2 =	slt.u32 s8, $0xFFFFF086  }
0x1c: {  	p1 =	slt.u32 s9, $0xF7A;
	s5 =	simm.s32 @!p2 $0x0  }
0x1d: {  	s5 =	simm.s32 @p1 $0x1;
	p0 =	seq.s32 s7, s2  }
0x1e: {  	s7 =	smul.u32 @!p0 $0xF7A, s2;
	p2 =	seq.s32 @!p0 s5, $0x0  }
0x1f: {  	s9 =	smul.u32 $0xF7A, s1;
	s8 =	simm.s32 @!p0 $0x1BF5;
	p2 =	por !p2, p0  }
0x20: {  	[sflag:s8] =	ssyncset.s32 @!p0 $0xFFFFF086;
	s6 =	sadd.s32 @!p0 s3, s7;
	s7 =	simm.s32 @!p0 $0x108  }
0x21: {  	s3 =	sadd.s32 s3, s9;
	s6 =	sadd.s32 @!p0 $0x88, s6;
	s7 =	simm.s32 @p2 $0x1082  }
0x22: {  	[simem:s7], [sflag:s8] =	dma.local @!p0 [hbm:s6], $0xF7A  }
0x23: {  	s9 =	sor.u32 $0xD0000000, s2;
	s6 =	simm.s32 $0x108;
	_ =	swait.ge @!p0 [sflag:s8], $0x0  }
0x24: {  	s3 =	sadd.s32 $0x88, s3;
	s6 =	simm.s32 @!p1 $0x1082;
	[sflag:s4] =	ssyncset.s32 $0xFFFFF086  }
0x25: {  	[simem:s6], [sflag:s4] =	dma.local [hbm:s3], $0xF7A  }
0x26: {  	[smem:$0x3F99] =	sst s1;
	(tag) =	ssettag s2;
	_ =	strace s9  }
0x27: {  	s1 =	sld [smem:$0x3FA9]  }
0x28: {  	s2 =	sld [smem:$0x3FAA]  }
0x29: {  	s4 =	sld [smem:$0x3FAC]  }
0x2a: {  	p0 =	seq.s32 s5, $0x0;
	s5 =	sld [smem:$0x3FAD]  }
0x2b: {  	s6 =	sld [smem:$0x3FAE]  }
0x2c: {  	s7 =	sld [smem:$0x3FAF]  }
0x2d: {  	s3 =	simm.s32 $0x108;
	s8 =	sld [smem:$0x3FB0]  }
0x2e: {  	s3 =	simm.s32 @!p0 $0x1082;
	s9 =	sld [smem:$0x3FB1]  }
0x2f: {  	lr =	sadd.s32 s0, s3;
	s0 =	sld [smem:$0x3FA8]  }
0x30: {  	s3 =	sld [smem:$0x3FAB]  }
0x31: {  	[smem:$0x3FB4] =	sst s10  }
0x32: {  	s10 =	sld [smem:$0x3FB2];
	_ =	sdelay $0x3  }
0x33: {  	p0 =	seq.s32 s10, $0x1;
	s10 =	sld [smem:$0x3FB4];
	_ =	sdelay $0x3  }
0x34: {  	[smem:$0x3FB4] =	sst s10  }
0x35: {  	s10 =	sld [smem:$0x3FB3];
	_ =	sdelay $0x3  }
0x36: {  	p1 =	seq.s32 s10, $0x1;
	s10 =	sld [smem:$0x3FB4];
	_ =	sdelay $0x3  }
0x37: {  	[smem:$0x3FB4] =	sst s10  }
0x38: {  	s10 =	sld [smem:$0x3FB5]  }
0x39: {  	_ = 	snop;
	(pc) =	sbr.ind lr, $3  }
0x3a: {  	_ = 	snop  }
0x3b: {  	_ = 	snop  }
0x3c: {  	p2 =	seq.s32 s10, $0x1;
	s10 =	sld [smem:$0x3FB4]  }
0x3d: {  	_ =	shalt  }
0x3e: {  	_ =	shalt  }
0x3f: {  	_ =	shalt  }
0x40: {  	_ =	shalt  }
0x41: {  	_ =	shalt  }
0x42: {  	_ =	shalt  }
0x43: {  	_ =	shalt  }
0x44: {  	_ =	shalt  }
0x45: {  	_ =	shalt  }
0x46: {  	_ =	shalt  }
0x47: {  	_ =	shalt  }
0x48: {  	_ =	shalt  }
0x49: {  	_ =	shalt  }
0x4a: {  	_ =	shalt  }
0x4b: {  	_ =	shalt  }
0x4c: {  	_ =	shalt  }
0x4d: {  	_ =	shalt  }
0x4e: {  	_ =	shalt  }
0x4f: {  	_ =	shalt  }
0x50: {  	_ =	shalt  }
0x51: {  	_ =	shalt  }
0x52: {  	_ =	shalt  }
0x53: {  	_ =	shalt  }
0x54: {  	_ =	shalt  }
0x55: {  	_ =	shalt  }
0x56: {  	_ =	shalt  }
0x57: {  	_ =	shalt  }
0x58: {  	_ =	shalt  }
0x59: {  	_ =	shalt  }
0x5a: {  	_ =	shalt  }
0x5b: {  	_ =	shalt  }
0x5c: {  	_ =	shalt  }
0x5d: {  	_ =	shalt  }
0x5e: {  	_ =	shalt  }
0x5f: {  	_ =	shalt  }
0x60: {  	_ =	shalt  }
0x61: {  	_ =	shalt  }
0x62: {  	_ =	shalt  }
0x63: {  	_ =	shalt  }
0x64: {  	_ =	shalt  }
0x65: {  	_ =	shalt  }
0x66: {  	_ =	shalt  }
0x67: {  	_ =	shalt  }
0x68: {  	_ =	shalt  }
0x69: {  	_ =	shalt  }
0x6a: {  	_ =	shalt  }
0x6b: {  	_ =	shalt  }
0x6c: {  	_ =	shalt  }
0x6d: {  	_ =	shalt  }
0x6e: {  	_ =	shalt  }
0x6f: {  	_ =	shalt  }
0x70: {  	_ =	shalt  }
0x71: {  	_ =	shalt  }
0x72: {  	_ =	shalt  }
0x73: {  	_ =	shalt  }
0x74: {  	_ =	shalt  }
0x75: {  	_ =	shalt  }
0x76: {  	_ =	shalt  }
0x77: {  	_ =	shalt  }
0x78: {  	_ =	shalt  }
0x79: {  	_ =	shalt  }
0x7a: {  	_ =	shalt  }
0x7b: {  	_ =	shalt  }
0x7c: {  	_ =	shalt  }
0x7d: {  	_ =	shalt  }
0x7e: {  	_ =	shalt  }
0x7f: {  	_ =	shalt  }
0x80: {  	_ =	shalt  }
0x81: {  	_ =	shalt  }
0x82: {  	_ =	shalt  }
0x83: {  	_ =	shalt  }
0x84: {  	_ =	shalt  }
0x85: {  	_ =	shalt  }
0x86: {  	_ =	shalt  }
0x87: {  	_ =	shalt  }
.Lfunc_end0:
.L_simem_size_0:
called_computation_lowered:
.L_overlay_start_0:
0x88: {  	s2 =	sld [smem:$0x3FD9]  }
0x89: {  	s3 =	sld [smem:$0x3FFE];
	_ =	sdelay $0x1  }
0x8a: {  	s1 =	srdreg.scid  }
0x8b: {  	s0 =	sand.u32 $0x1, s1  }
0x8c: {  	s14 =	sshll.u32 s0, $0xA;
	s2 =	sadd.s32 s3, s2  }
0x8d: {  	s2 =	sadd.s32 s2, s14  }
0x8e: {  	[smem:$0x3FC0] =	sst s2  }
0x8f: {  	_ = 	snop  }
0x90: {  	s2 =	sld [smem:$0x3FD0];
	_ =	sdelay $0x2  }
0x91: {  	s15 =	simm.s32 $0xA;
	s4 =	simm.s32 $0x10  }
0x92: {  	[smem:s4], [sflag:s15] =	dma.local [hbm:s2], $0x1  }
0x93: {  	_ =	swait.eq [sflag:s15], $0x1  }
0x94: {  	[sflag:s15] =	ssyncset.done $0x0  }
0x95: {  	[sflag:s15] =	ssyncadd.s32 $0xFFFFFFFF  }
0x96: {  	s16 =	sld [smem:$0x10];
	(tm) =	ssettm $0x1  }
0x97: {  	s17 =	sld [smem:$0x3FFB];
	_ =	sdelay $0x3  }
0x98: {  	_ =	strace s17  }
0x99: {  	s3 =	sld [smem:$0x3FFC];
	_ =	sdelay $0x3  }
0x9a: {  	_ =	strace s3  }
0x9b: {  	s3 =	sld [smem:$0x3FFD];
	_ =	sdelay $0x3  }
0x9c: {  	_ =	strace s3  }
0x9d: {  	_ =	strace $0x8FFFFFFF  }
0x9e: {  	s18 =	sld [smem:$0x3FDB];
	_ =	sdelay $0x1  }
0x9f: {  	s19 =	simm.s32 $_scs_section_size  }
0xa0: {  	s5 =	simm.s32 $_size__tile_overlayer_lowered;
	s6 =	simm.s32 $_tile_overlayer_lowered  }
0xa1: {  	s22 =	simm.s32 $0x1BFF;
	s21 =	sshll.u32 s6, $0x1;
	s3 =	sadd.s32 s19, s18  }
0xa2: {  	s7 =	simm.s32 $0x0;
	s20 =	sshll.u32 s5, $0x1;
	s5 =	sadd.s32 s21, s3  }
0xa3: {  	[timem:s7], [sflag:s22] =	dma.local [hbm:s5], s20  }
0xa4: {  	_ =	swait.ge [sflag:s22], s20  }
0xa5: {  	s4 =	ssub.s32 $0x0, s20;
	[sflag:s22] =	ssyncset.done $0x0  }
0xa6: {  	[sflag:s22] =	ssyncadd.s32 s4;
	_ =	sdelay $0x1  }
0xa7: {  	s23 =	simm.s32 $0x1B8B  }
0xa8: {  	_ =	swait.ge [sflag:s23], $0x1  }
0xa9: {  	[sflag:s23] =	ssyncset.done $0x0  }
0xaa: {  	s25 =	simm.s32 $0x1B8E;
	s24 =	sld [smem:$0x3FFE];
	[sflag:s23] =	ssyncadd.s32 $0xFFFFFFFF  }
0xab: {  	s26 =	simm.s32 $execute0_lowered;
	[smem:$0x3FD2] =	sst s25  }
0xac: {  	s5 =	sshll.u32 s26, $0x1;
	_ =	strace $0x80000046;
	[dreg:$0x1] =	wrdreg $0xFFFFFFFF  }
0xad: {  	s28 =	simm.s32 $_size_execute0_lowered;
	s3 =	sadd.s32 s3, s5;
	[dreg:$0x0] =	wrdreg $0x0  }
0xae: {  	s5 =	sshll.u32 s28, $0x1;
	[dreg:$0x2] =	wrdreg s3  }
0xaf: {  	[dreg:$0x3] =	wrdreg s5  }
0xb0: {  	[dreg:$0x4] =	wrdreg $0xC0  }
0xb1: {  	_ =	task [dreg:s7], $0x5FFFF  }
0xb2: {  	[dreg:$0x1] =	wrdreg $0xFFFFFFFF  }
0xb3: {  	[dreg:$0x0] =	wrdreg $0x60  }
0xb4: {  	[dreg:$0x2] =	wrdreg s24  }
0xb5: {  	[dreg:$0x3] =	wrdreg s16  }
0xb6: {  	[dreg:$0x4] =	wrdreg $0x68000  }
0xb7: {  	[dreg:$0x5] =	wrdreg $0x9  }
0xb8: {  	_ =	task.clear_ibuf [dreg:s7], $0x6FFFF;
	_ =	strace $0x90000046  }
0xb9: {  	s29 =	simm.s32 $0x9;
	_ =	strace $0x80000048  }
0xba: {  	_ =	swait.ge [sflag:s29], $0x1  }
0xbb: {  	[sflag:s29] =	ssyncadd.s32 $0xFFFFFFFF  }
0xbc: {  	_ =	strace $0x90000048  }
0xbd: {  	_ =	sfence  }
0xbe: {  	s30 =	sld [smem:$0x0];
	_ =	sdelay $0x2  }
0xbf: {  	s31 =	sshll.u32 s1, $0xD;
	s1 =	sshrl.u32 s1, $0x2  }
0xc0: {  	s3 =	sand.u32 $0x4000, s31;
	s1 =	sadd.s32 s1, s30  }
0xc1: {  	s0 =	sor.u32 s3, s0;
	s1 =	sshll.u32 s1, $0x11  }
0xc2: {  	s0 =	sor.u32 s1, s0  }
0xc3: {  	s0 =	sadd.s32 $0x8F2B, s0  }
0xc4: {  	[sflag:s0] =	ssyncadd.remote.s32 $0x1  }
0xc5: {  	_ =	sfence.sel $0xFFFF  }
0xc6: {  	[dreg:$0x0] =	wrdreg $0xFFFFFFFF;
	(pc) =	sbr.abs _section_cstart, $3  }
0xc7: {  	[dreg:$0x1] =	wrdreg $0xFFFFFFFF  }
0xc8: {  	_ =	task.clear_ibuf [dreg:s7], $0x2FFFF;
	_ =	strace $0x9FFFFFFF  }
0xc9: {  	(tm) =	ssettm $0x7FFFFFFF  }
tec
execute0_lowered:
.L_overlay_start_1:
0x0: {  	(tag) =	ssettag $0x1  }
0x1: {  	s5 =	rddreg [dreg:$0x0]  }
0x2: {  	s7 =	rddreg [dreg:$0x1]  }
0x3: {  	s1 =	rddreg [dreg:$0x2]  }
0x4: {  	s0 =	rddreg [dreg:$0x3];
	s2 =	simm.s32 $0x0  }
0x5: {  	s3 =	srdreg.scid;
	s16 =	simm.s32 $0x50;
	s17 =	simm.s32 $0x80  }
0x6: {  	s18 =	simm.s32 $0x100;
	s19 =	simm.s32 $0x180;
	s20 =	simm.s32 $0x1  }
0x7: {  	s21 =	simm.s32 $0x2;
	s22 =	simm.s32 $0x3;
	[smem:$0x7FF] =	sst s2  }
0x8: {  	s8 =	sand.u32 $0x1, s3;
	s3 =	stileid.u32;
	s13 =	sadd.s32 $0x1CC00, s5  }
0x9: {  	s15 =	sadd.s32 $0x138000, s1;
	_ =	strace $0x80000047;
	s10 =	smul.u32 $0x4E000, s3  }
0xa: {  	s4 =	sshll.u32 s8, $0xB;
	s6 =	ssub.s32 $0x2, s8;
	s12 =	smul.u32 $0x13800, s3  }
0xb: {  	s25 =	sshll.u32 s3, $0x6;
	s8 =	smul.u32 $0x138800, s8;
	s26 =	sshll.u32 s3, $0xC  }
0xc: {  	p0 =	sne.s32 s3, $0xF;
	s9 =	sadd.s32 s4, s5;
	s11 =	sshrl.u32 s6, $0x1  }
0xd: {  	s4 =	sadd.s32 $0x1C600, s5;
	s11 =	ssub.s32 s6, s11;
	s23 =	sshrl.u32 s10, $0x2  }
0xe: {  	s24 =	sshrl.u32 s12, $0x3;
	s6 =	sor.u32 $0x1C05, s25;
	s9 =	sadd.s32 s26, s9  }
0xf: {  	s28 =	sadd.s32 s12, s8;
	s29 =	sshrl.u32 s8, $0x3;
	s25 =	simm.s32 $0x0  }
0x10: {  	s14 =	sadd.s32 s23, s1;
	s5 =	sadd.s32 s7, s24;
	s7 =	sadd.s32 $0x27000, s7  }
0x11: {  	s8 =	sadd.s32 $0xC600, s9;
	s30 =	sshrl.u32 s28, $0x3;
	s31 =	sadd.s32 s13, s29  }
0x12: {  	s11 =	smax.u32 s11, $0x1;
	s23 =	simm.s32 $0x4;
	s24 =	simm.s32 $0x3E00  }
0x13: {  	s9 =	sadd.s32 s13, s30;
	s10 =	sadd.s32 $0x27000, s31;
	s12 =	sshrl.u32 s14, $0x3  }
0x14: {  	s13 =	simm.s32 $0x5;
	s14 =	sshrl.u32 @!p0 s15, $0x3;
	s15 =	simm.s32 $0x4000  }
.LBB2_1:
0x15: {  	[spmem:s12], [sflag:s6] =	dma.local [hbm:s5], $0x2700  }
0x16: {  	_ =	swait.ge [sflag:s13], $0x2700  }
0x17: {  	[sflag:s13] =	ssyncset.done $0x0  }
0x18: {  	s26 =	simm.s32 @!p0 $0x5;
	[sflag:s13] =	ssyncadd.s32 $0xFFFFD900  }
0x19: {  	[spmem:s14], [sflag:s6] =	dma.local @!p0 [hbm:s7], $0x100  }
0x1a: {  	_ =	swait.ge @!p0 [sflag:s26], $0x100  }
0x1b: {  	[sflag:s26] =	ssyncset.done @!p0 $0x0  }
0x1c: {  	[sflag:s26] =	ssyncadd.s32 @!p0 $0xFFFFFF00  }
0x1d: {  	[tilespmem:s2], [sflag:$0x5] =	stream.linear.gather [hbm4b:s8+s2], $0x3E80, $0x38;
	[tilespmem:$0x1A080] =	vst v63  }
0x1e: {  	_ =	swait.ge [sflag:s13], $0x3E80  }
0x1f: {  	[sflag:s13] =	ssyncset.done $0x0  }
0x20: {  	[sflag:s13] =	ssyncadd.s32 $0xFFFFC180  }
0x21: {  	[tilespmem:s15], [sflag:$0x5] =	stream.linear.gather [hbm4b:s4+s2], $0x2800, $0x38;
	[tilespmem:$0x1A080] =	vst v63  }
0x22: {  	_ =	swait.ge [sflag:s13], $0x2800  }
0x23: {  	[sflag:s13] =	ssyncset.done $0x0  }
0x24: {  	[sflag:s13] =	ssyncadd.s32 $0xFFFFD800  }
0x25: {  	[bflag:$0x0] =	sbarrier.arrive $0xFFFF  }
0x26: {  	[spmem:s1] =	stream.indirect.scatter.add.f32 [tilespmem:s15], [sflag:$0x1], $0x80, s2, s16, $0xb8;
	[tilespmem:$0x1A080] =	vst v63  }
0x27: {  	_ = 	snop  }
0x28: {  	[spmem:s1] =	stream.indirect.scatter.add.f32 [tilespmem:s15], [sflag:$0x2], $0x80, s17, s16, $0xb8;
	[tilespmem:$0x1A080] =	vst v63  }
0x29: {  	_ = 	snop  }
0x2a: {  	[spmem:s1] =	stream.indirect.scatter.add.f32 [tilespmem:s15], [sflag:$0x3], $0x80, s18, s16, $0xb8;
	[tilespmem:$0x1A080] =	vst v63  }
0x2b: {  	_ = 	snop  }
0x2c: {  	[spmem:s1] =	stream.indirect.scatter.add.f32 [tilespmem:s15], [sflag:$0x4], $0x80, s19, s16, $0xb8;
	[tilespmem:$0x1A080] =	vst v63  }
0x2d: {  	_ =	swait.ge [sflag:s20], $0x2800  }
0x2e: {  	[sflag:s20] =	ssyncset.done $0x0  }
0x2f: {  	s29 =	simm.s32 $0x200;
	[sflag:s20] =	ssyncadd.s32 $0xFFFFD800  }
0x30: {  	[spmem:s1] =	stream.indirect.scatter.add.f32 [tilespmem:s15], [sflag:$0x1], $0x80, s29, s16, $0xb8;
	[tilespmem:$0x1A080] =	vst v63  }
0x31: {  	_ =	swait.ge [sflag:s21], $0x2800  }
0x32: {  	[sflag:s21] =	ssyncset.done $0x0  }
0x33: {  	s30 =	simm.s32 $0x280;
	[sflag:s21] =	ssyncadd.s32 $0xFFFFD800  }
0x34: {  	[spmem:s1] =	stream.indirect.scatter.add.f32 [tilespmem:s15], [sflag:$0x2], $0x80, s30, s16, $0xb8;
	[tilespmem:$0x1A080] =	vst v63  }
0x35: {  	_ =	swait.ge [sflag:s22], $0x2800  }
0x36: {  	[sflag:s22] =	ssyncset.done $0x0  }
0x37: {  	s31 =	simm.s32 $0x300;
	[sflag:s22] =	ssyncadd.s32 $0xFFFFD800  }
0x38: {  	[spmem:s1] =	stream.indirect.scatter.add.f32 [tilespmem:s15], [sflag:$0x3], $0x80, s31, s16, $0xb8;
	[tilespmem:$0x1A080] =	vst v63  }
0x39: {  	_ =	swait.ge [sflag:s23], $0x2800  }
0x3a: {  	[sflag:s23] =	ssyncset.done $0x0  }
0x3b: {  	s28 =	simm.s32 $0x380;
	s26 =	simm.s32 $0xFFFF1800;
	[sflag:s23] =	ssyncadd.s32 $0xFFFFD800  }
.LBB2_2:
0x3c: {  	[spmem:s1] =	stream.indirect.scatter.add.f32 [tilespmem:s15], [sflag:$0x4], $0x80, s28, s16, $0xb8;
	[tilespmem:$0x1A080] =	vst v63  }
0x3d: {  	s28 =	smov.u32 s26  }
0x3e: {  	p1 =	sne.s32 s26, $0xFFFFF800;
	s26 =	sadd.s32 $0x800, s26;
	_ =	swait.ge [sflag:s20], $0x2800  }
0x3f: {  	s28 =	sshra.s32 s28, $0x2;
	[sflag:s20] =	ssyncset.done $0x0  }
0x40: {  	s29 =	sadd.s32 $0x3E00, s28;
	[sflag:s20] =	ssyncadd.s32 $0xFFFFD800  }
0x41: {  	[spmem:s1] =	stream.indirect.scatter.add.f32 [tilespmem:s15], [sflag:$0x1], $0x80, s29, s16, $0xb8;
	[tilespmem:$0x1A080] =	vst v63  }
0x42: {  	_ =	swait.ge [sflag:s21], $0x2800  }
0x43: {  	[sflag:s21] =	ssyncset.done $0x0  }
0x44: {  	s29 =	sadd.s32 $0x3E80, s28;
	[sflag:s21] =	ssyncadd.s32 $0xFFFFD800  }
0x45: {  	[spmem:s1] =	stream.indirect.scatter.add.f32 [tilespmem:s15], [sflag:$0x2], $0x80, s29, s16, $0xb8;
	[tilespmem:$0x1A080] =	vst v63  }
0x46: {  	_ =	swait.ge [sflag:s22], $0x2800  }
0x47: {  	[sflag:s22] =	ssyncset.done $0x0  }
.Ltmp0:
0x48: {  	s29 =	sadd.s32 $0x3F00, s28;
	[sflag:s22] =	ssyncadd.s32 $0xFFFFD800;
	(pc) =	sbr.rel @p1 .LBB2_2-.Ltmp0, $4  }
0x49: {  	[spmem:s1] =	stream.indirect.scatter.add.f32 [tilespmem:s15], [sflag:$0x3], $0x80, s29, s16, $0xb8;
	[tilespmem:$0x1A080] =	vst v63  }
0x4a: {  	_ =	swait.ge [sflag:s23], $0x2800  }
0x4b: {  	[sflag:s23] =	ssyncset.done $0x0  }
0x4c: {  	s28 =	sadd.s32 $0x3F80, s28;
	[sflag:s23] =	ssyncadd.s32 $0xFFFFD800  }
0x4d: {  	[spmem:s1] =	stream.indirect.scatter.add.f32 [tilespmem:s15], [sflag:$0x4], $0x80, s28, s16, $0xb8;
	[tilespmem:$0x1A080] =	vst v63  }
0x4e: {  	_ =	swait.ge [sflag:s20], $0x2800  }
0x4f: {  	[sflag:s20] =	ssyncset.done $0x0  }
0x50: {  	[sflag:s20] =	ssyncadd.s32 $0xFFFFD800  }
0x51: {  	[spmem:s1] =	stream.indirect.scatter.add.f32 [tilespmem:s15], [sflag:$0x1], $0x80, s24, s16, $0xb8;
	[tilespmem:$0x1A080] =	vst v63  }
0x52: {  	_ =	swait.ge [sflag:s21], $0x2800  }
0x53: {  	[sflag:s21] =	ssyncset.done $0x0  }
0x54: {  	[sflag:s21] =	ssyncadd.s32 $0xFFFFD800  }
0x55: {  	_ =	swait.ge [sflag:s22], $0x2800  }
0x56: {  	[sflag:s22] =	ssyncset.done $0x0  }
0x57: {  	[sflag:s22] =	ssyncadd.s32 $0xFFFFD800  }
0x58: {  	_ =	swait.ge [sflag:s23], $0x2800  }
0x59: {  	[sflag:s23] =	ssyncset.done $0x0  }
0x5a: {  	[sflag:s23] =	ssyncadd.s32 $0xFFFFD800  }
0x5b: {  	_ =	swait.ge [sflag:s20], $0x2800  }
0x5c: {  	[sflag:s20] =	ssyncset.done $0x0  }
0x5d: {  	[sflag:s20] =	ssyncadd.s32 $0xFFFFD800  }
0x5e: {  	[bflag:$0x0] =	sbarrier.arrive $0xFFFF  }
0x5f: {  	[hbm:s9], [sflag:s6] =	dma.local [spmem:s12], $0x2700  }
0x60: {  	s25 =	sadd.s32 $0x1, s25;
	_ =	swait.ge [sflag:s13], $0x2700  }
0x61: {  	p1 =	sne.s32 s25, s11;
	[sflag:s13] =	ssyncset.done $0x0  }
.Ltmp1:
0x62: {  	s26 =	simm.s32 @!p0 $0x5;
	[sflag:s13] =	ssyncadd.s32 $0xFFFFD900;
	(pc) =	sbr.rel @p1 .LBB2_1-.Ltmp1, $4  }
0x63: {  	[hbm:s10], [sflag:s6] =	dma.local @!p0 [spmem:s14], $0x100  }
0x64: {  	_ =	swait.ge @!p0 [sflag:s26], $0x100  }
0x65: {  	[sflag:s26] =	ssyncset.done @!p0 $0x0  }
0x66: {  	[sflag:s26] =	ssyncadd.s32 @!p0 $0xFFFFFF00  }
0x67: {  	_ =	sfence.sel $0x180000  }
0x68: {  	[bflag:$0x0] =	sbarrier.arrive $0xFFFF  }
0x69: {  	p0 =	sne.s32 s3, $0x0;
	_ =	strace $0x90000047  }
0x6a: {  	s0 =	sadd.s32 @!p0 $0x100000, s0;
	[bflag:$0x2] =	sbarrier.arrive $0xFFFF  }
0x6b: {  	[sflag:s0] =	ssyncadd.tile.s32 @!p0 $0x1;
	_ =	shalt  }
.Lfunc_end2:
_tile_overlayer_lowered:
.L_overlay_start_2:
0x6c: {  	(tag) =	ssettag $0x2  }
0x6d: {  	s0 =	rddreg [dreg:$0x0];
	s2 =	stileid.u32  }
0x6e: {  	s1 =	rddreg [dreg:$0x1];
	p0 =	sne.s32 s2, $0x0  }
0x6f: {  	s3 =	rddreg [dreg:$0x2];
	[bflag:$0x3] =	sbarrier.arrive $0xFFFF;
	s2 =	simm.s32 @!p0 $0x1C05  }
0x70: {  	[timem:s3], [sflag:s2] =	dma.local @!p0 [hbm:s0], s1  }
0x71: {  	s0 =	simm.s32 @!p0 $0x5  }
0x72: {  	_ =	swait.ge @!p0 [sflag:s0], s1  }
0x73: {  	s1 =	ssub.s32 @!p0 $0x0, s1;
	[sflag:s0] =	ssyncset.done @!p0 $0x0  }
0x74: {  	[sflag:s0] =	ssyncadd.s32 @!p0 s1  }
0x75: {  	[bflag:$0x3] =	sbarrier.arrive $0xFFFF  }
0x76: {  	_ =	shalt  }

</sc_bundles>
